<compile_context>
chip_gen: v7x
topology: tpu7x:2x2x1
jax: 0.10.2.dev20260603
libtpu: 0.0.44.dev20260713+nightly
codegen_flags: <defaults>
</compile_context>

<pallas_src>
import jax
import jax.numpy as jnp
from jax import lax
from jax.experimental import pallas as pl
from jax.experimental.pallas import tpu as pltpu
from jax.experimental.pallas import tpu_sc as plsc

N = 4096
THRESHOLD = 1.0
ALPHA_PLUS = 0.01
INV_2TAU2 = 1.0 / (2.0 * 20.0 * 20.0)
L = 16
NC = 2
NS = 16
NW = NC * NS
RPW = N // NW
CH = 4
UNROLL = 8
NSL = N // L
BAND = 128
NBSL = BAND // L + 1


def _sc_body(spk_hbm, w_hbm, spikes_out, w_out, s_v, mask_v,
             win0, wout0, win1, wout1, si0, so0, si1, so1, rs_smem):
    wid = lax.axis_index("s") * NC + lax.axis_index("c")
    base = wid * RPW
    lane = lax.iota(jnp.int32, L)
    lanef = lane.astype(jnp.float32)

    pltpu.sync_copy(spk_hbm, s_v)

    def count_body(j, acc):
        off = pl.multiple_of(j * L, L)
        v = s_v[pl.ds(off, L)]
        return acc + jnp.where(v >= THRESHOLD, 1.0, 0.0)

    acc = lax.fori_loop(0, NSL, count_body, jnp.zeros((L,), jnp.float32))
    for sh in (8, 4, 2, 1):
        acc = acc + acc.at[lane ^ sh].get(mode="promise_in_bounds")
    manyf = jnp.where(acc > 1.0, 1.0, 0.0)

    def mask_body(j, _):
        off = pl.multiple_of(j * L, L)
        v = s_v[pl.ds(base + off, L)]
        mask_v[pl.ds(off, L)] = jnp.where(v >= THRESHOLD, 1.0, 0.0)
        return 0

    lax.fori_loop(0, RPW // L, mask_body, 0)
    pltpu.sync_copy(mask_v, spikes_out.at[pl.ds(base, RPW)])

    for g in range(RPW // L):
        mv = mask_v[pl.ds(g * L, L)]
        for l in range(L):
            rs_smem[g * L + l] = mv[l]

    mask_v[pl.ds(0, L)] = manyf
    mv = mask_v[pl.ds(0, L)]
    many_s = mv[0] > 0.5

    @pl.when(jnp.logical_not(many_s))
    def _copy_through():
        def copy_body(k, _):
            row0 = base + k * CH
            pltpu.sync_copy(w_hbm.at[pl.ds(row0, CH)], win0)
            pltpu.sync_copy(win0, w_out.at[pl.ds(row0, CH)])
            return 0

        lax.fori_loop(0, RPW // CH, copy_body, 0)

    @pl.when(many_s)
    def _update():
        NCHUNK = RPW // CH

        def row_compute(win, wout, row0, r0):
            for r in range(r0, r0 + CH // 2):
                gr = row0 + r

                def clip_body(j, _):
                    for u in range(UNROLL):
                        off = pl.multiple_of(j * (L * UNROLL) + u * L, L)
                        v = win[r, pl.ds(off, L)]
                        wout[r, pl.ds(off, L)] = jnp.minimum(
                            jnp.maximum(v, 0.0), 1.0
                        )
                    return 0

                lax.fori_loop(0, NSL // UNROLL, clip_body, 0)

                rspike_s = rs_smem[gr - base] > 0.5

                @pl.when(rspike_s)
                def _band_fixup():
                    grf = gr.astype(jnp.float32)
                    j0 = (gr + 1) // L

                    def band_body(jj, _):
                        j = jnp.minimum(j0 + jj, NSL - 1)
                        off = pl.multiple_of(j * L, L)
                        colf = lanef + off.astype(jnp.float32)
                        df = colf - grf
                        inb1 = jnp.where(df > 0.5, 1.0, 0.0)
                        inb2 = jnp.where(df < BAND + 0.5, 1.0, 0.0)
                        t = ALPHA_PLUS * jnp.exp(-(df * df) * INV_2TAU2)
                        colmf = jnp.where(
                            s_v[pl.ds(off, L)] >= THRESHOLD, 1.0, 0.0
                        )
                        term = t * (inb1 * inb2) * colmf
                        v = win[r, pl.ds(off, L)]
                        wout[r, pl.ds(off, L)] = jnp.minimum(
                            jnp.maximum(v + term, 0.0), 1.0
                        )
                        return 0

                    lax.fori_loop(0, NBSL, band_body, 0)

        bufs = ((win0, wout0, si0, so0), (win1, wout1, si1, so1))

        pltpu.async_copy(w_hbm.at[pl.ds(base, CH)], win0, si0)

        def ring_body(m, _):
            for b, (wi, wo, si, so) in enumerate(bufs):
                k = 2 * m + b
                row0 = base + k * CH

                @pl.when(k + 1 < NCHUNK)
                def _prefetch():
                    nb = bufs[1 - b]
                    pltpu.async_copy(
                        w_hbm.at[pl.ds(row0 + CH, CH)], nb[0], nb[2]
                    )

                pltpu.make_async_copy(
                    w_hbm.at[pl.ds(row0, CH)], wi, si
                ).wait()

                @pl.when(k >= 2)
                def _drain():
                    pltpu.make_async_copy(
                        wo.at[pl.ds(0, CH // 2)],
                        w_out.at[pl.ds(row0, CH // 2)],
                        so,
                    ).wait()
                    pltpu.make_async_copy(
                        wo.at[pl.ds(CH // 2, CH // 2)],
                        w_out.at[pl.ds(row0, CH // 2)],
                        so,
                    ).wait()

                row_compute(wi, wo, row0, 0)
                pltpu.async_copy(
                    wo.at[pl.ds(0, CH // 2)],
                    w_out.at[pl.ds(row0, CH // 2)],
                    so,
                )
                row_compute(wi, wo, row0, CH // 2)
                pltpu.async_copy(
                    wo.at[pl.ds(CH // 2, CH // 2)],
                    w_out.at[pl.ds(row0 + CH // 2, CH // 2)],
                    so,
                )
            return 0

        lax.fori_loop(0, NCHUNK // 2, ring_body, 0)

        for b, (wi, wo, si, so) in enumerate(bufs):
            for h in range(2):
                pltpu.make_async_copy(
                    wo.at[pl.ds(0, CH // 2)],
                    w_out.at[pl.ds(base, CH // 2)],
                    so,
                ).wait()


@jax.jit
def kernel(input_spikes, weights):
    mesh = plsc.VectorSubcoreMesh(
        core_axis_name="c", subcore_axis_name="s", num_cores=NC, num_subcores=NS
    )
    f = pl.kernel(
        _sc_body,
        out_type=[
            jax.ShapeDtypeStruct((N,), jnp.float32),
            jax.ShapeDtypeStruct((N, N), jnp.float32),
        ],
        mesh=mesh,
        scratch_types=[
            pltpu.VMEM((N,), jnp.float32),
            pltpu.VMEM((RPW,), jnp.float32),
            pltpu.VMEM((CH, N), jnp.float32),
            pltpu.VMEM((CH, N), jnp.float32),
            pltpu.VMEM((CH, N), jnp.float32),
            pltpu.VMEM((CH, N), jnp.float32),
            pltpu.SemaphoreType.DMA,
            pltpu.SemaphoreType.DMA,
            pltpu.SemaphoreType.DMA,
            pltpu.SemaphoreType.DMA,
            pltpu.SMEM((RPW,), jnp.float32),
        ],
    )
    spikes, new_w = f(input_spikes, weights)
    return spikes, new_w

# --- scband reference (transcript-rebuilt; emitter-appended) ---
"""Pipeline reference for scband-gstdp-lif-neuron-model-5514738008437 (READ-ONLY COPY).

The authoritative reference and input builder live on the scoring server;
editing this copy changes nothing except your own understanding.
"""

import jax, jax.numpy as jnp
import numpy as np

NUM_INPUTS = 4096
THRESHOLD = 1.0
TAU_REFRACT = 5.0
ALPHA_PLUS = 0.01
ALPHA_MINUS = 0.012
TAU_PLUS = 20.0
TAU_MINUS = 20.0
INITIAL_WEIGHTS = 0.01


def setup_inputs(seed: int = 0):
    key = jax.random.key(seed)
    k1, k2 = jax.random.split(key)
    input_spikes = jax.random.normal(k1, (NUM_INPUTS,), dtype=jnp.float32)
    weights = jax.random.normal(k2, (NUM_INPUTS, NUM_INPUTS), dtype=jnp.float32) * INITIAL_WEIGHTS
    return {"input_spikes": input_spikes, "weights": weights}


def reference(input_spikes, weights):
    # fire_neurons: membrane starts at zeros, refractory starts at zeros
    input_signal = input_spikes.astype(jnp.float32) * THRESHOLD
    membrane = jnp.zeros((NUM_INPUTS,), jnp.float32) + input_signal
    refract = jnp.clip(jnp.zeros((NUM_INPUTS,), jnp.float32) - 1.0, 0.0, None)  # stays 0
    spike_mask = (membrane >= THRESHOLD) & (refract == 0)
    spikes = spike_mask.astype(jnp.float32)

    # update_weights: spike_times are sorted neuron indices from nonzero, so
    # delta_t = spike_times[j] - spike_times[i] > 0 for j > i -> only the LTP
    # branch ever runs, and RLAgent.select_action always returns 1.
    idx = jnp.arange(NUM_INPUTS)
    delta_t = (idx[None, :] - idx[:, None]).astype(jnp.float32)
    pair_mask = spike_mask[:, None] & spike_mask[None, :] & (idx[None, :] > idx[:, None])
    ltp = ALPHA_PLUS * jnp.exp(-(delta_t ** 2) / (2.0 * TAU_PLUS ** 2))
    updated = jnp.where(pair_mask, weights + ltp, weights)
    n_spikes = jnp.sum(spikes)
    new_w = jnp.where(n_spikes > 1, jnp.clip(updated, 0.0, 1.0), weights)
    # torch forward returns spikes; updated weights returned as captured state
    return spikes, new_w


if False:  # reference __main__ guard neutralized (emitter)
    out = reference(**setup_inputs())
    print(out[0].shape, out[1].shape)

if __name__ == "__main__":
    import jax
    _d = setup_inputs()
    print(jax.jit(kernel)(*tuple(_d.values())))

</pallas_src>

<mosaic_0001>
#map = affine_map<(d0, d1) -> (0)>
#map1 = affine_map<(d0, d1) -> (0, 0)>
module attributes {stable_mosaic.version = 14 : i64} {
  func.func @_sc_body(%arg0: i32, %arg1: i32, %arg2: memref<4096xf32, #tpu.memory_space<hbm>>, %arg3: memref<4096x4096xf32, #tpu.memory_space<hbm>>, %arg4: memref<4096xf32, #tpu.memory_space<hbm>>, %arg5: memref<4096x4096xf32, #tpu.memory_space<hbm>>, %arg6: memref<4096xf32, #tpu.memory_space<vmem>>, %arg7: memref<128xf32, #tpu.memory_space<vmem>>, %arg8: memref<4x4096xf32, #tpu.memory_space<vmem>>, %arg9: memref<4x4096xf32, #tpu.memory_space<vmem>>, %arg10: memref<4x4096xf32, #tpu.memory_space<vmem>>, %arg11: memref<4x4096xf32, #tpu.memory_space<vmem>>, %arg12: memref<!tpu.dma_semaphore, #tpu.memory_space<semaphore_mem>>, %arg13: memref<!tpu.dma_semaphore, #tpu.memory_space<semaphore_mem>>, %arg14: memref<!tpu.dma_semaphore, #tpu.memory_space<semaphore_mem>>, %arg15: memref<!tpu.dma_semaphore, #tpu.memory_space<semaphore_mem>>, %arg16: memref<128xf32, #tpu.memory_space<smem>>) attributes {dimension_semantics = [#tpu.dimension_semantics<core_parallel>, #tpu.dimension_semantics<subcore_parallel>], iteration_bounds = array<i64: 2, 16>, scalar_prefetch = 0 : i64, scratch_operands = 11 : i64, tpu.core_type = #tpu.core_type<sc_vector_subcore>, window_params = [{transform_indices = #map}, {transform_indices = #map1}, {transform_indices = #map}, {transform_indices = #map1}]} {
    %mul3A = arith.constant 2 : i32
    %mul3A_0 = arith.muli %arg1, %mul3A : i32
    %add3A = arith.addi %mul3A_0, %arg0 : i32
    %mul3A_1 = arith.constant 128 : i32
    %mul3A_2 = arith.muli %add3A, %mul3A_1 : i32
    %iota3A = tpu.iota {dimensions = array<i32: 0>} : vector<16xi32>
    %convert_element_type3A = arith.sitofp %iota3A : vector<16xi32> to vector<16xf32>
    "tpu.region"() ({
      %run_scoped3A = tpu.sem_alloc : memref<!tpu.dma_semaphore, #tpu.memory_space<semaphore_mem>>
      tpu.enqueue_dma source(%arg2 : memref<4096xf32, #tpu.memory_space<hbm>>) target(%arg6 : memref<4096xf32, #tpu.memory_space<vmem>>) target_semaphore(%run_scoped3A : memref<!tpu.dma_semaphore, #tpu.memory_space<semaphore_mem>>)
      tpu.wait_dma2 semaphore(%run_scoped3A : memref<!tpu.dma_semaphore, #tpu.memory_space<semaphore_mem>>) src(%arg2 : memref<4096xf32, #tpu.memory_space<hbm>>) dst(%arg6 : memref<4096xf32, #tpu.memory_space<vmem>>)
      tpu.yield
    }) : () -> ()
    %broadcast_in_dim3A = arith.constant 0.000000e+00 : f32
    %broadcast_in_dim3A_3 = vector.broadcast %broadcast_in_dim3A : f32 to vector<16xf32>
    %scan3A = arith.constant 0 : i32
    %scan3A_4 = arith.constant 256 : i32
    %scan3A_5 = arith.addi %scan3A, %scan3A_4 : i32
    %scan3A_6 = arith.constant 1 : i32
    %scan3A_7 = scf.for %scan3A_751 = %scan3A to %scan3A_5 step %scan3A_6 iter_args(%scan3A_752 = %broadcast_in_dim3A_3) -> (vector<16xf32>)  : i32 {
      %mul3A_753 = arith.constant 16 : i32
      %mul3A_754 = arith.muli %scan3A_751, %mul3A_753 : i32
      %multiple_of3A = tpu.assume_multiple %mul3A_754, 16 : i32
      %get3A_755 = arith.index_cast %multiple_of3A : i32 to index
      %get3A_756 = tpu.vector_load %arg6[%get3A_755] {strides = array<i32>} : memref<4096xf32, #tpu.memory_space<vmem>>, vector<16xf32>,
      %get3A_757 = vector.shape_cast %get3A_756 : vector<16xf32> to vector<16xf32>
      %ge3A = arith.constant 1.000000e+00 : f32
      %ge3A_758 = vector.broadcast %ge3A : f32 to vector<16xf32>
      %ge3A_759 = arith.cmpf oge, %get3A_757, %ge3A_758 : vector<16xf32>
      %jit3A_760 = arith.constant 1.000000e+00 : f32
      %jit3A_761 = arith.constant 0.000000e+00 : f32
      %broadcast_in_dim3A_762 = vector.broadcast %jit3A_760 : f32 to vector<16xf32>
      %broadcast_in_dim3A_763 = vector.broadcast %jit3A_761 : f32 to vector<16xf32>
      %select_n3A_764 = arith.select %ge3A_759, %broadcast_in_dim3A_762, %broadcast_in_dim3A_763 : vector<16xi1>, vector<16xf32>
      %add3A_765 = arith.addf %scan3A_752, %select_n3A_764 : vector<16xf32>
      scf.yield %add3A_765 : vector<16xf32>
    }
    %scan3A_8 = arith.constant 256 : i32
    %xor3A = arith.constant 8 : i32
    %xor3A_9 = vector.broadcast %xor3A : i32 to vector<16xi32>
    %xor3A_10 = arith.xori %iota3A, %xor3A_9 : vector<16xi32>
    %lt3A = arith.constant 0 : i32
    %lt3A_11 = vector.broadcast %lt3A : i32 to vector<16xi32>
    %lt3A_12 = arith.cmpi slt, %xor3A_10, %lt3A_11 : vector<16xi32>
    %add3A_13 = arith.constant 16 : i32
    %add3A_14 = vector.broadcast %add3A_13 : i32 to vector<16xi32>
    %add3A_15 = arith.addi %xor3A_10, %add3A_14 : vector<16xi32>
    %select_n3A = arith.select %lt3A_12, %add3A_15, %xor3A_10 : vector<16xi1>, vector<16xi32>
    %broadcast_in_dim3A_16 = vector.shape_cast %select_n3A : vector<16xi32> to vector<16x1xi32>
    %gather3A = vector.shape_cast %broadcast_in_dim3A_16 : vector<16x1xi32> to vector<16xi32>
    %gather3A_17 = tpu.dynamic_gather %scan3A_7[%gather3A] in [0] : vector<16xf32>, vector<16xi32> -> vector<16xf32>
    %add3A_18 = arith.addf %scan3A_7, %gather3A_17 : vector<16xf32>
    %xor3A_19 = arith.constant 4 : i32
    %xor3A_20 = vector.broadcast %xor3A_19 : i32 to vector<16xi32>
    %xor3A_21 = arith.xori %iota3A, %xor3A_20 : vector<16xi32>
    %lt3A_22 = arith.constant 0 : i32
    %lt3A_23 = vector.broadcast %lt3A_22 : i32 to vector<16xi32>
    %lt3A_24 = arith.cmpi slt, %xor3A_21, %lt3A_23 : vector<16xi32>
    %add3A_25 = arith.constant 16 : i32
    %add3A_26 = vector.broadcast %add3A_25 : i32 to vector<16xi32>
    %add3A_27 = arith.addi %xor3A_21, %add3A_26 : vector<16xi32>
    %select_n3A_28 = arith.select %lt3A_24, %add3A_27, %xor3A_21 : vector<16xi1>, vector<16xi32>
    %broadcast_in_dim3A_29 = vector.shape_cast %select_n3A_28 : vector<16xi32> to vector<16x1xi32>
    %gather3A_30 = vector.shape_cast %broadcast_in_dim3A_29 : vector<16x1xi32> to vector<16xi32>
    %gather3A_31 = tpu.dynamic_gather %add3A_18[%gather3A_30] in [0] : vector<16xf32>, vector<16xi32> -> vector<16xf32>
    %add3A_32 = arith.addf %add3A_18, %gather3A_31 : vector<16xf32>
    %xor3A_33 = arith.constant 2 : i32
    %xor3A_34 = vector.broadcast %xor3A_33 : i32 to vector<16xi32>
    %xor3A_35 = arith.xori %iota3A, %xor3A_34 : vector<16xi32>
    %lt3A_36 = arith.constant 0 : i32
    %lt3A_37 = vector.broadcast %lt3A_36 : i32 to vector<16xi32>
    %lt3A_38 = arith.cmpi slt, %xor3A_35, %lt3A_37 : vector<16xi32>
    %add3A_39 = arith.constant 16 : i32
    %add3A_40 = vector.broadcast %add3A_39 : i32 to vector<16xi32>
    %add3A_41 = arith.addi %xor3A_35, %add3A_40 : vector<16xi32>
    %select_n3A_42 = arith.select %lt3A_38, %add3A_41, %xor3A_35 : vector<16xi1>, vector<16xi32>
    %broadcast_in_dim3A_43 = vector.shape_cast %select_n3A_42 : vector<16xi32> to vector<16x1xi32>
    %gather3A_44 = vector.shape_cast %broadcast_in_dim3A_43 : vector<16x1xi32> to vector<16xi32>
    %gather3A_45 = tpu.dynamic_gather %add3A_32[%gather3A_44] in [0] : vector<16xf32>, vector<16xi32> -> vector<16xf32>
    %add3A_46 = arith.addf %add3A_32, %gather3A_45 : vector<16xf32>
    %xor3A_47 = arith.constant 1 : i32
    %xor3A_48 = vector.broadcast %xor3A_47 : i32 to vector<16xi32>
    %xor3A_49 = arith.xori %iota3A, %xor3A_48 : vector<16xi32>
    %lt3A_50 = arith.constant 0 : i32
    %lt3A_51 = vector.broadcast %lt3A_50 : i32 to vector<16xi32>
    %lt3A_52 = arith.cmpi slt, %xor3A_49, %lt3A_51 : vector<16xi32>
    %add3A_53 = arith.constant 16 : i32
    %add3A_54 = vector.broadcast %add3A_53 : i32 to vector<16xi32>
    %add3A_55 = arith.addi %xor3A_49, %add3A_54 : vector<16xi32>
    %select_n3A_56 = arith.select %lt3A_52, %add3A_55, %xor3A_49 : vector<16xi1>, vector<16xi32>
    %broadcast_in_dim3A_57 = vector.shape_cast %select_n3A_56 : vector<16xi32> to vector<16x1xi32>
    %gather3A_58 = vector.shape_cast %broadcast_in_dim3A_57 : vector<16x1xi32> to vector<16xi32>
    %gather3A_59 = tpu.dynamic_gather %add3A_46[%gather3A_58] in [0] : vector<16xf32>, vector<16xi32> -> vector<16xf32>
    %add3A_60 = arith.addf %add3A_46, %gather3A_59 : vector<16xf32>
    %gt3A = arith.constant 1.000000e+00 : f32
    %gt3A_61 = vector.broadcast %gt3A : f32 to vector<16xf32>
    %gt3A_62 = arith.cmpf ogt, %add3A_60, %gt3A_61 : vector<16xf32>
    %jit3A = arith.constant 1.000000e+00 : f32
    %jit3A_63 = arith.constant 0.000000e+00 : f32
    %broadcast_in_dim3A_64 = vector.broadcast %jit3A : f32 to vector<16xf32>
    %broadcast_in_dim3A_65 = vector.broadcast %jit3A_63 : f32 to vector<16xf32>
    %select_n3A_66 = arith.select %gt3A_62, %broadcast_in_dim3A_64, %broadcast_in_dim3A_65 : vector<16xi1>, vector<16xf32>
    %scan3A_67 = arith.constant 0 : i32
    %scan3A_68 = arith.constant 0 : i32
    %scan3A_69 = arith.constant 8 : i32
    %scan3A_70 = arith.addi %scan3A_68, %scan3A_69 : i32
    %scan3A_71 = arith.constant 1 : i32
    %scan3A_72 = scf.for %scan3A_751 = %scan3A_68 to %scan3A_70 step %scan3A_71 iter_args(%scan3A_752 = %scan3A_67) -> (i32)  : i32 {
      %mul3A_753 = arith.constant 16 : i32
      %mul3A_754 = arith.muli %scan3A_751, %mul3A_753 : i32
      %multiple_of3A = tpu.assume_multiple %mul3A_754, 16 : i32
      %add3A_755 = arith.addi %mul3A_2, %multiple_of3A : i32
      %get3A_756 = arith.index_cast %add3A_755 : i32 to index
      %get3A_757 = tpu.vector_load %arg6[%get3A_756] {strides = array<i32>} : memref<4096xf32, #tpu.memory_space<vmem>>, vector<16xf32>,
      %get3A_758 = vector.shape_cast %get3A_757 : vector<16xf32> to vector<16xf32>
      %ge3A = arith.constant 1.000000e+00 : f32
      %ge3A_759 = vector.broadcast %ge3A : f32 to vector<16xf32>
      %ge3A_760 = arith.cmpf oge, %get3A_758, %ge3A_759 : vector<16xf32>
      %jit3A_761 = arith.constant 1.000000e+00 : f32
      %jit3A_762 = arith.constant 0.000000e+00 : f32
      %broadcast_in_dim3A_763 = vector.broadcast %jit3A_761 : f32 to vector<16xf32>
      %broadcast_in_dim3A_764 = vector.broadcast %jit3A_762 : f32 to vector<16xf32>
      %select_n3A_765 = arith.select %ge3A_760, %broadcast_in_dim3A_763, %broadcast_in_dim3A_764 : vector<16xi1>, vector<16xf32>
      %swap3A_766 = arith.index_cast %multiple_of3A : i32 to index
      %swap3A_767 = tpu.vector_load %arg7[%swap3A_766] {strides = array<i32>} : memref<128xf32, #tpu.memory_space<vmem>>, vector<16xf32>,
      %swap3A_768 = vector.shape_cast %swap3A_767 : vector<16xf32> to vector<16xf32>
      %swap3A_769 = vector.shape_cast %select_n3A_765 : vector<16xf32> to vector<16xf32>
      tpu.vector_store %arg7[%swap3A_766], %swap3A_769 {strides = array<i32>} : memref<128xf32, #tpu.memory_space<vmem>>, vector<16xf32>,
      %scan3A_770 = arith.constant 0 : i32
      scf.yield %scan3A_770 : i32
    }
    %scan3A_73 = arith.constant 8 : i32
    "tpu.region"() ({
      %run_scoped3A = tpu.sem_alloc : memref<!tpu.dma_semaphore, #tpu.memory_space<semaphore_mem>>
      %dma_start3A = tpu.memref_slice %arg4[%mul3A_2] : memref<4096xf32, #tpu.memory_space<hbm>> -> memref<128xf32, #tpu.memory_space<hbm>>
      %dma_start3A_751 = tpu.memref_slice %arg4[%mul3A_2] : memref<4096xf32, #tpu.memory_space<hbm>> -> memref<128xf32, #tpu.memory_space<hbm>>
      tpu.enqueue_dma source(%arg7 : memref<128xf32, #tpu.memory_space<vmem>>) target(%dma_start3A_751 : memref<128xf32, #tpu.memory_space<hbm>>) target_semaphore(%run_scoped3A : memref<!tpu.dma_semaphore, #tpu.memory_space<semaphore_mem>>)
      %dma_wait3A = tpu.memref_slice %arg4[%mul3A_2] : memref<4096xf32, #tpu.memory_space<hbm>> -> memref<128xf32, #tpu.memory_space<hbm>>
      %dma_wait3A_752 = tpu.memref_slice %arg4[%mul3A_2] : memref<4096xf32, #tpu.memory_space<hbm>> -> memref<128xf32, #tpu.memory_space<hbm>>
      tpu.wait_dma2 semaphore(%run_scoped3A : memref<!tpu.dma_semaphore, #tpu.memory_space<semaphore_mem>>) src(%arg7 : memref<128xf32, #tpu.memory_space<vmem>>) dst(%dma_wait3A_752 : memref<128xf32, #tpu.memory_space<hbm>>)
      tpu.yield
    }) : () -> ()
    %get3A = arith.constant 0 : index
    %get3A_74 = tpu.vector_load %arg7[%get3A] {strides = array<i32>} : memref<128xf32, #tpu.memory_space<vmem>>, vector<16xf32>,
    %get3A_75 = vector.shape_cast %get3A_74 : vector<16xf32> to vector<16xf32>
    %slice3A = vector.extract_strided_slice %get3A_75 {offsets = [0], sizes = [1], strides = [1]} : vector<16xf32> to vector<1xf32>
    %squeeze3A = vector.extract %slice3A[0] : f32 from vector<1xf32>
    %swap3A = arith.constant 0 : i32
    %swap3A_76 = arith.index_cast %swap3A : i32 to index
    %swap3A_77 = memref.load %arg16[%swap3A_76] : memref<128xf32, #tpu.memory_space<smem>>
    memref.store %squeeze3A, %arg16[%swap3A_76] : memref<128xf32, #tpu.memory_space<smem>>
    %slice3A_78 = vector.extract_strided_slice %get3A_75 {offsets = [1], sizes = [1], strides = [1]} : vector<16xf32> to vector<1xf32>
    %squeeze3A_79 = vector.extract %slice3A_78[0] : f32 from vector<1xf32>
    %swap3A_80 = arith.constant 1 : i32
    %swap3A_81 = arith.index_cast %swap3A_80 : i32 to index
    %swap3A_82 = memref.load %arg16[%swap3A_81] : memref<128xf32, #tpu.memory_space<smem>>
    memref.store %squeeze3A_79, %arg16[%swap3A_81] : memref<128xf32, #tpu.memory_space<smem>>
    %slice3A_83 = vector.extract_strided_slice %get3A_75 {offsets = [2], sizes = [1], strides = [1]} : vector<16xf32> to vector<1xf32>
    %squeeze3A_84 = vector.extract %slice3A_83[0] : f32 from vector<1xf32>
    %swap3A_85 = arith.constant 2 : i32
    %swap3A_86 = arith.index_cast %swap3A_85 : i32 to index
    %swap3A_87 = memref.load %arg16[%swap3A_86] : memref<128xf32, #tpu.memory_space<smem>>
    memref.store %squeeze3A_84, %arg16[%swap3A_86] : memref<128xf32, #tpu.memory_space<smem>>
    %slice3A_88 = vector.extract_strided_slice %get3A_75 {offsets = [3], sizes = [1], strides = [1]} : vector<16xf32> to vector<1xf32>
    %squeeze3A_89 = vector.extract %slice3A_88[0] : f32 from vector<1xf32>
    %swap3A_90 = arith.constant 3 : i32
    %swap3A_91 = arith.index_cast %swap3A_90 : i32 to index
    %swap3A_92 = memref.load %arg16[%swap3A_91] : memref<128xf32, #tpu.memory_space<smem>>
    memref.store %squeeze3A_89, %arg16[%swap3A_91] : memref<128xf32, #tpu.memory_space<smem>>
    %slice3A_93 = vector.extract_strided_slice %get3A_75 {offsets = [4], sizes = [1], strides = [1]} : vector<16xf32> to vector<1xf32>
    %squeeze3A_94 = vector.extract %slice3A_93[0] : f32 from vector<1xf32>
    %swap3A_95 = arith.constant 4 : i32
    %swap3A_96 = arith.index_cast %swap3A_95 : i32 to index
    %swap3A_97 = memref.load %arg16[%swap3A_96] : memref<128xf32, #tpu.memory_space<smem>>
    memref.store %squeeze3A_94, %arg16[%swap3A_96] : memref<128xf32, #tpu.memory_space<smem>>
    %slice3A_98 = vector.extract_strided_slice %get3A_75 {offsets = [5], sizes = [1], strides = [1]} : vector<16xf32> to vector<1xf32>
    %squeeze3A_99 = vector.extract %slice3A_98[0] : f32 from vector<1xf32>
    %swap3A_100 = arith.constant 5 : i32
    %swap3A_101 = arith.index_cast %swap3A_100 : i32 to index
    %swap3A_102 = memref.load %arg16[%swap3A_101] : memref<128xf32, #tpu.memory_space<smem>>
    memref.store %squeeze3A_99, %arg16[%swap3A_101] : memref<128xf32, #tpu.memory_space<smem>>
    %slice3A_103 = vector.extract_strided_slice %get3A_75 {offsets = [6], sizes = [1], strides = [1]} : vector<16xf32> to vector<1xf32>
    %squeeze3A_104 = vector.extract %slice3A_103[0] : f32 from vector<1xf32>
    %swap3A_105 = arith.constant 6 : i32
    %swap3A_106 = arith.index_cast %swap3A_105 : i32 to index
    %swap3A_107 = memref.load %arg16[%swap3A_106] : memref<128xf32, #tpu.memory_space<smem>>
    memref.store %squeeze3A_104, %arg16[%swap3A_106] : memref<128xf32, #tpu.memory_space<smem>>
    %slice3A_108 = vector.extract_strided_slice %get3A_75 {offsets = [7], sizes = [1], strides = [1]} : vector<16xf32> to vector<1xf32>
    %squeeze3A_109 = vector.extract %slice3A_108[0] : f32 from vector<1xf32>
    %swap3A_110 = arith.constant 7 : i32
    %swap3A_111 = arith.index_cast %swap3A_110 : i32 to index
    %swap3A_112 = memref.load %arg16[%swap3A_111] : memref<128xf32, #tpu.memory_space<smem>>
    memref.store %squeeze3A_109, %arg16[%swap3A_111] : memref<128xf32, #tpu.memory_space<smem>>
    %slice3A_113 = vector.extract_strided_slice %get3A_75 {offsets = [8], sizes = [1], strides = [1]} : vector<16xf32> to vector<1xf32>
    %squeeze3A_114 = vector.extract %slice3A_113[0] : f32 from vector<1xf32>
    %swap3A_115 = arith.constant 8 : i32
    %swap3A_116 = arith.index_cast %swap3A_115 : i32 to index
    %swap3A_117 = memref.load %arg16[%swap3A_116] : memref<128xf32, #tpu.memory_space<smem>>
    memref.store %squeeze3A_114, %arg16[%swap3A_116] : memref<128xf32, #tpu.memory_space<smem>>
    %slice3A_118 = vector.extract_strided_slice %get3A_75 {offsets = [9], sizes = [1], strides = [1]} : vector<16xf32> to vector<1xf32>
    %squeeze3A_119 = vector.extract %slice3A_118[0] : f32 from vector<1xf32>
    %swap3A_120 = arith.constant 9 : i32
    %swap3A_121 = arith.index_cast %swap3A_120 : i32 to index
    %swap3A_122 = memref.load %arg16[%swap3A_121] : memref<128xf32, #tpu.memory_space<smem>>
    memref.store %squeeze3A_119, %arg16[%swap3A_121] : memref<128xf32, #tpu.memory_space<smem>>
    %slice3A_123 = vector.extract_strided_slice %get3A_75 {offsets = [10], sizes = [1], strides = [1]} : vector<16xf32> to vector<1xf32>
    %squeeze3A_124 = vector.extract %slice3A_123[0] : f32 from vector<1xf32>
    %swap3A_125 = arith.constant 10 : i32
    %swap3A_126 = arith.index_cast %swap3A_125 : i32 to index
    %swap3A_127 = memref.load %arg16[%swap3A_126] : memref<128xf32, #tpu.memory_space<smem>>
    memref.store %squeeze3A_124, %arg16[%swap3A_126] : memref<128xf32, #tpu.memory_space<smem>>
    %slice3A_128 = vector.extract_strided_slice %get3A_75 {offsets = [11], sizes = [1], strides = [1]} : vector<16xf32> to vector<1xf32>
    %squeeze3A_129 = vector.extract %slice3A_128[0] : f32 from vector<1xf32>
    %swap3A_130 = arith.constant 11 : i32
    %swap3A_131 = arith.index_cast %swap3A_130 : i32 to index
    %swap3A_132 = memref.load %arg16[%swap3A_131] : memref<128xf32, #tpu.memory_space<smem>>
    memref.store %squeeze3A_129, %arg16[%swap3A_131] : memref<128xf32, #tpu.memory_space<smem>>
    %slice3A_133 = vector.extract_strided_slice %get3A_75 {offsets = [12], sizes = [1], strides = [1]} : vector<16xf32> to vector<1xf32>
    %squeeze3A_134 = vector.extract %slice3A_133[0] : f32 from vector<1xf32>
    %swap3A_135 = arith.constant 12 : i32
    %swap3A_136 = arith.index_cast %swap3A_135 : i32 to index
    %swap3A_137 = memref.load %arg16[%swap3A_136] : memref<128xf32, #tpu.memory_space<smem>>
    memref.store %squeeze3A_134, %arg16[%swap3A_136] : memref<128xf32, #tpu.memory_space<smem>>
    %slice3A_138 = vector.extract_strided_slice %get3A_75 {offsets = [13], sizes = [1], strides = [1]} : vector<16xf32> to vector<1xf32>
    %squeeze3A_139 = vector.extract %slice3A_138[0] : f32 from vector<1xf32>
    %swap3A_140 = arith.constant 13 : i32
    %swap3A_141 = arith.index_cast %swap3A_140 : i32 to index
    %swap3A_142 = memref.load %arg16[%swap3A_141] : memref<128xf32, #tpu.memory_space<smem>>
    memref.store %squeeze3A_139, %arg16[%swap3A_141] : memref<128xf32, #tpu.memory_space<smem>>
    %slice3A_143 = vector.extract_strided_slice %get3A_75 {offsets = [14], sizes = [1], strides = [1]} : vector<16xf32> to vector<1xf32>
    %squeeze3A_144 = vector.extract %slice3A_143[0] : f32 from vector<1xf32>
    %swap3A_145 = arith.constant 14 : i32
    %swap3A_146 = arith.index_cast %swap3A_145 : i32 to index
    %swap3A_147 = memref.load %arg16[%swap3A_146] : memref<128xf32, #tpu.memory_space<smem>>
    memref.store %squeeze3A_144, %arg16[%swap3A_146] : memref<128xf32, #tpu.memory_space<smem>>
    %slice3A_148 = vector.extract_strided_slice %get3A_75 {offsets = [15], sizes = [1], strides = [1]} : vector<16xf32> to vector<1xf32>
    %squeeze3A_149 = vector.extract %slice3A_148[0] : f32 from vector<1xf32>
    %swap3A_150 = arith.constant 15 : i32
    %swap3A_151 = arith.index_cast %swap3A_150 : i32 to index
    %swap3A_152 = memref.load %arg16[%swap3A_151] : memref<128xf32, #tpu.memory_space<smem>>
    memref.store %squeeze3A_149, %arg16[%swap3A_151] : memref<128xf32, #tpu.memory_space<smem>>
    %get3A_153 = arith.constant 16 : index
    %get3A_154 = tpu.vector_load %arg7[%get3A_153] {strides = array<i32>} : memref<128xf32, #tpu.memory_space<vmem>>, vector<16xf32>,
    %get3A_155 = vector.shape_cast %get3A_154 : vector<16xf32> to vector<16xf32>
    %slice3A_156 = vector.extract_strided_slice %get3A_155 {offsets = [0], sizes = [1], strides = [1]} : vector<16xf32> to vector<1xf32>
    %squeeze3A_157 = vector.extract %slice3A_156[0] : f32 from vector<1xf32>
    %swap3A_158 = arith.constant 16 : i32
    %swap3A_159 = arith.index_cast %swap3A_158 : i32 to index
    %swap3A_160 = memref.load %arg16[%swap3A_159] : memref<128xf32, #tpu.memory_space<smem>>
    memref.store %squeeze3A_157, %arg16[%swap3A_159] : memref<128xf32, #tpu.memory_space<smem>>
    %slice3A_161 = vector.extract_strided_slice %get3A_155 {offsets = [1], sizes = [1], strides = [1]} : vector<16xf32> to vector<1xf32>
    %squeeze3A_162 = vector.extract %slice3A_161[0] : f32 from vector<1xf32>
    %swap3A_163 = arith.constant 17 : i32
    %swap3A_164 = arith.index_cast %swap3A_163 : i32 to index
    %swap3A_165 = memref.load %arg16[%swap3A_164] : memref<128xf32, #tpu.memory_space<smem>>
    memref.store %squeeze3A_162, %arg16[%swap3A_164] : memref<128xf32, #tpu.memory_space<smem>>
    %slice3A_166 = vector.extract_strided_slice %get3A_155 {offsets = [2], sizes = [1], strides = [1]} : vector<16xf32> to vector<1xf32>
    %squeeze3A_167 = vector.extract %slice3A_166[0] : f32 from vector<1xf32>
    %swap3A_168 = arith.constant 18 : i32
    %swap3A_169 = arith.index_cast %swap3A_168 : i32 to index
    %swap3A_170 = memref.load %arg16[%swap3A_169] : memref<128xf32, #tpu.memory_space<smem>>
    memref.store %squeeze3A_167, %arg16[%swap3A_169] : memref<128xf32, #tpu.memory_space<smem>>
    %slice3A_171 = vector.extract_strided_slice %get3A_155 {offsets = [3], sizes = [1], strides = [1]} : vector<16xf32> to vector<1xf32>
    %squeeze3A_172 = vector.extract %slice3A_171[0] : f32 from vector<1xf32>
    %swap3A_173 = arith.constant 19 : i32
    %swap3A_174 = arith.index_cast %swap3A_173 : i32 to index
    %swap3A_175 = memref.load %arg16[%swap3A_174] : memref<128xf32, #tpu.memory_space<smem>>
    memref.store %squeeze3A_172, %arg16[%swap3A_174] : memref<128xf32, #tpu.memory_space<smem>>
    %slice3A_176 = vector.extract_strided_slice %get3A_155 {offsets = [4], sizes = [1], strides = [1]} : vector<16xf32> to vector<1xf32>
    %squeeze3A_177 = vector.extract %slice3A_176[0] : f32 from vector<1xf32>
    %swap3A_178 = arith.constant 20 : i32
    %swap3A_179 = arith.index_cast %swap3A_178 : i32 to index
    %swap3A_180 = memref.load %arg16[%swap3A_179] : memref<128xf32, #tpu.memory_space<smem>>
    memref.store %squeeze3A_177, %arg16[%swap3A_179] : memref<128xf32, #tpu.memory_space<smem>>
    %slice3A_181 = vector.extract_strided_slice %get3A_155 {offsets = [5], sizes = [1], strides = [1]} : vector<16xf32> to vector<1xf32>
    %squeeze3A_182 = vector.extract %slice3A_181[0] : f32 from vector<1xf32>
    %swap3A_183 = arith.constant 21 : i32
    %swap3A_184 = arith.index_cast %swap3A_183 : i32 to index
    %swap3A_185 = memref.load %arg16[%swap3A_184] : memref<128xf32, #tpu.memory_space<smem>>
    memref.store %squeeze3A_182, %arg16[%swap3A_184] : memref<128xf32, #tpu.memory_space<smem>>
    %slice3A_186 = vector.extract_strided_slice %get3A_155 {offsets = [6], sizes = [1], strides = [1]} : vector<16xf32> to vector<1xf32>
    %squeeze3A_187 = vector.extract %slice3A_186[0] : f32 from vector<1xf32>
    %swap3A_188 = arith.constant 22 : i32
    %swap3A_189 = arith.index_cast %swap3A_188 : i32 to index
    %swap3A_190 = memref.load %arg16[%swap3A_189] : memref<128xf32, #tpu.memory_space<smem>>
    memref.store %squeeze3A_187, %arg16[%swap3A_189] : memref<128xf32, #tpu.memory_space<smem>>
    %slice3A_191 = vector.extract_strided_slice %get3A_155 {offsets = [7], sizes = [1], strides = [1]} : vector<16xf32> to vector<1xf32>
    %squeeze3A_192 = vector.extract %slice3A_191[0] : f32 from vector<1xf32>
    %swap3A_193 = arith.constant 23 : i32
    %swap3A_194 = arith.index_cast %swap3A_193 : i32 to index
    %swap3A_195 = memref.load %arg16[%swap3A_194] : memref<128xf32, #tpu.memory_space<smem>>
    memref.store %squeeze3A_192, %arg16[%swap3A_194] : memref<128xf32, #tpu.memory_space<smem>>
    %slice3A_196 = vector.extract_strided_slice %get3A_155 {offsets = [8], sizes = [1], strides = [1]} : vector<16xf32> to vector<1xf32>
    %squeeze3A_197 = vector.extract %slice3A_196[0] : f32 from vector<1xf32>
    %swap3A_198 = arith.constant 24 : i32
    %swap3A_199 = arith.index_cast %swap3A_198 : i32 to index
    %swap3A_200 = memref.load %arg16[%swap3A_199] : memref<128xf32, #tpu.memory_space<smem>>
    memref.store %squeeze3A_197, %arg16[%swap3A_199] : memref<128xf32, #tpu.memory_space<smem>>
    %slice3A_201 = vector.extract_strided_slice %get3A_155 {offsets = [9], sizes = [1], strides = [1]} : vector<16xf32> to vector<1xf32>
    %squeeze3A_202 = vector.extract %slice3A_201[0] : f32 from vector<1xf32>
    %swap3A_203 = arith.constant 25 : i32
    %swap3A_204 = arith.index_cast %swap3A_203 : i32 to index
    %swap3A_205 = memref.load %arg16[%swap3A_204] : memref<128xf32, #tpu.memory_space<smem>>
    memref.store %squeeze3A_202, %arg16[%swap3A_204] : memref<128xf32, #tpu.memory_space<smem>>
    %slice3A_206 = vector.extract_strided_slice %get3A_155 {offsets = [10], sizes = [1], strides = [1]} : vector<16xf32> to vector<1xf32>
    %squeeze3A_207 = vector.extract %slice3A_206[0] : f32 from vector<1xf32>
    %swap3A_208 = arith.constant 26 : i32
    %swap3A_209 = arith.index_cast %swap3A_208 : i32 to index
    %swap3A_210 = memref.load %arg16[%swap3A_209] : memref<128xf32, #tpu.memory_space<smem>>
    memref.store %squeeze3A_207, %arg16[%swap3A_209] : memref<128xf32, #tpu.memory_space<smem>>
    %slice3A_211 = vector.extract_strided_slice %get3A_155 {offsets = [11], sizes = [1], strides = [1]} : vector<16xf32> to vector<1xf32>
    %squeeze3A_212 = vector.extract %slice3A_211[0] : f32 from vector<1xf32>
    %swap3A_213 = arith.constant 27 : i32
    %swap3A_214 = arith.index_cast %swap3A_213 : i32 to index
    %swap3A_215 = memref.load %arg16[%swap3A_214] : memref<128xf32, #tpu.memory_space<smem>>
    memref.store %squeeze3A_212, %arg16[%swap3A_214] : memref<128xf32, #tpu.memory_space<smem>>
    %slice3A_216 = vector.extract_strided_slice %get3A_155 {offsets = [12], sizes = [1], strides = [1]} : vector<16xf32> to vector<1xf32>
    %squeeze3A_217 = vector.extract %slice3A_216[0] : f32 from vector<1xf32>
    %swap3A_218 = arith.constant 28 : i32
    %swap3A_219 = arith.index_cast %swap3A_218 : i32 to index
    %swap3A_220 = memref.load %arg16[%swap3A_219] : memref<128xf32, #tpu.memory_space<smem>>
    memref.store %squeeze3A_217, %arg16[%swap3A_219] : memref<128xf32, #tpu.memory_space<smem>>
    %slice3A_221 = vector.extract_strided_slice %get3A_155 {offsets = [13], sizes = [1], strides = [1]} : vector<16xf32> to vector<1xf32>
    %squeeze3A_222 = vector.extract %slice3A_221[0] : f32 from vector<1xf32>
    %swap3A_223 = arith.constant 29 : i32
    %swap3A_224 = arith.index_cast %swap3A_223 : i32 to index
    %swap3A_225 = memref.load %arg16[%swap3A_224] : memref<128xf32, #tpu.memory_space<smem>>
    memref.store %squeeze3A_222, %arg16[%swap3A_224] : memref<128xf32, #tpu.memory_space<smem>>
    %slice3A_226 = vector.extract_strided_slice %get3A_155 {offsets = [14], sizes = [1], strides = [1]} : vector<16xf32> to vector<1xf32>
    %squeeze3A_227 = vector.extract %slice3A_226[0] : f32 from vector<1xf32>
    %swap3A_228 = arith.constant 30 : i32
    %swap3A_229 = arith.index_cast %swap3A_228 : i32 to index
    %swap3A_230 = memref.load %arg16[%swap3A_229] : memref<128xf32, #tpu.memory_space<smem>>
    memref.store %squeeze3A_227, %arg16[%swap3A_229] : memref<128xf32, #tpu.memory_space<smem>>
    %slice3A_231 = vector.extract_strided_slice %get3A_155 {offsets = [15], sizes = [1], strides = [1]} : vector<16xf32> to vector<1xf32>
    %squeeze3A_232 = vector.extract %slice3A_231[0] : f32 from vector<1xf32>
    %swap3A_233 = arith.constant 31 : i32
    %swap3A_234 = arith.index_cast %swap3A_233 : i32 to index
    %swap3A_235 = memref.load %arg16[%swap3A_234] : memref<128xf32, #tpu.memory_space<smem>>
    memref.store %squeeze3A_232, %arg16[%swap3A_234] : memref<128xf32, #tpu.memory_space<smem>>
    %get3A_236 = arith.constant 32 : index
    %get3A_237 = tpu.vector_load %arg7[%get3A_236] {strides = array<i32>} : memref<128xf32, #tpu.memory_space<vmem>>, vector<16xf32>,
    %get3A_238 = vector.shape_cast %get3A_237 : vector<16xf32> to vector<16xf32>
    %slice3A_239 = vector.extract_strided_slice %get3A_238 {offsets = [0], sizes = [1], strides = [1]} : vector<16xf32> to vector<1xf32>
    %squeeze3A_240 = vector.extract %slice3A_239[0] : f32 from vector<1xf32>
    %swap3A_241 = arith.constant 32 : i32
    %swap3A_242 = arith.index_cast %swap3A_241 : i32 to index
    %swap3A_243 = memref.load %arg16[%swap3A_242] : memref<128xf32, #tpu.memory_space<smem>>
    memref.store %squeeze3A_240, %arg16[%swap3A_242] : memref<128xf32, #tpu.memory_space<smem>>
    %slice3A_244 = vector.extract_strided_slice %get3A_238 {offsets = [1], sizes = [1], strides = [1]} : vector<16xf32> to vector<1xf32>
    %squeeze3A_245 = vector.extract %slice3A_244[0] : f32 from vector<1xf32>
    %swap3A_246 = arith.constant 33 : i32
    %swap3A_247 = arith.index_cast %swap3A_246 : i32 to index
    %swap3A_248 = memref.load %arg16[%swap3A_247] : memref<128xf32, #tpu.memory_space<smem>>
    memref.store %squeeze3A_245, %arg16[%swap3A_247] : memref<128xf32, #tpu.memory_space<smem>>
    %slice3A_249 = vector.extract_strided_slice %get3A_238 {offsets = [2], sizes = [1], strides = [1]} : vector<16xf32> to vector<1xf32>
    %squeeze3A_250 = vector.extract %slice3A_249[0] : f32 from vector<1xf32>
    %swap3A_251 = arith.constant 34 : i32
    %swap3A_252 = arith.index_cast %swap3A_251 : i32 to index
    %swap3A_253 = memref.load %arg16[%swap3A_252] : memref<128xf32, #tpu.memory_space<smem>>
    memref.store %squeeze3A_250, %arg16[%swap3A_252] : memref<128xf32, #tpu.memory_space<smem>>
    %slice3A_254 = vector.extract_strided_slice %get3A_238 {offsets = [3], sizes = [1], strides = [1]} : vector<16xf32> to vector<1xf32>
    %squeeze3A_255 = vector.extract %slice3A_254[0] : f32 from vector<1xf32>
    %swap3A_256 = arith.constant 35 : i32
    %swap3A_257 = arith.index_cast %swap3A_256 : i32 to index
    %swap3A_258 = memref.load %arg16[%swap3A_257] : memref<128xf32, #tpu.memory_space<smem>>
    memref.store %squeeze3A_255, %arg16[%swap3A_257] : memref<128xf32, #tpu.memory_space<smem>>
    %slice3A_259 = vector.extract_strided_slice %get3A_238 {offsets = [4], sizes = [1], strides = [1]} : vector<16xf32> to vector<1xf32>
    %squeeze3A_260 = vector.extract %slice3A_259[0] : f32 from vector<1xf32>
    %swap3A_261 = arith.constant 36 : i32
    %swap3A_262 = arith.index_cast %swap3A_261 : i32 to index
    %swap3A_263 = memref.load %arg16[%swap3A_262] : memref<128xf32, #tpu.memory_space<smem>>
    memref.store %squeeze3A_260, %arg16[%swap3A_262] : memref<128xf32, #tpu.memory_space<smem>>
    %slice3A_264 = vector.extract_strided_slice %get3A_238 {offsets = [5], sizes = [1], strides = [1]} : vector<16xf32> to vector<1xf32>
    %squeeze3A_265 = vector.extract %slice3A_264[0] : f32 from vector<1xf32>
    %swap3A_266 = arith.constant 37 : i32
    %swap3A_267 = arith.index_cast %swap3A_266 : i32 to index
    %swap3A_268 = memref.load %arg16[%swap3A_267] : memref<128xf32, #tpu.memory_space<smem>>
    memref.store %squeeze3A_265, %arg16[%swap3A_267] : memref<128xf32, #tpu.memory_space<smem>>
    %slice3A_269 = vector.extract_strided_slice %get3A_238 {offsets = [6], sizes = [1], strides = [1]} : vector<16xf32> to vector<1xf32>
    %squeeze3A_270 = vector.extract %slice3A_269[0] : f32 from vector<1xf32>
    %swap3A_271 = arith.constant 38 : i32
    %swap3A_272 = arith.index_cast %swap3A_271 : i32 to index
    %swap3A_273 = memref.load %arg16[%swap3A_272] : memref<128xf32, #tpu.memory_space<smem>>
    memref.store %squeeze3A_270, %arg16[%swap3A_272] : memref<128xf32, #tpu.memory_space<smem>>
    %slice3A_274 = vector.extract_strided_slice %get3A_238 {offsets = [7], sizes = [1], strides = [1]} : vector<16xf32> to vector<1xf32>
    %squeeze3A_275 = vector.extract %slice3A_274[0] : f32 from vector<1xf32>
    %swap3A_276 = arith.constant 39 : i32
    %swap3A_277 = arith.index_cast %swap3A_276 : i32 to index
    %swap3A_278 = memref.load %arg16[%swap3A_277] : memref<128xf32, #tpu.memory_space<smem>>
    memref.store %squeeze3A_275, %arg16[%swap3A_277] : memref<128xf32, #tpu.memory_space<smem>>
    %slice3A_279 = vector.extract_strided_slice %get3A_238 {offsets = [8], sizes = [1], strides = [1]} : vector<16xf32> to vector<1xf32>
    %squeeze3A_280 = vector.extract %slice3A_279[0] : f32 from vector<1xf32>
    %swap3A_281 = arith.constant 40 : i32
    %swap3A_282 = arith.index_cast %swap3A_281 : i32 to index
    %swap3A_283 = memref.load %arg16[%swap3A_282] : memref<128xf32, #tpu.memory_space<smem>>
    memref.store %squeeze3A_280, %arg16[%swap3A_282] : memref<128xf32, #tpu.memory_space<smem>>
    %slice3A_284 = vector.extract_strided_slice %get3A_238 {offsets = [9], sizes = [1], strides = [1]} : vector<16xf32> to vector<1xf32>
    %squeeze3A_285 = vector.extract %slice3A_284[0] : f32 from vector<1xf32>
    %swap3A_286 = arith.constant 41 : i32
    %swap3A_287 = arith.index_cast %swap3A_286 : i32 to index
    %swap3A_288 = memref.load %arg16[%swap3A_287] : memref<128xf32, #tpu.memory_space<smem>>
    memref.store %squeeze3A_285, %arg16[%swap3A_287] : memref<128xf32, #tpu.memory_space<smem>>
    %slice3A_289 = vector.extract_strided_slice %get3A_238 {offsets = [10], sizes = [1], strides = [1]} : vector<16xf32> to vector<1xf32>
    %squeeze3A_290 = vector.extract %slice3A_289[0] : f32 from vector<1xf32>
    %swap3A_291 = arith.constant 42 : i32
    %swap3A_292 = arith.index_cast %swap3A_291 : i32 to index
    %swap3A_293 = memref.load %arg16[%swap3A_292] : memref<128xf32, #tpu.memory_space<smem>>
    memref.store %squeeze3A_290, %arg16[%swap3A_292] : memref<128xf32, #tpu.memory_space<smem>>
    %slice3A_294 = vector.extract_strided_slice %get3A_238 {offsets = [11], sizes = [1], strides = [1]} : vector<16xf32> to vector<1xf32>
    %squeeze3A_295 = vector.extract %slice3A_294[0] : f32 from vector<1xf32>
    %swap3A_296 = arith.constant 43 : i32
    %swap3A_297 = arith.index_cast %swap3A_296 : i32 to index
    %swap3A_298 = memref.load %arg16[%swap3A_297] : memref<128xf32, #tpu.memory_space<smem>>
    memref.store %squeeze3A_295, %arg16[%swap3A_297] : memref<128xf32, #tpu.memory_space<smem>>
    %slice3A_299 = vector.extract_strided_slice %get3A_238 {offsets = [12], sizes = [1], strides = [1]} : vector<16xf32> to vector<1xf32>
    %squeeze3A_300 = vector.extract %slice3A_299[0] : f32 from vector<1xf32>
    %swap3A_301 = arith.constant 44 : i32
    %swap3A_302 = arith.index_cast %swap3A_301 : i32 to index
    %swap3A_303 = memref.load %arg16[%swap3A_302] : memref<128xf32, #tpu.memory_space<smem>>
    memref.store %squeeze3A_300, %arg16[%swap3A_302] : memref<128xf32, #tpu.memory_space<smem>>
    %slice3A_304 = vector.extract_strided_slice %get3A_238 {offsets = [13], sizes = [1], strides = [1]} : vector<16xf32> to vector<1xf32>
    %squeeze3A_305 = vector.extract %slice3A_304[0] : f32 from vector<1xf32>
    %swap3A_306 = arith.constant 45 : i32
    %swap3A_307 = arith.index_cast %swap3A_306 : i32 to index
    %swap3A_308 = memref.load %arg16[%swap3A_307] : memref<128xf32, #tpu.memory_space<smem>>
    memref.store %squeeze3A_305, %arg16[%swap3A_307] : memref<128xf32, #tpu.memory_space<smem>>
    %slice3A_309 = vector.extract_strided_slice %get3A_238 {offsets = [14], sizes = [1], strides = [1]} : vector<16xf32> to vector<1xf32>
    %squeeze3A_310 = vector.extract %slice3A_309[0] : f32 from vector<1xf32>
    %swap3A_311 = arith.constant 46 : i32
    %swap3A_312 = arith.index_cast %swap3A_311 : i32 to index
    %swap3A_313 = memref.load %arg16[%swap3A_312] : memref<128xf32, #tpu.memory_space<smem>>
    memref.store %squeeze3A_310, %arg16[%swap3A_312] : memref<128xf32, #tpu.memory_space<smem>>
    %slice3A_314 = vector.extract_strided_slice %get3A_238 {offsets = [15], sizes = [1], strides = [1]} : vector<16xf32> to vector<1xf32>
    %squeeze3A_315 = vector.extract %slice3A_314[0] : f32 from vector<1xf32>
    %swap3A_316 = arith.constant 47 : i32
    %swap3A_317 = arith.index_cast %swap3A_316 : i32 to index
    %swap3A_318 = memref.load %arg16[%swap3A_317] : memref<128xf32, #tpu.memory_space<smem>>
    memref.store %squeeze3A_315, %arg16[%swap3A_317] : memref<128xf32, #tpu.memory_space<smem>>
    %get3A_319 = arith.constant 48 : index
    %get3A_320 = tpu.vector_load %arg7[%get3A_319] {strides = array<i32>} : memref<128xf32, #tpu.memory_space<vmem>>, vector<16xf32>,
    %get3A_321 = vector.shape_cast %get3A_320 : vector<16xf32> to vector<16xf32>
    %slice3A_322 = vector.extract_strided_slice %get3A_321 {offsets = [0], sizes = [1], strides = [1]} : vector<16xf32> to vector<1xf32>
    %squeeze3A_323 = vector.extract %slice3A_322[0] : f32 from vector<1xf32>
    %swap3A_324 = arith.constant 48 : i32
    %swap3A_325 = arith.index_cast %swap3A_324 : i32 to index
    %swap3A_326 = memref.load %arg16[%swap3A_325] : memref<128xf32, #tpu.memory_space<smem>>
    memref.store %squeeze3A_323, %arg16[%swap3A_325] : memref<128xf32, #tpu.memory_space<smem>>
    %slice3A_327 = vector.extract_strided_slice %get3A_321 {offsets = [1], sizes = [1], strides = [1]} : vector<16xf32> to vector<1xf32>
    %squeeze3A_328 = vector.extract %slice3A_327[0] : f32 from vector<1xf32>
    %swap3A_329 = arith.constant 49 : i32
    %swap3A_330 = arith.index_cast %swap3A_329 : i32 to index
    %swap3A_331 = memref.load %arg16[%swap3A_330] : memref<128xf32, #tpu.memory_space<smem>>
    memref.store %squeeze3A_328, %arg16[%swap3A_330] : memref<128xf32, #tpu.memory_space<smem>>
    %slice3A_332 = vector.extract_strided_slice %get3A_321 {offsets = [2], sizes = [1], strides = [1]} : vector<16xf32> to vector<1xf32>
    %squeeze3A_333 = vector.extract %slice3A_332[0] : f32 from vector<1xf32>
    %swap3A_334 = arith.constant 50 : i32
    %swap3A_335 = arith.index_cast %swap3A_334 : i32 to index
    %swap3A_336 = memref.load %arg16[%swap3A_335] : memref<128xf32, #tpu.memory_space<smem>>
    memref.store %squeeze3A_333, %arg16[%swap3A_335] : memref<128xf32, #tpu.memory_space<smem>>
    %slice3A_337 = vector.extract_strided_slice %get3A_321 {offsets = [3], sizes = [1], strides = [1]} : vector<16xf32> to vector<1xf32>
    %squeeze3A_338 = vector.extract %slice3A_337[0] : f32 from vector<1xf32>
    %swap3A_339 = arith.constant 51 : i32
    %swap3A_340 = arith.index_cast %swap3A_339 : i32 to index
    %swap3A_341 = memref.load %arg16[%swap3A_340] : memref<128xf32, #tpu.memory_space<smem>>
    memref.store %squeeze3A_338, %arg16[%swap3A_340] : memref<128xf32, #tpu.memory_space<smem>>
    %slice3A_342 = vector.extract_strided_slice %get3A_321 {offsets = [4], sizes = [1], strides = [1]} : vector<16xf32> to vector<1xf32>
    %squeeze3A_343 = vector.extract %slice3A_342[0] : f32 from vector<1xf32>
    %swap3A_344 = arith.constant 52 : i32
    %swap3A_345 = arith.index_cast %swap3A_344 : i32 to index
    %swap3A_346 = memref.load %arg16[%swap3A_345] : memref<128xf32, #tpu.memory_space<smem>>
    memref.store %squeeze3A_343, %arg16[%swap3A_345] : memref<128xf32, #tpu.memory_space<smem>>
    %slice3A_347 = vector.extract_strided_slice %get3A_321 {offsets = [5], sizes = [1], strides = [1]} : vector<16xf32> to vector<1xf32>
    %squeeze3A_348 = vector.extract %slice3A_347[0] : f32 from vector<1xf32>
    %swap3A_349 = arith.constant 53 : i32
    %swap3A_350 = arith.index_cast %swap3A_349 : i32 to index
    %swap3A_351 = memref.load %arg16[%swap3A_350] : memref<128xf32, #tpu.memory_space<smem>>
    memref.store %squeeze3A_348, %arg16[%swap3A_350] : memref<128xf32, #tpu.memory_space<smem>>
    %slice3A_352 = vector.extract_strided_slice %get3A_321 {offsets = [6], sizes = [1], strides = [1]} : vector<16xf32> to vector<1xf32>
    %squeeze3A_353 = vector.extract %slice3A_352[0] : f32 from vector<1xf32>
    %swap3A_354 = arith.constant 54 : i32
    %swap3A_355 = arith.index_cast %swap3A_354 : i32 to index
    %swap3A_356 = memref.load %arg16[%swap3A_355] : memref<128xf32, #tpu.memory_space<smem>>
    memref.store %squeeze3A_353, %arg16[%swap3A_355] : memref<128xf32, #tpu.memory_space<smem>>
    %slice3A_357 = vector.extract_strided_slice %get3A_321 {offsets = [7], sizes = [1], strides = [1]} : vector<16xf32> to vector<1xf32>
    %squeeze3A_358 = vector.extract %slice3A_357[0] : f32 from vector<1xf32>
    %swap3A_359 = arith.constant 55 : i32
    %swap3A_360 = arith.index_cast %swap3A_359 : i32 to index
    %swap3A_361 = memref.load %arg16[%swap3A_360] : memref<128xf32, #tpu.memory_space<smem>>
    memref.store %squeeze3A_358, %arg16[%swap3A_360] : memref<128xf32, #tpu.memory_space<smem>>
    %slice3A_362 = vector.extract_strided_slice %get3A_321 {offsets = [8], sizes = [1], strides = [1]} : vector<16xf32> to vector<1xf32>
    %squeeze3A_363 = vector.extract %slice3A_362[0] : f32 from vector<1xf32>
    %swap3A_364 = arith.constant 56 : i32
    %swap3A_365 = arith.index_cast %swap3A_364 : i32 to index
    %swap3A_366 = memref.load %arg16[%swap3A_365] : memref<128xf32, #tpu.memory_space<smem>>
    memref.store %squeeze3A_363, %arg16[%swap3A_365] : memref<128xf32, #tpu.memory_space<smem>>
    %slice3A_367 = vector.extract_strided_slice %get3A_321 {offsets = [9], sizes = [1], strides = [1]} : vector<16xf32> to vector<1xf32>
    %squeeze3A_368 = vector.extract %slice3A_367[0] : f32 from vector<1xf32>
    %swap3A_369 = arith.constant 57 : i32
    %swap3A_370 = arith.index_cast %swap3A_369 : i32 to index
    %swap3A_371 = memref.load %arg16[%swap3A_370] : memref<128xf32, #tpu.memory_space<smem>>
    memref.store %squeeze3A_368, %arg16[%swap3A_370] : memref<128xf32, #tpu.memory_space<smem>>
    %slice3A_372 = vector.extract_strided_slice %get3A_321 {offsets = [10], sizes = [1], strides = [1]} : vector<16xf32> to vector<1xf32>
    %squeeze3A_373 = vector.extract %slice3A_372[0] : f32 from vector<1xf32>
    %swap3A_374 = arith.constant 58 : i32
    %swap3A_375 = arith.index_cast %swap3A_374 : i32 to index
    %swap3A_376 = memref.load %arg16[%swap3A_375] : memref<128xf32, #tpu.memory_space<smem>>
    memref.store %squeeze3A_373, %arg16[%swap3A_375] : memref<128xf32, #tpu.memory_space<smem>>
    %slice3A_377 = vector.extract_strided_slice %get3A_321 {offsets = [11], sizes = [1], strides = [1]} : vector<16xf32> to vector<1xf32>
    %squeeze3A_378 = vector.extract %slice3A_377[0] : f32 from vector<1xf32>
    %swap3A_379 = arith.constant 59 : i32
    %swap3A_380 = arith.index_cast %swap3A_379 : i32 to index
    %swap3A_381 = memref.load %arg16[%swap3A_380] : memref<128xf32, #tpu.memory_space<smem>>
    memref.store %squeeze3A_378, %arg16[%swap3A_380] : memref<128xf32, #tpu.memory_space<smem>>
    %slice3A_382 = vector.extract_strided_slice %get3A_321 {offsets = [12], sizes = [1], strides = [1]} : vector<16xf32> to vector<1xf32>
    %squeeze3A_383 = vector.extract %slice3A_382[0] : f32 from vector<1xf32>
    %swap3A_384 = arith.constant 60 : i32
    %swap3A_385 = arith.index_cast %swap3A_384 : i32 to index
    %swap3A_386 = memref.load %arg16[%swap3A_385] : memref<128xf32, #tpu.memory_space<smem>>
    memref.store %squeeze3A_383, %arg16[%swap3A_385] : memref<128xf32, #tpu.memory_space<smem>>
    %slice3A_387 = vector.extract_strided_slice %get3A_321 {offsets = [13], sizes = [1], strides = [1]} : vector<16xf32> to vector<1xf32>
    %squeeze3A_388 = vector.extract %slice3A_387[0] : f32 from vector<1xf32>
    %swap3A_389 = arith.constant 61 : i32
    %swap3A_390 = arith.index_cast %swap3A_389 : i32 to index
    %swap3A_391 = memref.load %arg16[%swap3A_390] : memref<128xf32, #tpu.memory_space<smem>>
    memref.store %squeeze3A_388, %arg16[%swap3A_390] : memref<128xf32, #tpu.memory_space<smem>>
    %slice3A_392 = vector.extract_strided_slice %get3A_321 {offsets = [14], sizes = [1], strides = [1]} : vector<16xf32> to vector<1xf32>
    %squeeze3A_393 = vector.extract %slice3A_392[0] : f32 from vector<1xf32>
    %swap3A_394 = arith.constant 62 : i32
    %swap3A_395 = arith.index_cast %swap3A_394 : i32 to index
    %swap3A_396 = memref.load %arg16[%swap3A_395] : memref<128xf32, #tpu.memory_space<smem>>
    memref.store %squeeze3A_393, %arg16[%swap3A_395] : memref<128xf32, #tpu.memory_space<smem>>
    %slice3A_397 = vector.extract_strided_slice %get3A_321 {offsets = [15], sizes = [1], strides = [1]} : vector<16xf32> to vector<1xf32>
    %squeeze3A_398 = vector.extract %slice3A_397[0] : f32 from vector<1xf32>
    %swap3A_399 = arith.constant 63 : i32
    %swap3A_400 = arith.index_cast %swap3A_399 : i32 to index
    %swap3A_401 = memref.load %arg16[%swap3A_400] : memref<128xf32, #tpu.memory_space<smem>>
    memref.store %squeeze3A_398, %arg16[%swap3A_400] : memref<128xf32, #tpu.memory_space<smem>>
    %get3A_402 = arith.constant 64 : index
    %get3A_403 = tpu.vector_load %arg7[%get3A_402] {strides = array<i32>} : memref<128xf32, #tpu.memory_space<vmem>>, vector<16xf32>,
    %get3A_404 = vector.shape_cast %get3A_403 : vector<16xf32> to vector<16xf32>
    %slice3A_405 = vector.extract_strided_slice %get3A_404 {offsets = [0], sizes = [1], strides = [1]} : vector<16xf32> to vector<1xf32>
    %squeeze3A_406 = vector.extract %slice3A_405[0] : f32 from vector<1xf32>
    %swap3A_407 = arith.constant 64 : i32
    %swap3A_408 = arith.index_cast %swap3A_407 : i32 to index
    %swap3A_409 = memref.load %arg16[%swap3A_408] : memref<128xf32, #tpu.memory_space<smem>>
    memref.store %squeeze3A_406, %arg16[%swap3A_408] : memref<128xf32, #tpu.memory_space<smem>>
    %slice3A_410 = vector.extract_strided_slice %get3A_404 {offsets = [1], sizes = [1], strides = [1]} : vector<16xf32> to vector<1xf32>
    %squeeze3A_411 = vector.extract %slice3A_410[0] : f32 from vector<1xf32>
    %swap3A_412 = arith.constant 65 : i32
    %swap3A_413 = arith.index_cast %swap3A_412 : i32 to index
    %swap3A_414 = memref.load %arg16[%swap3A_413] : memref<128xf32, #tpu.memory_space<smem>>
    memref.store %squeeze3A_411, %arg16[%swap3A_413] : memref<128xf32, #tpu.memory_space<smem>>
    %slice3A_415 = vector.extract_strided_slice %get3A_404 {offsets = [2], sizes = [1], strides = [1]} : vector<16xf32> to vector<1xf32>
    %squeeze3A_416 = vector.extract %slice3A_415[0] : f32 from vector<1xf32>
    %swap3A_417 = arith.constant 66 : i32
    %swap3A_418 = arith.index_cast %swap3A_417 : i32 to index
    %swap3A_419 = memref.load %arg16[%swap3A_418] : memref<128xf32, #tpu.memory_space<smem>>
    memref.store %squeeze3A_416, %arg16[%swap3A_418] : memref<128xf32, #tpu.memory_space<smem>>
    %slice3A_420 = vector.extract_strided_slice %get3A_404 {offsets = [3], sizes = [1], strides = [1]} : vector<16xf32> to vector<1xf32>
    %squeeze3A_421 = vector.extract %slice3A_420[0] : f32 from vector<1xf32>
    %swap3A_422 = arith.constant 67 : i32
    %swap3A_423 = arith.index_cast %swap3A_422 : i32 to index
    %swap3A_424 = memref.load %arg16[%swap3A_423] : memref<128xf32, #tpu.memory_space<smem>>
    memref.store %squeeze3A_421, %arg16[%swap3A_423] : memref<128xf32, #tpu.memory_space<smem>>
    %slice3A_425 = vector.extract_strided_slice %get3A_404 {offsets = [4], sizes = [1], strides = [1]} : vector<16xf32> to vector<1xf32>
    %squeeze3A_426 = vector.extract %slice3A_425[0] : f32 from vector<1xf32>
    %swap3A_427 = arith.constant 68 : i32
    %swap3A_428 = arith.index_cast %swap3A_427 : i32 to index
    %swap3A_429 = memref.load %arg16[%swap3A_428] : memref<128xf32, #tpu.memory_space<smem>>
    memref.store %squeeze3A_426, %arg16[%swap3A_428] : memref<128xf32, #tpu.memory_space<smem>>
    %slice3A_430 = vector.extract_strided_slice %get3A_404 {offsets = [5], sizes = [1], strides = [1]} : vector<16xf32> to vector<1xf32>
    %squeeze3A_431 = vector.extract %slice3A_430[0] : f32 from vector<1xf32>
    %swap3A_432 = arith.constant 69 : i32
    %swap3A_433 = arith.index_cast %swap3A_432 : i32 to index
    %swap3A_434 = memref.load %arg16[%swap3A_433] : memref<128xf32, #tpu.memory_space<smem>>
    memref.store %squeeze3A_431, %arg16[%swap3A_433] : memref<128xf32, #tpu.memory_space<smem>>
    %slice3A_435 = vector.extract_strided_slice %get3A_404 {offsets = [6], sizes = [1], strides = [1]} : vector<16xf32> to vector<1xf32>
    %squeeze3A_436 = vector.extract %slice3A_435[0] : f32 from vector<1xf32>
    %swap3A_437 = arith.constant 70 : i32
    %swap3A_438 = arith.index_cast %swap3A_437 : i32 to index
    %swap3A_439 = memref.load %arg16[%swap3A_438] : memref<128xf32, #tpu.memory_space<smem>>
    memref.store %squeeze3A_436, %arg16[%swap3A_438] : memref<128xf32, #tpu.memory_space<smem>>
    %slice3A_440 = vector.extract_strided_slice %get3A_404 {offsets = [7], sizes = [1], strides = [1]} : vector<16xf32> to vector<1xf32>
    %squeeze3A_441 = vector.extract %slice3A_440[0] : f32 from vector<1xf32>
    %swap3A_442 = arith.constant 71 : i32
    %swap3A_443 = arith.index_cast %swap3A_442 : i32 to index
    %swap3A_444 = memref.load %arg16[%swap3A_443] : memref<128xf32, #tpu.memory_space<smem>>
    memref.store %squeeze3A_441, %arg16[%swap3A_443] : memref<128xf32, #tpu.memory_space<smem>>
    %slice3A_445 = vector.extract_strided_slice %get3A_404 {offsets = [8], sizes = [1], strides = [1]} : vector<16xf32> to vector<1xf32>
    %squeeze3A_446 = vector.extract %slice3A_445[0] : f32 from vector<1xf32>
    %swap3A_447 = arith.constant 72 : i32
    %swap3A_448 = arith.index_cast %swap3A_447 : i32 to index
    %swap3A_449 = memref.load %arg16[%swap3A_448] : memref<128xf32, #tpu.memory_space<smem>>
    memref.store %squeeze3A_446, %arg16[%swap3A_448] : memref<128xf32, #tpu.memory_space<smem>>
    %slice3A_450 = vector.extract_strided_slice %get3A_404 {offsets = [9], sizes = [1], strides = [1]} : vector<16xf32> to vector<1xf32>
    %squeeze3A_451 = vector.extract %slice3A_450[0] : f32 from vector<1xf32>
    %swap3A_452 = arith.constant 73 : i32
    %swap3A_453 = arith.index_cast %swap3A_452 : i32 to index
    %swap3A_454 = memref.load %arg16[%swap3A_453] : memref<128xf32, #tpu.memory_space<smem>>
    memref.store %squeeze3A_451, %arg16[%swap3A_453] : memref<128xf32, #tpu.memory_space<smem>>
    %slice3A_455 = vector.extract_strided_slice %get3A_404 {offsets = [10], sizes = [1], strides = [1]} : vector<16xf32> to vector<1xf32>
    %squeeze3A_456 = vector.extract %slice3A_455[0] : f32 from vector<1xf32>
    %swap3A_457 = arith.constant 74 : i32
    %swap3A_458 = arith.index_cast %swap3A_457 : i32 to index
    %swap3A_459 = memref.load %arg16[%swap3A_458] : memref<128xf32, #tpu.memory_space<smem>>
    memref.store %squeeze3A_456, %arg16[%swap3A_458] : memref<128xf32, #tpu.memory_space<smem>>
    %slice3A_460 = vector.extract_strided_slice %get3A_404 {offsets = [11], sizes = [1], strides = [1]} : vector<16xf32> to vector<1xf32>
    %squeeze3A_461 = vector.extract %slice3A_460[0] : f32 from vector<1xf32>
    %swap3A_462 = arith.constant 75 : i32
    %swap3A_463 = arith.index_cast %swap3A_462 : i32 to index
    %swap3A_464 = memref.load %arg16[%swap3A_463] : memref<128xf32, #tpu.memory_space<smem>>
    memref.store %squeeze3A_461, %arg16[%swap3A_463] : memref<128xf32, #tpu.memory_space<smem>>
    %slice3A_465 = vector.extract_strided_slice %get3A_404 {offsets = [12], sizes = [1], strides = [1]} : vector<16xf32> to vector<1xf32>
    %squeeze3A_466 = vector.extract %slice3A_465[0] : f32 from vector<1xf32>
    %swap3A_467 = arith.constant 76 : i32
    %swap3A_468 = arith.index_cast %swap3A_467 : i32 to index
    %swap3A_469 = memref.load %arg16[%swap3A_468] : memref<128xf32, #tpu.memory_space<smem>>
    memref.store %squeeze3A_466, %arg16[%swap3A_468] : memref<128xf32, #tpu.memory_space<smem>>
    %slice3A_470 = vector.extract_strided_slice %get3A_404 {offsets = [13], sizes = [1], strides = [1]} : vector<16xf32> to vector<1xf32>
    %squeeze3A_471 = vector.extract %slice3A_470[0] : f32 from vector<1xf32>
    %swap3A_472 = arith.constant 77 : i32
    %swap3A_473 = arith.index_cast %swap3A_472 : i32 to index
    %swap3A_474 = memref.load %arg16[%swap3A_473] : memref<128xf32, #tpu.memory_space<smem>>
    memref.store %squeeze3A_471, %arg16[%swap3A_473] : memref<128xf32, #tpu.memory_space<smem>>
    %slice3A_475 = vector.extract_strided_slice %get3A_404 {offsets = [14], sizes = [1], strides = [1]} : vector<16xf32> to vector<1xf32>
    %squeeze3A_476 = vector.extract %slice3A_475[0] : f32 from vector<1xf32>
    %swap3A_477 = arith.constant 78 : i32
    %swap3A_478 = arith.index_cast %swap3A_477 : i32 to index
    %swap3A_479 = memref.load %arg16[%swap3A_478] : memref<128xf32, #tpu.memory_space<smem>>
    memref.store %squeeze3A_476, %arg16[%swap3A_478] : memref<128xf32, #tpu.memory_space<smem>>
    %slice3A_480 = vector.extract_strided_slice %get3A_404 {offsets = [15], sizes = [1], strides = [1]} : vector<16xf32> to vector<1xf32>
    %squeeze3A_481 = vector.extract %slice3A_480[0] : f32 from vector<1xf32>
    %swap3A_482 = arith.constant 79 : i32
    %swap3A_483 = arith.index_cast %swap3A_482 : i32 to index
    %swap3A_484 = memref.load %arg16[%swap3A_483] : memref<128xf32, #tpu.memory_space<smem>>
    memref.store %squeeze3A_481, %arg16[%swap3A_483] : memref<128xf32, #tpu.memory_space<smem>>
    %get3A_485 = arith.constant 80 : index
    %get3A_486 = tpu.vector_load %arg7[%get3A_485] {strides = array<i32>} : memref<128xf32, #tpu.memory_space<vmem>>, vector<16xf32>,
    %get3A_487 = vector.shape_cast %get3A_486 : vector<16xf32> to vector<16xf32>
    %slice3A_488 = vector.extract_strided_slice %get3A_487 {offsets = [0], sizes = [1], strides = [1]} : vector<16xf32> to vector<1xf32>
    %squeeze3A_489 = vector.extract %slice3A_488[0] : f32 from vector<1xf32>
    %swap3A_490 = arith.constant 80 : i32
    %swap3A_491 = arith.index_cast %swap3A_490 : i32 to index
    %swap3A_492 = memref.load %arg16[%swap3A_491] : memref<128xf32, #tpu.memory_space<smem>>
    memref.store %squeeze3A_489, %arg16[%swap3A_491] : memref<128xf32, #tpu.memory_space<smem>>
    %slice3A_493 = vector.extract_strided_slice %get3A_487 {offsets = [1], sizes = [1], strides = [1]} : vector<16xf32> to vector<1xf32>
    %squeeze3A_494 = vector.extract %slice3A_493[0] : f32 from vector<1xf32>
    %swap3A_495 = arith.constant 81 : i32
    %swap3A_496 = arith.index_cast %swap3A_495 : i32 to index
    %swap3A_497 = memref.load %arg16[%swap3A_496] : memref<128xf32, #tpu.memory_space<smem>>
    memref.store %squeeze3A_494, %arg16[%swap3A_496] : memref<128xf32, #tpu.memory_space<smem>>
    %slice3A_498 = vector.extract_strided_slice %get3A_487 {offsets = [2], sizes = [1], strides = [1]} : vector<16xf32> to vector<1xf32>
    %squeeze3A_499 = vector.extract %slice3A_498[0] : f32 from vector<1xf32>
    %swap3A_500 = arith.constant 82 : i32
    %swap3A_501 = arith.index_cast %swap3A_500 : i32 to index
    %swap3A_502 = memref.load %arg16[%swap3A_501] : memref<128xf32, #tpu.memory_space<smem>>
    memref.store %squeeze3A_499, %arg16[%swap3A_501] : memref<128xf32, #tpu.memory_space<smem>>
    %slice3A_503 = vector.extract_strided_slice %get3A_487 {offsets = [3], sizes = [1], strides = [1]} : vector<16xf32> to vector<1xf32>
    %squeeze3A_504 = vector.extract %slice3A_503[0] : f32 from vector<1xf32>
    %swap3A_505 = arith.constant 83 : i32
    %swap3A_506 = arith.index_cast %swap3A_505 : i32 to index
    %swap3A_507 = memref.load %arg16[%swap3A_506] : memref<128xf32, #tpu.memory_space<smem>>
    memref.store %squeeze3A_504, %arg16[%swap3A_506] : memref<128xf32, #tpu.memory_space<smem>>
    %slice3A_508 = vector.extract_strided_slice %get3A_487 {offsets = [4], sizes = [1], strides = [1]} : vector<16xf32> to vector<1xf32>
    %squeeze3A_509 = vector.extract %slice3A_508[0] : f32 from vector<1xf32>
    %swap3A_510 = arith.constant 84 : i32
    %swap3A_511 = arith.index_cast %swap3A_510 : i32 to index
    %swap3A_512 = memref.load %arg16[%swap3A_511] : memref<128xf32, #tpu.memory_space<smem>>
    memref.store %squeeze3A_509, %arg16[%swap3A_511] : memref<128xf32, #tpu.memory_space<smem>>
    %slice3A_513 = vector.extract_strided_slice %get3A_487 {offsets = [5], sizes = [1], strides = [1]} : vector<16xf32> to vector<1xf32>
    %squeeze3A_514 = vector.extract %slice3A_513[0] : f32 from vector<1xf32>
    %swap3A_515 = arith.constant 85 : i32
    %swap3A_516 = arith.index_cast %swap3A_515 : i32 to index
    %swap3A_517 = memref.load %arg16[%swap3A_516] : memref<128xf32, #tpu.memory_space<smem>>
    memref.store %squeeze3A_514, %arg16[%swap3A_516] : memref<128xf32, #tpu.memory_space<smem>>
    %slice3A_518 = vector.extract_strided_slice %get3A_487 {offsets = [6], sizes = [1], strides = [1]} : vector<16xf32> to vector<1xf32>
    %squeeze3A_519 = vector.extract %slice3A_518[0] : f32 from vector<1xf32>
    %swap3A_520 = arith.constant 86 : i32
    %swap3A_521 = arith.index_cast %swap3A_520 : i32 to index
    %swap3A_522 = memref.load %arg16[%swap3A_521] : memref<128xf32, #tpu.memory_space<smem>>
    memref.store %squeeze3A_519, %arg16[%swap3A_521] : memref<128xf32, #tpu.memory_space<smem>>
    %slice3A_523 = vector.extract_strided_slice %get3A_487 {offsets = [7], sizes = [1], strides = [1]} : vector<16xf32> to vector<1xf32>
    %squeeze3A_524 = vector.extract %slice3A_523[0] : f32 from vector<1xf32>
    %swap3A_525 = arith.constant 87 : i32
    %swap3A_526 = arith.index_cast %swap3A_525 : i32 to index
    %swap3A_527 = memref.load %arg16[%swap3A_526] : memref<128xf32, #tpu.memory_space<smem>>
    memref.store %squeeze3A_524, %arg16[%swap3A_526] : memref<128xf32, #tpu.memory_space<smem>>
    %slice3A_528 = vector.extract_strided_slice %get3A_487 {offsets = [8], sizes = [1], strides = [1]} : vector<16xf32> to vector<1xf32>
    %squeeze3A_529 = vector.extract %slice3A_528[0] : f32 from vector<1xf32>
    %swap3A_530 = arith.constant 88 : i32
    %swap3A_531 = arith.index_cast %swap3A_530 : i32 to index
    %swap3A_532 = memref.load %arg16[%swap3A_531] : memref<128xf32, #tpu.memory_space<smem>>
    memref.store %squeeze3A_529, %arg16[%swap3A_531] : memref<128xf32, #tpu.memory_space<smem>>
    %slice3A_533 = vector.extract_strided_slice %get3A_487 {offsets = [9], sizes = [1], strides = [1]} : vector<16xf32> to vector<1xf32>
    %squeeze3A_534 = vector.extract %slice3A_533[0] : f32 from vector<1xf32>
    %swap3A_535 = arith.constant 89 : i32
    %swap3A_536 = arith.index_cast %swap3A_535 : i32 to index
    %swap3A_537 = memref.load %arg16[%swap3A_536] : memref<128xf32, #tpu.memory_space<smem>>
    memref.store %squeeze3A_534, %arg16[%swap3A_536] : memref<128xf32, #tpu.memory_space<smem>>
    %slice3A_538 = vector.extract_strided_slice %get3A_487 {offsets = [10], sizes = [1], strides = [1]} : vector<16xf32> to vector<1xf32>
    %squeeze3A_539 = vector.extract %slice3A_538[0] : f32 from vector<1xf32>
    %swap3A_540 = arith.constant 90 : i32
    %swap3A_541 = arith.index_cast %swap3A_540 : i32 to index
    %swap3A_542 = memref.load %arg16[%swap3A_541] : memref<128xf32, #tpu.memory_space<smem>>
    memref.store %squeeze3A_539, %arg16[%swap3A_541] : memref<128xf32, #tpu.memory_space<smem>>
    %slice3A_543 = vector.extract_strided_slice %get3A_487 {offsets = [11], sizes = [1], strides = [1]} : vector<16xf32> to vector<1xf32>
    %squeeze3A_544 = vector.extract %slice3A_543[0] : f32 from vector<1xf32>
    %swap3A_545 = arith.constant 91 : i32
    %swap3A_546 = arith.index_cast %swap3A_545 : i32 to index
    %swap3A_547 = memref.load %arg16[%swap3A_546] : memref<128xf32, #tpu.memory_space<smem>>
    memref.store %squeeze3A_544, %arg16[%swap3A_546] : memref<128xf32, #tpu.memory_space<smem>>
    %slice3A_548 = vector.extract_strided_slice %get3A_487 {offsets = [12], sizes = [1], strides = [1]} : vector<16xf32> to vector<1xf32>
    %squeeze3A_549 = vector.extract %slice3A_548[0] : f32 from vector<1xf32>
    %swap3A_550 = arith.constant 92 : i32
    %swap3A_551 = arith.index_cast %swap3A_550 : i32 to index
    %swap3A_552 = memref.load %arg16[%swap3A_551] : memref<128xf32, #tpu.memory_space<smem>>
    memref.store %squeeze3A_549, %arg16[%swap3A_551] : memref<128xf32, #tpu.memory_space<smem>>
    %slice3A_553 = vector.extract_strided_slice %get3A_487 {offsets = [13], sizes = [1], strides = [1]} : vector<16xf32> to vector<1xf32>
    %squeeze3A_554 = vector.extract %slice3A_553[0] : f32 from vector<1xf32>
    %swap3A_555 = arith.constant 93 : i32
    %swap3A_556 = arith.index_cast %swap3A_555 : i32 to index
    %swap3A_557 = memref.load %arg16[%swap3A_556] : memref<128xf32, #tpu.memory_space<smem>>
    memref.store %squeeze3A_554, %arg16[%swap3A_556] : memref<128xf32, #tpu.memory_space<smem>>
    %slice3A_558 = vector.extract_strided_slice %get3A_487 {offsets = [14], sizes = [1], strides = [1]} : vector<16xf32> to vector<1xf32>
    %squeeze3A_559 = vector.extract %slice3A_558[0] : f32 from vector<1xf32>
    %swap3A_560 = arith.constant 94 : i32
    %swap3A_561 = arith.index_cast %swap3A_560 : i32 to index
    %swap3A_562 = memref.load %arg16[%swap3A_561] : memref<128xf32, #tpu.memory_space<smem>>
    memref.store %squeeze3A_559, %arg16[%swap3A_561] : memref<128xf32, #tpu.memory_space<smem>>
    %slice3A_563 = vector.extract_strided_slice %get3A_487 {offsets = [15], sizes = [1], strides = [1]} : vector<16xf32> to vector<1xf32>
    %squeeze3A_564 = vector.extract %slice3A_563[0] : f32 from vector<1xf32>
    %swap3A_565 = arith.constant 95 : i32
    %swap3A_566 = arith.index_cast %swap3A_565 : i32 to index
    %swap3A_567 = memref.load %arg16[%swap3A_566] : memref<128xf32, #tpu.memory_space<smem>>
    memref.store %squeeze3A_564, %arg16[%swap3A_566] : memref<128xf32, #tpu.memory_space<smem>>
    %get3A_568 = arith.constant 96 : index
    %get3A_569 = tpu.vector_load %arg7[%get3A_568] {strides = array<i32>} : memref<128xf32, #tpu.memory_space<vmem>>, vector<16xf32>,
    %get3A_570 = vector.shape_cast %get3A_569 : vector<16xf32> to vector<16xf32>
    %slice3A_571 = vector.extract_strided_slice %get3A_570 {offsets = [0], sizes = [1], strides = [1]} : vector<16xf32> to vector<1xf32>
    %squeeze3A_572 = vector.extract %slice3A_571[0] : f32 from vector<1xf32>
    %swap3A_573 = arith.constant 96 : i32
    %swap3A_574 = arith.index_cast %swap3A_573 : i32 to index
    %swap3A_575 = memref.load %arg16[%swap3A_574] : memref<128xf32, #tpu.memory_space<smem>>
    memref.store %squeeze3A_572, %arg16[%swap3A_574] : memref<128xf32, #tpu.memory_space<smem>>
    %slice3A_576 = vector.extract_strided_slice %get3A_570 {offsets = [1], sizes = [1], strides = [1]} : vector<16xf32> to vector<1xf32>
    %squeeze3A_577 = vector.extract %slice3A_576[0] : f32 from vector<1xf32>
    %swap3A_578 = arith.constant 97 : i32
    %swap3A_579 = arith.index_cast %swap3A_578 : i32 to index
    %swap3A_580 = memref.load %arg16[%swap3A_579] : memref<128xf32, #tpu.memory_space<smem>>
    memref.store %squeeze3A_577, %arg16[%swap3A_579] : memref<128xf32, #tpu.memory_space<smem>>
    %slice3A_581 = vector.extract_strided_slice %get3A_570 {offsets = [2], sizes = [1], strides = [1]} : vector<16xf32> to vector<1xf32>
    %squeeze3A_582 = vector.extract %slice3A_581[0] : f32 from vector<1xf32>
    %swap3A_583 = arith.constant 98 : i32
    %swap3A_584 = arith.index_cast %swap3A_583 : i32 to index
    %swap3A_585 = memref.load %arg16[%swap3A_584] : memref<128xf32, #tpu.memory_space<smem>>
    memref.store %squeeze3A_582, %arg16[%swap3A_584] : memref<128xf32, #tpu.memory_space<smem>>
    %slice3A_586 = vector.extract_strided_slice %get3A_570 {offsets = [3], sizes = [1], strides = [1]} : vector<16xf32> to vector<1xf32>
    %squeeze3A_587 = vector.extract %slice3A_586[0] : f32 from vector<1xf32>
    %swap3A_588 = arith.constant 99 : i32
    %swap3A_589 = arith.index_cast %swap3A_588 : i32 to index
    %swap3A_590 = memref.load %arg16[%swap3A_589] : memref<128xf32, #tpu.memory_space<smem>>
    memref.store %squeeze3A_587, %arg16[%swap3A_589] : memref<128xf32, #tpu.memory_space<smem>>
    %slice3A_591 = vector.extract_strided_slice %get3A_570 {offsets = [4], sizes = [1], strides = [1]} : vector<16xf32> to vector<1xf32>
    %squeeze3A_592 = vector.extract %slice3A_591[0] : f32 from vector<1xf32>
    %swap3A_593 = arith.constant 100 : i32
    %swap3A_594 = arith.index_cast %swap3A_593 : i32 to index
    %swap3A_595 = memref.load %arg16[%swap3A_594] : memref<128xf32, #tpu.memory_space<smem>>
    memref.store %squeeze3A_592, %arg16[%swap3A_594] : memref<128xf32, #tpu.memory_space<smem>>
    %slice3A_596 = vector.extract_strided_slice %get3A_570 {offsets = [5], sizes = [1], strides = [1]} : vector<16xf32> to vector<1xf32>
    %squeeze3A_597 = vector.extract %slice3A_596[0] : f32 from vector<1xf32>
    %swap3A_598 = arith.constant 101 : i32
    %swap3A_599 = arith.index_cast %swap3A_598 : i32 to index
    %swap3A_600 = memref.load %arg16[%swap3A_599] : memref<128xf32, #tpu.memory_space<smem>>
    memref.store %squeeze3A_597, %arg16[%swap3A_599] : memref<128xf32, #tpu.memory_space<smem>>
    %slice3A_601 = vector.extract_strided_slice %get3A_570 {offsets = [6], sizes = [1], strides = [1]} : vector<16xf32> to vector<1xf32>
    %squeeze3A_602 = vector.extract %slice3A_601[0] : f32 from vector<1xf32>
    %swap3A_603 = arith.constant 102 : i32
    %swap3A_604 = arith.index_cast %swap3A_603 : i32 to index
    %swap3A_605 = memref.load %arg16[%swap3A_604] : memref<128xf32, #tpu.memory_space<smem>>
    memref.store %squeeze3A_602, %arg16[%swap3A_604] : memref<128xf32, #tpu.memory_space<smem>>
    %slice3A_606 = vector.extract_strided_slice %get3A_570 {offsets = [7], sizes = [1], strides = [1]} : vector<16xf32> to vector<1xf32>
    %squeeze3A_607 = vector.extract %slice3A_606[0] : f32 from vector<1xf32>
    %swap3A_608 = arith.constant 103 : i32
    %swap3A_609 = arith.index_cast %swap3A_608 : i32 to index
    %swap3A_610 = memref.load %arg16[%swap3A_609] : memref<128xf32, #tpu.memory_space<smem>>
    memref.store %squeeze3A_607, %arg16[%swap3A_609] : memref<128xf32, #tpu.memory_space<smem>>
    %slice3A_611 = vector.extract_strided_slice %get3A_570 {offsets = [8], sizes = [1], strides = [1]} : vector<16xf32> to vector<1xf32>
    %squeeze3A_612 = vector.extract %slice3A_611[0] : f32 from vector<1xf32>
    %swap3A_613 = arith.constant 104 : i32
    %swap3A_614 = arith.index_cast %swap3A_613 : i32 to index
    %swap3A_615 = memref.load %arg16[%swap3A_614] : memref<128xf32, #tpu.memory_space<smem>>
    memref.store %squeeze3A_612, %arg16[%swap3A_614] : memref<128xf32, #tpu.memory_space<smem>>
    %slice3A_616 = vector.extract_strided_slice %get3A_570 {offsets = [9], sizes = [1], strides = [1]} : vector<16xf32> to vector<1xf32>
    %squeeze3A_617 = vector.extract %slice3A_616[0] : f32 from vector<1xf32>
    %swap3A_618 = arith.constant 105 : i32
    %swap3A_619 = arith.index_cast %swap3A_618 : i32 to index
    %swap3A_620 = memref.load %arg16[%swap3A_619] : memref<128xf32, #tpu.memory_space<smem>>
    memref.store %squeeze3A_617, %arg16[%swap3A_619] : memref<128xf32, #tpu.memory_space<smem>>
    %slice3A_621 = vector.extract_strided_slice %get3A_570 {offsets = [10], sizes = [1], strides = [1]} : vector<16xf32> to vector<1xf32>
    %squeeze3A_622 = vector.extract %slice3A_621[0] : f32 from vector<1xf32>
    %swap3A_623 = arith.constant 106 : i32
    %swap3A_624 = arith.index_cast %swap3A_623 : i32 to index
    %swap3A_625 = memref.load %arg16[%swap3A_624] : memref<128xf32, #tpu.memory_space<smem>>
    memref.store %squeeze3A_622, %arg16[%swap3A_624] : memref<128xf32, #tpu.memory_space<smem>>
    %slice3A_626 = vector.extract_strided_slice %get3A_570 {offsets = [11], sizes = [1], strides = [1]} : vector<16xf32> to vector<1xf32>
    %squeeze3A_627 = vector.extract %slice3A_626[0] : f32 from vector<1xf32>
    %swap3A_628 = arith.constant 107 : i32
    %swap3A_629 = arith.index_cast %swap3A_628 : i32 to index
    %swap3A_630 = memref.load %arg16[%swap3A_629] : memref<128xf32, #tpu.memory_space<smem>>
    memref.store %squeeze3A_627, %arg16[%swap3A_629] : memref<128xf32, #tpu.memory_space<smem>>
    %slice3A_631 = vector.extract_strided_slice %get3A_570 {offsets = [12], sizes = [1], strides = [1]} : vector<16xf32> to vector<1xf32>
    %squeeze3A_632 = vector.extract %slice3A_631[0] : f32 from vector<1xf32>
    %swap3A_633 = arith.constant 108 : i32
    %swap3A_634 = arith.index_cast %swap3A_633 : i32 to index
    %swap3A_635 = memref.load %arg16[%swap3A_634] : memref<128xf32, #tpu.memory_space<smem>>
    memref.store %squeeze3A_632, %arg16[%swap3A_634] : memref<128xf32, #tpu.memory_space<smem>>
    %slice3A_636 = vector.extract_strided_slice %get3A_570 {offsets = [13], sizes = [1], strides = [1]} : vector<16xf32> to vector<1xf32>
    %squeeze3A_637 = vector.extract %slice3A_636[0] : f32 from vector<1xf32>
    %swap3A_638 = arith.constant 109 : i32
    %swap3A_639 = arith.index_cast %swap3A_638 : i32 to index
    %swap3A_640 = memref.load %arg16[%swap3A_639] : memref<128xf32, #tpu.memory_space<smem>>
    memref.store %squeeze3A_637, %arg16[%swap3A_639] : memref<128xf32, #tpu.memory_space<smem>>
    %slice3A_641 = vector.extract_strided_slice %get3A_570 {offsets = [14], sizes = [1], strides = [1]} : vector<16xf32> to vector<1xf32>
    %squeeze3A_642 = vector.extract %slice3A_641[0] : f32 from vector<1xf32>
    %swap3A_643 = arith.constant 110 : i32
    %swap3A_644 = arith.index_cast %swap3A_643 : i32 to index
    %swap3A_645 = memref.load %arg16[%swap3A_644] : memref<128xf32, #tpu.memory_space<smem>>
    memref.store %squeeze3A_642, %arg16[%swap3A_644] : memref<128xf32, #tpu.memory_space<smem>>
    %slice3A_646 = vector.extract_strided_slice %get3A_570 {offsets = [15], sizes = [1], strides = [1]} : vector<16xf32> to vector<1xf32>
    %squeeze3A_647 = vector.extract %slice3A_646[0] : f32 from vector<1xf32>
    %swap3A_648 = arith.constant 111 : i32
    %swap3A_649 = arith.index_cast %swap3A_648 : i32 to index
    %swap3A_650 = memref.load %arg16[%swap3A_649] : memref<128xf32, #tpu.memory_space<smem>>
    memref.store %squeeze3A_647, %arg16[%swap3A_649] : memref<128xf32, #tpu.memory_space<smem>>
    %get3A_651 = arith.constant 112 : index
    %get3A_652 = tpu.vector_load %arg7[%get3A_651] {strides = array<i32>} : memref<128xf32, #tpu.memory_space<vmem>>, vector<16xf32>,
    %get3A_653 = vector.shape_cast %get3A_652 : vector<16xf32> to vector<16xf32>
    %slice3A_654 = vector.extract_strided_slice %get3A_653 {offsets = [0], sizes = [1], strides = [1]} : vector<16xf32> to vector<1xf32>
    %squeeze3A_655 = vector.extract %slice3A_654[0] : f32 from vector<1xf32>
    %swap3A_656 = arith.constant 112 : i32
    %swap3A_657 = arith.index_cast %swap3A_656 : i32 to index
    %swap3A_658 = memref.load %arg16[%swap3A_657] : memref<128xf32, #tpu.memory_space<smem>>
    memref.store %squeeze3A_655, %arg16[%swap3A_657] : memref<128xf32, #tpu.memory_space<smem>>
    %slice3A_659 = vector.extract_strided_slice %get3A_653 {offsets = [1], sizes = [1], strides = [1]} : vector<16xf32> to vector<1xf32>
    %squeeze3A_660 = vector.extract %slice3A_659[0] : f32 from vector<1xf32>
    %swap3A_661 = arith.constant 113 : i32
    %swap3A_662 = arith.index_cast %swap3A_661 : i32 to index
    %swap3A_663 = memref.load %arg16[%swap3A_662] : memref<128xf32, #tpu.memory_space<smem>>
    memref.store %squeeze3A_660, %arg16[%swap3A_662] : memref<128xf32, #tpu.memory_space<smem>>
    %slice3A_664 = vector.extract_strided_slice %get3A_653 {offsets = [2], sizes = [1], strides = [1]} : vector<16xf32> to vector<1xf32>
    %squeeze3A_665 = vector.extract %slice3A_664[0] : f32 from vector<1xf32>
    %swap3A_666 = arith.constant 114 : i32
    %swap3A_667 = arith.index_cast %swap3A_666 : i32 to index
    %swap3A_668 = memref.load %arg16[%swap3A_667] : memref<128xf32, #tpu.memory_space<smem>>
    memref.store %squeeze3A_665, %arg16[%swap3A_667] : memref<128xf32, #tpu.memory_space<smem>>
    %slice3A_669 = vector.extract_strided_slice %get3A_653 {offsets = [3], sizes = [1], strides = [1]} : vector<16xf32> to vector<1xf32>
    %squeeze3A_670 = vector.extract %slice3A_669[0] : f32 from vector<1xf32>
    %swap3A_671 = arith.constant 115 : i32
    %swap3A_672 = arith.index_cast %swap3A_671 : i32 to index
    %swap3A_673 = memref.load %arg16[%swap3A_672] : memref<128xf32, #tpu.memory_space<smem>>
    memref.store %squeeze3A_670, %arg16[%swap3A_672] : memref<128xf32, #tpu.memory_space<smem>>
    %slice3A_674 = vector.extract_strided_slice %get3A_653 {offsets = [4], sizes = [1], strides = [1]} : vector<16xf32> to vector<1xf32>
    %squeeze3A_675 = vector.extract %slice3A_674[0] : f32 from vector<1xf32>
    %swap3A_676 = arith.constant 116 : i32
    %swap3A_677 = arith.index_cast %swap3A_676 : i32 to index
    %swap3A_678 = memref.load %arg16[%swap3A_677] : memref<128xf32, #tpu.memory_space<smem>>
    memref.store %squeeze3A_675, %arg16[%swap3A_677] : memref<128xf32, #tpu.memory_space<smem>>
    %slice3A_679 = vector.extract_strided_slice %get3A_653 {offsets = [5], sizes = [1], strides = [1]} : vector<16xf32> to vector<1xf32>
    %squeeze3A_680 = vector.extract %slice3A_679[0] : f32 from vector<1xf32>
    %swap3A_681 = arith.constant 117 : i32
    %swap3A_682 = arith.index_cast %swap3A_681 : i32 to index
    %swap3A_683 = memref.load %arg16[%swap3A_682] : memref<128xf32, #tpu.memory_space<smem>>
    memref.store %squeeze3A_680, %arg16[%swap3A_682] : memref<128xf32, #tpu.memory_space<smem>>
    %slice3A_684 = vector.extract_strided_slice %get3A_653 {offsets = [6], sizes = [1], strides = [1]} : vector<16xf32> to vector<1xf32>
    %squeeze3A_685 = vector.extract %slice3A_684[0] : f32 from vector<1xf32>
    %swap3A_686 = arith.constant 118 : i32
    %swap3A_687 = arith.index_cast %swap3A_686 : i32 to index
    %swap3A_688 = memref.load %arg16[%swap3A_687] : memref<128xf32, #tpu.memory_space<smem>>
    memref.store %squeeze3A_685, %arg16[%swap3A_687] : memref<128xf32, #tpu.memory_space<smem>>
    %slice3A_689 = vector.extract_strided_slice %get3A_653 {offsets = [7], sizes = [1], strides = [1]} : vector<16xf32> to vector<1xf32>
    %squeeze3A_690 = vector.extract %slice3A_689[0] : f32 from vector<1xf32>
    %swap3A_691 = arith.constant 119 : i32
    %swap3A_692 = arith.index_cast %swap3A_691 : i32 to index
    %swap3A_693 = memref.load %arg16[%swap3A_692] : memref<128xf32, #tpu.memory_space<smem>>
    memref.store %squeeze3A_690, %arg16[%swap3A_692] : memref<128xf32, #tpu.memory_space<smem>>
    %slice3A_694 = vector.extract_strided_slice %get3A_653 {offsets = [8], sizes = [1], strides = [1]} : vector<16xf32> to vector<1xf32>
    %squeeze3A_695 = vector.extract %slice3A_694[0] : f32 from vector<1xf32>
    %swap3A_696 = arith.constant 120 : i32
    %swap3A_697 = arith.index_cast %swap3A_696 : i32 to index
    %swap3A_698 = memref.load %arg16[%swap3A_697] : memref<128xf32, #tpu.memory_space<smem>>
    memref.store %squeeze3A_695, %arg16[%swap3A_697] : memref<128xf32, #tpu.memory_space<smem>>
    %slice3A_699 = vector.extract_strided_slice %get3A_653 {offsets = [9], sizes = [1], strides = [1]} : vector<16xf32> to vector<1xf32>
    %squeeze3A_700 = vector.extract %slice3A_699[0] : f32 from vector<1xf32>
    %swap3A_701 = arith.constant 121 : i32
    %swap3A_702 = arith.index_cast %swap3A_701 : i32 to index
    %swap3A_703 = memref.load %arg16[%swap3A_702] : memref<128xf32, #tpu.memory_space<smem>>
    memref.store %squeeze3A_700, %arg16[%swap3A_702] : memref<128xf32, #tpu.memory_space<smem>>
    %slice3A_704 = vector.extract_strided_slice %get3A_653 {offsets = [10], sizes = [1], strides = [1]} : vector<16xf32> to vector<1xf32>
    %squeeze3A_705 = vector.extract %slice3A_704[0] : f32 from vector<1xf32>
    %swap3A_706 = arith.constant 122 : i32
    %swap3A_707 = arith.index_cast %swap3A_706 : i32 to index
    %swap3A_708 = memref.load %arg16[%swap3A_707] : memref<128xf32, #tpu.memory_space<smem>>
    memref.store %squeeze3A_705, %arg16[%swap3A_707] : memref<128xf32, #tpu.memory_space<smem>>
    %slice3A_709 = vector.extract_strided_slice %get3A_653 {offsets = [11], sizes = [1], strides = [1]} : vector<16xf32> to vector<1xf32>
    %squeeze3A_710 = vector.extract %slice3A_709[0] : f32 from vector<1xf32>
    %swap3A_711 = arith.constant 123 : i32
    %swap3A_712 = arith.index_cast %swap3A_711 : i32 to index
    %swap3A_713 = memref.load %arg16[%swap3A_712] : memref<128xf32, #tpu.memory_space<smem>>
    memref.store %squeeze3A_710, %arg16[%swap3A_712] : memref<128xf32, #tpu.memory_space<smem>>
    %slice3A_714 = vector.extract_strided_slice %get3A_653 {offsets = [12], sizes = [1], strides = [1]} : vector<16xf32> to vector<1xf32>
    %squeeze3A_715 = vector.extract %slice3A_714[0] : f32 from vector<1xf32>
    %swap3A_716 = arith.constant 124 : i32
    %swap3A_717 = arith.index_cast %swap3A_716 : i32 to index
    %swap3A_718 = memref.load %arg16[%swap3A_717] : memref<128xf32, #tpu.memory_space<smem>>
    memref.store %squeeze3A_715, %arg16[%swap3A_717] : memref<128xf32, #tpu.memory_space<smem>>
    %slice3A_719 = vector.extract_strided_slice %get3A_653 {offsets = [13], sizes = [1], strides = [1]} : vector<16xf32> to vector<1xf32>
    %squeeze3A_720 = vector.extract %slice3A_719[0] : f32 from vector<1xf32>
    %swap3A_721 = arith.constant 125 : i32
    %swap3A_722 = arith.index_cast %swap3A_721 : i32 to index
    %swap3A_723 = memref.load %arg16[%swap3A_722] : memref<128xf32, #tpu.memory_space<smem>>
    memref.store %squeeze3A_720, %arg16[%swap3A_722] : memref<128xf32, #tpu.memory_space<smem>>
    %slice3A_724 = vector.extract_strided_slice %get3A_653 {offsets = [14], sizes = [1], strides = [1]} : vector<16xf32> to vector<1xf32>
    %squeeze3A_725 = vector.extract %slice3A_724[0] : f32 from vector<1xf32>
    %swap3A_726 = arith.constant 126 : i32
    %swap3A_727 = arith.index_cast %swap3A_726 : i32 to index
    %swap3A_728 = memref.load %arg16[%swap3A_727] : memref<128xf32, #tpu.memory_space<smem>>
    memref.store %squeeze3A_725, %arg16[%swap3A_727] : memref<128xf32, #tpu.memory_space<smem>>
    %slice3A_729 = vector.extract_strided_slice %get3A_653 {offsets = [15], sizes = [1], strides = [1]} : vector<16xf32> to vector<1xf32>
    %squeeze3A_730 = vector.extract %slice3A_729[0] : f32 from vector<1xf32>
    %swap3A_731 = arith.constant 127 : i32
    %swap3A_732 = arith.index_cast %swap3A_731 : i32 to index
    %swap3A_733 = memref.load %arg16[%swap3A_732] : memref<128xf32, #tpu.memory_space<smem>>
    memref.store %squeeze3A_730, %arg16[%swap3A_732] : memref<128xf32, #tpu.memory_space<smem>>
    %swap3A_734 = arith.constant 0 : index
    %swap3A_735 = tpu.vector_load %arg7[%swap3A_734] {strides = array<i32>} : memref<128xf32, #tpu.memory_space<vmem>>, vector<16xf32>,
    %swap3A_736 = vector.shape_cast %swap3A_735 : vector<16xf32> to vector<16xf32>
    %swap3A_737 = vector.shape_cast %select_n3A_66 : vector<16xf32> to vector<16xf32>
    tpu.vector_store %arg7[%swap3A_734], %swap3A_737 {strides = array<i32>} : memref<128xf32, #tpu.memory_space<vmem>>, vector<16xf32>,
    %get3A_738 = arith.constant 0 : index
    %get3A_739 = tpu.vector_load %arg7[%get3A_738] {strides = array<i32>} : memref<128xf32, #tpu.memory_space<vmem>>, vector<16xf32>,
    %get3A_740 = vector.shape_cast %get3A_739 : vector<16xf32> to vector<16xf32>
    %slice3A_741 = vector.extract_strided_slice %get3A_740 {offsets = [0], sizes = [1], strides = [1]} : vector<16xf32> to vector<1xf32>
    %squeeze3A_742 = vector.extract %slice3A_741[0] : f32 from vector<1xf32>
    %gt3A_743 = arith.constant 5.000000e-01 : f32
    %gt3A_744 = arith.cmpf ogt, %squeeze3A_742, %gt3A_743 : f32
    %not3A = arith.constant true
    %not3A_745 = arith.xori %gt3A_744, %not3A : i1
    %convert_element_type3A_746 = arith.extui %not3A_745 : i1 to i32
    %cond3A = arith.constant 0 : i32
    %cond3A_747 = arith.cmpi ne, %convert_element_type3A_746, %cond3A : i32
    scf.if %cond3A_747 {
      %scan3A_751 = arith.constant 0 : i32
      %scan3A_752 = arith.constant 0 : i32
      %scan3A_753 = arith.constant 32 : i32
      %scan3A_754 = arith.addi %scan3A_752, %scan3A_753 : i32
      %scan3A_755 = arith.constant 1 : i32
      %scan3A_756 = scf.for %scan3A_758 = %scan3A_752 to %scan3A_754 step %scan3A_755 iter_args(%scan3A_759 = %scan3A_751) -> (i32)  : i32 {
        %mul3A_760 = arith.constant 4 : i32
        %mul3A_761 = arith.muli %scan3A_758, %mul3A_760 : i32
        %add3A_762 = arith.addi %mul3A_2, %mul3A_761 : i32
        "tpu.region"() ({
          %run_scoped3A = tpu.sem_alloc : memref<!tpu.dma_semaphore, #tpu.memory_space<semaphore_mem>>
          %dma_start3A = arith.constant 0 : i32
          %dma_start3A_764 = tpu.memref_slice %arg3[%add3A_762, %dma_start3A] : memref<4096x4096xf32, #tpu.memory_space<hbm>> -> memref<4x4096xf32, #tpu.memory_space<hbm>>
          %dma_start3A_765 = arith.constant 0 : i32
          %dma_start3A_766 = tpu.memref_slice %arg3[%add3A_762, %dma_start3A_765] : memref<4096x4096xf32, #tpu.memory_space<hbm>> -> memref<4x4096xf32, #tpu.memory_space<hbm>>
          tpu.enqueue_dma source(%dma_start3A_766 : memref<4x4096xf32, #tpu.memory_space<hbm>>) target(%arg8 : memref<4x4096xf32, #tpu.memory_space<vmem>>) target_semaphore(%run_scoped3A : memref<!tpu.dma_semaphore, #tpu.memory_space<semaphore_mem>>)
          %dma_wait3A = arith.constant 0 : i32
          %dma_wait3A_767 = tpu.memref_slice %arg3[%add3A_762, %dma_wait3A] : memref<4096x4096xf32, #tpu.memory_space<hbm>> -> memref<4x4096xf32, #tpu.memory_space<hbm>>
          %dma_wait3A_768 = arith.constant 0 : i32
          %dma_wait3A_769 = tpu.memref_slice %arg3[%add3A_762, %dma_wait3A_768] : memref<4096x4096xf32, #tpu.memory_space<hbm>> -> memref<4x4096xf32, #tpu.memory_space<hbm>>
          tpu.wait_dma2 semaphore(%run_scoped3A : memref<!tpu.dma_semaphore, #tpu.memory_space<semaphore_mem>>) src(%dma_wait3A_769 : memref<4x4096xf32, #tpu.memory_space<hbm>>) dst(%arg8 : memref<4x4096xf32, #tpu.memory_space<vmem>>)
          tpu.yield
        }) : () -> ()
        "tpu.region"() ({
          %run_scoped3A = tpu.sem_alloc : memref<!tpu.dma_semaphore, #tpu.memory_space<semaphore_mem>>
          %dma_start3A = arith.constant 0 : i32
          %dma_start3A_764 = tpu.memref_slice %arg5[%add3A_762, %dma_start3A] : memref<4096x4096xf32, #tpu.memory_space<hbm>> -> memref<4x4096xf32, #tpu.memory_space<hbm>>
          %dma_start3A_765 = arith.constant 0 : i32
          %dma_start3A_766 = tpu.memref_slice %arg5[%add3A_762, %dma_start3A_765] : memref<4096x4096xf32, #tpu.memory_space<hbm>> -> memref<4x4096xf32, #tpu.memory_space<hbm>>
          tpu.enqueue_dma source(%arg8 : memref<4x4096xf32, #tpu.memory_space<vmem>>) target(%dma_start3A_766 : memref<4x4096xf32, #tpu.memory_space<hbm>>) target_semaphore(%run_scoped3A : memref<!tpu.dma_semaphore, #tpu.memory_space<semaphore_mem>>)
          %dma_wait3A = arith.constant 0 : i32
          %dma_wait3A_767 = tpu.memref_slice %arg5[%add3A_762, %dma_wait3A] : memref<4096x4096xf32, #tpu.memory_space<hbm>> -> memref<4x4096xf32, #tpu.memory_space<hbm>>
          %dma_wait3A_768 = arith.constant 0 : i32
          %dma_wait3A_769 = tpu.memref_slice %arg5[%add3A_762, %dma_wait3A_768] : memref<4096x4096xf32, #tpu.memory_space<hbm>> -> memref<4x4096xf32, #tpu.memory_space<hbm>>
          tpu.wait_dma2 semaphore(%run_scoped3A : memref<!tpu.dma_semaphore, #tpu.memory_space<semaphore_mem>>) src(%arg8 : memref<4x4096xf32, #tpu.memory_space<vmem>>) dst(%dma_wait3A_769 : memref<4x4096xf32, #tpu.memory_space<hbm>>)
          tpu.yield
        }) : () -> ()
        %scan3A_763 = arith.constant 0 : i32
        scf.yield %scan3A_763 : i32
      }
      %scan3A_757 = arith.constant 32 : i32
    } else {
    }
    %convert_element_type3A_748 = arith.extui %gt3A_744 : i1 to i32
    %cond3A_749 = arith.constant 0 : i32
    %cond3A_750 = arith.cmpi ne, %convert_element_type3A_748, %cond3A_749 : i32
    scf.if %cond3A_750 {
      %dma_start3A = arith.constant 0 : i32
      %dma_start3A_751 = tpu.memref_slice %arg3[%mul3A_2, %dma_start3A] : memref<4096x4096xf32, #tpu.memory_space<hbm>> -> memref<4x4096xf32, #tpu.memory_space<hbm>>
      %dma_start3A_752 = arith.constant 0 : i32
      %dma_start3A_753 = tpu.memref_slice %arg3[%mul3A_2, %dma_start3A_752] : memref<4096x4096xf32, #tpu.memory_space<hbm>> -> memref<4x4096xf32, #tpu.memory_space<hbm>>
      tpu.enqueue_dma source(%dma_start3A_753 : memref<4x4096xf32, #tpu.memory_space<hbm>>) target(%arg8 : memref<4x4096xf32, #tpu.memory_space<vmem>>) target_semaphore(%arg12 : memref<!tpu.dma_semaphore, #tpu.memory_space<semaphore_mem>>)
      %scan3A_754 = arith.constant 0 : i32
      %scan3A_755 = arith.constant 0 : i32
      %scan3A_756 = arith.constant 16 : i32
      %scan3A_757 = arith.addi %scan3A_755, %scan3A_756 : i32
      %scan3A_758 = arith.constant 1 : i32
      %scan3A_759 = scf.for %scan3A_800 = %scan3A_755 to %scan3A_757 step %scan3A_758 iter_args(%scan3A_801 = %scan3A_754) -> (i32)  : i32 {
        %mul3A_802 = arith.constant 2 : i32
        %mul3A_803 = arith.muli %mul3A_802, %scan3A_800 : i32
        %add3A_804 = arith.constant 0 : i32
        %add3A_805 = arith.addi %mul3A_803, %add3A_804 : i32
        %mul3A_806 = arith.constant 4 : i32
        %mul3A_807 = arith.muli %add3A_805, %mul3A_806 : i32
        %add3A_808 = arith.addi %mul3A_2, %mul3A_807 : i32
        %add3A_809 = arith.constant 1 : i32
        %add3A_810 = arith.addi %add3A_805, %add3A_809 : i32
        %lt3A_811 = arith.constant 32 : i32
        %lt3A_812 = arith.cmpi slt, %add3A_810, %lt3A_811 : i32
        %convert_element_type3A_813 = arith.extui %lt3A_812 : i1 to i32
        %cond3A_814 = arith.constant 0 : i32
        %cond3A_815 = arith.cmpi ne, %convert_element_type3A_813, %cond3A_814 : i32
        scf.if %cond3A_815 {
          %add3A_1027 = arith.constant 4 : i32
          %add3A_1028 = arith.addi %add3A_808, %add3A_1027 : i32
          %dma_start3A_1029 = arith.constant 0 : i32
          %dma_start3A_1030 = tpu.memref_slice %arg3[%add3A_1028, %dma_start3A_1029] : memref<4096x4096xf32, #tpu.memory_space<hbm>> -> memref<4x4096xf32, #tpu.memory_space<hbm>>
          %dma_start3A_1031 = arith.constant 0 : i32
          %dma_start3A_1032 = tpu.memref_slice %arg3[%add3A_1028, %dma_start3A_1031] : memref<4096x4096xf32, #tpu.memory_space<hbm>> -> memref<4x4096xf32, #tpu.memory_space<hbm>>
          tpu.enqueue_dma source(%dma_start3A_1032 : memref<4x4096xf32, #tpu.memory_space<hbm>>) target(%arg10 : memref<4x4096xf32, #tpu.memory_space<vmem>>) target_semaphore(%arg14 : memref<!tpu.dma_semaphore, #tpu.memory_space<semaphore_mem>>)
        } else {
        }
        %dma_wait3A_816 = arith.constant 0 : i32
        %dma_wait3A_817 = tpu.memref_slice %arg3[%add3A_808, %dma_wait3A_816] : memref<4096x4096xf32, #tpu.memory_space<hbm>> -> memref<4x4096xf32, #tpu.memory_space<hbm>>
        %dma_wait3A_818 = arith.constant 0 : i32
        %dma_wait3A_819 = tpu.memref_slice %arg3[%add3A_808, %dma_wait3A_818] : memref<4096x4096xf32, #tpu.memory_space<hbm>> -> memref<4x4096xf32, #tpu.memory_space<hbm>>
        tpu.wait_dma2 semaphore(%arg12 : memref<!tpu.dma_semaphore, #tpu.memory_space<semaphore_mem>>) src(%dma_wait3A_819 : memref<4x4096xf32, #tpu.memory_space<hbm>>) dst(%arg8 : memref<4x4096xf32, #tpu.memory_space<vmem>>)
        %ge3A = arith.constant 2 : i32
        %ge3A_820 = arith.cmpi sge, %add3A_805, %ge3A : i32
        %convert_element_type3A_821 = arith.extui %ge3A_820 : i1 to i32
        %cond3A_822 = arith.constant 0 : i32
        %cond3A_823 = arith.cmpi ne, %convert_element_type3A_821, %cond3A_822 : i32
        scf.if %cond3A_823 {
          %dma_wait3A_1027 = arith.constant 0 : i32
          %dma_wait3A_1028 = arith.constant 0 : i32
          %dma_wait3A_1029 = tpu.memref_slice %arg9[%dma_wait3A_1027, %dma_wait3A_1028] : memref<4x4096xf32, #tpu.memory_space<vmem>> -> memref<2x4096xf32, #tpu.memory_space<vmem>>
          %dma_wait3A_1030 = arith.constant 0 : i32
          %dma_wait3A_1031 = tpu.memref_slice %arg5[%add3A_808, %dma_wait3A_1030] : memref<4096x4096xf32, #tpu.memory_space<hbm>> -> memref<2x4096xf32, #tpu.memory_space<hbm>>
          %dma_wait3A_1032 = arith.constant 0 : i32
          %dma_wait3A_1033 = tpu.memref_slice %arg5[%add3A_808, %dma_wait3A_1032] : memref<4096x4096xf32, #tpu.memory_space<hbm>> -> memref<2x4096xf32, #tpu.memory_space<hbm>>
          %dma_wait3A_1034 = arith.constant 0 : i32
          %dma_wait3A_1035 = arith.constant 0 : i32
          %dma_wait3A_1036 = tpu.memref_slice %arg9[%dma_wait3A_1034, %dma_wait3A_1035] : memref<4x4096xf32, #tpu.memory_space<vmem>> -> memref<2x4096xf32, #tpu.memory_space<vmem>>
          tpu.wait_dma2 semaphore(%arg13 : memref<!tpu.dma_semaphore, #tpu.memory_space<semaphore_mem>>) src(%dma_wait3A_1036 : memref<2x4096xf32, #tpu.memory_space<vmem>>) dst(%dma_wait3A_1033 : memref<2x4096xf32, #tpu.memory_space<hbm>>)
          %dma_wait3A_1037 = arith.constant 2 : i32
          %dma_wait3A_1038 = arith.constant 0 : i32
          %dma_wait3A_1039 = tpu.memref_slice %arg9[%dma_wait3A_1037, %dma_wait3A_1038] : memref<4x4096xf32, #tpu.memory_space<vmem>> -> memref<2x4096xf32, #tpu.memory_space<vmem>>
          %dma_wait3A_1040 = arith.constant 0 : i32
          %dma_wait3A_1041 = tpu.memref_slice %arg5[%add3A_808, %dma_wait3A_1040] : memref<4096x4096xf32, #tpu.memory_space<hbm>> -> memref<2x4096xf32, #tpu.memory_space<hbm>>
          %dma_wait3A_1042 = arith.constant 0 : i32
          %dma_wait3A_1043 = tpu.memref_slice %arg5[%add3A_808, %dma_wait3A_1042] : memref<4096x4096xf32, #tpu.memory_space<hbm>> -> memref<2x4096xf32, #tpu.memory_space<hbm>>
          %dma_wait3A_1044 = arith.constant 2 : i32
          %dma_wait3A_1045 = arith.constant 0 : i32
          %dma_wait3A_1046 = tpu.memref_slice %arg9[%dma_wait3A_1044, %dma_wait3A_1045] : memref<4x4096xf32, #tpu.memory_space<vmem>> -> memref<2x4096xf32, #tpu.memory_space<vmem>>
          tpu.wait_dma2 semaphore(%arg13 : memref<!tpu.dma_semaphore, #tpu.memory_space<semaphore_mem>>) src(%dma_wait3A_1046 : memref<2x4096xf32, #tpu.memory_space<vmem>>) dst(%dma_wait3A_1043 : memref<2x4096xf32, #tpu.memory_space<hbm>>)
        } else {
        }
        %add3A_824 = arith.constant 0 : i32
        %add3A_825 = arith.addi %add3A_808, %add3A_824 : i32
        %scan3A_826 = arith.constant 0 : i32
        %scan3A_827 = arith.constant 0 : i32
        %scan3A_828 = arith.constant 32 : i32
        %scan3A_829 = arith.addi %scan3A_827, %scan3A_828 : i32
        %scan3A_830 = arith.constant 1 : i32
        %scan3A_831 = scf.for %scan3A_1027 = %scan3A_827 to %scan3A_829 step %scan3A_830 iter_args(%scan3A_1028 = %scan3A_826) -> (i32)  : i32 {
          %mul3A_1029 = arith.constant 128 : i32
          %mul3A_1030 = arith.muli %scan3A_1027, %mul3A_1029 : i32
          %add3A_1031 = arith.constant 0 : i32
          %add3A_1032 = arith.addi %mul3A_1030, %add3A_1031 : i32
          %multiple_of3A = tpu.assume_multiple %add3A_1032, 16 : i32
          %get3A_1033 = arith.constant 0 : i32
          %get3A_1034 = arith.index_cast %get3A_1033 : i32 to index
          %get3A_1035 = arith.index_cast %multiple_of3A : i32 to index
          %get3A_1036 = tpu.vector_load %arg8[%get3A_1034, %get3A_1035] {strides = array<i32>} : memref<4x4096xf32, #tpu.memory_space<vmem>>, vector<1x16xf32>,
          %get3A_1037 = vector.shape_cast %get3A_1036 : vector<1x16xf32> to vector<16xf32>
          %max3A = arith.constant 0.000000e+00 : f32
          %max3A_1038 = vector.broadcast %max3A : f32 to vector<16xf32>
          %max3A_1039 = arith.maximumf %get3A_1037, %max3A_1038 : vector<16xf32>
          %min3A = arith.constant 1.000000e+00 : f32
          %min3A_1040 = vector.broadcast %min3A : f32 to vector<16xf32>
          %min3A_1041 = arith.minimumf %max3A_1039, %min3A_1040 : vector<16xf32>
          %swap3A_1042 = arith.constant 0 : i32
          %swap3A_1043 = arith.index_cast %swap3A_1042 : i32 to index
          %swap3A_1044 = arith.index_cast %multiple_of3A : i32 to index
          %swap3A_1045 = tpu.vector_load %arg9[%swap3A_1043, %swap3A_1044] {strides = array<i32>} : memref<4x4096xf32, #tpu.memory_space<vmem>>, vector<1x16xf32>,
          %swap3A_1046 = vector.shape_cast %swap3A_1045 : vector<1x16xf32> to vector<16xf32>
          %swap3A_1047 = vector.shape_cast %min3A_1041 : vector<16xf32> to vector<1x16xf32>
          tpu.vector_store %arg9[%swap3A_1043, %swap3A_1044], %swap3A_1047 {strides = array<i32>} : memref<4x4096xf32, #tpu.memory_space<vmem>>, vector<1x16xf32>,
          %mul3A_1048 = arith.constant 128 : i32
          %mul3A_1049 = arith.muli %scan3A_1027, %mul3A_1048 : i32
          %add3A_1050 = arith.constant 16 : i32
          %add3A_1051 = arith.addi %mul3A_1049, %add3A_1050 : i32
          %multiple_of3A_1052 = tpu.assume_multiple %add3A_1051, 16 : i32
          %get3A_1053 = arith.constant 0 : i32
          %get3A_1054 = arith.index_cast %get3A_1053 : i32 to index
          %get3A_1055 = arith.index_cast %multiple_of3A_1052 : i32 to index
          %get3A_1056 = tpu.vector_load %arg8[%get3A_1054, %get3A_1055] {strides = array<i32>} : memref<4x4096xf32, #tpu.memory_space<vmem>>, vector<1x16xf32>,
          %get3A_1057 = vector.shape_cast %get3A_1056 : vector<1x16xf32> to vector<16xf32>
          %max3A_1058 = arith.constant 0.000000e+00 : f32
          %max3A_1059 = vector.broadcast %max3A_1058 : f32 to vector<16xf32>
          %max3A_1060 = arith.maximumf %get3A_1057, %max3A_1059 : vector<16xf32>
          %min3A_1061 = arith.constant 1.000000e+00 : f32
          %min3A_1062 = vector.broadcast %min3A_1061 : f32 to vector<16xf32>
          %min3A_1063 = arith.minimumf %max3A_1060, %min3A_1062 : vector<16xf32>
          %swap3A_1064 = arith.constant 0 : i32
          %swap3A_1065 = arith.index_cast %swap3A_1064 : i32 to index
          %swap3A_1066 = arith.index_cast %multiple_of3A_1052 : i32 to index
          %swap3A_1067 = tpu.vector_load %arg9[%swap3A_1065, %swap3A_1066] {strides = array<i32>} : memref<4x4096xf32, #tpu.memory_space<vmem>>, vector<1x16xf32>,
          %swap3A_1068 = vector.shape_cast %swap3A_1067 : vector<1x16xf32> to vector<16xf32>
          %swap3A_1069 = vector.shape_cast %min3A_1063 : vector<16xf32> to vector<1x16xf32>
          tpu.vector_store %arg9[%swap3A_1065, %swap3A_1066], %swap3A_1069 {strides = array<i32>} : memref<4x4096xf32, #tpu.memory_space<vmem>>, vector<1x16xf32>,
          %mul3A_1070 = arith.constant 128 : i32
          %mul3A_1071 = arith.muli %scan3A_1027, %mul3A_1070 : i32
          %add3A_1072 = arith.constant 32 : i32
          %add3A_1073 = arith.addi %mul3A_1071, %add3A_1072 : i32
          %multiple_of3A_1074 = tpu.assume_multiple %add3A_1073, 16 : i32
          %get3A_1075 = arith.constant 0 : i32
          %get3A_1076 = arith.index_cast %get3A_1075 : i32 to index
          %get3A_1077 = arith.index_cast %multiple_of3A_1074 : i32 to index
          %get3A_1078 = tpu.vector_load %arg8[%get3A_1076, %get3A_1077] {strides = array<i32>} : memref<4x4096xf32, #tpu.memory_space<vmem>>, vector<1x16xf32>,
          %get3A_1079 = vector.shape_cast %get3A_1078 : vector<1x16xf32> to vector<16xf32>
          %max3A_1080 = arith.constant 0.000000e+00 : f32
          %max3A_1081 = vector.broadcast %max3A_1080 : f32 to vector<16xf32>
          %max3A_1082 = arith.maximumf %get3A_1079, %max3A_1081 : vector<16xf32>
          %min3A_1083 = arith.constant 1.000000e+00 : f32
          %min3A_1084 = vector.broadcast %min3A_1083 : f32 to vector<16xf32>
          %min3A_1085 = arith.minimumf %max3A_1082, %min3A_1084 : vector<16xf32>
          %swap3A_1086 = arith.constant 0 : i32
          %swap3A_1087 = arith.index_cast %swap3A_1086 : i32 to index
          %swap3A_1088 = arith.index_cast %multiple_of3A_1074 : i32 to index
          %swap3A_1089 = tpu.vector_load %arg9[%swap3A_1087, %swap3A_1088] {strides = array<i32>} : memref<4x4096xf32, #tpu.memory_space<vmem>>, vector<1x16xf32>,
          %swap3A_1090 = vector.shape_cast %swap3A_1089 : vector<1x16xf32> to vector<16xf32>
          %swap3A_1091 = vector.shape_cast %min3A_1085 : vector<16xf32> to vector<1x16xf32>
          tpu.vector_store %arg9[%swap3A_1087, %swap3A_1088], %swap3A_1091 {strides = array<i32>} : memref<4x4096xf32, #tpu.memory_space<vmem>>, vector<1x16xf32>,
          %mul3A_1092 = arith.constant 128 : i32
          %mul3A_1093 = arith.muli %scan3A_1027, %mul3A_1092 : i32
          %add3A_1094 = arith.constant 48 : i32
          %add3A_1095 = arith.addi %mul3A_1093, %add3A_1094 : i32
          %multiple_of3A_1096 = tpu.assume_multiple %add3A_1095, 16 : i32
          %get3A_1097 = arith.constant 0 : i32
          %get3A_1098 = arith.index_cast %get3A_1097 : i32 to index
          %get3A_1099 = arith.index_cast %multiple_of3A_1096 : i32 to index
          %get3A_1100 = tpu.vector_load %arg8[%get3A_1098, %get3A_1099] {strides = array<i32>} : memref<4x4096xf32, #tpu.memory_space<vmem>>, vector<1x16xf32>,
          %get3A_1101 = vector.shape_cast %get3A_1100 : vector<1x16xf32> to vector<16xf32>
          %max3A_1102 = arith.constant 0.000000e+00 : f32
          %max3A_1103 = vector.broadcast %max3A_1102 : f32 to vector<16xf32>
          %max3A_1104 = arith.maximumf %get3A_1101, %max3A_1103 : vector<16xf32>
          %min3A_1105 = arith.constant 1.000000e+00 : f32
          %min3A_1106 = vector.broadcast %min3A_1105 : f32 to vector<16xf32>
          %min3A_1107 = arith.minimumf %max3A_1104, %min3A_1106 : vector<16xf32>
          %swap3A_1108 = arith.constant 0 : i32
          %swap3A_1109 = arith.index_cast %swap3A_1108 : i32 to index
          %swap3A_1110 = arith.index_cast %multiple_of3A_1096 : i32 to index
          %swap3A_1111 = tpu.vector_load %arg9[%swap3A_1109, %swap3A_1110] {strides = array<i32>} : memref<4x4096xf32, #tpu.memory_space<vmem>>, vector<1x16xf32>,
          %swap3A_1112 = vector.shape_cast %swap3A_1111 : vector<1x16xf32> to vector<16xf32>
          %swap3A_1113 = vector.shape_cast %min3A_1107 : vector<16xf32> to vector<1x16xf32>
          tpu.vector_store %arg9[%swap3A_1109, %swap3A_1110], %swap3A_1113 {strides = array<i32>} : memref<4x4096xf32, #tpu.memory_space<vmem>>, vector<1x16xf32>,
          %mul3A_1114 = arith.constant 128 : i32
          %mul3A_1115 = arith.muli %scan3A_1027, %mul3A_1114 : i32
          %add3A_1116 = arith.constant 64 : i32
          %add3A_1117 = arith.addi %mul3A_1115, %add3A_1116 : i32
          %multiple_of3A_1118 = tpu.assume_multiple %add3A_1117, 16 : i32
          %get3A_1119 = arith.constant 0 : i32
          %get3A_1120 = arith.index_cast %get3A_1119 : i32 to index
          %get3A_1121 = arith.index_cast %multiple_of3A_1118 : i32 to index
          %get3A_1122 = tpu.vector_load %arg8[%get3A_1120, %get3A_1121] {strides = array<i32>} : memref<4x4096xf32, #tpu.memory_space<vmem>>, vector<1x16xf32>,
          %get3A_1123 = vector.shape_cast %get3A_1122 : vector<1x16xf32> to vector<16xf32>
          %max3A_1124 = arith.constant 0.000000e+00 : f32
          %max3A_1125 = vector.broadcast %max3A_1124 : f32 to vector<16xf32>
          %max3A_1126 = arith.maximumf %get3A_1123, %max3A_1125 : vector<16xf32>
          %min3A_1127 = arith.constant 1.000000e+00 : f32
          %min3A_1128 = vector.broadcast %min3A_1127 : f32 to vector<16xf32>
          %min3A_1129 = arith.minimumf %max3A_1126, %min3A_1128 : vector<16xf32>
          %swap3A_1130 = arith.constant 0 : i32
          %swap3A_1131 = arith.index_cast %swap3A_1130 : i32 to index
          %swap3A_1132 = arith.index_cast %multiple_of3A_1118 : i32 to index
          %swap3A_1133 = tpu.vector_load %arg9[%swap3A_1131, %swap3A_1132] {strides = array<i32>} : memref<4x4096xf32, #tpu.memory_space<vmem>>, vector<1x16xf32>,
          %swap3A_1134 = vector.shape_cast %swap3A_1133 : vector<1x16xf32> to vector<16xf32>
          %swap3A_1135 = vector.shape_cast %min3A_1129 : vector<16xf32> to vector<1x16xf32>
          tpu.vector_store %arg9[%swap3A_1131, %swap3A_1132], %swap3A_1135 {strides = array<i32>} : memref<4x4096xf32, #tpu.memory_space<vmem>>, vector<1x16xf32>,
          %mul3A_1136 = arith.constant 128 : i32
          %mul3A_1137 = arith.muli %scan3A_1027, %mul3A_1136 : i32
          %add3A_1138 = arith.constant 80 : i32
          %add3A_1139 = arith.addi %mul3A_1137, %add3A_1138 : i32
          %multiple_of3A_1140 = tpu.assume_multiple %add3A_1139, 16 : i32
          %get3A_1141 = arith.constant 0 : i32
          %get3A_1142 = arith.index_cast %get3A_1141 : i32 to index
          %get3A_1143 = arith.index_cast %multiple_of3A_1140 : i32 to index
          %get3A_1144 = tpu.vector_load %arg8[%get3A_1142, %get3A_1143] {strides = array<i32>} : memref<4x4096xf32, #tpu.memory_space<vmem>>, vector<1x16xf32>,
          %get3A_1145 = vector.shape_cast %get3A_1144 : vector<1x16xf32> to vector<16xf32>
          %max3A_1146 = arith.constant 0.000000e+00 : f32
          %max3A_1147 = vector.broadcast %max3A_1146 : f32 to vector<16xf32>
          %max3A_1148 = arith.maximumf %get3A_1145, %max3A_1147 : vector<16xf32>
          %min3A_1149 = arith.constant 1.000000e+00 : f32
          %min3A_1150 = vector.broadcast %min3A_1149 : f32 to vector<16xf32>
          %min3A_1151 = arith.minimumf %max3A_1148, %min3A_1150 : vector<16xf32>
          %swap3A_1152 = arith.constant 0 : i32
          %swap3A_1153 = arith.index_cast %swap3A_1152 : i32 to index
          %swap3A_1154 = arith.index_cast %multiple_of3A_1140 : i32 to index
          %swap3A_1155 = tpu.vector_load %arg9[%swap3A_1153, %swap3A_1154] {strides = array<i32>} : memref<4x4096xf32, #tpu.memory_space<vmem>>, vector<1x16xf32>,
          %swap3A_1156 = vector.shape_cast %swap3A_1155 : vector<1x16xf32> to vector<16xf32>
          %swap3A_1157 = vector.shape_cast %min3A_1151 : vector<16xf32> to vector<1x16xf32>
          tpu.vector_store %arg9[%swap3A_1153, %swap3A_1154], %swap3A_1157 {strides = array<i32>} : memref<4x4096xf32, #tpu.memory_space<vmem>>, vector<1x16xf32>,
          %mul3A_1158 = arith.constant 128 : i32
          %mul3A_1159 = arith.muli %scan3A_1027, %mul3A_1158 : i32
          %add3A_1160 = arith.constant 96 : i32
          %add3A_1161 = arith.addi %mul3A_1159, %add3A_1160 : i32
          %multiple_of3A_1162 = tpu.assume_multiple %add3A_1161, 16 : i32
          %get3A_1163 = arith.constant 0 : i32
          %get3A_1164 = arith.index_cast %get3A_1163 : i32 to index
          %get3A_1165 = arith.index_cast %multiple_of3A_1162 : i32 to index
          %get3A_1166 = tpu.vector_load %arg8[%get3A_1164, %get3A_1165] {strides = array<i32>} : memref<4x4096xf32, #tpu.memory_space<vmem>>, vector<1x16xf32>,
          %get3A_1167 = vector.shape_cast %get3A_1166 : vector<1x16xf32> to vector<16xf32>
          %max3A_1168 = arith.constant 0.000000e+00 : f32
          %max3A_1169 = vector.broadcast %max3A_1168 : f32 to vector<16xf32>
          %max3A_1170 = arith.maximumf %get3A_1167, %max3A_1169 : vector<16xf32>
          %min3A_1171 = arith.constant 1.000000e+00 : f32
          %min3A_1172 = vector.broadcast %min3A_1171 : f32 to vector<16xf32>
          %min3A_1173 = arith.minimumf %max3A_1170, %min3A_1172 : vector<16xf32>
          %swap3A_1174 = arith.constant 0 : i32
          %swap3A_1175 = arith.index_cast %swap3A_1174 : i32 to index
          %swap3A_1176 = arith.index_cast %multiple_of3A_1162 : i32 to index
          %swap3A_1177 = tpu.vector_load %arg9[%swap3A_1175, %swap3A_1176] {strides = array<i32>} : memref<4x4096xf32, #tpu.memory_space<vmem>>, vector<1x16xf32>,
          %swap3A_1178 = vector.shape_cast %swap3A_1177 : vector<1x16xf32> to vector<16xf32>
          %swap3A_1179 = vector.shape_cast %min3A_1173 : vector<16xf32> to vector<1x16xf32>
          tpu.vector_store %arg9[%swap3A_1175, %swap3A_1176], %swap3A_1179 {strides = array<i32>} : memref<4x4096xf32, #tpu.memory_space<vmem>>, vector<1x16xf32>,
          %mul3A_1180 = arith.constant 128 : i32
          %mul3A_1181 = arith.muli %scan3A_1027, %mul3A_1180 : i32
          %add3A_1182 = arith.constant 112 : i32
          %add3A_1183 = arith.addi %mul3A_1181, %add3A_1182 : i32
          %multiple_of3A_1184 = tpu.assume_multiple %add3A_1183, 16 : i32
          %get3A_1185 = arith.constant 0 : i32
          %get3A_1186 = arith.index_cast %get3A_1185 : i32 to index
          %get3A_1187 = arith.index_cast %multiple_of3A_1184 : i32 to index
          %get3A_1188 = tpu.vector_load %arg8[%get3A_1186, %get3A_1187] {strides = array<i32>} : memref<4x4096xf32, #tpu.memory_space<vmem>>, vector<1x16xf32>,
          %get3A_1189 = vector.shape_cast %get3A_1188 : vector<1x16xf32> to vector<16xf32>
          %max3A_1190 = arith.constant 0.000000e+00 : f32
          %max3A_1191 = vector.broadcast %max3A_1190 : f32 to vector<16xf32>
          %max3A_1192 = arith.maximumf %get3A_1189, %max3A_1191 : vector<16xf32>
          %min3A_1193 = arith.constant 1.000000e+00 : f32
          %min3A_1194 = vector.broadcast %min3A_1193 : f32 to vector<16xf32>
          %min3A_1195 = arith.minimumf %max3A_1192, %min3A_1194 : vector<16xf32>
          %swap3A_1196 = arith.constant 0 : i32
          %swap3A_1197 = arith.index_cast %swap3A_1196 : i32 to index
          %swap3A_1198 = arith.index_cast %multiple_of3A_1184 : i32 to index
          %swap3A_1199 = tpu.vector_load %arg9[%swap3A_1197, %swap3A_1198] {strides = array<i32>} : memref<4x4096xf32, #tpu.memory_space<vmem>>, vector<1x16xf32>,
          %swap3A_1200 = vector.shape_cast %swap3A_1199 : vector<1x16xf32> to vector<16xf32>
          %swap3A_1201 = vector.shape_cast %min3A_1195 : vector<16xf32> to vector<1x16xf32>
          tpu.vector_store %arg9[%swap3A_1197, %swap3A_1198], %swap3A_1201 {strides = array<i32>} : memref<4x4096xf32, #tpu.memory_space<vmem>>, vector<1x16xf32>,
          %scan3A_1202 = arith.constant 0 : i32
          scf.yield %scan3A_1202 : i32
        }
        %scan3A_832 = arith.constant 32 : i32
        %sub3A = arith.subi %add3A_825, %mul3A_2 : i32
        %get3A_833 = arith.index_cast %sub3A : i32 to index
        %get3A_834 = memref.load %arg16[%get3A_833] : memref<128xf32, #tpu.memory_space<smem>>
        %gt3A_835 = arith.constant 5.000000e-01 : f32
        %gt3A_836 = arith.cmpf ogt, %get3A_834, %gt3A_835 : f32
        %convert_element_type3A_837 = arith.extui %gt3A_836 : i1 to i32
        %cond3A_838 = arith.constant 0 : i32
        %cond3A_839 = arith.cmpi ne, %convert_element_type3A_837, %cond3A_838 : i32
        scf.if %cond3A_839 {
          %convert_element_type3A_1027 = arith.sitofp %add3A_825 : i32 to f32
          %add3A_1028 = arith.constant 1 : i32
          %add3A_1029 = arith.addi %add3A_825, %add3A_1028 : i32
          %jit3A_1030 = arith.constant 16 : i32
          %div3A = arith.divsi %add3A_1029, %jit3A_1030 : i32
          %sign3A = arith.constant 0 : i32
          %sign3A_1031 = arith.cmpi sgt, %add3A_1029, %sign3A : i32
          %sign3A_1032 = arith.extui %sign3A_1031 : i1 to i32
          %sign3A_1033 = arith.constant 0 : i32
          %sign3A_1034 = arith.cmpi slt, %add3A_1029, %sign3A_1033 : i32
          %sign3A_1035 = arith.extui %sign3A_1034 : i1 to i32
          %sign3A_1036 = arith.subi %sign3A_1032, %sign3A_1035 : i32
          %sign3A_1037 = arith.constant 0 : i32
          %sign3A_1038 = arith.cmpi sgt, %jit3A_1030, %sign3A_1037 : i32
          %sign3A_1039 = arith.extui %sign3A_1038 : i1 to i32
          %sign3A_1040 = arith.constant 0 : i32
          %sign3A_1041 = arith.cmpi slt, %jit3A_1030, %sign3A_1040 : i32
          %sign3A_1042 = arith.extui %sign3A_1041 : i1 to i32
          %sign3A_1043 = arith.subi %sign3A_1039, %sign3A_1042 : i32
          %ne3A = arith.cmpi ne, %sign3A_1036, %sign3A_1043 : i32
          %rem3A = arith.remsi %add3A_1029, %jit3A_1030 : i32
          %ne3A_1044 = arith.constant 0 : i32
          %ne3A_1045 = arith.cmpi ne, %rem3A, %ne3A_1044 : i32
          %and3A = arith.andi %ne3A, %ne3A_1045 : i1
          %sub3A_1046 = arith.constant 1 : i32
          %sub3A_1047 = arith.subi %div3A, %sub3A_1046 : i32
          %select_n3A_1048 = arith.select %and3A, %sub3A_1047, %div3A : i32
          %scan3A_1049 = arith.constant 0 : i32
          %scan3A_1050 = arith.constant 0 : i32
          %scan3A_1051 = arith.constant 9 : i32
          %scan3A_1052 = arith.addi %scan3A_1050, %scan3A_1051 : i32
          %scan3A_1053 = arith.constant 1 : i32
          %scan3A_1054 = scf.for %scan3A_1056 = %scan3A_1050 to %scan3A_1052 step %scan3A_1053 iter_args(%scan3A_1057 = %scan3A_1049) -> (i32)  : i32 {
            %add3A_1058 = arith.addi %select_n3A_1048, %scan3A_1056 : i32
            %min3A = arith.constant 255 : i32
            %min3A_1059 = arith.minsi %add3A_1058, %min3A : i32
            %mul3A_1060 = arith.constant 16 : i32
            %mul3A_1061 = arith.muli %min3A_1059, %mul3A_1060 : i32
            %multiple_of3A = tpu.assume_multiple %mul3A_1061, 16 : i32
            %convert_element_type3A_1062 = arith.sitofp %multiple_of3A : i32 to f32
            %add3A_1063 = vector.broadcast %convert_element_type3A_1062 : f32 to vector<16xf32>
            %add3A_1064 = arith.addf %convert_element_type3A, %add3A_1063 : vector<16xf32>
            %sub3A_1065 = vector.broadcast %convert_element_type3A_1027 : f32 to vector<16xf32>
            %sub3A_1066 = arith.subf %add3A_1064, %sub3A_1065 : vector<16xf32>
            %gt3A_1067 = arith.constant 5.000000e-01 : f32
            %gt3A_1068 = vector.broadcast %gt3A_1067 : f32 to vector<16xf32>
            %gt3A_1069 = arith.cmpf ogt, %sub3A_1066, %gt3A_1068 : vector<16xf32>
            %jit3A_1070 = arith.constant 1.000000e+00 : f32
            %jit3A_1071 = arith.constant 0.000000e+00 : f32
            %broadcast_in_dim3A_1072 = vector.broadcast %jit3A_1070 : f32 to vector<16xf32>
            %broadcast_in_dim3A_1073 = vector.broadcast %jit3A_1071 : f32 to vector<16xf32>
            %select_n3A_1074 = arith.select %gt3A_1069, %broadcast_in_dim3A_1072, %broadcast_in_dim3A_1073 : vector<16xi1>, vector<16xf32>
            %lt3A_1075 = arith.constant 1.285000e+02 : f32
            %lt3A_1076 = vector.broadcast %lt3A_1075 : f32 to vector<16xf32>
            %lt3A_1077 = arith.cmpf olt, %sub3A_1066, %lt3A_1076 : vector<16xf32>
            %jit3A_1078 = arith.constant 1.000000e+00 : f32
            %jit3A_1079 = arith.constant 0.000000e+00 : f32
            %broadcast_in_dim3A_1080 = vector.broadcast %jit3A_1078 : f32 to vector<16xf32>
            %broadcast_in_dim3A_1081 = vector.broadcast %jit3A_1079 : f32 to vector<16xf32>
            %select_n3A_1082 = arith.select %lt3A_1077, %broadcast_in_dim3A_1080, %broadcast_in_dim3A_1081 : vector<16xi1>, vector<16xf32>
            %mul3A_1083 = arith.mulf %sub3A_1066, %sub3A_1066 : vector<16xf32>
            %neg3A = arith.constant 0.000000e+00 : f32
            %neg3A_1084 = vector.broadcast %neg3A : f32 to vector<16xf32>
            %neg3A_1085 = arith.subf %neg3A_1084, %mul3A_1083 : vector<16xf32>
            %mul3A_1086 = arith.constant 1.250000e-03 : f32
            %mul3A_1087 = vector.broadcast %mul3A_1086 : f32 to vector<16xf32>
            %mul3A_1088 = arith.mulf %neg3A_1085, %mul3A_1087 : vector<16xf32>
            %exp3A = math.exp %mul3A_1088 : vector<16xf32>
            %mul3A_1089 = arith.constant 0.00999999977 : f32
            %mul3A_1090 = vector.broadcast %mul3A_1089 : f32 to vector<16xf32>
            %mul3A_1091 = arith.mulf %mul3A_1090, %exp3A : vector<16xf32>
            %get3A_1092 = arith.index_cast %multiple_of3A : i32 to index
            %get3A_1093 = tpu.vector_load %arg6[%get3A_1092] {strides = array<i32>} : memref<4096xf32, #tpu.memory_space<vmem>>, vector<16xf32>,
            %get3A_1094 = vector.shape_cast %get3A_1093 : vector<16xf32> to vector<16xf32>
            %ge3A_1095 = arith.constant 1.000000e+00 : f32
            %ge3A_1096 = vector.broadcast %ge3A_1095 : f32 to vector<16xf32>
            %ge3A_1097 = arith.cmpf oge, %get3A_1094, %ge3A_1096 : vector<16xf32>
            %jit3A_1098 = arith.constant 1.000000e+00 : f32
            %jit3A_1099 = arith.constant 0.000000e+00 : f32
            %broadcast_in_dim3A_1100 = vector.broadcast %jit3A_1098 : f32 to vector<16xf32>
            %broadcast_in_dim3A_1101 = vector.broadcast %jit3A_1099 : f32 to vector<16xf32>
            %select_n3A_1102 = arith.select %ge3A_1097, %broadcast_in_dim3A_1100, %broadcast_in_dim3A_1101 : vector<16xi1>, vector<16xf32>
            %mul3A_1103 = arith.mulf %select_n3A_1074, %select_n3A_1082 : vector<16xf32>
            %mul3A_1104 = arith.mulf %mul3A_1091, %mul3A_1103 : vector<16xf32>
            %mul3A_1105 = arith.mulf %mul3A_1104, %select_n3A_1102 : vector<16xf32>
            %get3A_1106 = arith.constant 0 : i32
            %get3A_1107 = arith.index_cast %get3A_1106 : i32 to index
            %get3A_1108 = arith.index_cast %multiple_of3A : i32 to index
            %get3A_1109 = tpu.vector_load %arg8[%get3A_1107, %get3A_1108] {strides = array<i32>} : memref<4x4096xf32, #tpu.memory_space<vmem>>, vector<1x16xf32>,
            %get3A_1110 = vector.shape_cast %get3A_1109 : vector<1x16xf32> to vector<16xf32>
            %add3A_1111 = arith.addf %get3A_1110, %mul3A_1105 : vector<16xf32>
            %max3A = arith.constant 0.000000e+00 : f32
            %max3A_1112 = vector.broadcast %max3A : f32 to vector<16xf32>
            %max3A_1113 = arith.maximumf %add3A_1111, %max3A_1112 : vector<16xf32>
            %min3A_1114 = arith.constant 1.000000e+00 : f32
            %min3A_1115 = vector.broadcast %min3A_1114 : f32 to vector<16xf32>
            %min3A_1116 = arith.minimumf %max3A_1113, %min3A_1115 : vector<16xf32>
            %swap3A_1117 = arith.constant 0 : i32
            %swap3A_1118 = arith.index_cast %swap3A_1117 : i32 to index
            %swap3A_1119 = arith.index_cast %multiple_of3A : i32 to index
            %swap3A_1120 = tpu.vector_load %arg9[%swap3A_1118, %swap3A_1119] {strides = array<i32>} : memref<4x4096xf32, #tpu.memory_space<vmem>>, vector<1x16xf32>,
            %swap3A_1121 = vector.shape_cast %swap3A_1120 : vector<1x16xf32> to vector<16xf32>
            %swap3A_1122 = vector.shape_cast %min3A_1116 : vector<16xf32> to vector<1x16xf32>
            tpu.vector_store %arg9[%swap3A_1118, %swap3A_1119], %swap3A_1122 {strides = array<i32>} : memref<4x4096xf32, #tpu.memory_space<vmem>>, vector<1x16xf32>,
            %scan3A_1123 = arith.constant 0 : i32
            scf.yield %scan3A_1123 : i32
          }
          %scan3A_1055 = arith.constant 9 : i32
        } else {
        }
        %add3A_840 = arith.constant 1 : i32
        %add3A_841 = arith.addi %add3A_808, %add3A_840 : i32
        %scan3A_842 = arith.constant 0 : i32
        %scan3A_843 = arith.constant 0 : i32
        %scan3A_844 = arith.constant 32 : i32
        %scan3A_845 = arith.addi %scan3A_843, %scan3A_844 : i32
        %scan3A_846 = arith.constant 1 : i32
        %scan3A_847 = scf.for %scan3A_1027 = %scan3A_843 to %scan3A_845 step %scan3A_846 iter_args(%scan3A_1028 = %scan3A_842) -> (i32)  : i32 {
          %mul3A_1029 = arith.constant 128 : i32
          %mul3A_1030 = arith.muli %scan3A_1027, %mul3A_1029 : i32
          %add3A_1031 = arith.constant 0 : i32
          %add3A_1032 = arith.addi %mul3A_1030, %add3A_1031 : i32
          %multiple_of3A = tpu.assume_multiple %add3A_1032, 16 : i32
          %get3A_1033 = arith.constant 1 : i32
          %get3A_1034 = arith.index_cast %get3A_1033 : i32 to index
          %get3A_1035 = arith.index_cast %multiple_of3A : i32 to index
          %get3A_1036 = tpu.vector_load %arg8[%get3A_1034, %get3A_1035] {strides = array<i32>} : memref<4x4096xf32, #tpu.memory_space<vmem>>, vector<1x16xf32>,
          %get3A_1037 = vector.shape_cast %get3A_1036 : vector<1x16xf32> to vector<16xf32>
          %max3A = arith.constant 0.000000e+00 : f32
          %max3A_1038 = vector.broadcast %max3A : f32 to vector<16xf32>
          %max3A_1039 = arith.maximumf %get3A_1037, %max3A_1038 : vector<16xf32>
          %min3A = arith.constant 1.000000e+00 : f32
          %min3A_1040 = vector.broadcast %min3A : f32 to vector<16xf32>
          %min3A_1041 = arith.minimumf %max3A_1039, %min3A_1040 : vector<16xf32>
          %swap3A_1042 = arith.constant 1 : i32
          %swap3A_1043 = arith.index_cast %swap3A_1042 : i32 to index
          %swap3A_1044 = arith.index_cast %multiple_of3A : i32 to index
          %swap3A_1045 = tpu.vector_load %arg9[%swap3A_1043, %swap3A_1044] {strides = array<i32>} : memref<4x4096xf32, #tpu.memory_space<vmem>>, vector<1x16xf32>,
          %swap3A_1046 = vector.shape_cast %swap3A_1045 : vector<1x16xf32> to vector<16xf32>
          %swap3A_1047 = vector.shape_cast %min3A_1041 : vector<16xf32> to vector<1x16xf32>
          tpu.vector_store %arg9[%swap3A_1043, %swap3A_1044], %swap3A_1047 {strides = array<i32>} : memref<4x4096xf32, #tpu.memory_space<vmem>>, vector<1x16xf32>,
          %mul3A_1048 = arith.constant 128 : i32
          %mul3A_1049 = arith.muli %scan3A_1027, %mul3A_1048 : i32
          %add3A_1050 = arith.constant 16 : i32
          %add3A_1051 = arith.addi %mul3A_1049, %add3A_1050 : i32
          %multiple_of3A_1052 = tpu.assume_multiple %add3A_1051, 16 : i32
          %get3A_1053 = arith.constant 1 : i32
          %get3A_1054 = arith.index_cast %get3A_1053 : i32 to index
          %get3A_1055 = arith.index_cast %multiple_of3A_1052 : i32 to index
          %get3A_1056 = tpu.vector_load %arg8[%get3A_1054, %get3A_1055] {strides = array<i32>} : memref<4x4096xf32, #tpu.memory_space<vmem>>, vector<1x16xf32>,
          %get3A_1057 = vector.shape_cast %get3A_1056 : vector<1x16xf32> to vector<16xf32>
          %max3A_1058 = arith.constant 0.000000e+00 : f32
          %max3A_1059 = vector.broadcast %max3A_1058 : f32 to vector<16xf32>
          %max3A_1060 = arith.maximumf %get3A_1057, %max3A_1059 : vector<16xf32>
          %min3A_1061 = arith.constant 1.000000e+00 : f32
          %min3A_1062 = vector.broadcast %min3A_1061 : f32 to vector<16xf32>
          %min3A_1063 = arith.minimumf %max3A_1060, %min3A_1062 : vector<16xf32>
          %swap3A_1064 = arith.constant 1 : i32
          %swap3A_1065 = arith.index_cast %swap3A_1064 : i32 to index
          %swap3A_1066 = arith.index_cast %multiple_of3A_1052 : i32 to index
          %swap3A_1067 = tpu.vector_load %arg9[%swap3A_1065, %swap3A_1066] {strides = array<i32>} : memref<4x4096xf32, #tpu.memory_space<vmem>>, vector<1x16xf32>,
          %swap3A_1068 = vector.shape_cast %swap3A_1067 : vector<1x16xf32> to vector<16xf32>
          %swap3A_1069 = vector.shape_cast %min3A_1063 : vector<16xf32> to vector<1x16xf32>
          tpu.vector_store %arg9[%swap3A_1065, %swap3A_1066], %swap3A_1069 {strides = array<i32>} : memref<4x4096xf32, #tpu.memory_space<vmem>>, vector<1x16xf32>,
          %mul3A_1070 = arith.constant 128 : i32
          %mul3A_1071 = arith.muli %scan3A_1027, %mul3A_1070 : i32
          %add3A_1072 = arith.constant 32 : i32
          %add3A_1073 = arith.addi %mul3A_1071, %add3A_1072 : i32
          %multiple_of3A_1074 = tpu.assume_multiple %add3A_1073, 16 : i32
          %get3A_1075 = arith.constant 1 : i32
          %get3A_1076 = arith.index_cast %get3A_1075 : i32 to index
          %get3A_1077 = arith.index_cast %multiple_of3A_1074 : i32 to index
          %get3A_1078 = tpu.vector_load %arg8[%get3A_1076, %get3A_1077] {strides = array<i32>} : memref<4x4096xf32, #tpu.memory_space<vmem>>, vector<1x16xf32>,
          %get3A_1079 = vector.shape_cast %get3A_1078 : vector<1x16xf32> to vector<16xf32>
          %max3A_1080 = arith.constant 0.000000e+00 : f32
          %max3A_1081 = vector.broadcast %max3A_1080 : f32 to vector<16xf32>
          %max3A_1082 = arith.maximumf %get3A_1079, %max3A_1081 : vector<16xf32>
          %min3A_1083 = arith.constant 1.000000e+00 : f32
          %min3A_1084 = vector.broadcast %min3A_1083 : f32 to vector<16xf32>
          %min3A_1085 = arith.minimumf %max3A_1082, %min3A_1084 : vector<16xf32>
          %swap3A_1086 = arith.constant 1 : i32
          %swap3A_1087 = arith.index_cast %swap3A_1086 : i32 to index
          %swap3A_1088 = arith.index_cast %multiple_of3A_1074 : i32 to index
          %swap3A_1089 = tpu.vector_load %arg9[%swap3A_1087, %swap3A_1088] {strides = array<i32>} : memref<4x4096xf32, #tpu.memory_space<vmem>>, vector<1x16xf32>,
          %swap3A_1090 = vector.shape_cast %swap3A_1089 : vector<1x16xf32> to vector<16xf32>
          %swap3A_1091 = vector.shape_cast %min3A_1085 : vector<16xf32> to vector<1x16xf32>
          tpu.vector_store %arg9[%swap3A_1087, %swap3A_1088], %swap3A_1091 {strides = array<i32>} : memref<4x4096xf32, #tpu.memory_space<vmem>>, vector<1x16xf32>,
          %mul3A_1092 = arith.constant 128 : i32
          %mul3A_1093 = arith.muli %scan3A_1027, %mul3A_1092 : i32
          %add3A_1094 = arith.constant 48 : i32
          %add3A_1095 = arith.addi %mul3A_1093, %add3A_1094 : i32
          %multiple_of3A_1096 = tpu.assume_multiple %add3A_1095, 16 : i32
          %get3A_1097 = arith.constant 1 : i32
          %get3A_1098 = arith.index_cast %get3A_1097 : i32 to index
          %get3A_1099 = arith.index_cast %multiple_of3A_1096 : i32 to index
          %get3A_1100 = tpu.vector_load %arg8[%get3A_1098, %get3A_1099] {strides = array<i32>} : memref<4x4096xf32, #tpu.memory_space<vmem>>, vector<1x16xf32>,
          %get3A_1101 = vector.shape_cast %get3A_1100 : vector<1x16xf32> to vector<16xf32>
          %max3A_1102 = arith.constant 0.000000e+00 : f32
          %max3A_1103 = vector.broadcast %max3A_1102 : f32 to vector<16xf32>
          %max3A_1104 = arith.maximumf %get3A_1101, %max3A_1103 : vector<16xf32>
          %min3A_1105 = arith.constant 1.000000e+00 : f32
          %min3A_1106 = vector.broadcast %min3A_1105 : f32 to vector<16xf32>
          %min3A_1107 = arith.minimumf %max3A_1104, %min3A_1106 : vector<16xf32>
          %swap3A_1108 = arith.constant 1 : i32
          %swap3A_1109 = arith.index_cast %swap3A_1108 : i32 to index
          %swap3A_1110 = arith.index_cast %multiple_of3A_1096 : i32 to index
          %swap3A_1111 = tpu.vector_load %arg9[%swap3A_1109, %swap3A_1110] {strides = array<i32>} : memref<4x4096xf32, #tpu.memory_space<vmem>>, vector<1x16xf32>,
          %swap3A_1112 = vector.shape_cast %swap3A_1111 : vector<1x16xf32> to vector<16xf32>
          %swap3A_1113 = vector.shape_cast %min3A_1107 : vector<16xf32> to vector<1x16xf32>
          tpu.vector_store %arg9[%swap3A_1109, %swap3A_1110], %swap3A_1113 {strides = array<i32>} : memref<4x4096xf32, #tpu.memory_space<vmem>>, vector<1x16xf32>,
          %mul3A_1114 = arith.constant 128 : i32
          %mul3A_1115 = arith.muli %scan3A_1027, %mul3A_1114 : i32
          %add3A_1116 = arith.constant 64 : i32
          %add3A_1117 = arith.addi %mul3A_1115, %add3A_1116 : i32
          %multiple_of3A_1118 = tpu.assume_multiple %add3A_1117, 16 : i32
          %get3A_1119 = arith.constant 1 : i32
          %get3A_1120 = arith.index_cast %get3A_1119 : i32 to index
          %get3A_1121 = arith.index_cast %multiple_of3A_1118 : i32 to index
          %get3A_1122 = tpu.vector_load %arg8[%get3A_1120, %get3A_1121] {strides = array<i32>} : memref<4x4096xf32, #tpu.memory_space<vmem>>, vector<1x16xf32>,
          %get3A_1123 = vector.shape_cast %get3A_1122 : vector<1x16xf32> to vector<16xf32>
          %max3A_1124 = arith.constant 0.000000e+00 : f32
          %max3A_1125 = vector.broadcast %max3A_1124 : f32 to vector<16xf32>
          %max3A_1126 = arith.maximumf %get3A_1123, %max3A_1125 : vector<16xf32>
          %min3A_1127 = arith.constant 1.000000e+00 : f32
          %min3A_1128 = vector.broadcast %min3A_1127 : f32 to vector<16xf32>
          %min3A_1129 = arith.minimumf %max3A_1126, %min3A_1128 : vector<16xf32>
          %swap3A_1130 = arith.constant 1 : i32
          %swap3A_1131 = arith.index_cast %swap3A_1130 : i32 to index
          %swap3A_1132 = arith.index_cast %multiple_of3A_1118 : i32 to index
          %swap3A_1133 = tpu.vector_load %arg9[%swap3A_1131, %swap3A_1132] {strides = array<i32>} : memref<4x4096xf32, #tpu.memory_space<vmem>>, vector<1x16xf32>,
          %swap3A_1134 = vector.shape_cast %swap3A_1133 : vector<1x16xf32> to vector<16xf32>
          %swap3A_1135 = vector.shape_cast %min3A_1129 : vector<16xf32> to vector<1x16xf32>
          tpu.vector_store %arg9[%swap3A_1131, %swap3A_1132], %swap3A_1135 {strides = array<i32>} : memref<4x4096xf32, #tpu.memory_space<vmem>>, vector<1x16xf32>,
          %mul3A_1136 = arith.constant 128 : i32
          %mul3A_1137 = arith.muli %scan3A_1027, %mul3A_1136 : i32
          %add3A_1138 = arith.constant 80 : i32
          %add3A_1139 = arith.addi %mul3A_1137, %add3A_1138 : i32
          %multiple_of3A_1140 = tpu.assume_multiple %add3A_1139, 16 : i32
          %get3A_1141 = arith.constant 1 : i32
          %get3A_1142 = arith.index_cast %get3A_1141 : i32 to index
          %get3A_1143 = arith.index_cast %multiple_of3A_1140 : i32 to index
          %get3A_1144 = tpu.vector_load %arg8[%get3A_1142, %get3A_1143] {strides = array<i32>} : memref<4x4096xf32, #tpu.memory_space<vmem>>, vector<1x16xf32>,
          %get3A_1145 = vector.shape_cast %get3A_1144 : vector<1x16xf32> to vector<16xf32>
          %max3A_1146 = arith.constant 0.000000e+00 : f32
          %max3A_1147 = vector.broadcast %max3A_1146 : f32 to vector<16xf32>
          %max3A_1148 = arith.maximumf %get3A_1145, %max3A_1147 : vector<16xf32>
          %min3A_1149 = arith.constant 1.000000e+00 : f32
          %min3A_1150 = vector.broadcast %min3A_1149 : f32 to vector<16xf32>
          %min3A_1151 = arith.minimumf %max3A_1148, %min3A_1150 : vector<16xf32>
          %swap3A_1152 = arith.constant 1 : i32
          %swap3A_1153 = arith.index_cast %swap3A_1152 : i32 to index
          %swap3A_1154 = arith.index_cast %multiple_of3A_1140 : i32 to index
          %swap3A_1155 = tpu.vector_load %arg9[%swap3A_1153, %swap3A_1154] {strides = array<i32>} : memref<4x4096xf32, #tpu.memory_space<vmem>>, vector<1x16xf32>,
          %swap3A_1156 = vector.shape_cast %swap3A_1155 : vector<1x16xf32> to vector<16xf32>
          %swap3A_1157 = vector.shape_cast %min3A_1151 : vector<16xf32> to vector<1x16xf32>
          tpu.vector_store %arg9[%swap3A_1153, %swap3A_1154], %swap3A_1157 {strides = array<i32>} : memref<4x4096xf32, #tpu.memory_space<vmem>>, vector<1x16xf32>,
          %mul3A_1158 = arith.constant 128 : i32
          %mul3A_1159 = arith.muli %scan3A_1027, %mul3A_1158 : i32
          %add3A_1160 = arith.constant 96 : i32
          %add3A_1161 = arith.addi %mul3A_1159, %add3A_1160 : i32
          %multiple_of3A_1162 = tpu.assume_multiple %add3A_1161, 16 : i32
          %get3A_1163 = arith.constant 1 : i32
          %get3A_1164 = arith.index_cast %get3A_1163 : i32 to index
          %get3A_1165 = arith.index_cast %multiple_of3A_1162 : i32 to index
          %get3A_1166 = tpu.vector_load %arg8[%get3A_1164, %get3A_1165] {strides = array<i32>} : memref<4x4096xf32, #tpu.memory_space<vmem>>, vector<1x16xf32>,
          %get3A_1167 = vector.shape_cast %get3A_1166 : vector<1x16xf32> to vector<16xf32>
          %max3A_1168 = arith.constant 0.000000e+00 : f32
          %max3A_1169 = vector.broadcast %max3A_1168 : f32 to vector<16xf32>
          %max3A_1170 = arith.maximumf %get3A_1167, %max3A_1169 : vector<16xf32>
          %min3A_1171 = arith.constant 1.000000e+00 : f32
          %min3A_1172 = vector.broadcast %min3A_1171 : f32 to vector<16xf32>
          %min3A_1173 = arith.minimumf %max3A_1170, %min3A_1172 : vector<16xf32>
          %swap3A_1174 = arith.constant 1 : i32
          %swap3A_1175 = arith.index_cast %swap3A_1174 : i32 to index
          %swap3A_1176 = arith.index_cast %multiple_of3A_1162 : i32 to index
          %swap3A_1177 = tpu.vector_load %arg9[%swap3A_1175, %swap3A_1176] {strides = array<i32>} : memref<4x4096xf32, #tpu.memory_space<vmem>>, vector<1x16xf32>,
          %swap3A_1178 = vector.shape_cast %swap3A_1177 : vector<1x16xf32> to vector<16xf32>
          %swap3A_1179 = vector.shape_cast %min3A_1173 : vector<16xf32> to vector<1x16xf32>
          tpu.vector_store %arg9[%swap3A_1175, %swap3A_1176], %swap3A_1179 {strides = array<i32>} : memref<4x4096xf32, #tpu.memory_space<vmem>>, vector<1x16xf32>,
          %mul3A_1180 = arith.constant 128 : i32
          %mul3A_1181 = arith.muli %scan3A_1027, %mul3A_1180 : i32
          %add3A_1182 = arith.constant 112 : i32
          %add3A_1183 = arith.addi %mul3A_1181, %add3A_1182 : i32
          %multiple_of3A_1184 = tpu.assume_multiple %add3A_1183, 16 : i32
          %get3A_1185 = arith.constant 1 : i32
          %get3A_1186 = arith.index_cast %get3A_1185 : i32 to index
          %get3A_1187 = arith.index_cast %multiple_of3A_1184 : i32 to index
          %get3A_1188 = tpu.vector_load %arg8[%get3A_1186, %get3A_1187] {strides = array<i32>} : memref<4x4096xf32, #tpu.memory_space<vmem>>, vector<1x16xf32>,
          %get3A_1189 = vector.shape_cast %get3A_1188 : vector<1x16xf32> to vector<16xf32>
          %max3A_1190 = arith.constant 0.000000e+00 : f32
          %max3A_1191 = vector.broadcast %max3A_1190 : f32 to vector<16xf32>
          %max3A_1192 = arith.maximumf %get3A_1189, %max3A_1191 : vector<16xf32>
          %min3A_1193 = arith.constant 1.000000e+00 : f32
          %min3A_1194 = vector.broadcast %min3A_1193 : f32 to vector<16xf32>
          %min3A_1195 = arith.minimumf %max3A_1192, %min3A_1194 : vector<16xf32>
          %swap3A_1196 = arith.constant 1 : i32
          %swap3A_1197 = arith.index_cast %swap3A_1196 : i32 to index
          %swap3A_1198 = arith.index_cast %multiple_of3A_1184 : i32 to index
          %swap3A_1199 = tpu.vector_load %arg9[%swap3A_1197, %swap3A_1198] {strides = array<i32>} : memref<4x4096xf32, #tpu.memory_space<vmem>>, vector<1x16xf32>,
          %swap3A_1200 = vector.shape_cast %swap3A_1199 : vector<1x16xf32> to vector<16xf32>
          %swap3A_1201 = vector.shape_cast %min3A_1195 : vector<16xf32> to vector<1x16xf32>
          tpu.vector_store %arg9[%swap3A_1197, %swap3A_1198], %swap3A_1201 {strides = array<i32>} : memref<4x4096xf32, #tpu.memory_space<vmem>>, vector<1x16xf32>,
          %scan3A_1202 = arith.constant 0 : i32
          scf.yield %scan3A_1202 : i32
        }
        %scan3A_848 = arith.constant 32 : i32
        %sub3A_849 = arith.subi %add3A_841, %mul3A_2 : i32
        %get3A_850 = arith.index_cast %sub3A_849 : i32 to index
        %get3A_851 = memref.load %arg16[%get3A_850] : memref<128xf32, #tpu.memory_space<smem>>
        %gt3A_852 = arith.constant 5.000000e-01 : f32
        %gt3A_853 = arith.cmpf ogt, %get3A_851, %gt3A_852 : f32
        %convert_element_type3A_854 = arith.extui %gt3A_853 : i1 to i32
        %cond3A_855 = arith.constant 0 : i32
        %cond3A_856 = arith.cmpi ne, %convert_element_type3A_854, %cond3A_855 : i32
        scf.if %cond3A_856 {
          %convert_element_type3A_1027 = arith.sitofp %add3A_841 : i32 to f32
          %add3A_1028 = arith.constant 1 : i32
          %add3A_1029 = arith.addi %add3A_841, %add3A_1028 : i32
          %jit3A_1030 = arith.constant 16 : i32
          %div3A = arith.divsi %add3A_1029, %jit3A_1030 : i32
          %sign3A = arith.constant 0 : i32
          %sign3A_1031 = arith.cmpi sgt, %add3A_1029, %sign3A : i32
          %sign3A_1032 = arith.extui %sign3A_1031 : i1 to i32
          %sign3A_1033 = arith.constant 0 : i32
          %sign3A_1034 = arith.cmpi slt, %add3A_1029, %sign3A_1033 : i32
          %sign3A_1035 = arith.extui %sign3A_1034 : i1 to i32
          %sign3A_1036 = arith.subi %sign3A_1032, %sign3A_1035 : i32
          %sign3A_1037 = arith.constant 0 : i32
          %sign3A_1038 = arith.cmpi sgt, %jit3A_1030, %sign3A_1037 : i32
          %sign3A_1039 = arith.extui %sign3A_1038 : i1 to i32
          %sign3A_1040 = arith.constant 0 : i32
          %sign3A_1041 = arith.cmpi slt, %jit3A_1030, %sign3A_1040 : i32
          %sign3A_1042 = arith.extui %sign3A_1041 : i1 to i32
          %sign3A_1043 = arith.subi %sign3A_1039, %sign3A_1042 : i32
          %ne3A = arith.cmpi ne, %sign3A_1036, %sign3A_1043 : i32
          %rem3A = arith.remsi %add3A_1029, %jit3A_1030 : i32
          %ne3A_1044 = arith.constant 0 : i32
          %ne3A_1045 = arith.cmpi ne, %rem3A, %ne3A_1044 : i32
          %and3A = arith.andi %ne3A, %ne3A_1045 : i1
          %sub3A_1046 = arith.constant 1 : i32
          %sub3A_1047 = arith.subi %div3A, %sub3A_1046 : i32
          %select_n3A_1048 = arith.select %and3A, %sub3A_1047, %div3A : i32
          %scan3A_1049 = arith.constant 0 : i32
          %scan3A_1050 = arith.constant 0 : i32
          %scan3A_1051 = arith.constant 9 : i32
          %scan3A_1052 = arith.addi %scan3A_1050, %scan3A_1051 : i32
          %scan3A_1053 = arith.constant 1 : i32
          %scan3A_1054 = scf.for %scan3A_1056 = %scan3A_1050 to %scan3A_1052 step %scan3A_1053 iter_args(%scan3A_1057 = %scan3A_1049) -> (i32)  : i32 {
            %add3A_1058 = arith.addi %select_n3A_1048, %scan3A_1056 : i32
            %min3A = arith.constant 255 : i32
            %min3A_1059 = arith.minsi %add3A_1058, %min3A : i32
            %mul3A_1060 = arith.constant 16 : i32
            %mul3A_1061 = arith.muli %min3A_1059, %mul3A_1060 : i32
            %multiple_of3A = tpu.assume_multiple %mul3A_1061, 16 : i32
            %convert_element_type3A_1062 = arith.sitofp %multiple_of3A : i32 to f32
            %add3A_1063 = vector.broadcast %convert_element_type3A_1062 : f32 to vector<16xf32>
            %add3A_1064 = arith.addf %convert_element_type3A, %add3A_1063 : vector<16xf32>
            %sub3A_1065 = vector.broadcast %convert_element_type3A_1027 : f32 to vector<16xf32>
            %sub3A_1066 = arith.subf %add3A_1064, %sub3A_1065 : vector<16xf32>
            %gt3A_1067 = arith.constant 5.000000e-01 : f32
            %gt3A_1068 = vector.broadcast %gt3A_1067 : f32 to vector<16xf32>
            %gt3A_1069 = arith.cmpf ogt, %sub3A_1066, %gt3A_1068 : vector<16xf32>
            %jit3A_1070 = arith.constant 1.000000e+00 : f32
            %jit3A_1071 = arith.constant 0.000000e+00 : f32
            %broadcast_in_dim3A_1072 = vector.broadcast %jit3A_1070 : f32 to vector<16xf32>
            %broadcast_in_dim3A_1073 = vector.broadcast %jit3A_1071 : f32 to vector<16xf32>
            %select_n3A_1074 = arith.select %gt3A_1069, %broadcast_in_dim3A_1072, %broadcast_in_dim3A_1073 : vector<16xi1>, vector<16xf32>
            %lt3A_1075 = arith.constant 1.285000e+02 : f32
            %lt3A_1076 = vector.broadcast %lt3A_1075 : f32 to vector<16xf32>
            %lt3A_1077 = arith.cmpf olt, %sub3A_1066, %lt3A_1076 : vector<16xf32>
            %jit3A_1078 = arith.constant 1.000000e+00 : f32
            %jit3A_1079 = arith.constant 0.000000e+00 : f32
            %broadcast_in_dim3A_1080 = vector.broadcast %jit3A_1078 : f32 to vector<16xf32>
            %broadcast_in_dim3A_1081 = vector.broadcast %jit3A_1079 : f32 to vector<16xf32>
            %select_n3A_1082 = arith.select %lt3A_1077, %broadcast_in_dim3A_1080, %broadcast_in_dim3A_1081 : vector<16xi1>, vector<16xf32>
            %mul3A_1083 = arith.mulf %sub3A_1066, %sub3A_1066 : vector<16xf32>
            %neg3A = arith.constant 0.000000e+00 : f32
            %neg3A_1084 = vector.broadcast %neg3A : f32 to vector<16xf32>
            %neg3A_1085 = arith.subf %neg3A_1084, %mul3A_1083 : vector<16xf32>
            %mul3A_1086 = arith.constant 1.250000e-03 : f32
            %mul3A_1087 = vector.broadcast %mul3A_1086 : f32 to vector<16xf32>
            %mul3A_1088 = arith.mulf %neg3A_1085, %mul3A_1087 : vector<16xf32>
            %exp3A = math.exp %mul3A_1088 : vector<16xf32>
            %mul3A_1089 = arith.constant 0.00999999977 : f32
            %mul3A_1090 = vector.broadcast %mul3A_1089 : f32 to vector<16xf32>
            %mul3A_1091 = arith.mulf %mul3A_1090, %exp3A : vector<16xf32>
            %get3A_1092 = arith.index_cast %multiple_of3A : i32 to index
            %get3A_1093 = tpu.vector_load %arg6[%get3A_1092] {strides = array<i32>} : memref<4096xf32, #tpu.memory_space<vmem>>, vector<16xf32>,
            %get3A_1094 = vector.shape_cast %get3A_1093 : vector<16xf32> to vector<16xf32>
            %ge3A_1095 = arith.constant 1.000000e+00 : f32
            %ge3A_1096 = vector.broadcast %ge3A_1095 : f32 to vector<16xf32>
            %ge3A_1097 = arith.cmpf oge, %get3A_1094, %ge3A_1096 : vector<16xf32>
            %jit3A_1098 = arith.constant 1.000000e+00 : f32
            %jit3A_1099 = arith.constant 0.000000e+00 : f32
            %broadcast_in_dim3A_1100 = vector.broadcast %jit3A_1098 : f32 to vector<16xf32>
            %broadcast_in_dim3A_1101 = vector.broadcast %jit3A_1099 : f32 to vector<16xf32>
            %select_n3A_1102 = arith.select %ge3A_1097, %broadcast_in_dim3A_1100, %broadcast_in_dim3A_1101 : vector<16xi1>, vector<16xf32>
            %mul3A_1103 = arith.mulf %select_n3A_1074, %select_n3A_1082 : vector<16xf32>
            %mul3A_1104 = arith.mulf %mul3A_1091, %mul3A_1103 : vector<16xf32>
            %mul3A_1105 = arith.mulf %mul3A_1104, %select_n3A_1102 : vector<16xf32>
            %get3A_1106 = arith.constant 1 : i32
            %get3A_1107 = arith.index_cast %get3A_1106 : i32 to index
            %get3A_1108 = arith.index_cast %multiple_of3A : i32 to index
            %get3A_1109 = tpu.vector_load %arg8[%get3A_1107, %get3A_1108] {strides = array<i32>} : memref<4x4096xf32, #tpu.memory_space<vmem>>, vector<1x16xf32>,
            %get3A_1110 = vector.shape_cast %get3A_1109 : vector<1x16xf32> to vector<16xf32>
            %add3A_1111 = arith.addf %get3A_1110, %mul3A_1105 : vector<16xf32>
            %max3A = arith.constant 0.000000e+00 : f32
            %max3A_1112 = vector.broadcast %max3A : f32 to vector<16xf32>
            %max3A_1113 = arith.maximumf %add3A_1111, %max3A_1112 : vector<16xf32>
            %min3A_1114 = arith.constant 1.000000e+00 : f32
            %min3A_1115 = vector.broadcast %min3A_1114 : f32 to vector<16xf32>
            %min3A_1116 = arith.minimumf %max3A_1113, %min3A_1115 : vector<16xf32>
            %swap3A_1117 = arith.constant 1 : i32
            %swap3A_1118 = arith.index_cast %swap3A_1117 : i32 to index
            %swap3A_1119 = arith.index_cast %multiple_of3A : i32 to index
            %swap3A_1120 = tpu.vector_load %arg9[%swap3A_1118, %swap3A_1119] {strides = array<i32>} : memref<4x4096xf32, #tpu.memory_space<vmem>>, vector<1x16xf32>,
            %swap3A_1121 = vector.shape_cast %swap3A_1120 : vector<1x16xf32> to vector<16xf32>
            %swap3A_1122 = vector.shape_cast %min3A_1116 : vector<16xf32> to vector<1x16xf32>
            tpu.vector_store %arg9[%swap3A_1118, %swap3A_1119], %swap3A_1122 {strides = array<i32>} : memref<4x4096xf32, #tpu.memory_space<vmem>>, vector<1x16xf32>,
            %scan3A_1123 = arith.constant 0 : i32
            scf.yield %scan3A_1123 : i32
          }
          %scan3A_1055 = arith.constant 9 : i32
        } else {
        }
        %dma_start3A_857 = arith.constant 0 : i32
        %dma_start3A_858 = arith.constant 0 : i32
        %dma_start3A_859 = tpu.memref_slice %arg9[%dma_start3A_857, %dma_start3A_858] : memref<4x4096xf32, #tpu.memory_space<vmem>> -> memref<2x4096xf32, #tpu.memory_space<vmem>>
        %dma_start3A_860 = arith.constant 0 : i32
        %dma_start3A_861 = tpu.memref_slice %arg5[%add3A_808, %dma_start3A_860] : memref<4096x4096xf32, #tpu.memory_space<hbm>> -> memref<2x4096xf32, #tpu.memory_space<hbm>>
        %dma_start3A_862 = arith.constant 0 : i32
        %dma_start3A_863 = tpu.memref_slice %arg5[%add3A_808, %dma_start3A_862] : memref<4096x4096xf32, #tpu.memory_space<hbm>> -> memref<2x4096xf32, #tpu.memory_space<hbm>>
        %dma_start3A_864 = arith.constant 0 : i32
        %dma_start3A_865 = arith.constant 0 : i32
        %dma_start3A_866 = tpu.memref_slice %arg9[%dma_start3A_864, %dma_start3A_865] : memref<4x4096xf32, #tpu.memory_space<vmem>> -> memref<2x4096xf32, #tpu.memory_space<vmem>>
        tpu.enqueue_dma source(%dma_start3A_866 : memref<2x4096xf32, #tpu.memory_space<vmem>>) target(%dma_start3A_863 : memref<2x4096xf32, #tpu.memory_space<hbm>>) target_semaphore(%arg13 : memref<!tpu.dma_semaphore, #tpu.memory_space<semaphore_mem>>)
        %add3A_867 = arith.constant 2 : i32
        %add3A_868 = arith.addi %add3A_808, %add3A_867 : i32
        %scan3A_869 = arith.constant 0 : i32
        %scan3A_870 = arith.constant 0 : i32
        %scan3A_871 = arith.constant 32 : i32
        %scan3A_872 = arith.addi %scan3A_870, %scan3A_871 : i32
        %scan3A_873 = arith.constant 1 : i32
        %scan3A_874 = scf.for %scan3A_1027 = %scan3A_870 to %scan3A_872 step %scan3A_873 iter_args(%scan3A_1028 = %scan3A_869) -> (i32)  : i32 {
          %mul3A_1029 = arith.constant 128 : i32
          %mul3A_1030 = arith.muli %scan3A_1027, %mul3A_1029 : i32
          %add3A_1031 = arith.constant 0 : i32
          %add3A_1032 = arith.addi %mul3A_1030, %add3A_1031 : i32
          %multiple_of3A = tpu.assume_multiple %add3A_1032, 16 : i32
          %get3A_1033 = arith.constant 2 : i32
          %get3A_1034 = arith.index_cast %get3A_1033 : i32 to index
          %get3A_1035 = arith.index_cast %multiple_of3A : i32 to index
          %get3A_1036 = tpu.vector_load %arg8[%get3A_1034, %get3A_1035] {strides = array<i32>} : memref<4x4096xf32, #tpu.memory_space<vmem>>, vector<1x16xf32>,
          %get3A_1037 = vector.shape_cast %get3A_1036 : vector<1x16xf32> to vector<16xf32>
          %max3A = arith.constant 0.000000e+00 : f32
          %max3A_1038 = vector.broadcast %max3A : f32 to vector<16xf32>
          %max3A_1039 = arith.maximumf %get3A_1037, %max3A_1038 : vector<16xf32>
          %min3A = arith.constant 1.000000e+00 : f32
          %min3A_1040 = vector.broadcast %min3A : f32 to vector<16xf32>
          %min3A_1041 = arith.minimumf %max3A_1039, %min3A_1040 : vector<16xf32>
          %swap3A_1042 = arith.constant 2 : i32
          %swap3A_1043 = arith.index_cast %swap3A_1042 : i32 to index
          %swap3A_1044 = arith.index_cast %multiple_of3A : i32 to index
          %swap3A_1045 = tpu.vector_load %arg9[%swap3A_1043, %swap3A_1044] {strides = array<i32>} : memref<4x4096xf32, #tpu.memory_space<vmem>>, vector<1x16xf32>,
          %swap3A_1046 = vector.shape_cast %swap3A_1045 : vector<1x16xf32> to vector<16xf32>
          %swap3A_1047 = vector.shape_cast %min3A_1041 : vector<16xf32> to vector<1x16xf32>
          tpu.vector_store %arg9[%swap3A_1043, %swap3A_1044], %swap3A_1047 {strides = array<i32>} : memref<4x4096xf32, #tpu.memory_space<vmem>>, vector<1x16xf32>,
          %mul3A_1048 = arith.constant 128 : i32
          %mul3A_1049 = arith.muli %scan3A_1027, %mul3A_1048 : i32
          %add3A_1050 = arith.constant 16 : i32
          %add3A_1051 = arith.addi %mul3A_1049, %add3A_1050 : i32
          %multiple_of3A_1052 = tpu.assume_multiple %add3A_1051, 16 : i32
          %get3A_1053 = arith.constant 2 : i32
          %get3A_1054 = arith.index_cast %get3A_1053 : i32 to index
          %get3A_1055 = arith.index_cast %multiple_of3A_1052 : i32 to index
          %get3A_1056 = tpu.vector_load %arg8[%get3A_1054, %get3A_1055] {strides = array<i32>} : memref<4x4096xf32, #tpu.memory_space<vmem>>, vector<1x16xf32>,
          %get3A_1057 = vector.shape_cast %get3A_1056 : vector<1x16xf32> to vector<16xf32>
          %max3A_1058 = arith.constant 0.000000e+00 : f32
          %max3A_1059 = vector.broadcast %max3A_1058 : f32 to vector<16xf32>
          %max3A_1060 = arith.maximumf %get3A_1057, %max3A_1059 : vector<16xf32>
          %min3A_1061 = arith.constant 1.000000e+00 : f32
          %min3A_1062 = vector.broadcast %min3A_1061 : f32 to vector<16xf32>
          %min3A_1063 = arith.minimumf %max3A_1060, %min3A_1062 : vector<16xf32>
          %swap3A_1064 = arith.constant 2 : i32
          %swap3A_1065 = arith.index_cast %swap3A_1064 : i32 to index
          %swap3A_1066 = arith.index_cast %multiple_of3A_1052 : i32 to index
          %swap3A_1067 = tpu.vector_load %arg9[%swap3A_1065, %swap3A_1066] {strides = array<i32>} : memref<4x4096xf32, #tpu.memory_space<vmem>>, vector<1x16xf32>,
          %swap3A_1068 = vector.shape_cast %swap3A_1067 : vector<1x16xf32> to vector<16xf32>
          %swap3A_1069 = vector.shape_cast %min3A_1063 : vector<16xf32> to vector<1x16xf32>
          tpu.vector_store %arg9[%swap3A_1065, %swap3A_1066], %swap3A_1069 {strides = array<i32>} : memref<4x4096xf32, #tpu.memory_space<vmem>>, vector<1x16xf32>,
          %mul3A_1070 = arith.constant 128 : i32
          %mul3A_1071 = arith.muli %scan3A_1027, %mul3A_1070 : i32
          %add3A_1072 = arith.constant 32 : i32
          %add3A_1073 = arith.addi %mul3A_1071, %add3A_1072 : i32
          %multiple_of3A_1074 = tpu.assume_multiple %add3A_1073, 16 : i32
          %get3A_1075 = arith.constant 2 : i32
          %get3A_1076 = arith.index_cast %get3A_1075 : i32 to index
          %get3A_1077 = arith.index_cast %multiple_of3A_1074 : i32 to index
          %get3A_1078 = tpu.vector_load %arg8[%get3A_1076, %get3A_1077] {strides = array<i32>} : memref<4x4096xf32, #tpu.memory_space<vmem>>, vector<1x16xf32>,
          %get3A_1079 = vector.shape_cast %get3A_1078 : vector<1x16xf32> to vector<16xf32>
          %max3A_1080 = arith.constant 0.000000e+00 : f32
          %max3A_1081 = vector.broadcast %max3A_1080 : f32 to vector<16xf32>
          %max3A_1082 = arith.maximumf %get3A_1079, %max3A_1081 : vector<16xf32>
          %min3A_1083 = arith.constant 1.000000e+00 : f32
          %min3A_1084 = vector.broadcast %min3A_1083 : f32 to vector<16xf32>
          %min3A_1085 = arith.minimumf %max3A_1082, %min3A_1084 : vector<16xf32>
          %swap3A_1086 = arith.constant 2 : i32
          %swap3A_1087 = arith.index_cast %swap3A_1086 : i32 to index
          %swap3A_1088 = arith.index_cast %multiple_of3A_1074 : i32 to index
          %swap3A_1089 = tpu.vector_load %arg9[%swap3A_1087, %swap3A_1088] {strides = array<i32>} : memref<4x4096xf32, #tpu.memory_space<vmem>>, vector<1x16xf32>,
          %swap3A_1090 = vector.shape_cast %swap3A_1089 : vector<1x16xf32> to vector<16xf32>
          %swap3A_1091 = vector.shape_cast %min3A_1085 : vector<16xf32> to vector<1x16xf32>
          tpu.vector_store %arg9[%swap3A_1087, %swap3A_1088], %swap3A_1091 {strides = array<i32>} : memref<4x4096xf32, #tpu.memory_space<vmem>>, vector<1x16xf32>,
          %mul3A_1092 = arith.constant 128 : i32
          %mul3A_1093 = arith.muli %scan3A_1027, %mul3A_1092 : i32
          %add3A_1094 = arith.constant 48 : i32
          %add3A_1095 = arith.addi %mul3A_1093, %add3A_1094 : i32
          %multiple_of3A_1096 = tpu.assume_multiple %add3A_1095, 16 : i32
          %get3A_1097 = arith.constant 2 : i32
          %get3A_1098 = arith.index_cast %get3A_1097 : i32 to index
          %get3A_1099 = arith.index_cast %multiple_of3A_1096 : i32 to index
          %get3A_1100 = tpu.vector_load %arg8[%get3A_1098, %get3A_1099] {strides = array<i32>} : memref<4x4096xf32, #tpu.memory_space<vmem>>, vector<1x16xf32>,
          %get3A_1101 = vector.shape_cast %get3A_1100 : vector<1x16xf32> to vector<16xf32>
          %max3A_1102 = arith.constant 0.000000e+00 : f32
          %max3A_1103 = vector.broadcast %max3A_1102 : f32 to vector<16xf32>
          %max3A_1104 = arith.maximumf %get3A_1101, %max3A_1103 : vector<16xf32>
          %min3A_1105 = arith.constant 1.000000e+00 : f32
          %min3A_1106 = vector.broadcast %min3A_1105 : f32 to vector<16xf32>
          %min3A_1107 = arith.minimumf %max3A_1104, %min3A_1106 : vector<16xf32>
          %swap3A_1108 = arith.constant 2 : i32
          %swap3A_1109 = arith.index_cast %swap3A_1108 : i32 to index
          %swap3A_1110 = arith.index_cast %multiple_of3A_1096 : i32 to index
          %swap3A_1111 = tpu.vector_load %arg9[%swap3A_1109, %swap3A_1110] {strides = array<i32>} : memref<4x4096xf32, #tpu.memory_space<vmem>>, vector<1x16xf32>,
          %swap3A_1112 = vector.shape_cast %swap3A_1111 : vector<1x16xf32> to vector<16xf32>
          %swap3A_1113 = vector.shape_cast %min3A_1107 : vector<16xf32> to vector<1x16xf32>
          tpu.vector_store %arg9[%swap3A_1109, %swap3A_1110], %swap3A_1113 {strides = array<i32>} : memref<4x4096xf32, #tpu.memory_space<vmem>>, vector<1x16xf32>,
          %mul3A_1114 = arith.constant 128 : i32
          %mul3A_1115 = arith.muli %scan3A_1027, %mul3A_1114 : i32
          %add3A_1116 = arith.constant 64 : i32
          %add3A_1117 = arith.addi %mul3A_1115, %add3A_1116 : i32
          %multiple_of3A_1118 = tpu.assume_multiple %add3A_1117, 16 : i32
          %get3A_1119 = arith.constant 2 : i32
          %get3A_1120 = arith.index_cast %get3A_1119 : i32 to index
          %get3A_1121 = arith.index_cast %multiple_of3A_1118 : i32 to index
          %get3A_1122 = tpu.vector_load %arg8[%get3A_1120, %get3A_1121] {strides = array<i32>} : memref<4x4096xf32, #tpu.memory_space<vmem>>, vector<1x16xf32>,
          %get3A_1123 = vector.shape_cast %get3A_1122 : vector<1x16xf32> to vector<16xf32>
          %max3A_1124 = arith.constant 0.000000e+00 : f32
          %max3A_1125 = vector.broadcast %max3A_1124 : f32 to vector<16xf32>
          %max3A_1126 = arith.maximumf %get3A_1123, %max3A_1125 : vector<16xf32>
          %min3A_1127 = arith.constant 1.000000e+00 : f32
          %min3A_1128 = vector.broadcast %min3A_1127 : f32 to vector<16xf32>
          %min3A_1129 = arith.minimumf %max3A_1126, %min3A_1128 : vector<16xf32>
          %swap3A_1130 = arith.constant 2 : i32
          %swap3A_1131 = arith.index_cast %swap3A_1130 : i32 to index
          %swap3A_1132 = arith.index_cast %multiple_of3A_1118 : i32 to index
          %swap3A_1133 = tpu.vector_load %arg9[%swap3A_1131, %swap3A_1132] {strides = array<i32>} : memref<4x4096xf32, #tpu.memory_space<vmem>>, vector<1x16xf32>,
          %swap3A_1134 = vector.shape_cast %swap3A_1133 : vector<1x16xf32> to vector<16xf32>
          %swap3A_1135 = vector.shape_cast %min3A_1129 : vector<16xf32> to vector<1x16xf32>
          tpu.vector_store %arg9[%swap3A_1131, %swap3A_1132], %swap3A_1135 {strides = array<i32>} : memref<4x4096xf32, #tpu.memory_space<vmem>>, vector<1x16xf32>,
          %mul3A_1136 = arith.constant 128 : i32
          %mul3A_1137 = arith.muli %scan3A_1027, %mul3A_1136 : i32
          %add3A_1138 = arith.constant 80 : i32
          %add3A_1139 = arith.addi %mul3A_1137, %add3A_1138 : i32
          %multiple_of3A_1140 = tpu.assume_multiple %add3A_1139, 16 : i32
          %get3A_1141 = arith.constant 2 : i32
          %get3A_1142 = arith.index_cast %get3A_1141 : i32 to index
          %get3A_1143 = arith.index_cast %multiple_of3A_1140 : i32 to index
          %get3A_1144 = tpu.vector_load %arg8[%get3A_1142, %get3A_1143] {strides = array<i32>} : memref<4x4096xf32, #tpu.memory_space<vmem>>, vector<1x16xf32>,
          %get3A_1145 = vector.shape_cast %get3A_1144 : vector<1x16xf32> to vector<16xf32>
          %max3A_1146 = arith.constant 0.000000e+00 : f32
          %max3A_1147 = vector.broadcast %max3A_1146 : f32 to vector<16xf32>
          %max3A_1148 = arith.maximumf %get3A_1145, %max3A_1147 : vector<16xf32>
          %min3A_1149 = arith.constant 1.000000e+00 : f32
          %min3A_1150 = vector.broadcast %min3A_1149 : f32 to vector<16xf32>
          %min3A_1151 = arith.minimumf %max3A_1148, %min3A_1150 : vector<16xf32>
          %swap3A_1152 = arith.constant 2 : i32
          %swap3A_1153 = arith.index_cast %swap3A_1152 : i32 to index
          %swap3A_1154 = arith.index_cast %multiple_of3A_1140 : i32 to index
          %swap3A_1155 = tpu.vector_load %arg9[%swap3A_1153, %swap3A_1154] {strides = array<i32>} : memref<4x4096xf32, #tpu.memory_space<vmem>>, vector<1x16xf32>,
          %swap3A_1156 = vector.shape_cast %swap3A_1155 : vector<1x16xf32> to vector<16xf32>
          %swap3A_1157 = vector.shape_cast %min3A_1151 : vector<16xf32> to vector<1x16xf32>
          tpu.vector_store %arg9[%swap3A_1153, %swap3A_1154], %swap3A_1157 {strides = array<i32>} : memref<4x4096xf32, #tpu.memory_space<vmem>>, vector<1x16xf32>,
          %mul3A_1158 = arith.constant 128 : i32
          %mul3A_1159 = arith.muli %scan3A_1027, %mul3A_1158 : i32
          %add3A_1160 = arith.constant 96 : i32
          %add3A_1161 = arith.addi %mul3A_1159, %add3A_1160 : i32
          %multiple_of3A_1162 = tpu.assume_multiple %add3A_1161, 16 : i32
          %get3A_1163 = arith.constant 2 : i32
          %get3A_1164 = arith.index_cast %get3A_1163 : i32 to index
          %get3A_1165 = arith.index_cast %multiple_of3A_1162 : i32 to index
          %get3A_1166 = tpu.vector_load %arg8[%get3A_1164, %get3A_1165] {strides = array<i32>} : memref<4x4096xf32, #tpu.memory_space<vmem>>, vector<1x16xf32>,
          %get3A_1167 = vector.shape_cast %get3A_1166 : vector<1x16xf32> to vector<16xf32>
          %max3A_1168 = arith.constant 0.000000e+00 : f32
          %max3A_1169 = vector.broadcast %max3A_1168 : f32 to vector<16xf32>
          %max3A_1170 = arith.maximumf %get3A_1167, %max3A_1169 : vector<16xf32>
          %min3A_1171 = arith.constant 1.000000e+00 : f32
          %min3A_1172 = vector.broadcast %min3A_1171 : f32 to vector<16xf32>
          %min3A_1173 = arith.minimumf %max3A_1170, %min3A_1172 : vector<16xf32>
          %swap3A_1174 = arith.constant 2 : i32
          %swap3A_1175 = arith.index_cast %swap3A_1174 : i32 to index
          %swap3A_1176 = arith.index_cast %multiple_of3A_1162 : i32 to index
          %swap3A_1177 = tpu.vector_load %arg9[%swap3A_1175, %swap3A_1176] {strides = array<i32>} : memref<4x4096xf32, #tpu.memory_space<vmem>>, vector<1x16xf32>,
          %swap3A_1178 = vector.shape_cast %swap3A_1177 : vector<1x16xf32> to vector<16xf32>
          %swap3A_1179 = vector.shape_cast %min3A_1173 : vector<16xf32> to vector<1x16xf32>
          tpu.vector_store %arg9[%swap3A_1175, %swap3A_1176], %swap3A_1179 {strides = array<i32>} : memref<4x4096xf32, #tpu.memory_space<vmem>>, vector<1x16xf32>,
          %mul3A_1180 = arith.constant 128 : i32
          %mul3A_1181 = arith.muli %scan3A_1027, %mul3A_1180 : i32
          %add3A_1182 = arith.constant 112 : i32
          %add3A_1183 = arith.addi %mul3A_1181, %add3A_1182 : i32
          %multiple_of3A_1184 = tpu.assume_multiple %add3A_1183, 16 : i32
          %get3A_1185 = arith.constant 2 : i32
          %get3A_1186 = arith.index_cast %get3A_1185 : i32 to index
          %get3A_1187 = arith.index_cast %multiple_of3A_1184 : i32 to index
          %get3A_1188 = tpu.vector_load %arg8[%get3A_1186, %get3A_1187] {strides = array<i32>} : memref<4x4096xf32, #tpu.memory_space<vmem>>, vector<1x16xf32>,
          %get3A_1189 = vector.shape_cast %get3A_1188 : vector<1x16xf32> to vector<16xf32>
          %max3A_1190 = arith.constant 0.000000e+00 : f32
          %max3A_1191 = vector.broadcast %max3A_1190 : f32 to vector<16xf32>
          %max3A_1192 = arith.maximumf %get3A_1189, %max3A_1191 : vector<16xf32>
          %min3A_1193 = arith.constant 1.000000e+00 : f32
          %min3A_1194 = vector.broadcast %min3A_1193 : f32 to vector<16xf32>
          %min3A_1195 = arith.minimumf %max3A_1192, %min3A_1194 : vector<16xf32>
          %swap3A_1196 = arith.constant 2 : i32
          %swap3A_1197 = arith.index_cast %swap3A_1196 : i32 to index
          %swap3A_1198 = arith.index_cast %multiple_of3A_1184 : i32 to index
          %swap3A_1199 = tpu.vector_load %arg9[%swap3A_1197, %swap3A_1198] {strides = array<i32>} : memref<4x4096xf32, #tpu.memory_space<vmem>>, vector<1x16xf32>,
          %swap3A_1200 = vector.shape_cast %swap3A_1199 : vector<1x16xf32> to vector<16xf32>
          %swap3A_1201 = vector.shape_cast %min3A_1195 : vector<16xf32> to vector<1x16xf32>
          tpu.vector_store %arg9[%swap3A_1197, %swap3A_1198], %swap3A_1201 {strides = array<i32>} : memref<4x4096xf32, #tpu.memory_space<vmem>>, vector<1x16xf32>,
          %scan3A_1202 = arith.constant 0 : i32
          scf.yield %scan3A_1202 : i32
        }
        %scan3A_875 = arith.constant 32 : i32
        %sub3A_876 = arith.subi %add3A_868, %mul3A_2 : i32
        %get3A_877 = arith.index_cast %sub3A_876 : i32 to index
        %get3A_878 = memref.load %arg16[%get3A_877] : memref<128xf32, #tpu.memory_space<smem>>
        %gt3A_879 = arith.constant 5.000000e-01 : f32
        %gt3A_880 = arith.cmpf ogt, %get3A_878, %gt3A_879 : f32
        %convert_element_type3A_881 = arith.extui %gt3A_880 : i1 to i32
        %cond3A_882 = arith.constant 0 : i32
        %cond3A_883 = arith.cmpi ne, %convert_element_type3A_881, %cond3A_882 : i32
        scf.if %cond3A_883 {
          %convert_element_type3A_1027 = arith.sitofp %add3A_868 : i32 to f32
          %add3A_1028 = arith.constant 1 : i32
          %add3A_1029 = arith.addi %add3A_868, %add3A_1028 : i32
          %jit3A_1030 = arith.constant 16 : i32
          %div3A = arith.divsi %add3A_1029, %jit3A_1030 : i32
          %sign3A = arith.constant 0 : i32
          %sign3A_1031 = arith.cmpi sgt, %add3A_1029, %sign3A : i32
          %sign3A_1032 = arith.extui %sign3A_1031 : i1 to i32
          %sign3A_1033 = arith.constant 0 : i32
          %sign3A_1034 = arith.cmpi slt, %add3A_1029, %sign3A_1033 : i32
          %sign3A_1035 = arith.extui %sign3A_1034 : i1 to i32
          %sign3A_1036 = arith.subi %sign3A_1032, %sign3A_1035 : i32
          %sign3A_1037 = arith.constant 0 : i32
          %sign3A_1038 = arith.cmpi sgt, %jit3A_1030, %sign3A_1037 : i32
          %sign3A_1039 = arith.extui %sign3A_1038 : i1 to i32
          %sign3A_1040 = arith.constant 0 : i32
          %sign3A_1041 = arith.cmpi slt, %jit3A_1030, %sign3A_1040 : i32
          %sign3A_1042 = arith.extui %sign3A_1041 : i1 to i32
          %sign3A_1043 = arith.subi %sign3A_1039, %sign3A_1042 : i32
          %ne3A = arith.cmpi ne, %sign3A_1036, %sign3A_1043 : i32
          %rem3A = arith.remsi %add3A_1029, %jit3A_1030 : i32
          %ne3A_1044 = arith.constant 0 : i32
          %ne3A_1045 = arith.cmpi ne, %rem3A, %ne3A_1044 : i32
          %and3A = arith.andi %ne3A, %ne3A_1045 : i1
          %sub3A_1046 = arith.constant 1 : i32
          %sub3A_1047 = arith.subi %div3A, %sub3A_1046 : i32
          %select_n3A_1048 = arith.select %and3A, %sub3A_1047, %div3A : i32
          %scan3A_1049 = arith.constant 0 : i32
          %scan3A_1050 = arith.constant 0 : i32
          %scan3A_1051 = arith.constant 9 : i32
          %scan3A_1052 = arith.addi %scan3A_1050, %scan3A_1051 : i32
          %scan3A_1053 = arith.constant 1 : i32
          %scan3A_1054 = scf.for %scan3A_1056 = %scan3A_1050 to %scan3A_1052 step %scan3A_1053 iter_args(%scan3A_1057 = %scan3A_1049) -> (i32)  : i32 {
            %add3A_1058 = arith.addi %select_n3A_1048, %scan3A_1056 : i32
            %min3A = arith.constant 255 : i32
            %min3A_1059 = arith.minsi %add3A_1058, %min3A : i32
            %mul3A_1060 = arith.constant 16 : i32
            %mul3A_1061 = arith.muli %min3A_1059, %mul3A_1060 : i32
            %multiple_of3A = tpu.assume_multiple %mul3A_1061, 16 : i32
            %convert_element_type3A_1062 = arith.sitofp %multiple_of3A : i32 to f32
            %add3A_1063 = vector.broadcast %convert_element_type3A_1062 : f32 to vector<16xf32>
            %add3A_1064 = arith.addf %convert_element_type3A, %add3A_1063 : vector<16xf32>
            %sub3A_1065 = vector.broadcast %convert_element_type3A_1027 : f32 to vector<16xf32>
            %sub3A_1066 = arith.subf %add3A_1064, %sub3A_1065 : vector<16xf32>
            %gt3A_1067 = arith.constant 5.000000e-01 : f32
            %gt3A_1068 = vector.broadcast %gt3A_1067 : f32 to vector<16xf32>
            %gt3A_1069 = arith.cmpf ogt, %sub3A_1066, %gt3A_1068 : vector<16xf32>
            %jit3A_1070 = arith.constant 1.000000e+00 : f32
            %jit3A_1071 = arith.constant 0.000000e+00 : f32
            %broadcast_in_dim3A_1072 = vector.broadcast %jit3A_1070 : f32 to vector<16xf32>
            %broadcast_in_dim3A_1073 = vector.broadcast %jit3A_1071 : f32 to vector<16xf32>
            %select_n3A_1074 = arith.select %gt3A_1069, %broadcast_in_dim3A_1072, %broadcast_in_dim3A_1073 : vector<16xi1>, vector<16xf32>
            %lt3A_1075 = arith.constant 1.285000e+02 : f32
            %lt3A_1076 = vector.broadcast %lt3A_1075 : f32 to vector<16xf32>
            %lt3A_1077 = arith.cmpf olt, %sub3A_1066, %lt3A_1076 : vector<16xf32>
            %jit3A_1078 = arith.constant 1.000000e+00 : f32
            %jit3A_1079 = arith.constant 0.000000e+00 : f32
            %broadcast_in_dim3A_1080 = vector.broadcast %jit3A_1078 : f32 to vector<16xf32>
            %broadcast_in_dim3A_1081 = vector.broadcast %jit3A_1079 : f32 to vector<16xf32>
            %select_n3A_1082 = arith.select %lt3A_1077, %broadcast_in_dim3A_1080, %broadcast_in_dim3A_1081 : vector<16xi1>, vector<16xf32>
            %mul3A_1083 = arith.mulf %sub3A_1066, %sub3A_1066 : vector<16xf32>
            %neg3A = arith.constant 0.000000e+00 : f32
            %neg3A_1084 = vector.broadcast %neg3A : f32 to vector<16xf32>
            %neg3A_1085 = arith.subf %neg3A_1084, %mul3A_1083 : vector<16xf32>
            %mul3A_1086 = arith.constant 1.250000e-03 : f32
            %mul3A_1087 = vector.broadcast %mul3A_1086 : f32 to vector<16xf32>
            %mul3A_1088 = arith.mulf %neg3A_1085, %mul3A_1087 : vector<16xf32>
            %exp3A = math.exp %mul3A_1088 : vector<16xf32>
            %mul3A_1089 = arith.constant 0.00999999977 : f32
            %mul3A_1090 = vector.broadcast %mul3A_1089 : f32 to vector<16xf32>
            %mul3A_1091 = arith.mulf %mul3A_1090, %exp3A : vector<16xf32>
            %get3A_1092 = arith.index_cast %multiple_of3A : i32 to index
            %get3A_1093 = tpu.vector_load %arg6[%get3A_1092] {strides = array<i32>} : memref<4096xf32, #tpu.memory_space<vmem>>, vector<16xf32>,
            %get3A_1094 = vector.shape_cast %get3A_1093 : vector<16xf32> to vector<16xf32>
            %ge3A_1095 = arith.constant 1.000000e+00 : f32
            %ge3A_1096 = vector.broadcast %ge3A_1095 : f32 to vector<16xf32>
            %ge3A_1097 = arith.cmpf oge, %get3A_1094, %ge3A_1096 : vector<16xf32>
            %jit3A_1098 = arith.constant 1.000000e+00 : f32
            %jit3A_1099 = arith.constant 0.000000e+00 : f32
            %broadcast_in_dim3A_1100 = vector.broadcast %jit3A_1098 : f32 to vector<16xf32>
            %broadcast_in_dim3A_1101 = vector.broadcast %jit3A_1099 : f32 to vector<16xf32>
            %select_n3A_1102 = arith.select %ge3A_1097, %broadcast_in_dim3A_1100, %broadcast_in_dim3A_1101 : vector<16xi1>, vector<16xf32>
            %mul3A_1103 = arith.mulf %select_n3A_1074, %select_n3A_1082 : vector<16xf32>
            %mul3A_1104 = arith.mulf %mul3A_1091, %mul3A_1103 : vector<16xf32>
            %mul3A_1105 = arith.mulf %mul3A_1104, %select_n3A_1102 : vector<16xf32>
            %get3A_1106 = arith.constant 2 : i32
            %get3A_1107 = arith.index_cast %get3A_1106 : i32 to index
            %get3A_1108 = arith.index_cast %multiple_of3A : i32 to index
            %get3A_1109 = tpu.vector_load %arg8[%get3A_1107, %get3A_1108] {strides = array<i32>} : memref<4x4096xf32, #tpu.memory_space<vmem>>, vector<1x16xf32>,
            %get3A_1110 = vector.shape_cast %get3A_1109 : vector<1x16xf32> to vector<16xf32>
            %add3A_1111 = arith.addf %get3A_1110, %mul3A_1105 : vector<16xf32>
            %max3A = arith.constant 0.000000e+00 : f32
            %max3A_1112 = vector.broadcast %max3A : f32 to vector<16xf32>
            %max3A_1113 = arith.maximumf %add3A_1111, %max3A_1112 : vector<16xf32>
            %min3A_1114 = arith.constant 1.000000e+00 : f32
            %min3A_1115 = vector.broadcast %min3A_1114 : f32 to vector<16xf32>
            %min3A_1116 = arith.minimumf %max3A_1113, %min3A_1115 : vector<16xf32>
            %swap3A_1117 = arith.constant 2 : i32
            %swap3A_1118 = arith.index_cast %swap3A_1117 : i32 to index
            %swap3A_1119 = arith.index_cast %multiple_of3A : i32 to index
            %swap3A_1120 = tpu.vector_load %arg9[%swap3A_1118, %swap3A_1119] {strides = array<i32>} : memref<4x4096xf32, #tpu.memory_space<vmem>>, vector<1x16xf32>,
            %swap3A_1121 = vector.shape_cast %swap3A_1120 : vector<1x16xf32> to vector<16xf32>
            %swap3A_1122 = vector.shape_cast %min3A_1116 : vector<16xf32> to vector<1x16xf32>
            tpu.vector_store %arg9[%swap3A_1118, %swap3A_1119], %swap3A_1122 {strides = array<i32>} : memref<4x4096xf32, #tpu.memory_space<vmem>>, vector<1x16xf32>,
            %scan3A_1123 = arith.constant 0 : i32
            scf.yield %scan3A_1123 : i32
          }
          %scan3A_1055 = arith.constant 9 : i32
        } else {
        }
        %add3A_884 = arith.constant 3 : i32
        %add3A_885 = arith.addi %add3A_808, %add3A_884 : i32
        %scan3A_886 = arith.constant 0 : i32
        %scan3A_887 = arith.constant 0 : i32
        %scan3A_888 = arith.constant 32 : i32
        %scan3A_889 = arith.addi %scan3A_887, %scan3A_888 : i32
        %scan3A_890 = arith.constant 1 : i32
        %scan3A_891 = scf.for %scan3A_1027 = %scan3A_887 to %scan3A_889 step %scan3A_890 iter_args(%scan3A_1028 = %scan3A_886) -> (i32)  : i32 {
          %mul3A_1029 = arith.constant 128 : i32
          %mul3A_1030 = arith.muli %scan3A_1027, %mul3A_1029 : i32
          %add3A_1031 = arith.constant 0 : i32
          %add3A_1032 = arith.addi %mul3A_1030, %add3A_1031 : i32
          %multiple_of3A = tpu.assume_multiple %add3A_1032, 16 : i32
          %get3A_1033 = arith.constant 3 : i32
          %get3A_1034 = arith.index_cast %get3A_1033 : i32 to index
          %get3A_1035 = arith.index_cast %multiple_of3A : i32 to index
          %get3A_1036 = tpu.vector_load %arg8[%get3A_1034, %get3A_1035] {strides = array<i32>} : memref<4x4096xf32, #tpu.memory_space<vmem>>, vector<1x16xf32>,
          %get3A_1037 = vector.shape_cast %get3A_1036 : vector<1x16xf32> to vector<16xf32>
          %max3A = arith.constant 0.000000e+00 : f32
          %max3A_1038 = vector.broadcast %max3A : f32 to vector<16xf32>
          %max3A_1039 = arith.maximumf %get3A_1037, %max3A_1038 : vector<16xf32>
          %min3A = arith.constant 1.000000e+00 : f32
          %min3A_1040 = vector.broadcast %min3A : f32 to vector<16xf32>
          %min3A_1041 = arith.minimumf %max3A_1039, %min3A_1040 : vector<16xf32>
          %swap3A_1042 = arith.constant 3 : i32
          %swap3A_1043 = arith.index_cast %swap3A_1042 : i32 to index
          %swap3A_1044 = arith.index_cast %multiple_of3A : i32 to index
          %swap3A_1045 = tpu.vector_load %arg9[%swap3A_1043, %swap3A_1044] {strides = array<i32>} : memref<4x4096xf32, #tpu.memory_space<vmem>>, vector<1x16xf32>,
          %swap3A_1046 = vector.shape_cast %swap3A_1045 : vector<1x16xf32> to vector<16xf32>
          %swap3A_1047 = vector.shape_cast %min3A_1041 : vector<16xf32> to vector<1x16xf32>
          tpu.vector_store %arg9[%swap3A_1043, %swap3A_1044], %swap3A_1047 {strides = array<i32>} : memref<4x4096xf32, #tpu.memory_space<vmem>>, vector<1x16xf32>,
          %mul3A_1048 = arith.constant 128 : i32
          %mul3A_1049 = arith.muli %scan3A_1027, %mul3A_1048 : i32
          %add3A_1050 = arith.constant 16 : i32
          %add3A_1051 = arith.addi %mul3A_1049, %add3A_1050 : i32
          %multiple_of3A_1052 = tpu.assume_multiple %add3A_1051, 16 : i32
          %get3A_1053 = arith.constant 3 : i32
          %get3A_1054 = arith.index_cast %get3A_1053 : i32 to index
          %get3A_1055 = arith.index_cast %multiple_of3A_1052 : i32 to index
          %get3A_1056 = tpu.vector_load %arg8[%get3A_1054, %get3A_1055] {strides = array<i32>} : memref<4x4096xf32, #tpu.memory_space<vmem>>, vector<1x16xf32>,
          %get3A_1057 = vector.shape_cast %get3A_1056 : vector<1x16xf32> to vector<16xf32>
          %max3A_1058 = arith.constant 0.000000e+00 : f32
          %max3A_1059 = vector.broadcast %max3A_1058 : f32 to vector<16xf32>
          %max3A_1060 = arith.maximumf %get3A_1057, %max3A_1059 : vector<16xf32>
          %min3A_1061 = arith.constant 1.000000e+00 : f32
          %min3A_1062 = vector.broadcast %min3A_1061 : f32 to vector<16xf32>
          %min3A_1063 = arith.minimumf %max3A_1060, %min3A_1062 : vector<16xf32>
          %swap3A_1064 = arith.constant 3 : i32
          %swap3A_1065 = arith.index_cast %swap3A_1064 : i32 to index
          %swap3A_1066 = arith.index_cast %multiple_of3A_1052 : i32 to index
          %swap3A_1067 = tpu.vector_load %arg9[%swap3A_1065, %swap3A_1066] {strides = array<i32>} : memref<4x4096xf32, #tpu.memory_space<vmem>>, vector<1x16xf32>,
          %swap3A_1068 = vector.shape_cast %swap3A_1067 : vector<1x16xf32> to vector<16xf32>
          %swap3A_1069 = vector.shape_cast %min3A_1063 : vector<16xf32> to vector<1x16xf32>
          tpu.vector_store %arg9[%swap3A_1065, %swap3A_1066], %swap3A_1069 {strides = array<i32>} : memref<4x4096xf32, #tpu.memory_space<vmem>>, vector<1x16xf32>,
          %mul3A_1070 = arith.constant 128 : i32
          %mul3A_1071 = arith.muli %scan3A_1027, %mul3A_1070 : i32
          %add3A_1072 = arith.constant 32 : i32
          %add3A_1073 = arith.addi %mul3A_1071, %add3A_1072 : i32
          %multiple_of3A_1074 = tpu.assume_multiple %add3A_1073, 16 : i32
          %get3A_1075 = arith.constant 3 : i32
          %get3A_1076 = arith.index_cast %get3A_1075 : i32 to index
          %get3A_1077 = arith.index_cast %multiple_of3A_1074 : i32 to index
          %get3A_1078 = tpu.vector_load %arg8[%get3A_1076, %get3A_1077] {strides = array<i32>} : memref<4x4096xf32, #tpu.memory_space<vmem>>, vector<1x16xf32>,
          %get3A_1079 = vector.shape_cast %get3A_1078 : vector<1x16xf32> to vector<16xf32>
          %max3A_1080 = arith.constant 0.000000e+00 : f32
          %max3A_1081 = vector.broadcast %max3A_1080 : f32 to vector<16xf32>
          %max3A_1082 = arith.maximumf %get3A_1079, %max3A_1081 : vector<16xf32>
          %min3A_1083 = arith.constant 1.000000e+00 : f32
          %min3A_1084 = vector.broadcast %min3A_1083 : f32 to vector<16xf32>
          %min3A_1085 = arith.minimumf %max3A_1082, %min3A_1084 : vector<16xf32>
          %swap3A_1086 = arith.constant 3 : i32
          %swap3A_1087 = arith.index_cast %swap3A_1086 : i32 to index
          %swap3A_1088 = arith.index_cast %multiple_of3A_1074 : i32 to index
          %swap3A_1089 = tpu.vector_load %arg9[%swap3A_1087, %swap3A_1088] {strides = array<i32>} : memref<4x4096xf32, #tpu.memory_space<vmem>>, vector<1x16xf32>,
          %swap3A_1090 = vector.shape_cast %swap3A_1089 : vector<1x16xf32> to vector<16xf32>
          %swap3A_1091 = vector.shape_cast %min3A_1085 : vector<16xf32> to vector<1x16xf32>
          tpu.vector_store %arg9[%swap3A_1087, %swap3A_1088], %swap3A_1091 {strides = array<i32>} : memref<4x4096xf32, #tpu.memory_space<vmem>>, vector<1x16xf32>,
          %mul3A_1092 = arith.constant 128 : i32
          %mul3A_1093 = arith.muli %scan3A_1027, %mul3A_1092 : i32
          %add3A_1094 = arith.constant 48 : i32
          %add3A_1095 = arith.addi %mul3A_1093, %add3A_1094 : i32
          %multiple_of3A_1096 = tpu.assume_multiple %add3A_1095, 16 : i32
          %get3A_1097 = arith.constant 3 : i32
          %get3A_1098 = arith.index_cast %get3A_1097 : i32 to index
          %get3A_1099 = arith.index_cast %multiple_of3A_1096 : i32 to index
          %get3A_1100 = tpu.vector_load %arg8[%get3A_1098, %get3A_1099] {strides = array<i32>} : memref<4x4096xf32, #tpu.memory_space<vmem>>, vector<1x16xf32>,
          %get3A_1101 = vector.shape_cast %get3A_1100 : vector<1x16xf32> to vector<16xf32>
          %max3A_1102 = arith.constant 0.000000e+00 : f32
          %max3A_1103 = vector.broadcast %max3A_1102 : f32 to vector<16xf32>
          %max3A_1104 = arith.maximumf %get3A_1101, %max3A_1103 : vector<16xf32>
          %min3A_1105 = arith.constant 1.000000e+00 : f32
          %min3A_1106 = vector.broadcast %min3A_1105 : f32 to vector<16xf32>
          %min3A_1107 = arith.minimumf %max3A_1104, %min3A_1106 : vector<16xf32>
          %swap3A_1108 = arith.constant 3 : i32
          %swap3A_1109 = arith.index_cast %swap3A_1108 : i32 to index
          %swap3A_1110 = arith.index_cast %multiple_of3A_1096 : i32 to index
          %swap3A_1111 = tpu.vector_load %arg9[%swap3A_1109, %swap3A_1110] {strides = array<i32>} : memref<4x4096xf32, #tpu.memory_space<vmem>>, vector<1x16xf32>,
          %swap3A_1112 = vector.shape_cast %swap3A_1111 : vector<1x16xf32> to vector<16xf32>
          %swap3A_1113 = vector.shape_cast %min3A_1107 : vector<16xf32> to vector<1x16xf32>
          tpu.vector_store %arg9[%swap3A_1109, %swap3A_1110], %swap3A_1113 {strides = array<i32>} : memref<4x4096xf32, #tpu.memory_space<vmem>>, vector<1x16xf32>,
          %mul3A_1114 = arith.constant 128 : i32
          %mul3A_1115 = arith.muli %scan3A_1027, %mul3A_1114 : i32
          %add3A_1116 = arith.constant 64 : i32
          %add3A_1117 = arith.addi %mul3A_1115, %add3A_1116 : i32
          %multiple_of3A_1118 = tpu.assume_multiple %add3A_1117, 16 : i32
          %get3A_1119 = arith.constant 3 : i32
          %get3A_1120 = arith.index_cast %get3A_1119 : i32 to index
          %get3A_1121 = arith.index_cast %multiple_of3A_1118 : i32 to index
          %get3A_1122 = tpu.vector_load %arg8[%get3A_1120, %get3A_1121] {strides = array<i32>} : memref<4x4096xf32, #tpu.memory_space<vmem>>, vector<1x16xf32>,
          %get3A_1123 = vector.shape_cast %get3A_1122 : vector<1x16xf32> to vector<16xf32>
          %max3A_1124 = arith.constant 0.000000e+00 : f32
          %max3A_1125 = vector.broadcast %max3A_1124 : f32 to vector<16xf32>
          %max3A_1126 = arith.maximumf %get3A_1123, %max3A_1125 : vector<16xf32>
          %min3A_1127 = arith.constant 1.000000e+00 : f32
          %min3A_1128 = vector.broadcast %min3A_1127 : f32 to vector<16xf32>
          %min3A_1129 = arith.minimumf %max3A_1126, %min3A_1128 : vector<16xf32>
          %swap3A_1130 = arith.constant 3 : i32
          %swap3A_1131 = arith.index_cast %swap3A_1130 : i32 to index
          %swap3A_1132 = arith.index_cast %multiple_of3A_1118 : i32 to index
          %swap3A_1133 = tpu.vector_load %arg9[%swap3A_1131, %swap3A_1132] {strides = array<i32>} : memref<4x4096xf32, #tpu.memory_space<vmem>>, vector<1x16xf32>,
          %swap3A_1134 = vector.shape_cast %swap3A_1133 : vector<1x16xf32> to vector<16xf32>
          %swap3A_1135 = vector.shape_cast %min3A_1129 : vector<16xf32> to vector<1x16xf32>
          tpu.vector_store %arg9[%swap3A_1131, %swap3A_1132], %swap3A_1135 {strides = array<i32>} : memref<4x4096xf32, #tpu.memory_space<vmem>>, vector<1x16xf32>,
          %mul3A_1136 = arith.constant 128 : i32
          %mul3A_1137 = arith.muli %scan3A_1027, %mul3A_1136 : i32
          %add3A_1138 = arith.constant 80 : i32
          %add3A_1139 = arith.addi %mul3A_1137, %add3A_1138 : i32
          %multiple_of3A_1140 = tpu.assume_multiple %add3A_1139, 16 : i32
          %get3A_1141 = arith.constant 3 : i32
          %get3A_1142 = arith.index_cast %get3A_1141 : i32 to index
          %get3A_1143 = arith.index_cast %multiple_of3A_1140 : i32 to index
          %get3A_1144 = tpu.vector_load %arg8[%get3A_1142, %get3A_1143] {strides = array<i32>} : memref<4x4096xf32, #tpu.memory_space<vmem>>, vector<1x16xf32>,
          %get3A_1145 = vector.shape_cast %get3A_1144 : vector<1x16xf32> to vector<16xf32>
          %max3A_1146 = arith.constant 0.000000e+00 : f32
          %max3A_1147 = vector.broadcast %max3A_1146 : f32 to vector<16xf32>
          %max3A_1148 = arith.maximumf %get3A_1145, %max3A_1147 : vector<16xf32>
          %min3A_1149 = arith.constant 1.000000e+00 : f32
          %min3A_1150 = vector.broadcast %min3A_1149 : f32 to vector<16xf32>
          %min3A_1151 = arith.minimumf %max3A_1148, %min3A_1150 : vector<16xf32>
          %swap3A_1152 = arith.constant 3 : i32
          %swap3A_1153 = arith.index_cast %swap3A_1152 : i32 to index
          %swap3A_1154 = arith.index_cast %multiple_of3A_1140 : i32 to index
          %swap3A_1155 = tpu.vector_load %arg9[%swap3A_1153, %swap3A_1154] {strides = array<i32>} : memref<4x4096xf32, #tpu.memory_space<vmem>>, vector<1x16xf32>,
          %swap3A_1156 = vector.shape_cast %swap3A_1155 : vector<1x16xf32> to vector<16xf32>
          %swap3A_1157 = vector.shape_cast %min3A_1151 : vector<16xf32> to vector<1x16xf32>
          tpu.vector_store %arg9[%swap3A_1153, %swap3A_1154], %swap3A_1157 {strides = array<i32>} : memref<4x4096xf32, #tpu.memory_space<vmem>>, vector<1x16xf32>,
          %mul3A_1158 = arith.constant 128 : i32
          %mul3A_1159 = arith.muli %scan3A_1027, %mul3A_1158 : i32
          %add3A_1160 = arith.constant 96 : i32
          %add3A_1161 = arith.addi %mul3A_1159, %add3A_1160 : i32
          %multiple_of3A_1162 = tpu.assume_multiple %add3A_1161, 16 : i32
          %get3A_1163 = arith.constant 3 : i32
          %get3A_1164 = arith.index_cast %get3A_1163 : i32 to index
          %get3A_1165 = arith.index_cast %multiple_of3A_1162 : i32 to index
          %get3A_1166 = tpu.vector_load %arg8[%get3A_1164, %get3A_1165] {strides = array<i32>} : memref<4x4096xf32, #tpu.memory_space<vmem>>, vector<1x16xf32>,
          %get3A_1167 = vector.shape_cast %get3A_1166 : vector<1x16xf32> to vector<16xf32>
          %max3A_1168 = arith.constant 0.000000e+00 : f32
          %max3A_1169 = vector.broadcast %max3A_1168 : f32 to vector<16xf32>
          %max3A_1170 = arith.maximumf %get3A_1167, %max3A_1169 : vector<16xf32>
          %min3A_1171 = arith.constant 1.000000e+00 : f32
          %min3A_1172 = vector.broadcast %min3A_1171 : f32 to vector<16xf32>
          %min3A_1173 = arith.minimumf %max3A_1170, %min3A_1172 : vector<16xf32>
          %swap3A_1174 = arith.constant 3 : i32
          %swap3A_1175 = arith.index_cast %swap3A_1174 : i32 to index
          %swap3A_1176 = arith.index_cast %multiple_of3A_1162 : i32 to index
          %swap3A_1177 = tpu.vector_load %arg9[%swap3A_1175, %swap3A_1176] {strides = array<i32>} : memref<4x4096xf32, #tpu.memory_space<vmem>>, vector<1x16xf32>,
          %swap3A_1178 = vector.shape_cast %swap3A_1177 : vector<1x16xf32> to vector<16xf32>
          %swap3A_1179 = vector.shape_cast %min3A_1173 : vector<16xf32> to vector<1x16xf32>
          tpu.vector_store %arg9[%swap3A_1175, %swap3A_1176], %swap3A_1179 {strides = array<i32>} : memref<4x4096xf32, #tpu.memory_space<vmem>>, vector<1x16xf32>,
          %mul3A_1180 = arith.constant 128 : i32
          %mul3A_1181 = arith.muli %scan3A_1027, %mul3A_1180 : i32
          %add3A_1182 = arith.constant 112 : i32
          %add3A_1183 = arith.addi %mul3A_1181, %add3A_1182 : i32
          %multiple_of3A_1184 = tpu.assume_multiple %add3A_1183, 16 : i32
          %get3A_1185 = arith.constant 3 : i32
          %get3A_1186 = arith.index_cast %get3A_1185 : i32 to index
          %get3A_1187 = arith.index_cast %multiple_of3A_1184 : i32 to index
          %get3A_1188 = tpu.vector_load %arg8[%get3A_1186, %get3A_1187] {strides = array<i32>} : memref<4x4096xf32, #tpu.memory_space<vmem>>, vector<1x16xf32>,
          %get3A_1189 = vector.shape_cast %get3A_1188 : vector<1x16xf32> to vector<16xf32>
          %max3A_1190 = arith.constant 0.000000e+00 : f32
          %max3A_1191 = vector.broadcast %max3A_1190 : f32 to vector<16xf32>
          %max3A_1192 = arith.maximumf %get3A_1189, %max3A_1191 : vector<16xf32>
          %min3A_1193 = arith.constant 1.000000e+00 : f32
          %min3A_1194 = vector.broadcast %min3A_1193 : f32 to vector<16xf32>
          %min3A_1195 = arith.minimumf %max3A_1192, %min3A_1194 : vector<16xf32>
          %swap3A_1196 = arith.constant 3 : i32
          %swap3A_1197 = arith.index_cast %swap3A_1196 : i32 to index
          %swap3A_1198 = arith.index_cast %multiple_of3A_1184 : i32 to index
          %swap3A_1199 = tpu.vector_load %arg9[%swap3A_1197, %swap3A_1198] {strides = array<i32>} : memref<4x4096xf32, #tpu.memory_space<vmem>>, vector<1x16xf32>,
          %swap3A_1200 = vector.shape_cast %swap3A_1199 : vector<1x16xf32> to vector<16xf32>
          %swap3A_1201 = vector.shape_cast %min3A_1195 : vector<16xf32> to vector<1x16xf32>
          tpu.vector_store %arg9[%swap3A_1197, %swap3A_1198], %swap3A_1201 {strides = array<i32>} : memref<4x4096xf32, #tpu.memory_space<vmem>>, vector<1x16xf32>,
          %scan3A_1202 = arith.constant 0 : i32
          scf.yield %scan3A_1202 : i32
        }
        %scan3A_892 = arith.constant 32 : i32
        %sub3A_893 = arith.subi %add3A_885, %mul3A_2 : i32
        %get3A_894 = arith.index_cast %sub3A_893 : i32 to index
        %get3A_895 = memref.load %arg16[%get3A_894] : memref<128xf32, #tpu.memory_space<smem>>
        %gt3A_896 = arith.constant 5.000000e-01 : f32
        %gt3A_897 = arith.cmpf ogt, %get3A_895, %gt3A_896 : f32
        %convert_element_type3A_898 = arith.extui %gt3A_897 : i1 to i32
        %cond3A_899 = arith.constant 0 : i32
        %cond3A_900 = arith.cmpi ne, %convert_element_type3A_898, %cond3A_899 : i32
        scf.if %cond3A_900 {
          %convert_element_type3A_1027 = arith.sitofp %add3A_885 : i32 to f32
          %add3A_1028 = arith.constant 1 : i32
          %add3A_1029 = arith.addi %add3A_885, %add3A_1028 : i32
          %jit3A_1030 = arith.constant 16 : i32
          %div3A = arith.divsi %add3A_1029, %jit3A_1030 : i32
          %sign3A = arith.constant 0 : i32
          %sign3A_1031 = arith.cmpi sgt, %add3A_1029, %sign3A : i32
          %sign3A_1032 = arith.extui %sign3A_1031 : i1 to i32
          %sign3A_1033 = arith.constant 0 : i32
          %sign3A_1034 = arith.cmpi slt, %add3A_1029, %sign3A_1033 : i32
          %sign3A_1035 = arith.extui %sign3A_1034 : i1 to i32
          %sign3A_1036 = arith.subi %sign3A_1032, %sign3A_1035 : i32
          %sign3A_1037 = arith.constant 0 : i32
          %sign3A_1038 = arith.cmpi sgt, %jit3A_1030, %sign3A_1037 : i32
          %sign3A_1039 = arith.extui %sign3A_1038 : i1 to i32
          %sign3A_1040 = arith.constant 0 : i32
          %sign3A_1041 = arith.cmpi slt, %jit3A_1030, %sign3A_1040 : i32
          %sign3A_1042 = arith.extui %sign3A_1041 : i1 to i32
          %sign3A_1043 = arith.subi %sign3A_1039, %sign3A_1042 : i32
          %ne3A = arith.cmpi ne, %sign3A_1036, %sign3A_1043 : i32
          %rem3A = arith.remsi %add3A_1029, %jit3A_1030 : i32
          %ne3A_1044 = arith.constant 0 : i32
          %ne3A_1045 = arith.cmpi ne, %rem3A, %ne3A_1044 : i32
          %and3A = arith.andi %ne3A, %ne3A_1045 : i1
          %sub3A_1046 = arith.constant 1 : i32
          %sub3A_1047 = arith.subi %div3A, %sub3A_1046 : i32
          %select_n3A_1048 = arith.select %and3A, %sub3A_1047, %div3A : i32
          %scan3A_1049 = arith.constant 0 : i32
          %scan3A_1050 = arith.constant 0 : i32
          %scan3A_1051 = arith.constant 9 : i32
          %scan3A_1052 = arith.addi %scan3A_1050, %scan3A_1051 : i32
          %scan3A_1053 = arith.constant 1 : i32
          %scan3A_1054 = scf.for %scan3A_1056 = %scan3A_1050 to %scan3A_1052 step %scan3A_1053 iter_args(%scan3A_1057 = %scan3A_1049) -> (i32)  : i32 {
            %add3A_1058 = arith.addi %select_n3A_1048, %scan3A_1056 : i32
            %min3A = arith.constant 255 : i32
            %min3A_1059 = arith.minsi %add3A_1058, %min3A : i32
            %mul3A_1060 = arith.constant 16 : i32
            %mul3A_1061 = arith.muli %min3A_1059, %mul3A_1060 : i32
            %multiple_of3A = tpu.assume_multiple %mul3A_1061, 16 : i32
            %convert_element_type3A_1062 = arith.sitofp %multiple_of3A : i32 to f32
            %add3A_1063 = vector.broadcast %convert_element_type3A_1062 : f32 to vector<16xf32>
            %add3A_1064 = arith.addf %convert_element_type3A, %add3A_1063 : vector<16xf32>
            %sub3A_1065 = vector.broadcast %convert_element_type3A_1027 : f32 to vector<16xf32>
            %sub3A_1066 = arith.subf %add3A_1064, %sub3A_1065 : vector<16xf32>
            %gt3A_1067 = arith.constant 5.000000e-01 : f32
            %gt3A_1068 = vector.broadcast %gt3A_1067 : f32 to vector<16xf32>
            %gt3A_1069 = arith.cmpf ogt, %sub3A_1066, %gt3A_1068 : vector<16xf32>
            %jit3A_1070 = arith.constant 1.000000e+00 : f32
            %jit3A_1071 = arith.constant 0.000000e+00 : f32
            %broadcast_in_dim3A_1072 = vector.broadcast %jit3A_1070 : f32 to vector<16xf32>
            %broadcast_in_dim3A_1073 = vector.broadcast %jit3A_1071 : f32 to vector<16xf32>
            %select_n3A_1074 = arith.select %gt3A_1069, %broadcast_in_dim3A_1072, %broadcast_in_dim3A_1073 : vector<16xi1>, vector<16xf32>
            %lt3A_1075 = arith.constant 1.285000e+02 : f32
            %lt3A_1076 = vector.broadcast %lt3A_1075 : f32 to vector<16xf32>
            %lt3A_1077 = arith.cmpf olt, %sub3A_1066, %lt3A_1076 : vector<16xf32>
            %jit3A_1078 = arith.constant 1.000000e+00 : f32
            %jit3A_1079 = arith.constant 0.000000e+00 : f32
            %broadcast_in_dim3A_1080 = vector.broadcast %jit3A_1078 : f32 to vector<16xf32>
            %broadcast_in_dim3A_1081 = vector.broadcast %jit3A_1079 : f32 to vector<16xf32>
            %select_n3A_1082 = arith.select %lt3A_1077, %broadcast_in_dim3A_1080, %broadcast_in_dim3A_1081 : vector<16xi1>, vector<16xf32>
            %mul3A_1083 = arith.mulf %sub3A_1066, %sub3A_1066 : vector<16xf32>
            %neg3A = arith.constant 0.000000e+00 : f32
            %neg3A_1084 = vector.broadcast %neg3A : f32 to vector<16xf32>
            %neg3A_1085 = arith.subf %neg3A_1084, %mul3A_1083 : vector<16xf32>
            %mul3A_1086 = arith.constant 1.250000e-03 : f32
            %mul3A_1087 = vector.broadcast %mul3A_1086 : f32 to vector<16xf32>
            %mul3A_1088 = arith.mulf %neg3A_1085, %mul3A_1087 : vector<16xf32>
            %exp3A = math.exp %mul3A_1088 : vector<16xf32>
            %mul3A_1089 = arith.constant 0.00999999977 : f32
            %mul3A_1090 = vector.broadcast %mul3A_1089 : f32 to vector<16xf32>
            %mul3A_1091 = arith.mulf %mul3A_1090, %exp3A : vector<16xf32>
            %get3A_1092 = arith.index_cast %multiple_of3A : i32 to index
            %get3A_1093 = tpu.vector_load %arg6[%get3A_1092] {strides = array<i32>} : memref<4096xf32, #tpu.memory_space<vmem>>, vector<16xf32>,
            %get3A_1094 = vector.shape_cast %get3A_1093 : vector<16xf32> to vector<16xf32>
            %ge3A_1095 = arith.constant 1.000000e+00 : f32
            %ge3A_1096 = vector.broadcast %ge3A_1095 : f32 to vector<16xf32>
            %ge3A_1097 = arith.cmpf oge, %get3A_1094, %ge3A_1096 : vector<16xf32>
            %jit3A_1098 = arith.constant 1.000000e+00 : f32
            %jit3A_1099 = arith.constant 0.000000e+00 : f32
            %broadcast_in_dim3A_1100 = vector.broadcast %jit3A_1098 : f32 to vector<16xf32>
            %broadcast_in_dim3A_1101 = vector.broadcast %jit3A_1099 : f32 to vector<16xf32>
            %select_n3A_1102 = arith.select %ge3A_1097, %broadcast_in_dim3A_1100, %broadcast_in_dim3A_1101 : vector<16xi1>, vector<16xf32>
            %mul3A_1103 = arith.mulf %select_n3A_1074, %select_n3A_1082 : vector<16xf32>
            %mul3A_1104 = arith.mulf %mul3A_1091, %mul3A_1103 : vector<16xf32>
            %mul3A_1105 = arith.mulf %mul3A_1104, %select_n3A_1102 : vector<16xf32>
            %get3A_1106 = arith.constant 3 : i32
            %get3A_1107 = arith.index_cast %get3A_1106 : i32 to index
            %get3A_1108 = arith.index_cast %multiple_of3A : i32 to index
            %get3A_1109 = tpu.vector_load %arg8[%get3A_1107, %get3A_1108] {strides = array<i32>} : memref<4x4096xf32, #tpu.memory_space<vmem>>, vector<1x16xf32>,
            %get3A_1110 = vector.shape_cast %get3A_1109 : vector<1x16xf32> to vector<16xf32>
            %add3A_1111 = arith.addf %get3A_1110, %mul3A_1105 : vector<16xf32>
            %max3A = arith.constant 0.000000e+00 : f32
            %max3A_1112 = vector.broadcast %max3A : f32 to vector<16xf32>
            %max3A_1113 = arith.maximumf %add3A_1111, %max3A_1112 : vector<16xf32>
            %min3A_1114 = arith.constant 1.000000e+00 : f32
            %min3A_1115 = vector.broadcast %min3A_1114 : f32 to vector<16xf32>
            %min3A_1116 = arith.minimumf %max3A_1113, %min3A_1115 : vector<16xf32>
            %swap3A_1117 = arith.constant 3 : i32
            %swap3A_1118 = arith.index_cast %swap3A_1117 : i32 to index
            %swap3A_1119 = arith.index_cast %multiple_of3A : i32 to index
            %swap3A_1120 = tpu.vector_load %arg9[%swap3A_1118, %swap3A_1119] {strides = array<i32>} : memref<4x4096xf32, #tpu.memory_space<vmem>>, vector<1x16xf32>,
            %swap3A_1121 = vector.shape_cast %swap3A_1120 : vector<1x16xf32> to vector<16xf32>
            %swap3A_1122 = vector.shape_cast %min3A_1116 : vector<16xf32> to vector<1x16xf32>
            tpu.vector_store %arg9[%swap3A_1118, %swap3A_1119], %swap3A_1122 {strides = array<i32>} : memref<4x4096xf32, #tpu.memory_space<vmem>>, vector<1x16xf32>,
            %scan3A_1123 = arith.constant 0 : i32
            scf.yield %scan3A_1123 : i32
          }
          %scan3A_1055 = arith.constant 9 : i32
        } else {
        }
        %add3A_901 = arith.constant 2 : i32
        %add3A_902 = arith.addi %add3A_808, %add3A_901 : i32
        %dma_start3A_903 = arith.constant 2 : i32
        %dma_start3A_904 = arith.constant 0 : i32
        %dma_start3A_905 = tpu.memref_slice %arg9[%dma_start3A_903, %dma_start3A_904] : memref<4x4096xf32, #tpu.memory_space<vmem>> -> memref<2x4096xf32, #tpu.memory_space<vmem>>
        %dma_start3A_906 = arith.constant 0 : i32
        %dma_start3A_907 = tpu.memref_slice %arg5[%add3A_902, %dma_start3A_906] : memref<4096x4096xf32, #tpu.memory_space<hbm>> -> memref<2x4096xf32, #tpu.memory_space<hbm>>
        %dma_start3A_908 = arith.constant 0 : i32
        %dma_start3A_909 = tpu.memref_slice %arg5[%add3A_902, %dma_start3A_908] : memref<4096x4096xf32, #tpu.memory_space<hbm>> -> memref<2x4096xf32, #tpu.memory_space<hbm>>
        %dma_start3A_910 = arith.constant 2 : i32
        %dma_start3A_911 = arith.constant 0 : i32
        %dma_start3A_912 = tpu.memref_slice %arg9[%dma_start3A_910, %dma_start3A_911] : memref<4x4096xf32, #tpu.memory_space<vmem>> -> memref<2x4096xf32, #tpu.memory_space<vmem>>
        tpu.enqueue_dma source(%dma_start3A_912 : memref<2x4096xf32, #tpu.memory_space<vmem>>) target(%dma_start3A_909 : memref<2x4096xf32, #tpu.memory_space<hbm>>) target_semaphore(%arg13 : memref<!tpu.dma_semaphore, #tpu.memory_space<semaphore_mem>>)
        %mul3A_913 = arith.constant 2 : i32
        %mul3A_914 = arith.muli %mul3A_913, %scan3A_800 : i32
        %add3A_915 = arith.constant 1 : i32
        %add3A_916 = arith.addi %mul3A_914, %add3A_915 : i32
        %mul3A_917 = arith.constant 4 : i32
        %mul3A_918 = arith.muli %add3A_916, %mul3A_917 : i32
        %add3A_919 = arith.addi %mul3A_2, %mul3A_918 : i32
        %add3A_920 = arith.constant 1 : i32
        %add3A_921 = arith.addi %add3A_916, %add3A_920 : i32
        %lt3A_922 = arith.constant 32 : i32
        %lt3A_923 = arith.cmpi slt, %add3A_921, %lt3A_922 : i32
        %convert_element_type3A_924 = arith.extui %lt3A_923 : i1 to i32
        %cond3A_925 = arith.constant 0 : i32
        %cond3A_926 = arith.cmpi ne, %convert_element_type3A_924, %cond3A_925 : i32
        scf.if %cond3A_926 {
          %add3A_1027 = arith.constant 4 : i32
          %add3A_1028 = arith.addi %add3A_919, %add3A_1027 : i32
          %dma_start3A_1029 = arith.constant 0 : i32
          %dma_start3A_1030 = tpu.memref_slice %arg3[%add3A_1028, %dma_start3A_1029] : memref<4096x4096xf32, #tpu.memory_space<hbm>> -> memref<4x4096xf32, #tpu.memory_space<hbm>>
          %dma_start3A_1031 = arith.constant 0 : i32
          %dma_start3A_1032 = tpu.memref_slice %arg3[%add3A_1028, %dma_start3A_1031] : memref<4096x4096xf32, #tpu.memory_space<hbm>> -> memref<4x4096xf32, #tpu.memory_space<hbm>>
          tpu.enqueue_dma source(%dma_start3A_1032 : memref<4x4096xf32, #tpu.memory_space<hbm>>) target(%arg8 : memref<4x4096xf32, #tpu.memory_space<vmem>>) target_semaphore(%arg12 : memref<!tpu.dma_semaphore, #tpu.memory_space<semaphore_mem>>)
        } else {
        }
        %dma_wait3A_927 = arith.constant 0 : i32
        %dma_wait3A_928 = tpu.memref_slice %arg3[%add3A_919, %dma_wait3A_927] : memref<4096x4096xf32, #tpu.memory_space<hbm>> -> memref<4x4096xf32, #tpu.memory_space<hbm>>
        %dma_wait3A_929 = arith.constant 0 : i32
        %dma_wait3A_930 = tpu.memref_slice %arg3[%add3A_919, %dma_wait3A_929] : memref<4096x4096xf32, #tpu.memory_space<hbm>> -> memref<4x4096xf32, #tpu.memory_space<hbm>>
        tpu.wait_dma2 semaphore(%arg14 : memref<!tpu.dma_semaphore, #tpu.memory_space<semaphore_mem>>) src(%dma_wait3A_930 : memref<4x4096xf32, #tpu.memory_space<hbm>>) dst(%arg10 : memref<4x4096xf32, #tpu.memory_space<vmem>>)
        %ge3A_931 = arith.constant 2 : i32
        %ge3A_932 = arith.cmpi sge, %add3A_916, %ge3A_931 : i32
        %convert_element_type3A_933 = arith.extui %ge3A_932 : i1 to i32
        %cond3A_934 = arith.constant 0 : i32
        %cond3A_935 = arith.cmpi ne, %convert_element_type3A_933, %cond3A_934 : i32
        scf.if %cond3A_935 {
          %dma_wait3A_1027 = arith.constant 0 : i32
          %dma_wait3A_1028 = arith.constant 0 : i32
          %dma_wait3A_1029 = tpu.memref_slice %arg11[%dma_wait3A_1027, %dma_wait3A_1028] : memref<4x4096xf32, #tpu.memory_space<vmem>> -> memref<2x4096xf32, #tpu.memory_space<vmem>>
          %dma_wait3A_1030 = arith.constant 0 : i32
          %dma_wait3A_1031 = tpu.memref_slice %arg5[%add3A_919, %dma_wait3A_1030] : memref<4096x4096xf32, #tpu.memory_space<hbm>> -> memref<2x4096xf32, #tpu.memory_space<hbm>>
          %dma_wait3A_1032 = arith.constant 0 : i32
          %dma_wait3A_1033 = tpu.memref_slice %arg5[%add3A_919, %dma_wait3A_1032] : memref<4096x4096xf32, #tpu.memory_space<hbm>> -> memref<2x4096xf32, #tpu.memory_space<hbm>>
          %dma_wait3A_1034 = arith.constant 0 : i32
          %dma_wait3A_1035 = arith.constant 0 : i32
          %dma_wait3A_1036 = tpu.memref_slice %arg11[%dma_wait3A_1034, %dma_wait3A_1035] : memref<4x4096xf32, #tpu.memory_space<vmem>> -> memref<2x4096xf32, #tpu.memory_space<vmem>>
          tpu.wait_dma2 semaphore(%arg15 : memref<!tpu.dma_semaphore, #tpu.memory_space<semaphore_mem>>) src(%dma_wait3A_1036 : memref<2x4096xf32, #tpu.memory_space<vmem>>) dst(%dma_wait3A_1033 : memref<2x4096xf32, #tpu.memory_space<hbm>>)
          %dma_wait3A_1037 = arith.constant 2 : i32
          %dma_wait3A_1038 = arith.constant 0 : i32
          %dma_wait3A_1039 = tpu.memref_slice %arg11[%dma_wait3A_1037, %dma_wait3A_1038] : memref<4x4096xf32, #tpu.memory_space<vmem>> -> memref<2x4096xf32, #tpu.memory_space<vmem>>
          %dma_wait3A_1040 = arith.constant 0 : i32
          %dma_wait3A_1041 = tpu.memref_slice %arg5[%add3A_919, %dma_wait3A_1040] : memref<4096x4096xf32, #tpu.memory_space<hbm>> -> memref<2x4096xf32, #tpu.memory_space<hbm>>
          %dma_wait3A_1042 = arith.constant 0 : i32
          %dma_wait3A_1043 = tpu.memref_slice %arg5[%add3A_919, %dma_wait3A_1042] : memref<4096x4096xf32, #tpu.memory_space<hbm>> -> memref<2x4096xf32, #tpu.memory_space<hbm>>
          %dma_wait3A_1044 = arith.constant 2 : i32
          %dma_wait3A_1045 = arith.constant 0 : i32
          %dma_wait3A_1046 = tpu.memref_slice %arg11[%dma_wait3A_1044, %dma_wait3A_1045] : memref<4x4096xf32, #tpu.memory_space<vmem>> -> memref<2x4096xf32, #tpu.memory_space<vmem>>
          tpu.wait_dma2 semaphore(%arg15 : memref<!tpu.dma_semaphore, #tpu.memory_space<semaphore_mem>>) src(%dma_wait3A_1046 : memref<2x4096xf32, #tpu.memory_space<vmem>>) dst(%dma_wait3A_1043 : memref<2x4096xf32, #tpu.memory_space<hbm>>)
        } else {
        }
        %add3A_936 = arith.constant 0 : i32
        %add3A_937 = arith.addi %add3A_919, %add3A_936 : i32
        %scan3A_938 = arith.constant 0 : i32
        %scan3A_939 = arith.constant 0 : i32
        %scan3A_940 = arith.constant 32 : i32
        %scan3A_941 = arith.addi %scan3A_939, %scan3A_940 : i32
        %scan3A_942 = arith.constant 1 : i32
        %scan3A_943 = scf.for %scan3A_1027 = %scan3A_939 to %scan3A_941 step %scan3A_942 iter_args(%scan3A_1028 = %scan3A_938) -> (i32)  : i32 {
          %mul3A_1029 = arith.constant 128 : i32
          %mul3A_1030 = arith.muli %scan3A_1027, %mul3A_1029 : i32
          %add3A_1031 = arith.constant 0 : i32
          %add3A_1032 = arith.addi %mul3A_1030, %add3A_1031 : i32
          %multiple_of3A = tpu.assume_multiple %add3A_1032, 16 : i32
          %get3A_1033 = arith.constant 0 : i32
          %get3A_1034 = arith.index_cast %get3A_1033 : i32 to index
          %get3A_1035 = arith.index_cast %multiple_of3A : i32 to index
          %get3A_1036 = tpu.vector_load %arg10[%get3A_1034, %get3A_1035] {strides = array<i32>} : memref<4x4096xf32, #tpu.memory_space<vmem>>, vector<1x16xf32>,
          %get3A_1037 = vector.shape_cast %get3A_1036 : vector<1x16xf32> to vector<16xf32>
          %max3A = arith.constant 0.000000e+00 : f32
          %max3A_1038 = vector.broadcast %max3A : f32 to vector<16xf32>
          %max3A_1039 = arith.maximumf %get3A_1037, %max3A_1038 : vector<16xf32>
          %min3A = arith.constant 1.000000e+00 : f32
          %min3A_1040 = vector.broadcast %min3A : f32 to vector<16xf32>
          %min3A_1041 = arith.minimumf %max3A_1039, %min3A_1040 : vector<16xf32>
          %swap3A_1042 = arith.constant 0 : i32
          %swap3A_1043 = arith.index_cast %swap3A_1042 : i32 to index
          %swap3A_1044 = arith.index_cast %multiple_of3A : i32 to index
          %swap3A_1045 = tpu.vector_load %arg11[%swap3A_1043, %swap3A_1044] {strides = array<i32>} : memref<4x4096xf32, #tpu.memory_space<vmem>>, vector<1x16xf32>,
          %swap3A_1046 = vector.shape_cast %swap3A_1045 : vector<1x16xf32> to vector<16xf32>
          %swap3A_1047 = vector.shape_cast %min3A_1041 : vector<16xf32> to vector<1x16xf32>
          tpu.vector_store %arg11[%swap3A_1043, %swap3A_1044], %swap3A_1047 {strides = array<i32>} : memref<4x4096xf32, #tpu.memory_space<vmem>>, vector<1x16xf32>,
          %mul3A_1048 = arith.constant 128 : i32
          %mul3A_1049 = arith.muli %scan3A_1027, %mul3A_1048 : i32
          %add3A_1050 = arith.constant 16 : i32
          %add3A_1051 = arith.addi %mul3A_1049, %add3A_1050 : i32
          %multiple_of3A_1052 = tpu.assume_multiple %add3A_1051, 16 : i32
          %get3A_1053 = arith.constant 0 : i32
          %get3A_1054 = arith.index_cast %get3A_1053 : i32 to index
          %get3A_1055 = arith.index_cast %multiple_of3A_1052 : i32 to index
          %get3A_1056 = tpu.vector_load %arg10[%get3A_1054, %get3A_1055] {strides = array<i32>} : memref<4x4096xf32, #tpu.memory_space<vmem>>, vector<1x16xf32>,
          %get3A_1057 = vector.shape_cast %get3A_1056 : vector<1x16xf32> to vector<16xf32>
          %max3A_1058 = arith.constant 0.000000e+00 : f32
          %max3A_1059 = vector.broadcast %max3A_1058 : f32 to vector<16xf32>
          %max3A_1060 = arith.maximumf %get3A_1057, %max3A_1059 : vector<16xf32>
          %min3A_1061 = arith.constant 1.000000e+00 : f32
          %min3A_1062 = vector.broadcast %min3A_1061 : f32 to vector<16xf32>
          %min3A_1063 = arith.minimumf %max3A_1060, %min3A_1062 : vector<16xf32>
          %swap3A_1064 = arith.constant 0 : i32
          %swap3A_1065 = arith.index_cast %swap3A_1064 : i32 to index
          %swap3A_1066 = arith.index_cast %multiple_of3A_1052 : i32 to index
          %swap3A_1067 = tpu.vector_load %arg11[%swap3A_1065, %swap3A_1066] {strides = array<i32>} : memref<4x4096xf32, #tpu.memory_space<vmem>>, vector<1x16xf32>,
          %swap3A_1068 = vector.shape_cast %swap3A_1067 : vector<1x16xf32> to vector<16xf32>
          %swap3A_1069 = vector.shape_cast %min3A_1063 : vector<16xf32> to vector<1x16xf32>
          tpu.vector_store %arg11[%swap3A_1065, %swap3A_1066], %swap3A_1069 {strides = array<i32>} : memref<4x4096xf32, #tpu.memory_space<vmem>>, vector<1x16xf32>,
          %mul3A_1070 = arith.constant 128 : i32
          %mul3A_1071 = arith.muli %scan3A_1027, %mul3A_1070 : i32
          %add3A_1072 = arith.constant 32 : i32
          %add3A_1073 = arith.addi %mul3A_1071, %add3A_1072 : i32
          %multiple_of3A_1074 = tpu.assume_multiple %add3A_1073, 16 : i32
          %get3A_1075 = arith.constant 0 : i32
          %get3A_1076 = arith.index_cast %get3A_1075 : i32 to index
          %get3A_1077 = arith.index_cast %multiple_of3A_1074 : i32 to index
          %get3A_1078 = tpu.vector_load %arg10[%get3A_1076, %get3A_1077] {strides = array<i32>} : memref<4x4096xf32, #tpu.memory_space<vmem>>, vector<1x16xf32>,
          %get3A_1079 = vector.shape_cast %get3A_1078 : vector<1x16xf32> to vector<16xf32>
          %max3A_1080 = arith.constant 0.000000e+00 : f32
          %max3A_1081 = vector.broadcast %max3A_1080 : f32 to vector<16xf32>
          %max3A_1082 = arith.maximumf %get3A_1079, %max3A_1081 : vector<16xf32>
          %min3A_1083 = arith.constant 1.000000e+00 : f32
          %min3A_1084 = vector.broadcast %min3A_1083 : f32 to vector<16xf32>
          %min3A_1085 = arith.minimumf %max3A_1082, %min3A_1084 : vector<16xf32>
          %swap3A_1086 = arith.constant 0 : i32
          %swap3A_1087 = arith.index_cast %swap3A_1086 : i32 to index
          %swap3A_1088 = arith.index_cast %multiple_of3A_1074 : i32 to index
          %swap3A_1089 = tpu.vector_load %arg11[%swap3A_1087, %swap3A_1088] {strides = array<i32>} : memref<4x4096xf32, #tpu.memory_space<vmem>>, vector<1x16xf32>,
          %swap3A_1090 = vector.shape_cast %swap3A_1089 : vector<1x16xf32> to vector<16xf32>
          %swap3A_1091 = vector.shape_cast %min3A_1085 : vector<16xf32> to vector<1x16xf32>
          tpu.vector_store %arg11[%swap3A_1087, %swap3A_1088], %swap3A_1091 {strides = array<i32>} : memref<4x4096xf32, #tpu.memory_space<vmem>>, vector<1x16xf32>,
          %mul3A_1092 = arith.constant 128 : i32
          %mul3A_1093 = arith.muli %scan3A_1027, %mul3A_1092 : i32
          %add3A_1094 = arith.constant 48 : i32
          %add3A_1095 = arith.addi %mul3A_1093, %add3A_1094 : i32
          %multiple_of3A_1096 = tpu.assume_multiple %add3A_1095, 16 : i32
          %get3A_1097 = arith.constant 0 : i32
          %get3A_1098 = arith.index_cast %get3A_1097 : i32 to index
          %get3A_1099 = arith.index_cast %multiple_of3A_1096 : i32 to index
          %get3A_1100 = tpu.vector_load %arg10[%get3A_1098, %get3A_1099] {strides = array<i32>} : memref<4x4096xf32, #tpu.memory_space<vmem>>, vector<1x16xf32>,
          %get3A_1101 = vector.shape_cast %get3A_1100 : vector<1x16xf32> to vector<16xf32>
          %max3A_1102 = arith.constant 0.000000e+00 : f32
          %max3A_1103 = vector.broadcast %max3A_1102 : f32 to vector<16xf32>
          %max3A_1104 = arith.maximumf %get3A_1101, %max3A_1103 : vector<16xf32>
          %min3A_1105 = arith.constant 1.000000e+00 : f32
          %min3A_1106 = vector.broadcast %min3A_1105 : f32 to vector<16xf32>
          %min3A_1107 = arith.minimumf %max3A_1104, %min3A_1106 : vector<16xf32>
          %swap3A_1108 = arith.constant 0 : i32
          %swap3A_1109 = arith.index_cast %swap3A_1108 : i32 to index
          %swap3A_1110 = arith.index_cast %multiple_of3A_1096 : i32 to index
          %swap3A_1111 = tpu.vector_load %arg11[%swap3A_1109, %swap3A_1110] {strides = array<i32>} : memref<4x4096xf32, #tpu.memory_space<vmem>>, vector<1x16xf32>,
          %swap3A_1112 = vector.shape_cast %swap3A_1111 : vector<1x16xf32> to vector<16xf32>
          %swap3A_1113 = vector.shape_cast %min3A_1107 : vector<16xf32> to vector<1x16xf32>
          tpu.vector_store %arg11[%swap3A_1109, %swap3A_1110], %swap3A_1113 {strides = array<i32>} : memref<4x4096xf32, #tpu.memory_space<vmem>>, vector<1x16xf32>,
          %mul3A_1114 = arith.constant 128 : i32
          %mul3A_1115 = arith.muli %scan3A_1027, %mul3A_1114 : i32
          %add3A_1116 = arith.constant 64 : i32
          %add3A_1117 = arith.addi %mul3A_1115, %add3A_1116 : i32
          %multiple_of3A_1118 = tpu.assume_multiple %add3A_1117, 16 : i32
          %get3A_1119 = arith.constant 0 : i32
          %get3A_1120 = arith.index_cast %get3A_1119 : i32 to index
          %get3A_1121 = arith.index_cast %multiple_of3A_1118 : i32 to index
          %get3A_1122 = tpu.vector_load %arg10[%get3A_1120, %get3A_1121] {strides = array<i32>} : memref<4x4096xf32, #tpu.memory_space<vmem>>, vector<1x16xf32>,
          %get3A_1123 = vector.shape_cast %get3A_1122 : vector<1x16xf32> to vector<16xf32>
          %max3A_1124 = arith.constant 0.000000e+00 : f32
          %max3A_1125 = vector.broadcast %max3A_1124 : f32 to vector<16xf32>
          %max3A_1126 = arith.maximumf %get3A_1123, %max3A_1125 : vector<16xf32>
          %min3A_1127 = arith.constant 1.000000e+00 : f32
          %min3A_1128 = vector.broadcast %min3A_1127 : f32 to vector<16xf32>
          %min3A_1129 = arith.minimumf %max3A_1126, %min3A_1128 : vector<16xf32>
          %swap3A_1130 = arith.constant 0 : i32
          %swap3A_1131 = arith.index_cast %swap3A_1130 : i32 to index
          %swap3A_1132 = arith.index_cast %multiple_of3A_1118 : i32 to index
          %swap3A_1133 = tpu.vector_load %arg11[%swap3A_1131, %swap3A_1132] {strides = array<i32>} : memref<4x4096xf32, #tpu.memory_space<vmem>>, vector<1x16xf32>,
          %swap3A_1134 = vector.shape_cast %swap3A_1133 : vector<1x16xf32> to vector<16xf32>
          %swap3A_1135 = vector.shape_cast %min3A_1129 : vector<16xf32> to vector<1x16xf32>
          tpu.vector_store %arg11[%swap3A_1131, %swap3A_1132], %swap3A_1135 {strides = array<i32>} : memref<4x4096xf32, #tpu.memory_space<vmem>>, vector<1x16xf32>,
          %mul3A_1136 = arith.constant 128 : i32
          %mul3A_1137 = arith.muli %scan3A_1027, %mul3A_1136 : i32
          %add3A_1138 = arith.constant 80 : i32
          %add3A_1139 = arith.addi %mul3A_1137, %add3A_1138 : i32
          %multiple_of3A_1140 = tpu.assume_multiple %add3A_1139, 16 : i32
          %get3A_1141 = arith.constant 0 : i32
          %get3A_1142 = arith.index_cast %get3A_1141 : i32 to index
          %get3A_1143 = arith.index_cast %multiple_of3A_1140 : i32 to index
          %get3A_1144 = tpu.vector_load %arg10[%get3A_1142, %get3A_1143] {strides = array<i32>} : memref<4x4096xf32, #tpu.memory_space<vmem>>, vector<1x16xf32>,
          %get3A_1145 = vector.shape_cast %get3A_1144 : vector<1x16xf32> to vector<16xf32>
          %max3A_1146 = arith.constant 0.000000e+00 : f32
          %max3A_1147 = vector.broadcast %max3A_1146 : f32 to vector<16xf32>
          %max3A_1148 = arith.maximumf %get3A_1145, %max3A_1147 : vector<16xf32>
          %min3A_1149 = arith.constant 1.000000e+00 : f32
          %min3A_1150 = vector.broadcast %min3A_1149 : f32 to vector<16xf32>
          %min3A_1151 = arith.minimumf %max3A_1148, %min3A_1150 : vector<16xf32>
          %swap3A_1152 = arith.constant 0 : i32
          %swap3A_1153 = arith.index_cast %swap3A_1152 : i32 to index
          %swap3A_1154 = arith.index_cast %multiple_of3A_1140 : i32 to index
          %swap3A_1155 = tpu.vector_load %arg11[%swap3A_1153, %swap3A_1154] {strides = array<i32>} : memref<4x4096xf32, #tpu.memory_space<vmem>>, vector<1x16xf32>,
          %swap3A_1156 = vector.shape_cast %swap3A_1155 : vector<1x16xf32> to vector<16xf32>
          %swap3A_1157 = vector.shape_cast %min3A_1151 : vector<16xf32> to vector<1x16xf32>
          tpu.vector_store %arg11[%swap3A_1153, %swap3A_1154], %swap3A_1157 {strides = array<i32>} : memref<4x4096xf32, #tpu.memory_space<vmem>>, vector<1x16xf32>,
          %mul3A_1158 = arith.constant 128 : i32
          %mul3A_1159 = arith.muli %scan3A_1027, %mul3A_1158 : i32
          %add3A_1160 = arith.constant 96 : i32
          %add3A_1161 = arith.addi %mul3A_1159, %add3A_1160 : i32
          %multiple_of3A_1162 = tpu.assume_multiple %add3A_1161, 16 : i32
          %get3A_1163 = arith.constant 0 : i32
          %get3A_1164 = arith.index_cast %get3A_1163 : i32 to index
          %get3A_1165 = arith.index_cast %multiple_of3A_1162 : i32 to index
          %get3A_1166 = tpu.vector_load %arg10[%get3A_1164, %get3A_1165] {strides = array<i32>} : memref<4x4096xf32, #tpu.memory_space<vmem>>, vector<1x16xf32>,
          %get3A_1167 = vector.shape_cast %get3A_1166 : vector<1x16xf32> to vector<16xf32>
          %max3A_1168 = arith.constant 0.000000e+00 : f32
          %max3A_1169 = vector.broadcast %max3A_1168 : f32 to vector<16xf32>
          %max3A_1170 = arith.maximumf %get3A_1167, %max3A_1169 : vector<16xf32>
          %min3A_1171 = arith.constant 1.000000e+00 : f32
          %min3A_1172 = vector.broadcast %min3A_1171 : f32 to vector<16xf32>
          %min3A_1173 = arith.minimumf %max3A_1170, %min3A_1172 : vector<16xf32>
          %swap3A_1174 = arith.constant 0 : i32
          %swap3A_1175 = arith.index_cast %swap3A_1174 : i32 to index
          %swap3A_1176 = arith.index_cast %multiple_of3A_1162 : i32 to index
          %swap3A_1177 = tpu.vector_load %arg11[%swap3A_1175, %swap3A_1176] {strides = array<i32>} : memref<4x4096xf32, #tpu.memory_space<vmem>>, vector<1x16xf32>,
          %swap3A_1178 = vector.shape_cast %swap3A_1177 : vector<1x16xf32> to vector<16xf32>
          %swap3A_1179 = vector.shape_cast %min3A_1173 : vector<16xf32> to vector<1x16xf32>
          tpu.vector_store %arg11[%swap3A_1175, %swap3A_1176], %swap3A_1179 {strides = array<i32>} : memref<4x4096xf32, #tpu.memory_space<vmem>>, vector<1x16xf32>,
          %mul3A_1180 = arith.constant 128 : i32
          %mul3A_1181 = arith.muli %scan3A_1027, %mul3A_1180 : i32
          %add3A_1182 = arith.constant 112 : i32
          %add3A_1183 = arith.addi %mul3A_1181, %add3A_1182 : i32
          %multiple_of3A_1184 = tpu.assume_multiple %add3A_1183, 16 : i32
          %get3A_1185 = arith.constant 0 : i32
          %get3A_1186 = arith.index_cast %get3A_1185 : i32 to index
          %get3A_1187 = arith.index_cast %multiple_of3A_1184 : i32 to index
          %get3A_1188 = tpu.vector_load %arg10[%get3A_1186, %get3A_1187] {strides = array<i32>} : memref<4x4096xf32, #tpu.memory_space<vmem>>, vector<1x16xf32>,
          %get3A_1189 = vector.shape_cast %get3A_1188 : vector<1x16xf32> to vector<16xf32>
          %max3A_1190 = arith.constant 0.000000e+00 : f32
          %max3A_1191 = vector.broadcast %max3A_1190 : f32 to vector<16xf32>
          %max3A_1192 = arith.maximumf %get3A_1189, %max3A_1191 : vector<16xf32>
          %min3A_1193 = arith.constant 1.000000e+00 : f32
          %min3A_1194 = vector.broadcast %min3A_1193 : f32 to vector<16xf32>
          %min3A_1195 = arith.minimumf %max3A_1192, %min3A_1194 : vector<16xf32>
          %swap3A_1196 = arith.constant 0 : i32
          %swap3A_1197 = arith.index_cast %swap3A_1196 : i32 to index
          %swap3A_1198 = arith.index_cast %multiple_of3A_1184 : i32 to index
          %swap3A_1199 = tpu.vector_load %arg11[%swap3A_1197, %swap3A_1198] {strides = array<i32>} : memref<4x4096xf32, #tpu.memory_space<vmem>>, vector<1x16xf32>,
          %swap3A_1200 = vector.shape_cast %swap3A_1199 : vector<1x16xf32> to vector<16xf32>
          %swap3A_1201 = vector.shape_cast %min3A_1195 : vector<16xf32> to vector<1x16xf32>
          tpu.vector_store %arg11[%swap3A_1197, %swap3A_1198], %swap3A_1201 {strides = array<i32>} : memref<4x4096xf32, #tpu.memory_space<vmem>>, vector<1x16xf32>,
          %scan3A_1202 = arith.constant 0 : i32
          scf.yield %scan3A_1202 : i32
        }
        %scan3A_944 = arith.constant 32 : i32
        %sub3A_945 = arith.subi %add3A_937, %mul3A_2 : i32
        %get3A_946 = arith.index_cast %sub3A_945 : i32 to index
        %get3A_947 = memref.load %arg16[%get3A_946] : memref<128xf32, #tpu.memory_space<smem>>
        %gt3A_948 = arith.constant 5.000000e-01 : f32
        %gt3A_949 = arith.cmpf ogt, %get3A_947, %gt3A_948 : f32
        %convert_element_type3A_950 = arith.extui %gt3A_949 : i1 to i32
        %cond3A_951 = arith.constant 0 : i32
        %cond3A_952 = arith.cmpi ne, %convert_element_type3A_950, %cond3A_951 : i32
        scf.if %cond3A_952 {
          %convert_element_type3A_1027 = arith.sitofp %add3A_937 : i32 to f32
          %add3A_1028 = arith.constant 1 : i32
          %add3A_1029 = arith.addi %add3A_937, %add3A_1028 : i32
          %jit3A_1030 = arith.constant 16 : i32
          %div3A = arith.divsi %add3A_1029, %jit3A_1030 : i32
          %sign3A = arith.constant 0 : i32
          %sign3A_1031 = arith.cmpi sgt, %add3A_1029, %sign3A : i32
          %sign3A_1032 = arith.extui %sign3A_1031 : i1 to i32
          %sign3A_1033 = arith.constant 0 : i32
          %sign3A_1034 = arith.cmpi slt, %add3A_1029, %sign3A_1033 : i32
          %sign3A_1035 = arith.extui %sign3A_1034 : i1 to i32
          %sign3A_1036 = arith.subi %sign3A_1032, %sign3A_1035 : i32
          %sign3A_1037 = arith.constant 0 : i32
          %sign3A_1038 = arith.cmpi sgt, %jit3A_1030, %sign3A_1037 : i32
          %sign3A_1039 = arith.extui %sign3A_1038 : i1 to i32
          %sign3A_1040 = arith.constant 0 : i32
          %sign3A_1041 = arith.cmpi slt, %jit3A_1030, %sign3A_1040 : i32
          %sign3A_1042 = arith.extui %sign3A_1041 : i1 to i32
          %sign3A_1043 = arith.subi %sign3A_1039, %sign3A_1042 : i32
          %ne3A = arith.cmpi ne, %sign3A_1036, %sign3A_1043 : i32
          %rem3A = arith.remsi %add3A_1029, %jit3A_1030 : i32
          %ne3A_1044 = arith.constant 0 : i32
          %ne3A_1045 = arith.cmpi ne, %rem3A, %ne3A_1044 : i32
          %and3A = arith.andi %ne3A, %ne3A_1045 : i1
          %sub3A_1046 = arith.constant 1 : i32
          %sub3A_1047 = arith.subi %div3A, %sub3A_1046 : i32
          %select_n3A_1048 = arith.select %and3A, %sub3A_1047, %div3A : i32
          %scan3A_1049 = arith.constant 0 : i32
          %scan3A_1050 = arith.constant 0 : i32
          %scan3A_1051 = arith.constant 9 : i32
          %scan3A_1052 = arith.addi %scan3A_1050, %scan3A_1051 : i32
          %scan3A_1053 = arith.constant 1 : i32
          %scan3A_1054 = scf.for %scan3A_1056 = %scan3A_1050 to %scan3A_1052 step %scan3A_1053 iter_args(%scan3A_1057 = %scan3A_1049) -> (i32)  : i32 {
            %add3A_1058 = arith.addi %select_n3A_1048, %scan3A_1056 : i32
            %min3A = arith.constant 255 : i32
            %min3A_1059 = arith.minsi %add3A_1058, %min3A : i32
            %mul3A_1060 = arith.constant 16 : i32
            %mul3A_1061 = arith.muli %min3A_1059, %mul3A_1060 : i32
            %multiple_of3A = tpu.assume_multiple %mul3A_1061, 16 : i32
            %convert_element_type3A_1062 = arith.sitofp %multiple_of3A : i32 to f32
            %add3A_1063 = vector.broadcast %convert_element_type3A_1062 : f32 to vector<16xf32>
            %add3A_1064 = arith.addf %convert_element_type3A, %add3A_1063 : vector<16xf32>
            %sub3A_1065 = vector.broadcast %convert_element_type3A_1027 : f32 to vector<16xf32>
            %sub3A_1066 = arith.subf %add3A_1064, %sub3A_1065 : vector<16xf32>
            %gt3A_1067 = arith.constant 5.000000e-01 : f32
            %gt3A_1068 = vector.broadcast %gt3A_1067 : f32 to vector<16xf32>
            %gt3A_1069 = arith.cmpf ogt, %sub3A_1066, %gt3A_1068 : vector<16xf32>
            %jit3A_1070 = arith.constant 1.000000e+00 : f32
            %jit3A_1071 = arith.constant 0.000000e+00 : f32
            %broadcast_in_dim3A_1072 = vector.broadcast %jit3A_1070 : f32 to vector<16xf32>
            %broadcast_in_dim3A_1073 = vector.broadcast %jit3A_1071 : f32 to vector<16xf32>
            %select_n3A_1074 = arith.select %gt3A_1069, %broadcast_in_dim3A_1072, %broadcast_in_dim3A_1073 : vector<16xi1>, vector<16xf32>
            %lt3A_1075 = arith.constant 1.285000e+02 : f32
            %lt3A_1076 = vector.broadcast %lt3A_1075 : f32 to vector<16xf32>
            %lt3A_1077 = arith.cmpf olt, %sub3A_1066, %lt3A_1076 : vector<16xf32>
            %jit3A_1078 = arith.constant 1.000000e+00 : f32
            %jit3A_1079 = arith.constant 0.000000e+00 : f32
            %broadcast_in_dim3A_1080 = vector.broadcast %jit3A_1078 : f32 to vector<16xf32>
            %broadcast_in_dim3A_1081 = vector.broadcast %jit3A_1079 : f32 to vector<16xf32>
            %select_n3A_1082 = arith.select %lt3A_1077, %broadcast_in_dim3A_1080, %broadcast_in_dim3A_1081 : vector<16xi1>, vector<16xf32>
            %mul3A_1083 = arith.mulf %sub3A_1066, %sub3A_1066 : vector<16xf32>
            %neg3A = arith.constant 0.000000e+00 : f32
            %neg3A_1084 = vector.broadcast %neg3A : f32 to vector<16xf32>
            %neg3A_1085 = arith.subf %neg3A_1084, %mul3A_1083 : vector<16xf32>
            %mul3A_1086 = arith.constant 1.250000e-03 : f32
            %mul3A_1087 = vector.broadcast %mul3A_1086 : f32 to vector<16xf32>
            %mul3A_1088 = arith.mulf %neg3A_1085, %mul3A_1087 : vector<16xf32>
            %exp3A = math.exp %mul3A_1088 : vector<16xf32>
            %mul3A_1089 = arith.constant 0.00999999977 : f32
            %mul3A_1090 = vector.broadcast %mul3A_1089 : f32 to vector<16xf32>
            %mul3A_1091 = arith.mulf %mul3A_1090, %exp3A : vector<16xf32>
            %get3A_1092 = arith.index_cast %multiple_of3A : i32 to index
            %get3A_1093 = tpu.vector_load %arg6[%get3A_1092] {strides = array<i32>} : memref<4096xf32, #tpu.memory_space<vmem>>, vector<16xf32>,
            %get3A_1094 = vector.shape_cast %get3A_1093 : vector<16xf32> to vector<16xf32>
            %ge3A_1095 = arith.constant 1.000000e+00 : f32
            %ge3A_1096 = vector.broadcast %ge3A_1095 : f32 to vector<16xf32>
            %ge3A_1097 = arith.cmpf oge, %get3A_1094, %ge3A_1096 : vector<16xf32>
            %jit3A_1098 = arith.constant 1.000000e+00 : f32
            %jit3A_1099 = arith.constant 0.000000e+00 : f32
            %broadcast_in_dim3A_1100 = vector.broadcast %jit3A_1098 : f32 to vector<16xf32>
            %broadcast_in_dim3A_1101 = vector.broadcast %jit3A_1099 : f32 to vector<16xf32>
            %select_n3A_1102 = arith.select %ge3A_1097, %broadcast_in_dim3A_1100, %broadcast_in_dim3A_1101 : vector<16xi1>, vector<16xf32>
            %mul3A_1103 = arith.mulf %select_n3A_1074, %select_n3A_1082 : vector<16xf32>
            %mul3A_1104 = arith.mulf %mul3A_1091, %mul3A_1103 : vector<16xf32>
            %mul3A_1105 = arith.mulf %mul3A_1104, %select_n3A_1102 : vector<16xf32>
            %get3A_1106 = arith.constant 0 : i32
            %get3A_1107 = arith.index_cast %get3A_1106 : i32 to index
            %get3A_1108 = arith.index_cast %multiple_of3A : i32 to index
            %get3A_1109 = tpu.vector_load %arg10[%get3A_1107, %get3A_1108] {strides = array<i32>} : memref<4x4096xf32, #tpu.memory_space<vmem>>, vector<1x16xf32>,
            %get3A_1110 = vector.shape_cast %get3A_1109 : vector<1x16xf32> to vector<16xf32>
            %add3A_1111 = arith.addf %get3A_1110, %mul3A_1105 : vector<16xf32>
            %max3A = arith.constant 0.000000e+00 : f32
            %max3A_1112 = vector.broadcast %max3A : f32 to vector<16xf32>
            %max3A_1113 = arith.maximumf %add3A_1111, %max3A_1112 : vector<16xf32>
            %min3A_1114 = arith.constant 1.000000e+00 : f32
            %min3A_1115 = vector.broadcast %min3A_1114 : f32 to vector<16xf32>
            %min3A_1116 = arith.minimumf %max3A_1113, %min3A_1115 : vector<16xf32>
            %swap3A_1117 = arith.constant 0 : i32
            %swap3A_1118 = arith.index_cast %swap3A_1117 : i32 to index
            %swap3A_1119 = arith.index_cast %multiple_of3A : i32 to index
            %swap3A_1120 = tpu.vector_load %arg11[%swap3A_1118, %swap3A_1119] {strides = array<i32>} : memref<4x4096xf32, #tpu.memory_space<vmem>>, vector<1x16xf32>,
            %swap3A_1121 = vector.shape_cast %swap3A_1120 : vector<1x16xf32> to vector<16xf32>
            %swap3A_1122 = vector.shape_cast %min3A_1116 : vector<16xf32> to vector<1x16xf32>
            tpu.vector_store %arg11[%swap3A_1118, %swap3A_1119], %swap3A_1122 {strides = array<i32>} : memref<4x4096xf32, #tpu.memory_space<vmem>>, vector<1x16xf32>,
            %scan3A_1123 = arith.constant 0 : i32
            scf.yield %scan3A_1123 : i32
          }
          %scan3A_1055 = arith.constant 9 : i32
        } else {
        }
        %add3A_953 = arith.constant 1 : i32
        %add3A_954 = arith.addi %add3A_919, %add3A_953 : i32
        %scan3A_955 = arith.constant 0 : i32
        %scan3A_956 = arith.constant 0 : i32
        %scan3A_957 = arith.constant 32 : i32
        %scan3A_958 = arith.addi %scan3A_956, %scan3A_957 : i32
        %scan3A_959 = arith.constant 1 : i32
        %scan3A_960 = scf.for %scan3A_1027 = %scan3A_956 to %scan3A_958 step %scan3A_959 iter_args(%scan3A_1028 = %scan3A_955) -> (i32)  : i32 {
          %mul3A_1029 = arith.constant 128 : i32
          %mul3A_1030 = arith.muli %scan3A_1027, %mul3A_1029 : i32
          %add3A_1031 = arith.constant 0 : i32
          %add3A_1032 = arith.addi %mul3A_1030, %add3A_1031 : i32
          %multiple_of3A = tpu.assume_multiple %add3A_1032, 16 : i32
          %get3A_1033 = arith.constant 1 : i32
          %get3A_1034 = arith.index_cast %get3A_1033 : i32 to index
          %get3A_1035 = arith.index_cast %multiple_of3A : i32 to index
          %get3A_1036 = tpu.vector_load %arg10[%get3A_1034, %get3A_1035] {strides = array<i32>} : memref<4x4096xf32, #tpu.memory_space<vmem>>, vector<1x16xf32>,
          %get3A_1037 = vector.shape_cast %get3A_1036 : vector<1x16xf32> to vector<16xf32>
          %max3A = arith.constant 0.000000e+00 : f32
          %max3A_1038 = vector.broadcast %max3A : f32 to vector<16xf32>
          %max3A_1039 = arith.maximumf %get3A_1037, %max3A_1038 : vector<16xf32>
          %min3A = arith.constant 1.000000e+00 : f32
          %min3A_1040 = vector.broadcast %min3A : f32 to vector<16xf32>
          %min3A_1041 = arith.minimumf %max3A_1039, %min3A_1040 : vector<16xf32>
          %swap3A_1042 = arith.constant 1 : i32
          %swap3A_1043 = arith.index_cast %swap3A_1042 : i32 to index
          %swap3A_1044 = arith.index_cast %multiple_of3A : i32 to index
          %swap3A_1045 = tpu.vector_load %arg11[%swap3A_1043, %swap3A_1044] {strides = array<i32>} : memref<4x4096xf32, #tpu.memory_space<vmem>>, vector<1x16xf32>,
          %swap3A_1046 = vector.shape_cast %swap3A_1045 : vector<1x16xf32> to vector<16xf32>
          %swap3A_1047 = vector.shape_cast %min3A_1041 : vector<16xf32> to vector<1x16xf32>
          tpu.vector_store %arg11[%swap3A_1043, %swap3A_1044], %swap3A_1047 {strides = array<i32>} : memref<4x4096xf32, #tpu.memory_space<vmem>>, vector<1x16xf32>,
          %mul3A_1048 = arith.constant 128 : i32
          %mul3A_1049 = arith.muli %scan3A_1027, %mul3A_1048 : i32
          %add3A_1050 = arith.constant 16 : i32
          %add3A_1051 = arith.addi %mul3A_1049, %add3A_1050 : i32
          %multiple_of3A_1052 = tpu.assume_multiple %add3A_1051, 16 : i32
          %get3A_1053 = arith.constant 1 : i32
          %get3A_1054 = arith.index_cast %get3A_1053 : i32 to index
          %get3A_1055 = arith.index_cast %multiple_of3A_1052 : i32 to index
          %get3A_1056 = tpu.vector_load %arg10[%get3A_1054, %get3A_1055] {strides = array<i32>} : memref<4x4096xf32, #tpu.memory_space<vmem>>, vector<1x16xf32>,
          %get3A_1057 = vector.shape_cast %get3A_1056 : vector<1x16xf32> to vector<16xf32>
          %max3A_1058 = arith.constant 0.000000e+00 : f32
          %max3A_1059 = vector.broadcast %max3A_1058 : f32 to vector<16xf32>
          %max3A_1060 = arith.maximumf %get3A_1057, %max3A_1059 : vector<16xf32>
          %min3A_1061 = arith.constant 1.000000e+00 : f32
          %min3A_1062 = vector.broadcast %min3A_1061 : f32 to vector<16xf32>
          %min3A_1063 = arith.minimumf %max3A_1060, %min3A_1062 : vector<16xf32>
          %swap3A_1064 = arith.constant 1 : i32
          %swap3A_1065 = arith.index_cast %swap3A_1064 : i32 to index
          %swap3A_1066 = arith.index_cast %multiple_of3A_1052 : i32 to index
          %swap3A_1067 = tpu.vector_load %arg11[%swap3A_1065, %swap3A_1066] {strides = array<i32>} : memref<4x4096xf32, #tpu.memory_space<vmem>>, vector<1x16xf32>,
          %swap3A_1068 = vector.shape_cast %swap3A_1067 : vector<1x16xf32> to vector<16xf32>
          %swap3A_1069 = vector.shape_cast %min3A_1063 : vector<16xf32> to vector<1x16xf32>
          tpu.vector_store %arg11[%swap3A_1065, %swap3A_1066], %swap3A_1069 {strides = array<i32>} : memref<4x4096xf32, #tpu.memory_space<vmem>>, vector<1x16xf32>,
          %mul3A_1070 = arith.constant 128 : i32
          %mul3A_1071 = arith.muli %scan3A_1027, %mul3A_1070 : i32
          %add3A_1072 = arith.constant 32 : i32
          %add3A_1073 = arith.addi %mul3A_1071, %add3A_1072 : i32
          %multiple_of3A_1074 = tpu.assume_multiple %add3A_1073, 16 : i32
          %get3A_1075 = arith.constant 1 : i32
          %get3A_1076 = arith.index_cast %get3A_1075 : i32 to index
          %get3A_1077 = arith.index_cast %multiple_of3A_1074 : i32 to index
          %get3A_1078 = tpu.vector_load %arg10[%get3A_1076, %get3A_1077] {strides = array<i32>} : memref<4x4096xf32, #tpu.memory_space<vmem>>, vector<1x16xf32>,
          %get3A_1079 = vector.shape_cast %get3A_1078 : vector<1x16xf32> to vector<16xf32>
          %max3A_1080 = arith.constant 0.000000e+00 : f32
          %max3A_1081 = vector.broadcast %max3A_1080 : f32 to vector<16xf32>
          %max3A_1082 = arith.maximumf %get3A_1079, %max3A_1081 : vector<16xf32>
          %min3A_1083 = arith.constant 1.000000e+00 : f32
          %min3A_1084 = vector.broadcast %min3A_1083 : f32 to vector<16xf32>
          %min3A_1085 = arith.minimumf %max3A_1082, %min3A_1084 : vector<16xf32>
          %swap3A_1086 = arith.constant 1 : i32
          %swap3A_1087 = arith.index_cast %swap3A_1086 : i32 to index
          %swap3A_1088 = arith.index_cast %multiple_of3A_1074 : i32 to index
          %swap3A_1089 = tpu.vector_load %arg11[%swap3A_1087, %swap3A_1088] {strides = array<i32>} : memref<4x4096xf32, #tpu.memory_space<vmem>>, vector<1x16xf32>,
          %swap3A_1090 = vector.shape_cast %swap3A_1089 : vector<1x16xf32> to vector<16xf32>
          %swap3A_1091 = vector.shape_cast %min3A_1085 : vector<16xf32> to vector<1x16xf32>
          tpu.vector_store %arg11[%swap3A_1087, %swap3A_1088], %swap3A_1091 {strides = array<i32>} : memref<4x4096xf32, #tpu.memory_space<vmem>>, vector<1x16xf32>,
          %mul3A_1092 = arith.constant 128 : i32
          %mul3A_1093 = arith.muli %scan3A_1027, %mul3A_1092 : i32
          %add3A_1094 = arith.constant 48 : i32
          %add3A_1095 = arith.addi %mul3A_1093, %add3A_1094 : i32
          %multiple_of3A_1096 = tpu.assume_multiple %add3A_1095, 16 : i32
          %get3A_1097 = arith.constant 1 : i32
          %get3A_1098 = arith.index_cast %get3A_1097 : i32 to index
          %get3A_1099 = arith.index_cast %multiple_of3A_1096 : i32 to index
          %get3A_1100 = tpu.vector_load %arg10[%get3A_1098, %get3A_1099] {strides = array<i32>} : memref<4x4096xf32, #tpu.memory_space<vmem>>, vector<1x16xf32>,
          %get3A_1101 = vector.shape_cast %get3A_1100 : vector<1x16xf32> to vector<16xf32>
          %max3A_1102 = arith.constant 0.000000e+00 : f32
          %max3A_1103 = vector.broadcast %max3A_1102 : f32 to vector<16xf32>
          %max3A_1104 = arith.maximumf %get3A_1101, %max3A_1103 : vector<16xf32>
          %min3A_1105 = arith.constant 1.000000e+00 : f32
          %min3A_1106 = vector.broadcast %min3A_1105 : f32 to vector<16xf32>
          %min3A_1107 = arith.minimumf %max3A_1104, %min3A_1106 : vector<16xf32>
          %swap3A_1108 = arith.constant 1 : i32
          %swap3A_1109 = arith.index_cast %swap3A_1108 : i32 to index
          %swap3A_1110 = arith.index_cast %multiple_of3A_1096 : i32 to index
          %swap3A_1111 = tpu.vector_load %arg11[%swap3A_1109, %swap3A_1110] {strides = array<i32>} : memref<4x4096xf32, #tpu.memory_space<vmem>>, vector<1x16xf32>,
          %swap3A_1112 = vector.shape_cast %swap3A_1111 : vector<1x16xf32> to vector<16xf32>
          %swap3A_1113 = vector.shape_cast %min3A_1107 : vector<16xf32> to vector<1x16xf32>
          tpu.vector_store %arg11[%swap3A_1109, %swap3A_1110], %swap3A_1113 {strides = array<i32>} : memref<4x4096xf32, #tpu.memory_space<vmem>>, vector<1x16xf32>,
          %mul3A_1114 = arith.constant 128 : i32
          %mul3A_1115 = arith.muli %scan3A_1027, %mul3A_1114 : i32
          %add3A_1116 = arith.constant 64 : i32
          %add3A_1117 = arith.addi %mul3A_1115, %add3A_1116 : i32
          %multiple_of3A_1118 = tpu.assume_multiple %add3A_1117, 16 : i32
          %get3A_1119 = arith.constant 1 : i32
          %get3A_1120 = arith.index_cast %get3A_1119 : i32 to index
          %get3A_1121 = arith.index_cast %multiple_of3A_1118 : i32 to index
          %get3A_1122 = tpu.vector_load %arg10[%get3A_1120, %get3A_1121] {strides = array<i32>} : memref<4x4096xf32, #tpu.memory_space<vmem>>, vector<1x16xf32>,
          %get3A_1123 = vector.shape_cast %get3A_1122 : vector<1x16xf32> to vector<16xf32>
          %max3A_1124 = arith.constant 0.000000e+00 : f32
          %max3A_1125 = vector.broadcast %max3A_1124 : f32 to vector<16xf32>
          %max3A_1126 = arith.maximumf %get3A_1123, %max3A_1125 : vector<16xf32>
          %min3A_1127 = arith.constant 1.000000e+00 : f32
          %min3A_1128 = vector.broadcast %min3A_1127 : f32 to vector<16xf32>
          %min3A_1129 = arith.minimumf %max3A_1126, %min3A_1128 : vector<16xf32>
          %swap3A_1130 = arith.constant 1 : i32
          %swap3A_1131 = arith.index_cast %swap3A_1130 : i32 to index
          %swap3A_1132 = arith.index_cast %multiple_of3A_1118 : i32 to index
          %swap3A_1133 = tpu.vector_load %arg11[%swap3A_1131, %swap3A_1132] {strides = array<i32>} : memref<4x4096xf32, #tpu.memory_space<vmem>>, vector<1x16xf32>,
          %swap3A_1134 = vector.shape_cast %swap3A_1133 : vector<1x16xf32> to vector<16xf32>
          %swap3A_1135 = vector.shape_cast %min3A_1129 : vector<16xf32> to vector<1x16xf32>
          tpu.vector_store %arg11[%swap3A_1131, %swap3A_1132], %swap3A_1135 {strides = array<i32>} : memref<4x4096xf32, #tpu.memory_space<vmem>>, vector<1x16xf32>,
          %mul3A_1136 = arith.constant 128 : i32
          %mul3A_1137 = arith.muli %scan3A_1027, %mul3A_1136 : i32
          %add3A_1138 = arith.constant 80 : i32
          %add3A_1139 = arith.addi %mul3A_1137, %add3A_1138 : i32
          %multiple_of3A_1140 = tpu.assume_multiple %add3A_1139, 16 : i32
          %get3A_1141 = arith.constant 1 : i32
          %get3A_1142 = arith.index_cast %get3A_1141 : i32 to index
          %get3A_1143 = arith.index_cast %multiple_of3A_1140 : i32 to index
          %get3A_1144 = tpu.vector_load %arg10[%get3A_1142, %get3A_1143] {strides = array<i32>} : memref<4x4096xf32, #tpu.memory_space<vmem>>, vector<1x16xf32>,
          %get3A_1145 = vector.shape_cast %get3A_1144 : vector<1x16xf32> to vector<16xf32>
          %max3A_1146 = arith.constant 0.000000e+00 : f32
          %max3A_1147 = vector.broadcast %max3A_1146 : f32 to vector<16xf32>
          %max3A_1148 = arith.maximumf %get3A_1145, %max3A_1147 : vector<16xf32>
          %min3A_1149 = arith.constant 1.000000e+00 : f32
          %min3A_1150 = vector.broadcast %min3A_1149 : f32 to vector<16xf32>
          %min3A_1151 = arith.minimumf %max3A_1148, %min3A_1150 : vector<16xf32>
          %swap3A_1152 = arith.constant 1 : i32
          %swap3A_1153 = arith.index_cast %swap3A_1152 : i32 to index
          %swap3A_1154 = arith.index_cast %multiple_of3A_1140 : i32 to index
          %swap3A_1155 = tpu.vector_load %arg11[%swap3A_1153, %swap3A_1154] {strides = array<i32>} : memref<4x4096xf32, #tpu.memory_space<vmem>>, vector<1x16xf32>,
          %swap3A_1156 = vector.shape_cast %swap3A_1155 : vector<1x16xf32> to vector<16xf32>
          %swap3A_1157 = vector.shape_cast %min3A_1151 : vector<16xf32> to vector<1x16xf32>
          tpu.vector_store %arg11[%swap3A_1153, %swap3A_1154], %swap3A_1157 {strides = array<i32>} : memref<4x4096xf32, #tpu.memory_space<vmem>>, vector<1x16xf32>,
          %mul3A_1158 = arith.constant 128 : i32
          %mul3A_1159 = arith.muli %scan3A_1027, %mul3A_1158 : i32
          %add3A_1160 = arith.constant 96 : i32
          %add3A_1161 = arith.addi %mul3A_1159, %add3A_1160 : i32
          %multiple_of3A_1162 = tpu.assume_multiple %add3A_1161, 16 : i32
          %get3A_1163 = arith.constant 1 : i32
          %get3A_1164 = arith.index_cast %get3A_1163 : i32 to index
          %get3A_1165 = arith.index_cast %multiple_of3A_1162 : i32 to index
          %get3A_1166 = tpu.vector_load %arg10[%get3A_1164, %get3A_1165] {strides = array<i32>} : memref<4x4096xf32, #tpu.memory_space<vmem>>, vector<1x16xf32>,
          %get3A_1167 = vector.shape_cast %get3A_1166 : vector<1x16xf32> to vector<16xf32>
          %max3A_1168 = arith.constant 0.000000e+00 : f32
          %max3A_1169 = vector.broadcast %max3A_1168 : f32 to vector<16xf32>
          %max3A_1170 = arith.maximumf %get3A_1167, %max3A_1169 : vector<16xf32>
          %min3A_1171 = arith.constant 1.000000e+00 : f32
          %min3A_1172 = vector.broadcast %min3A_1171 : f32 to vector<16xf32>
          %min3A_1173 = arith.minimumf %max3A_1170, %min3A_1172 : vector<16xf32>
          %swap3A_1174 = arith.constant 1 : i32
          %swap3A_1175 = arith.index_cast %swap3A_1174 : i32 to index
          %swap3A_1176 = arith.index_cast %multiple_of3A_1162 : i32 to index
          %swap3A_1177 = tpu.vector_load %arg11[%swap3A_1175, %swap3A_1176] {strides = array<i32>} : memref<4x4096xf32, #tpu.memory_space<vmem>>, vector<1x16xf32>,
          %swap3A_1178 = vector.shape_cast %swap3A_1177 : vector<1x16xf32> to vector<16xf32>
          %swap3A_1179 = vector.shape_cast %min3A_1173 : vector<16xf32> to vector<1x16xf32>
          tpu.vector_store %arg11[%swap3A_1175, %swap3A_1176], %swap3A_1179 {strides = array<i32>} : memref<4x4096xf32, #tpu.memory_space<vmem>>, vector<1x16xf32>,
          %mul3A_1180 = arith.constant 128 : i32
          %mul3A_1181 = arith.muli %scan3A_1027, %mul3A_1180 : i32
          %add3A_1182 = arith.constant 112 : i32
          %add3A_1183 = arith.addi %mul3A_1181, %add3A_1182 : i32
          %multiple_of3A_1184 = tpu.assume_multiple %add3A_1183, 16 : i32
          %get3A_1185 = arith.constant 1 : i32
          %get3A_1186 = arith.index_cast %get3A_1185 : i32 to index
          %get3A_1187 = arith.index_cast %multiple_of3A_1184 : i32 to index
          %get3A_1188 = tpu.vector_load %arg10[%get3A_1186, %get3A_1187] {strides = array<i32>} : memref<4x4096xf32, #tpu.memory_space<vmem>>, vector<1x16xf32>,
          %get3A_1189 = vector.shape_cast %get3A_1188 : vector<1x16xf32> to vector<16xf32>
          %max3A_1190 = arith.constant 0.000000e+00 : f32
          %max3A_1191 = vector.broadcast %max3A_1190 : f32 to vector<16xf32>
          %max3A_1192 = arith.maximumf %get3A_1189, %max3A_1191 : vector<16xf32>
          %min3A_1193 = arith.constant 1.000000e+00 : f32
          %min3A_1194 = vector.broadcast %min3A_1193 : f32 to vector<16xf32>
          %min3A_1195 = arith.minimumf %max3A_1192, %min3A_1194 : vector<16xf32>
          %swap3A_1196 = arith.constant 1 : i32
          %swap3A_1197 = arith.index_cast %swap3A_1196 : i32 to index
          %swap3A_1198 = arith.index_cast %multiple_of3A_1184 : i32 to index
          %swap3A_1199 = tpu.vector_load %arg11[%swap3A_1197, %swap3A_1198] {strides = array<i32>} : memref<4x4096xf32, #tpu.memory_space<vmem>>, vector<1x16xf32>,
          %swap3A_1200 = vector.shape_cast %swap3A_1199 : vector<1x16xf32> to vector<16xf32>
          %swap3A_1201 = vector.shape_cast %min3A_1195 : vector<16xf32> to vector<1x16xf32>
          tpu.vector_store %arg11[%swap3A_1197, %swap3A_1198], %swap3A_1201 {strides = array<i32>} : memref<4x4096xf32, #tpu.memory_space<vmem>>, vector<1x16xf32>,
          %scan3A_1202 = arith.constant 0 : i32
          scf.yield %scan3A_1202 : i32
        }
        %scan3A_961 = arith.constant 32 : i32
        %sub3A_962 = arith.subi %add3A_954, %mul3A_2 : i32
        %get3A_963 = arith.index_cast %sub3A_962 : i32 to index
        %get3A_964 = memref.load %arg16[%get3A_963] : memref<128xf32, #tpu.memory_space<smem>>
        %gt3A_965 = arith.constant 5.000000e-01 : f32
        %gt3A_966 = arith.cmpf ogt, %get3A_964, %gt3A_965 : f32
        %convert_element_type3A_967 = arith.extui %gt3A_966 : i1 to i32
        %cond3A_968 = arith.constant 0 : i32
        %cond3A_969 = arith.cmpi ne, %convert_element_type3A_967, %cond3A_968 : i32
        scf.if %cond3A_969 {
          %convert_element_type3A_1027 = arith.sitofp %add3A_954 : i32 to f32
          %add3A_1028 = arith.constant 1 : i32
          %add3A_1029 = arith.addi %add3A_954, %add3A_1028 : i32
          %jit3A_1030 = arith.constant 16 : i32
          %div3A = arith.divsi %add3A_1029, %jit3A_1030 : i32
          %sign3A = arith.constant 0 : i32
          %sign3A_1031 = arith.cmpi sgt, %add3A_1029, %sign3A : i32
          %sign3A_1032 = arith.extui %sign3A_1031 : i1 to i32
          %sign3A_1033 = arith.constant 0 : i32
          %sign3A_1034 = arith.cmpi slt, %add3A_1029, %sign3A_1033 : i32
          %sign3A_1035 = arith.extui %sign3A_1034 : i1 to i32
          %sign3A_1036 = arith.subi %sign3A_1032, %sign3A_1035 : i32
          %sign3A_1037 = arith.constant 0 : i32
          %sign3A_1038 = arith.cmpi sgt, %jit3A_1030, %sign3A_1037 : i32
          %sign3A_1039 = arith.extui %sign3A_1038 : i1 to i32
          %sign3A_1040 = arith.constant 0 : i32
          %sign3A_1041 = arith.cmpi slt, %jit3A_1030, %sign3A_1040 : i32
          %sign3A_1042 = arith.extui %sign3A_1041 : i1 to i32
          %sign3A_1043 = arith.subi %sign3A_1039, %sign3A_1042 : i32
          %ne3A = arith.cmpi ne, %sign3A_1036, %sign3A_1043 : i32
          %rem3A = arith.remsi %add3A_1029, %jit3A_1030 : i32
          %ne3A_1044 = arith.constant 0 : i32
          %ne3A_1045 = arith.cmpi ne, %rem3A, %ne3A_1044 : i32
          %and3A = arith.andi %ne3A, %ne3A_1045 : i1
          %sub3A_1046 = arith.constant 1 : i32
          %sub3A_1047 = arith.subi %div3A, %sub3A_1046 : i32
          %select_n3A_1048 = arith.select %and3A, %sub3A_1047, %div3A : i32
          %scan3A_1049 = arith.constant 0 : i32
          %scan3A_1050 = arith.constant 0 : i32
          %scan3A_1051 = arith.constant 9 : i32
          %scan3A_1052 = arith.addi %scan3A_1050, %scan3A_1051 : i32
          %scan3A_1053 = arith.constant 1 : i32
          %scan3A_1054 = scf.for %scan3A_1056 = %scan3A_1050 to %scan3A_1052 step %scan3A_1053 iter_args(%scan3A_1057 = %scan3A_1049) -> (i32)  : i32 {
            %add3A_1058 = arith.addi %select_n3A_1048, %scan3A_1056 : i32
            %min3A = arith.constant 255 : i32
            %min3A_1059 = arith.minsi %add3A_1058, %min3A : i32
            %mul3A_1060 = arith.constant 16 : i32
            %mul3A_1061 = arith.muli %min3A_1059, %mul3A_1060 : i32
            %multiple_of3A = tpu.assume_multiple %mul3A_1061, 16 : i32
            %convert_element_type3A_1062 = arith.sitofp %multiple_of3A : i32 to f32
            %add3A_1063 = vector.broadcast %convert_element_type3A_1062 : f32 to vector<16xf32>
            %add3A_1064 = arith.addf %convert_element_type3A, %add3A_1063 : vector<16xf32>
            %sub3A_1065 = vector.broadcast %convert_element_type3A_1027 : f32 to vector<16xf32>
            %sub3A_1066 = arith.subf %add3A_1064, %sub3A_1065 : vector<16xf32>
            %gt3A_1067 = arith.constant 5.000000e-01 : f32
            %gt3A_1068 = vector.broadcast %gt3A_1067 : f32 to vector<16xf32>
            %gt3A_1069 = arith.cmpf ogt, %sub3A_1066, %gt3A_1068 : vector<16xf32>
            %jit3A_1070 = arith.constant 1.000000e+00 : f32
            %jit3A_1071 = arith.constant 0.000000e+00 : f32
            %broadcast_in_dim3A_1072 = vector.broadcast %jit3A_1070 : f32 to vector<16xf32>
            %broadcast_in_dim3A_1073 = vector.broadcast %jit3A_1071 : f32 to vector<16xf32>
            %select_n3A_1074 = arith.select %gt3A_1069, %broadcast_in_dim3A_1072, %broadcast_in_dim3A_1073 : vector<16xi1>, vector<16xf32>
            %lt3A_1075 = arith.constant 1.285000e+02 : f32
            %lt3A_1076 = vector.broadcast %lt3A_1075 : f32 to vector<16xf32>
            %lt3A_1077 = arith.cmpf olt, %sub3A_1066, %lt3A_1076 : vector<16xf32>
            %jit3A_1078 = arith.constant 1.000000e+00 : f32
            %jit3A_1079 = arith.constant 0.000000e+00 : f32
            %broadcast_in_dim3A_1080 = vector.broadcast %jit3A_1078 : f32 to vector<16xf32>
            %broadcast_in_dim3A_1081 = vector.broadcast %jit3A_1079 : f32 to vector<16xf32>
            %select_n3A_1082 = arith.select %lt3A_1077, %broadcast_in_dim3A_1080, %broadcast_in_dim3A_1081 : vector<16xi1>, vector<16xf32>
            %mul3A_1083 = arith.mulf %sub3A_1066, %sub3A_1066 : vector<16xf32>
            %neg3A = arith.constant 0.000000e+00 : f32
            %neg3A_1084 = vector.broadcast %neg3A : f32 to vector<16xf32>
            %neg3A_1085 = arith.subf %neg3A_1084, %mul3A_1083 : vector<16xf32>
            %mul3A_1086 = arith.constant 1.250000e-03 : f32
            %mul3A_1087 = vector.broadcast %mul3A_1086 : f32 to vector<16xf32>
            %mul3A_1088 = arith.mulf %neg3A_1085, %mul3A_1087 : vector<16xf32>
            %exp3A = math.exp %mul3A_1088 : vector<16xf32>
            %mul3A_1089 = arith.constant 0.00999999977 : f32
            %mul3A_1090 = vector.broadcast %mul3A_1089 : f32 to vector<16xf32>
            %mul3A_1091 = arith.mulf %mul3A_1090, %exp3A : vector<16xf32>
            %get3A_1092 = arith.index_cast %multiple_of3A : i32 to index
            %get3A_1093 = tpu.vector_load %arg6[%get3A_1092] {strides = array<i32>} : memref<4096xf32, #tpu.memory_space<vmem>>, vector<16xf32>,
            %get3A_1094 = vector.shape_cast %get3A_1093 : vector<16xf32> to vector<16xf32>
            %ge3A_1095 = arith.constant 1.000000e+00 : f32
            %ge3A_1096 = vector.broadcast %ge3A_1095 : f32 to vector<16xf32>
            %ge3A_1097 = arith.cmpf oge, %get3A_1094, %ge3A_1096 : vector<16xf32>
            %jit3A_1098 = arith.constant 1.000000e+00 : f32
            %jit3A_1099 = arith.constant 0.000000e+00 : f32
            %broadcast_in_dim3A_1100 = vector.broadcast %jit3A_1098 : f32 to vector<16xf32>
            %broadcast_in_dim3A_1101 = vector.broadcast %jit3A_1099 : f32 to vector<16xf32>
            %select_n3A_1102 = arith.select %ge3A_1097, %broadcast_in_dim3A_1100, %broadcast_in_dim3A_1101 : vector<16xi1>, vector<16xf32>
            %mul3A_1103 = arith.mulf %select_n3A_1074, %select_n3A_1082 : vector<16xf32>
            %mul3A_1104 = arith.mulf %mul3A_1091, %mul3A_1103 : vector<16xf32>
            %mul3A_1105 = arith.mulf %mul3A_1104, %select_n3A_1102 : vector<16xf32>
            %get3A_1106 = arith.constant 1 : i32
            %get3A_1107 = arith.index_cast %get3A_1106 : i32 to index
            %get3A_1108 = arith.index_cast %multiple_of3A : i32 to index
            %get3A_1109 = tpu.vector_load %arg10[%get3A_1107, %get3A_1108] {strides = array<i32>} : memref<4x4096xf32, #tpu.memory_space<vmem>>, vector<1x16xf32>,
            %get3A_1110 = vector.shape_cast %get3A_1109 : vector<1x16xf32> to vector<16xf32>
            %add3A_1111 = arith.addf %get3A_1110, %mul3A_1105 : vector<16xf32>
            %max3A = arith.constant 0.000000e+00 : f32
            %max3A_1112 = vector.broadcast %max3A : f32 to vector<16xf32>
            %max3A_1113 = arith.maximumf %add3A_1111, %max3A_1112 : vector<16xf32>
            %min3A_1114 = arith.constant 1.000000e+00 : f32
            %min3A_1115 = vector.broadcast %min3A_1114 : f32 to vector<16xf32>
            %min3A_1116 = arith.minimumf %max3A_1113, %min3A_1115 : vector<16xf32>
            %swap3A_1117 = arith.constant 1 : i32
            %swap3A_1118 = arith.index_cast %swap3A_1117 : i32 to index
            %swap3A_1119 = arith.index_cast %multiple_of3A : i32 to index
            %swap3A_1120 = tpu.vector_load %arg11[%swap3A_1118, %swap3A_1119] {strides = array<i32>} : memref<4x4096xf32, #tpu.memory_space<vmem>>, vector<1x16xf32>,
            %swap3A_1121 = vector.shape_cast %swap3A_1120 : vector<1x16xf32> to vector<16xf32>
            %swap3A_1122 = vector.shape_cast %min3A_1116 : vector<16xf32> to vector<1x16xf32>
            tpu.vector_store %arg11[%swap3A_1118, %swap3A_1119], %swap3A_1122 {strides = array<i32>} : memref<4x4096xf32, #tpu.memory_space<vmem>>, vector<1x16xf32>,
            %scan3A_1123 = arith.constant 0 : i32
            scf.yield %scan3A_1123 : i32
          }
          %scan3A_1055 = arith.constant 9 : i32
        } else {
        }
        %dma_start3A_970 = arith.constant 0 : i32
        %dma_start3A_971 = arith.constant 0 : i32
        %dma_start3A_972 = tpu.memref_slice %arg11[%dma_start3A_970, %dma_start3A_971] : memref<4x4096xf32, #tpu.memory_space<vmem>> -> memref<2x4096xf32, #tpu.memory_space<vmem>>
        %dma_start3A_973 = arith.constant 0 : i32
        %dma_start3A_974 = tpu.memref_slice %arg5[%add3A_919, %dma_start3A_973] : memref<4096x4096xf32, #tpu.memory_space<hbm>> -> memref<2x4096xf32, #tpu.memory_space<hbm>>
        %dma_start3A_975 = arith.constant 0 : i32
        %dma_start3A_976 = tpu.memref_slice %arg5[%add3A_919, %dma_start3A_975] : memref<4096x4096xf32, #tpu.memory_space<hbm>> -> memref<2x4096xf32, #tpu.memory_space<hbm>>
        %dma_start3A_977 = arith.constant 0 : i32
        %dma_start3A_978 = arith.constant 0 : i32
        %dma_start3A_979 = tpu.memref_slice %arg11[%dma_start3A_977, %dma_start3A_978] : memref<4x4096xf32, #tpu.memory_space<vmem>> -> memref<2x4096xf32, #tpu.memory_space<vmem>>
        tpu.enqueue_dma source(%dma_start3A_979 : memref<2x4096xf32, #tpu.memory_space<vmem>>) target(%dma_start3A_976 : memref<2x4096xf32, #tpu.memory_space<hbm>>) target_semaphore(%arg15 : memref<!tpu.dma_semaphore, #tpu.memory_space<semaphore_mem>>)
        %add3A_980 = arith.constant 2 : i32
        %add3A_981 = arith.addi %add3A_919, %add3A_980 : i32
        %scan3A_982 = arith.constant 0 : i32
        %scan3A_983 = arith.constant 0 : i32
        %scan3A_984 = arith.constant 32 : i32
        %scan3A_985 = arith.addi %scan3A_983, %scan3A_984 : i32
        %scan3A_986 = arith.constant 1 : i32
        %scan3A_987 = scf.for %scan3A_1027 = %scan3A_983 to %scan3A_985 step %scan3A_986 iter_args(%scan3A_1028 = %scan3A_982) -> (i32)  : i32 {
          %mul3A_1029 = arith.constant 128 : i32
          %mul3A_1030 = arith.muli %scan3A_1027, %mul3A_1029 : i32
          %add3A_1031 = arith.constant 0 : i32
          %add3A_1032 = arith.addi %mul3A_1030, %add3A_1031 : i32
          %multiple_of3A = tpu.assume_multiple %add3A_1032, 16 : i32
          %get3A_1033 = arith.constant 2 : i32
          %get3A_1034 = arith.index_cast %get3A_1033 : i32 to index
          %get3A_1035 = arith.index_cast %multiple_of3A : i32 to index
          %get3A_1036 = tpu.vector_load %arg10[%get3A_1034, %get3A_1035] {strides = array<i32>} : memref<4x4096xf32, #tpu.memory_space<vmem>>, vector<1x16xf32>,
          %get3A_1037 = vector.shape_cast %get3A_1036 : vector<1x16xf32> to vector<16xf32>
          %max3A = arith.constant 0.000000e+00 : f32
          %max3A_1038 = vector.broadcast %max3A : f32 to vector<16xf32>
          %max3A_1039 = arith.maximumf %get3A_1037, %max3A_1038 : vector<16xf32>
          %min3A = arith.constant 1.000000e+00 : f32
          %min3A_1040 = vector.broadcast %min3A : f32 to vector<16xf32>
          %min3A_1041 = arith.minimumf %max3A_1039, %min3A_1040 : vector<16xf32>
          %swap3A_1042 = arith.constant 2 : i32
          %swap3A_1043 = arith.index_cast %swap3A_1042 : i32 to index
          %swap3A_1044 = arith.index_cast %multiple_of3A : i32 to index
          %swap3A_1045 = tpu.vector_load %arg11[%swap3A_1043, %swap3A_1044] {strides = array<i32>} : memref<4x4096xf32, #tpu.memory_space<vmem>>, vector<1x16xf32>,
          %swap3A_1046 = vector.shape_cast %swap3A_1045 : vector<1x16xf32> to vector<16xf32>
          %swap3A_1047 = vector.shape_cast %min3A_1041 : vector<16xf32> to vector<1x16xf32>
          tpu.vector_store %arg11[%swap3A_1043, %swap3A_1044], %swap3A_1047 {strides = array<i32>} : memref<4x4096xf32, #tpu.memory_space<vmem>>, vector<1x16xf32>,
          %mul3A_1048 = arith.constant 128 : i32
          %mul3A_1049 = arith.muli %scan3A_1027, %mul3A_1048 : i32
          %add3A_1050 = arith.constant 16 : i32
          %add3A_1051 = arith.addi %mul3A_1049, %add3A_1050 : i32
          %multiple_of3A_1052 = tpu.assume_multiple %add3A_1051, 16 : i32
          %get3A_1053 = arith.constant 2 : i32
          %get3A_1054 = arith.index_cast %get3A_1053 : i32 to index
          %get3A_1055 = arith.index_cast %multiple_of3A_1052 : i32 to index
          %get3A_1056 = tpu.vector_load %arg10[%get3A_1054, %get3A_1055] {strides = array<i32>} : memref<4x4096xf32, #tpu.memory_space<vmem>>, vector<1x16xf32>,
          %get3A_1057 = vector.shape_cast %get3A_1056 : vector<1x16xf32> to vector<16xf32>
          %max3A_1058 = arith.constant 0.000000e+00 : f32
          %max3A_1059 = vector.broadcast %max3A_1058 : f32 to vector<16xf32>
          %max3A_1060 = arith.maximumf %get3A_1057, %max3A_1059 : vector<16xf32>
          %min3A_1061 = arith.constant 1.000000e+00 : f32
          %min3A_1062 = vector.broadcast %min3A_1061 : f32 to vector<16xf32>
          %min3A_1063 = arith.minimumf %max3A_1060, %min3A_1062 : vector<16xf32>
          %swap3A_1064 = arith.constant 2 : i32
          %swap3A_1065 = arith.index_cast %swap3A_1064 : i32 to index
          %swap3A_1066 = arith.index_cast %multiple_of3A_1052 : i32 to index
          %swap3A_1067 = tpu.vector_load %arg11[%swap3A_1065, %swap3A_1066] {strides = array<i32>} : memref<4x4096xf32, #tpu.memory_space<vmem>>, vector<1x16xf32>,
          %swap3A_1068 = vector.shape_cast %swap3A_1067 : vector<1x16xf32> to vector<16xf32>
          %swap3A_1069 = vector.shape_cast %min3A_1063 : vector<16xf32> to vector<1x16xf32>
          tpu.vector_store %arg11[%swap3A_1065, %swap3A_1066], %swap3A_1069 {strides = array<i32>} : memref<4x4096xf32, #tpu.memory_space<vmem>>, vector<1x16xf32>,
          %mul3A_1070 = arith.constant 128 : i32
          %mul3A_1071 = arith.muli %scan3A_1027, %mul3A_1070 : i32
          %add3A_1072 = arith.constant 32 : i32
          %add3A_1073 = arith.addi %mul3A_1071, %add3A_1072 : i32
          %multiple_of3A_1074 = tpu.assume_multiple %add3A_1073, 16 : i32
          %get3A_1075 = arith.constant 2 : i32
          %get3A_1076 = arith.index_cast %get3A_1075 : i32 to index
          %get3A_1077 = arith.index_cast %multiple_of3A_1074 : i32 to index
          %get3A_1078 = tpu.vector_load %arg10[%get3A_1076, %get3A_1077] {strides = array<i32>} : memref<4x4096xf32, #tpu.memory_space<vmem>>, vector<1x16xf32>,
          %get3A_1079 = vector.shape_cast %get3A_1078 : vector<1x16xf32> to vector<16xf32>
          %max3A_1080 = arith.constant 0.000000e+00 : f32
          %max3A_1081 = vector.broadcast %max3A_1080 : f32 to vector<16xf32>
          %max3A_1082 = arith.maximumf %get3A_1079, %max3A_1081 : vector<16xf32>
          %min3A_1083 = arith.constant 1.000000e+00 : f32
          %min3A_1084 = vector.broadcast %min3A_1083 : f32 to vector<16xf32>
          %min3A_1085 = arith.minimumf %max3A_1082, %min3A_1084 : vector<16xf32>
          %swap3A_1086 = arith.constant 2 : i32
          %swap3A_1087 = arith.index_cast %swap3A_1086 : i32 to index
          %swap3A_1088 = arith.index_cast %multiple_of3A_1074 : i32 to index
          %swap3A_1089 = tpu.vector_load %arg11[%swap3A_1087, %swap3A_1088] {strides = array<i32>} : memref<4x4096xf32, #tpu.memory_space<vmem>>, vector<1x16xf32>,
          %swap3A_1090 = vector.shape_cast %swap3A_1089 : vector<1x16xf32> to vector<16xf32>
          %swap3A_1091 = vector.shape_cast %min3A_1085 : vector<16xf32> to vector<1x16xf32>
          tpu.vector_store %arg11[%swap3A_1087, %swap3A_1088], %swap3A_1091 {strides = array<i32>} : memref<4x4096xf32, #tpu.memory_space<vmem>>, vector<1x16xf32>,
          %mul3A_1092 = arith.constant 128 : i32
          %mul3A_1093 = arith.muli %scan3A_1027, %mul3A_1092 : i32
          %add3A_1094 = arith.constant 48 : i32
          %add3A_1095 = arith.addi %mul3A_1093, %add3A_1094 : i32
          %multiple_of3A_1096 = tpu.assume_multiple %add3A_1095, 16 : i32
          %get3A_1097 = arith.constant 2 : i32
          %get3A_1098 = arith.index_cast %get3A_1097 : i32 to index
          %get3A_1099 = arith.index_cast %multiple_of3A_1096 : i32 to index
          %get3A_1100 = tpu.vector_load %arg10[%get3A_1098, %get3A_1099] {strides = array<i32>} : memref<4x4096xf32, #tpu.memory_space<vmem>>, vector<1x16xf32>,
          %get3A_1101 = vector.shape_cast %get3A_1100 : vector<1x16xf32> to vector<16xf32>
          %max3A_1102 = arith.constant 0.000000e+00 : f32
          %max3A_1103 = vector.broadcast %max3A_1102 : f32 to vector<16xf32>
          %max3A_1104 = arith.maximumf %get3A_1101, %max3A_1103 : vector<16xf32>
          %min3A_1105 = arith.constant 1.000000e+00 : f32
          %min3A_1106 = vector.broadcast %min3A_1105 : f32 to vector<16xf32>
          %min3A_1107 = arith.minimumf %max3A_1104, %min3A_1106 : vector<16xf32>
          %swap3A_1108 = arith.constant 2 : i32
          %swap3A_1109 = arith.index_cast %swap3A_1108 : i32 to index
          %swap3A_1110 = arith.index_cast %multiple_of3A_1096 : i32 to index
          %swap3A_1111 = tpu.vector_load %arg11[%swap3A_1109, %swap3A_1110] {strides = array<i32>} : memref<4x4096xf32, #tpu.memory_space<vmem>>, vector<1x16xf32>,
          %swap3A_1112 = vector.shape_cast %swap3A_1111 : vector<1x16xf32> to vector<16xf32>
          %swap3A_1113 = vector.shape_cast %min3A_1107 : vector<16xf32> to vector<1x16xf32>
          tpu.vector_store %arg11[%swap3A_1109, %swap3A_1110], %swap3A_1113 {strides = array<i32>} : memref<4x4096xf32, #tpu.memory_space<vmem>>, vector<1x16xf32>,
          %mul3A_1114 = arith.constant 128 : i32
          %mul3A_1115 = arith.muli %scan3A_1027, %mul3A_1114 : i32
          %add3A_1116 = arith.constant 64 : i32
          %add3A_1117 = arith.addi %mul3A_1115, %add3A_1116 : i32
          %multiple_of3A_1118 = tpu.assume_multiple %add3A_1117, 16 : i32
          %get3A_1119 = arith.constant 2 : i32
          %get3A_1120 = arith.index_cast %get3A_1119 : i32 to index
          %get3A_1121 = arith.index_cast %multiple_of3A_1118 : i32 to index
          %get3A_1122 = tpu.vector_load %arg10[%get3A_1120, %get3A_1121] {strides = array<i32>} : memref<4x4096xf32, #tpu.memory_space<vmem>>, vector<1x16xf32>,
          %get3A_1123 = vector.shape_cast %get3A_1122 : vector<1x16xf32> to vector<16xf32>
          %max3A_1124 = arith.constant 0.000000e+00 : f32
          %max3A_1125 = vector.broadcast %max3A_1124 : f32 to vector<16xf32>
          %max3A_1126 = arith.maximumf %get3A_1123, %max3A_1125 : vector<16xf32>
          %min3A_1127 = arith.constant 1.000000e+00 : f32
          %min3A_1128 = vector.broadcast %min3A_1127 : f32 to vector<16xf32>
          %min3A_1129 = arith.minimumf %max3A_1126, %min3A_1128 : vector<16xf32>
          %swap3A_1130 = arith.constant 2 : i32
          %swap3A_1131 = arith.index_cast %swap3A_1130 : i32 to index
          %swap3A_1132 = arith.index_cast %multiple_of3A_1118 : i32 to index
          %swap3A_1133 = tpu.vector_load %arg11[%swap3A_1131, %swap3A_1132] {strides = array<i32>} : memref<4x4096xf32, #tpu.memory_space<vmem>>, vector<1x16xf32>,
          %swap3A_1134 = vector.shape_cast %swap3A_1133 : vector<1x16xf32> to vector<16xf32>
          %swap3A_1135 = vector.shape_cast %min3A_1129 : vector<16xf32> to vector<1x16xf32>
          tpu.vector_store %arg11[%swap3A_1131, %swap3A_1132], %swap3A_1135 {strides = array<i32>} : memref<4x4096xf32, #tpu.memory_space<vmem>>, vector<1x16xf32>,
          %mul3A_1136 = arith.constant 128 : i32
          %mul3A_1137 = arith.muli %scan3A_1027, %mul3A_1136 : i32
          %add3A_1138 = arith.constant 80 : i32
          %add3A_1139 = arith.addi %mul3A_1137, %add3A_1138 : i32
          %multiple_of3A_1140 = tpu.assume_multiple %add3A_1139, 16 : i32
          %get3A_1141 = arith.constant 2 : i32
          %get3A_1142 = arith.index_cast %get3A_1141 : i32 to index
          %get3A_1143 = arith.index_cast %multiple_of3A_1140 : i32 to index
          %get3A_1144 = tpu.vector_load %arg10[%get3A_1142, %get3A_1143] {strides = array<i32>} : memref<4x4096xf32, #tpu.memory_space<vmem>>, vector<1x16xf32>,
          %get3A_1145 = vector.shape_cast %get3A_1144 : vector<1x16xf32> to vector<16xf32>
          %max3A_1146 = arith.constant 0.000000e+00 : f32
          %max3A_1147 = vector.broadcast %max3A_1146 : f32 to vector<16xf32>
          %max3A_1148 = arith.maximumf %get3A_1145, %max3A_1147 : vector<16xf32>
          %min3A_1149 = arith.constant 1.000000e+00 : f32
          %min3A_1150 = vector.broadcast %min3A_1149 : f32 to vector<16xf32>
          %min3A_1151 = arith.minimumf %max3A_1148, %min3A_1150 : vector<16xf32>
          %swap3A_1152 = arith.constant 2 : i32
          %swap3A_1153 = arith.index_cast %swap3A_1152 : i32 to index
          %swap3A_1154 = arith.index_cast %multiple_of3A_1140 : i32 to index
          %swap3A_1155 = tpu.vector_load %arg11[%swap3A_1153, %swap3A_1154] {strides = array<i32>} : memref<4x4096xf32, #tpu.memory_space<vmem>>, vector<1x16xf32>,
          %swap3A_1156 = vector.shape_cast %swap3A_1155 : vector<1x16xf32> to vector<16xf32>
          %swap3A_1157 = vector.shape_cast %min3A_1151 : vector<16xf32> to vector<1x16xf32>
          tpu.vector_store %arg11[%swap3A_1153, %swap3A_1154], %swap3A_1157 {strides = array<i32>} : memref<4x4096xf32, #tpu.memory_space<vmem>>, vector<1x16xf32>,
          %mul3A_1158 = arith.constant 128 : i32
          %mul3A_1159 = arith.muli %scan3A_1027, %mul3A_1158 : i32
          %add3A_1160 = arith.constant 96 : i32
          %add3A_1161 = arith.addi %mul3A_1159, %add3A_1160 : i32
          %multiple_of3A_1162 = tpu.assume_multiple %add3A_1161, 16 : i32
          %get3A_1163 = arith.constant 2 : i32
          %get3A_1164 = arith.index_cast %get3A_1163 : i32 to index
          %get3A_1165 = arith.index_cast %multiple_of3A_1162 : i32 to index
          %get3A_1166 = tpu.vector_load %arg10[%get3A_1164, %get3A_1165] {strides = array<i32>} : memref<4x4096xf32, #tpu.memory_space<vmem>>, vector<1x16xf32>,
          %get3A_1167 = vector.shape_cast %get3A_1166 : vector<1x16xf32> to vector<16xf32>
          %max3A_1168 = arith.constant 0.000000e+00 : f32
          %max3A_1169 = vector.broadcast %max3A_1168 : f32 to vector<16xf32>
          %max3A_1170 = arith.maximumf %get3A_1167, %max3A_1169 : vector<16xf32>
          %min3A_1171 = arith.constant 1.000000e+00 : f32
          %min3A_1172 = vector.broadcast %min3A_1171 : f32 to vector<16xf32>
          %min3A_1173 = arith.minimumf %max3A_1170, %min3A_1172 : vector<16xf32>
          %swap3A_1174 = arith.constant 2 : i32
          %swap3A_1175 = arith.index_cast %swap3A_1174 : i32 to index
          %swap3A_1176 = arith.index_cast %multiple_of3A_1162 : i32 to index
          %swap3A_1177 = tpu.vector_load %arg11[%swap3A_1175, %swap3A_1176] {strides = array<i32>} : memref<4x4096xf32, #tpu.memory_space<vmem>>, vector<1x16xf32>,
          %swap3A_1178 = vector.shape_cast %swap3A_1177 : vector<1x16xf32> to vector<16xf32>
          %swap3A_1179 = vector.shape_cast %min3A_1173 : vector<16xf32> to vector<1x16xf32>
          tpu.vector_store %arg11[%swap3A_1175, %swap3A_1176], %swap3A_1179 {strides = array<i32>} : memref<4x4096xf32, #tpu.memory_space<vmem>>, vector<1x16xf32>,
          %mul3A_1180 = arith.constant 128 : i32
          %mul3A_1181 = arith.muli %scan3A_1027, %mul3A_1180 : i32
          %add3A_1182 = arith.constant 112 : i32
          %add3A_1183 = arith.addi %mul3A_1181, %add3A_1182 : i32
          %multiple_of3A_1184 = tpu.assume_multiple %add3A_1183, 16 : i32
          %get3A_1185 = arith.constant 2 : i32
          %get3A_1186 = arith.index_cast %get3A_1185 : i32 to index
          %get3A_1187 = arith.index_cast %multiple_of3A_1184 : i32 to index
          %get3A_1188 = tpu.vector_load %arg10[%get3A_1186, %get3A_1187] {strides = array<i32>} : memref<4x4096xf32, #tpu.memory_space<vmem>>, vector<1x16xf32>,
          %get3A_1189 = vector.shape_cast %get3A_1188 : vector<1x16xf32> to vector<16xf32>
          %max3A_1190 = arith.constant 0.000000e+00 : f32
          %max3A_1191 = vector.broadcast %max3A_1190 : f32 to vector<16xf32>
          %max3A_1192 = arith.maximumf %get3A_1189, %max3A_1191 : vector<16xf32>
          %min3A_1193 = arith.constant 1.000000e+00 : f32
          %min3A_1194 = vector.broadcast %min3A_1193 : f32 to vector<16xf32>
          %min3A_1195 = arith.minimumf %max3A_1192, %min3A_1194 : vector<16xf32>
          %swap3A_1196 = arith.constant 2 : i32
          %swap3A_1197 = arith.index_cast %swap3A_1196 : i32 to index
          %swap3A_1198 = arith.index_cast %multiple_of3A_1184 : i32 to index
          %swap3A_1199 = tpu.vector_load %arg11[%swap3A_1197, %swap3A_1198] {strides = array<i32>} : memref<4x4096xf32, #tpu.memory_space<vmem>>, vector<1x16xf32>,
          %swap3A_1200 = vector.shape_cast %swap3A_1199 : vector<1x16xf32> to vector<16xf32>
          %swap3A_1201 = vector.shape_cast %min3A_1195 : vector<16xf32> to vector<1x16xf32>
          tpu.vector_store %arg11[%swap3A_1197, %swap3A_1198], %swap3A_1201 {strides = array<i32>} : memref<4x4096xf32, #tpu.memory_space<vmem>>, vector<1x16xf32>,
          %scan3A_1202 = arith.constant 0 : i32
          scf.yield %scan3A_1202 : i32
        }
        %scan3A_988 = arith.constant 32 : i32
        %sub3A_989 = arith.subi %add3A_981, %mul3A_2 : i32
        %get3A_990 = arith.index_cast %sub3A_989 : i32 to index
        %get3A_991 = memref.load %arg16[%get3A_990] : memref<128xf32, #tpu.memory_space<smem>>
        %gt3A_992 = arith.constant 5.000000e-01 : f32
        %gt3A_993 = arith.cmpf ogt, %get3A_991, %gt3A_992 : f32
        %convert_element_type3A_994 = arith.extui %gt3A_993 : i1 to i32
        %cond3A_995 = arith.constant 0 : i32
        %cond3A_996 = arith.cmpi ne, %convert_element_type3A_994, %cond3A_995 : i32
        scf.if %cond3A_996 {
          %convert_element_type3A_1027 = arith.sitofp %add3A_981 : i32 to f32
          %add3A_1028 = arith.constant 1 : i32
          %add3A_1029 = arith.addi %add3A_981, %add3A_1028 : i32
          %jit3A_1030 = arith.constant 16 : i32
          %div3A = arith.divsi %add3A_1029, %jit3A_1030 : i32
          %sign3A = arith.constant 0 : i32
          %sign3A_1031 = arith.cmpi sgt, %add3A_1029, %sign3A : i32
          %sign3A_1032 = arith.extui %sign3A_1031 : i1 to i32
          %sign3A_1033 = arith.constant 0 : i32
          %sign3A_1034 = arith.cmpi slt, %add3A_1029, %sign3A_1033 : i32
          %sign3A_1035 = arith.extui %sign3A_1034 : i1 to i32
          %sign3A_1036 = arith.subi %sign3A_1032, %sign3A_1035 : i32
          %sign3A_1037 = arith.constant 0 : i32
          %sign3A_1038 = arith.cmpi sgt, %jit3A_1030, %sign3A_1037 : i32
          %sign3A_1039 = arith.extui %sign3A_1038 : i1 to i32
          %sign3A_1040 = arith.constant 0 : i32
          %sign3A_1041 = arith.cmpi slt, %jit3A_1030, %sign3A_1040 : i32
          %sign3A_1042 = arith.extui %sign3A_1041 : i1 to i32
          %sign3A_1043 = arith.subi %sign3A_1039, %sign3A_1042 : i32
          %ne3A = arith.cmpi ne, %sign3A_1036, %sign3A_1043 : i32
          %rem3A = arith.remsi %add3A_1029, %jit3A_1030 : i32
          %ne3A_1044 = arith.constant 0 : i32
          %ne3A_1045 = arith.cmpi ne, %rem3A, %ne3A_1044 : i32
          %and3A = arith.andi %ne3A, %ne3A_1045 : i1
          %sub3A_1046 = arith.constant 1 : i32
          %sub3A_1047 = arith.subi %div3A, %sub3A_1046 : i32
          %select_n3A_1048 = arith.select %and3A, %sub3A_1047, %div3A : i32
          %scan3A_1049 = arith.constant 0 : i32
          %scan3A_1050 = arith.constant 0 : i32
          %scan3A_1051 = arith.constant 9 : i32
          %scan3A_1052 = arith.addi %scan3A_1050, %scan3A_1051 : i32
          %scan3A_1053 = arith.constant 1 : i32
          %scan3A_1054 = scf.for %scan3A_1056 = %scan3A_1050 to %scan3A_1052 step %scan3A_1053 iter_args(%scan3A_1057 = %scan3A_1049) -> (i32)  : i32 {
            %add3A_1058 = arith.addi %select_n3A_1048, %scan3A_1056 : i32
            %min3A = arith.constant 255 : i32
            %min3A_1059 = arith.minsi %add3A_1058, %min3A : i32
            %mul3A_1060 = arith.constant 16 : i32
            %mul3A_1061 = arith.muli %min3A_1059, %mul3A_1060 : i32
            %multiple_of3A = tpu.assume_multiple %mul3A_1061, 16 : i32
            %convert_element_type3A_1062 = arith.sitofp %multiple_of3A : i32 to f32
            %add3A_1063 = vector.broadcast %convert_element_type3A_1062 : f32 to vector<16xf32>
            %add3A_1064 = arith.addf %convert_element_type3A, %add3A_1063 : vector<16xf32>
            %sub3A_1065 = vector.broadcast %convert_element_type3A_1027 : f32 to vector<16xf32>
            %sub3A_1066 = arith.subf %add3A_1064, %sub3A_1065 : vector<16xf32>
            %gt3A_1067 = arith.constant 5.000000e-01 : f32
            %gt3A_1068 = vector.broadcast %gt3A_1067 : f32 to vector<16xf32>
            %gt3A_1069 = arith.cmpf ogt, %sub3A_1066, %gt3A_1068 : vector<16xf32>
            %jit3A_1070 = arith.constant 1.000000e+00 : f32
            %jit3A_1071 = arith.constant 0.000000e+00 : f32
            %broadcast_in_dim3A_1072 = vector.broadcast %jit3A_1070 : f32 to vector<16xf32>
            %broadcast_in_dim3A_1073 = vector.broadcast %jit3A_1071 : f32 to vector<16xf32>
            %select_n3A_1074 = arith.select %gt3A_1069, %broadcast_in_dim3A_1072, %broadcast_in_dim3A_1073 : vector<16xi1>, vector<16xf32>
            %lt3A_1075 = arith.constant 1.285000e+02 : f32
            %lt3A_1076 = vector.broadcast %lt3A_1075 : f32 to vector<16xf32>
            %lt3A_1077 = arith.cmpf olt, %sub3A_1066, %lt3A_1076 : vector<16xf32>
            %jit3A_1078 = arith.constant 1.000000e+00 : f32
            %jit3A_1079 = arith.constant 0.000000e+00 : f32
            %broadcast_in_dim3A_1080 = vector.broadcast %jit3A_1078 : f32 to vector<16xf32>
            %broadcast_in_dim3A_1081 = vector.broadcast %jit3A_1079 : f32 to vector<16xf32>
            %select_n3A_1082 = arith.select %lt3A_1077, %broadcast_in_dim3A_1080, %broadcast_in_dim3A_1081 : vector<16xi1>, vector<16xf32>
            %mul3A_1083 = arith.mulf %sub3A_1066, %sub3A_1066 : vector<16xf32>
            %neg3A = arith.constant 0.000000e+00 : f32
            %neg3A_1084 = vector.broadcast %neg3A : f32 to vector<16xf32>
            %neg3A_1085 = arith.subf %neg3A_1084, %mul3A_1083 : vector<16xf32>
            %mul3A_1086 = arith.constant 1.250000e-03 : f32
            %mul3A_1087 = vector.broadcast %mul3A_1086 : f32 to vector<16xf32>
            %mul3A_1088 = arith.mulf %neg3A_1085, %mul3A_1087 : vector<16xf32>
            %exp3A = math.exp %mul3A_1088 : vector<16xf32>
            %mul3A_1089 = arith.constant 0.00999999977 : f32
            %mul3A_1090 = vector.broadcast %mul3A_1089 : f32 to vector<16xf32>
            %mul3A_1091 = arith.mulf %mul3A_1090, %exp3A : vector<16xf32>
            %get3A_1092 = arith.index_cast %multiple_of3A : i32 to index
            %get3A_1093 = tpu.vector_load %arg6[%get3A_1092] {strides = array<i32>} : memref<4096xf32, #tpu.memory_space<vmem>>, vector<16xf32>,
            %get3A_1094 = vector.shape_cast %get3A_1093 : vector<16xf32> to vector<16xf32>
            %ge3A_1095 = arith.constant 1.000000e+00 : f32
            %ge3A_1096 = vector.broadcast %ge3A_1095 : f32 to vector<16xf32>
            %ge3A_1097 = arith.cmpf oge, %get3A_1094, %ge3A_1096 : vector<16xf32>
            %jit3A_1098 = arith.constant 1.000000e+00 : f32
            %jit3A_1099 = arith.constant 0.000000e+00 : f32
            %broadcast_in_dim3A_1100 = vector.broadcast %jit3A_1098 : f32 to vector<16xf32>
            %broadcast_in_dim3A_1101 = vector.broadcast %jit3A_1099 : f32 to vector<16xf32>
            %select_n3A_1102 = arith.select %ge3A_1097, %broadcast_in_dim3A_1100, %broadcast_in_dim3A_1101 : vector<16xi1>, vector<16xf32>
            %mul3A_1103 = arith.mulf %select_n3A_1074, %select_n3A_1082 : vector<16xf32>
            %mul3A_1104 = arith.mulf %mul3A_1091, %mul3A_1103 : vector<16xf32>
            %mul3A_1105 = arith.mulf %mul3A_1104, %select_n3A_1102 : vector<16xf32>
            %get3A_1106 = arith.constant 2 : i32
            %get3A_1107 = arith.index_cast %get3A_1106 : i32 to index
            %get3A_1108 = arith.index_cast %multiple_of3A : i32 to index
            %get3A_1109 = tpu.vector_load %arg10[%get3A_1107, %get3A_1108] {strides = array<i32>} : memref<4x4096xf32, #tpu.memory_space<vmem>>, vector<1x16xf32>,
            %get3A_1110 = vector.shape_cast %get3A_1109 : vector<1x16xf32> to vector<16xf32>
            %add3A_1111 = arith.addf %get3A_1110, %mul3A_1105 : vector<16xf32>
            %max3A = arith.constant 0.000000e+00 : f32
            %max3A_1112 = vector.broadcast %max3A : f32 to vector<16xf32>
            %max3A_1113 = arith.maximumf %add3A_1111, %max3A_1112 : vector<16xf32>
            %min3A_1114 = arith.constant 1.000000e+00 : f32
            %min3A_1115 = vector.broadcast %min3A_1114 : f32 to vector<16xf32>
            %min3A_1116 = arith.minimumf %max3A_1113, %min3A_1115 : vector<16xf32>
            %swap3A_1117 = arith.constant 2 : i32
            %swap3A_1118 = arith.index_cast %swap3A_1117 : i32 to index
            %swap3A_1119 = arith.index_cast %multiple_of3A : i32 to index
            %swap3A_1120 = tpu.vector_load %arg11[%swap3A_1118, %swap3A_1119] {strides = array<i32>} : memref<4x4096xf32, #tpu.memory_space<vmem>>, vector<1x16xf32>,
            %swap3A_1121 = vector.shape_cast %swap3A_1120 : vector<1x16xf32> to vector<16xf32>
            %swap3A_1122 = vector.shape_cast %min3A_1116 : vector<16xf32> to vector<1x16xf32>
            tpu.vector_store %arg11[%swap3A_1118, %swap3A_1119], %swap3A_1122 {strides = array<i32>} : memref<4x4096xf32, #tpu.memory_space<vmem>>, vector<1x16xf32>,
            %scan3A_1123 = arith.constant 0 : i32
            scf.yield %scan3A_1123 : i32
          }
          %scan3A_1055 = arith.constant 9 : i32
        } else {
        }
        %add3A_997 = arith.constant 3 : i32
        %add3A_998 = arith.addi %add3A_919, %add3A_997 : i32
        %scan3A_999 = arith.constant 0 : i32
        %scan3A_1000 = arith.constant 0 : i32
        %scan3A_1001 = arith.constant 32 : i32
        %scan3A_1002 = arith.addi %scan3A_1000, %scan3A_1001 : i32
        %scan3A_1003 = arith.constant 1 : i32
        %scan3A_1004 = scf.for %scan3A_1027 = %scan3A_1000 to %scan3A_1002 step %scan3A_1003 iter_args(%scan3A_1028 = %scan3A_999) -> (i32)  : i32 {
          %mul3A_1029 = arith.constant 128 : i32
          %mul3A_1030 = arith.muli %scan3A_1027, %mul3A_1029 : i32
          %add3A_1031 = arith.constant 0 : i32
          %add3A_1032 = arith.addi %mul3A_1030, %add3A_1031 : i32
          %multiple_of3A = tpu.assume_multiple %add3A_1032, 16 : i32
          %get3A_1033 = arith.constant 3 : i32
          %get3A_1034 = arith.index_cast %get3A_1033 : i32 to index
          %get3A_1035 = arith.index_cast %multiple_of3A : i32 to index
          %get3A_1036 = tpu.vector_load %arg10[%get3A_1034, %get3A_1035] {strides = array<i32>} : memref<4x4096xf32, #tpu.memory_space<vmem>>, vector<1x16xf32>,
          %get3A_1037 = vector.shape_cast %get3A_1036 : vector<1x16xf32> to vector<16xf32>
          %max3A = arith.constant 0.000000e+00 : f32
          %max3A_1038 = vector.broadcast %max3A : f32 to vector<16xf32>
          %max3A_1039 = arith.maximumf %get3A_1037, %max3A_1038 : vector<16xf32>
          %min3A = arith.constant 1.000000e+00 : f32
          %min3A_1040 = vector.broadcast %min3A : f32 to vector<16xf32>
          %min3A_1041 = arith.minimumf %max3A_1039, %min3A_1040 : vector<16xf32>
          %swap3A_1042 = arith.constant 3 : i32
          %swap3A_1043 = arith.index_cast %swap3A_1042 : i32 to index
          %swap3A_1044 = arith.index_cast %multiple_of3A : i32 to index
          %swap3A_1045 = tpu.vector_load %arg11[%swap3A_1043, %swap3A_1044] {strides = array<i32>} : memref<4x4096xf32, #tpu.memory_space<vmem>>, vector<1x16xf32>,
          %swap3A_1046 = vector.shape_cast %swap3A_1045 : vector<1x16xf32> to vector<16xf32>
          %swap3A_1047 = vector.shape_cast %min3A_1041 : vector<16xf32> to vector<1x16xf32>
          tpu.vector_store %arg11[%swap3A_1043, %swap3A_1044], %swap3A_1047 {strides = array<i32>} : memref<4x4096xf32, #tpu.memory_space<vmem>>, vector<1x16xf32>,
          %mul3A_1048 = arith.constant 128 : i32
          %mul3A_1049 = arith.muli %scan3A_1027, %mul3A_1048 : i32
          %add3A_1050 = arith.constant 16 : i32
          %add3A_1051 = arith.addi %mul3A_1049, %add3A_1050 : i32
          %multiple_of3A_1052 = tpu.assume_multiple %add3A_1051, 16 : i32
          %get3A_1053 = arith.constant 3 : i32
          %get3A_1054 = arith.index_cast %get3A_1053 : i32 to index
          %get3A_1055 = arith.index_cast %multiple_of3A_1052 : i32 to index
          %get3A_1056 = tpu.vector_load %arg10[%get3A_1054, %get3A_1055] {strides = array<i32>} : memref<4x4096xf32, #tpu.memory_space<vmem>>, vector<1x16xf32>,
          %get3A_1057 = vector.shape_cast %get3A_1056 : vector<1x16xf32> to vector<16xf32>
          %max3A_1058 = arith.constant 0.000000e+00 : f32
          %max3A_1059 = vector.broadcast %max3A_1058 : f32 to vector<16xf32>
          %max3A_1060 = arith.maximumf %get3A_1057, %max3A_1059 : vector<16xf32>
          %min3A_1061 = arith.constant 1.000000e+00 : f32
          %min3A_1062 = vector.broadcast %min3A_1061 : f32 to vector<16xf32>
          %min3A_1063 = arith.minimumf %max3A_1060, %min3A_1062 : vector<16xf32>
          %swap3A_1064 = arith.constant 3 : i32
          %swap3A_1065 = arith.index_cast %swap3A_1064 : i32 to index
          %swap3A_1066 = arith.index_cast %multiple_of3A_1052 : i32 to index
          %swap3A_1067 = tpu.vector_load %arg11[%swap3A_1065, %swap3A_1066] {strides = array<i32>} : memref<4x4096xf32, #tpu.memory_space<vmem>>, vector<1x16xf32>,
          %swap3A_1068 = vector.shape_cast %swap3A_1067 : vector<1x16xf32> to vector<16xf32>
          %swap3A_1069 = vector.shape_cast %min3A_1063 : vector<16xf32> to vector<1x16xf32>
          tpu.vector_store %arg11[%swap3A_1065, %swap3A_1066], %swap3A_1069 {strides = array<i32>} : memref<4x4096xf32, #tpu.memory_space<vmem>>, vector<1x16xf32>,
          %mul3A_1070 = arith.constant 128 : i32
          %mul3A_1071 = arith.muli %scan3A_1027, %mul3A_1070 : i32
          %add3A_1072 = arith.constant 32 : i32
          %add3A_1073 = arith.addi %mul3A_1071, %add3A_1072 : i32
          %multiple_of3A_1074 = tpu.assume_multiple %add3A_1073, 16 : i32
          %get3A_1075 = arith.constant 3 : i32
          %get3A_1076 = arith.index_cast %get3A_1075 : i32 to index
          %get3A_1077 = arith.index_cast %multiple_of3A_1074 : i32 to index
          %get3A_1078 = tpu.vector_load %arg10[%get3A_1076, %get3A_1077] {strides = array<i32>} : memref<4x4096xf32, #tpu.memory_space<vmem>>, vector<1x16xf32>,
          %get3A_1079 = vector.shape_cast %get3A_1078 : vector<1x16xf32> to vector<16xf32>
          %max3A_1080 = arith.constant 0.000000e+00 : f32
          %max3A_1081 = vector.broadcast %max3A_1080 : f32 to vector<16xf32>
          %max3A_1082 = arith.maximumf %get3A_1079, %max3A_1081 : vector<16xf32>
          %min3A_1083 = arith.constant 1.000000e+00 : f32
          %min3A_1084 = vector.broadcast %min3A_1083 : f32 to vector<16xf32>
          %min3A_1085 = arith.minimumf %max3A_1082, %min3A_1084 : vector<16xf32>
          %swap3A_1086 = arith.constant 3 : i32
          %swap3A_1087 = arith.index_cast %swap3A_1086 : i32 to index
          %swap3A_1088 = arith.index_cast %multiple_of3A_1074 : i32 to index
          %swap3A_1089 = tpu.vector_load %arg11[%swap3A_1087, %swap3A_1088] {strides = array<i32>} : memref<4x4096xf32, #tpu.memory_space<vmem>>, vector<1x16xf32>,
          %swap3A_1090 = vector.shape_cast %swap3A_1089 : vector<1x16xf32> to vector<16xf32>
          %swap3A_1091 = vector.shape_cast %min3A_1085 : vector<16xf32> to vector<1x16xf32>
          tpu.vector_store %arg11[%swap3A_1087, %swap3A_1088], %swap3A_1091 {strides = array<i32>} : memref<4x4096xf32, #tpu.memory_space<vmem>>, vector<1x16xf32>,
          %mul3A_1092 = arith.constant 128 : i32
          %mul3A_1093 = arith.muli %scan3A_1027, %mul3A_1092 : i32
          %add3A_1094 = arith.constant 48 : i32
          %add3A_1095 = arith.addi %mul3A_1093, %add3A_1094 : i32
          %multiple_of3A_1096 = tpu.assume_multiple %add3A_1095, 16 : i32
          %get3A_1097 = arith.constant 3 : i32
          %get3A_1098 = arith.index_cast %get3A_1097 : i32 to index
          %get3A_1099 = arith.index_cast %multiple_of3A_1096 : i32 to index
          %get3A_1100 = tpu.vector_load %arg10[%get3A_1098, %get3A_1099] {strides = array<i32>} : memref<4x4096xf32, #tpu.memory_space<vmem>>, vector<1x16xf32>,
          %get3A_1101 = vector.shape_cast %get3A_1100 : vector<1x16xf32> to vector<16xf32>
          %max3A_1102 = arith.constant 0.000000e+00 : f32
          %max3A_1103 = vector.broadcast %max3A_1102 : f32 to vector<16xf32>
          %max3A_1104 = arith.maximumf %get3A_1101, %max3A_1103 : vector<16xf32>
          %min3A_1105 = arith.constant 1.000000e+00 : f32
          %min3A_1106 = vector.broadcast %min3A_1105 : f32 to vector<16xf32>
          %min3A_1107 = arith.minimumf %max3A_1104, %min3A_1106 : vector<16xf32>
          %swap3A_1108 = arith.constant 3 : i32
          %swap3A_1109 = arith.index_cast %swap3A_1108 : i32 to index
          %swap3A_1110 = arith.index_cast %multiple_of3A_1096 : i32 to index
          %swap3A_1111 = tpu.vector_load %arg11[%swap3A_1109, %swap3A_1110] {strides = array<i32>} : memref<4x4096xf32, #tpu.memory_space<vmem>>, vector<1x16xf32>,
          %swap3A_1112 = vector.shape_cast %swap3A_1111 : vector<1x16xf32> to vector<16xf32>
          %swap3A_1113 = vector.shape_cast %min3A_1107 : vector<16xf32> to vector<1x16xf32>
          tpu.vector_store %arg11[%swap3A_1109, %swap3A_1110], %swap3A_1113 {strides = array<i32>} : memref<4x4096xf32, #tpu.memory_space<vmem>>, vector<1x16xf32>,
          %mul3A_1114 = arith.constant 128 : i32
          %mul3A_1115 = arith.muli %scan3A_1027, %mul3A_1114 : i32
          %add3A_1116 = arith.constant 64 : i32
          %add3A_1117 = arith.addi %mul3A_1115, %add3A_1116 : i32
          %multiple_of3A_1118 = tpu.assume_multiple %add3A_1117, 16 : i32
          %get3A_1119 = arith.constant 3 : i32
          %get3A_1120 = arith.index_cast %get3A_1119 : i32 to index
          %get3A_1121 = arith.index_cast %multiple_of3A_1118 : i32 to index
          %get3A_1122 = tpu.vector_load %arg10[%get3A_1120, %get3A_1121] {strides = array<i32>} : memref<4x4096xf32, #tpu.memory_space<vmem>>, vector<1x16xf32>,
          %get3A_1123 = vector.shape_cast %get3A_1122 : vector<1x16xf32> to vector<16xf32>
          %max3A_1124 = arith.constant 0.000000e+00 : f32
          %max3A_1125 = vector.broadcast %max3A_1124 : f32 to vector<16xf32>
          %max3A_1126 = arith.maximumf %get3A_1123, %max3A_1125 : vector<16xf32>
          %min3A_1127 = arith.constant 1.000000e+00 : f32
          %min3A_1128 = vector.broadcast %min3A_1127 : f32 to vector<16xf32>
          %min3A_1129 = arith.minimumf %max3A_1126, %min3A_1128 : vector<16xf32>
          %swap3A_1130 = arith.constant 3 : i32
          %swap3A_1131 = arith.index_cast %swap3A_1130 : i32 to index
          %swap3A_1132 = arith.index_cast %multiple_of3A_1118 : i32 to index
          %swap3A_1133 = tpu.vector_load %arg11[%swap3A_1131, %swap3A_1132] {strides = array<i32>} : memref<4x4096xf32, #tpu.memory_space<vmem>>, vector<1x16xf32>,
          %swap3A_1134 = vector.shape_cast %swap3A_1133 : vector<1x16xf32> to vector<16xf32>
          %swap3A_1135 = vector.shape_cast %min3A_1129 : vector<16xf32> to vector<1x16xf32>
          tpu.vector_store %arg11[%swap3A_1131, %swap3A_1132], %swap3A_1135 {strides = array<i32>} : memref<4x4096xf32, #tpu.memory_space<vmem>>, vector<1x16xf32>,
          %mul3A_1136 = arith.constant 128 : i32
          %mul3A_1137 = arith.muli %scan3A_1027, %mul3A_1136 : i32
          %add3A_1138 = arith.constant 80 : i32
          %add3A_1139 = arith.addi %mul3A_1137, %add3A_1138 : i32
          %multiple_of3A_1140 = tpu.assume_multiple %add3A_1139, 16 : i32
          %get3A_1141 = arith.constant 3 : i32
          %get3A_1142 = arith.index_cast %get3A_1141 : i32 to index
          %get3A_1143 = arith.index_cast %multiple_of3A_1140 : i32 to index
          %get3A_1144 = tpu.vector_load %arg10[%get3A_1142, %get3A_1143] {strides = array<i32>} : memref<4x4096xf32, #tpu.memory_space<vmem>>, vector<1x16xf32>,
          %get3A_1145 = vector.shape_cast %get3A_1144 : vector<1x16xf32> to vector<16xf32>
          %max3A_1146 = arith.constant 0.000000e+00 : f32
          %max3A_1147 = vector.broadcast %max3A_1146 : f32 to vector<16xf32>
          %max3A_1148 = arith.maximumf %get3A_1145, %max3A_1147 : vector<16xf32>
          %min3A_1149 = arith.constant 1.000000e+00 : f32
          %min3A_1150 = vector.broadcast %min3A_1149 : f32 to vector<16xf32>
          %min3A_1151 = arith.minimumf %max3A_1148, %min3A_1150 : vector<16xf32>
          %swap3A_1152 = arith.constant 3 : i32
          %swap3A_1153 = arith.index_cast %swap3A_1152 : i32 to index
          %swap3A_1154 = arith.index_cast %multiple_of3A_1140 : i32 to index
          %swap3A_1155 = tpu.vector_load %arg11[%swap3A_1153, %swap3A_1154] {strides = array<i32>} : memref<4x4096xf32, #tpu.memory_space<vmem>>, vector<1x16xf32>,
          %swap3A_1156 = vector.shape_cast %swap3A_1155 : vector<1x16xf32> to vector<16xf32>
          %swap3A_1157 = vector.shape_cast %min3A_1151 : vector<16xf32> to vector<1x16xf32>
          tpu.vector_store %arg11[%swap3A_1153, %swap3A_1154], %swap3A_1157 {strides = array<i32>} : memref<4x4096xf32, #tpu.memory_space<vmem>>, vector<1x16xf32>,
          %mul3A_1158 = arith.constant 128 : i32
          %mul3A_1159 = arith.muli %scan3A_1027, %mul3A_1158 : i32
          %add3A_1160 = arith.constant 96 : i32
          %add3A_1161 = arith.addi %mul3A_1159, %add3A_1160 : i32
          %multiple_of3A_1162 = tpu.assume_multiple %add3A_1161, 16 : i32
          %get3A_1163 = arith.constant 3 : i32
          %get3A_1164 = arith.index_cast %get3A_1163 : i32 to index
          %get3A_1165 = arith.index_cast %multiple_of3A_1162 : i32 to index
          %get3A_1166 = tpu.vector_load %arg10[%get3A_1164, %get3A_1165] {strides = array<i32>} : memref<4x4096xf32, #tpu.memory_space<vmem>>, vector<1x16xf32>,
          %get3A_1167 = vector.shape_cast %get3A_1166 : vector<1x16xf32> to vector<16xf32>
          %max3A_1168 = arith.constant 0.000000e+00 : f32
          %max3A_1169 = vector.broadcast %max3A_1168 : f32 to vector<16xf32>
          %max3A_1170 = arith.maximumf %get3A_1167, %max3A_1169 : vector<16xf32>
          %min3A_1171 = arith.constant 1.000000e+00 : f32
          %min3A_1172 = vector.broadcast %min3A_1171 : f32 to vector<16xf32>
          %min3A_1173 = arith.minimumf %max3A_1170, %min3A_1172 : vector<16xf32>
          %swap3A_1174 = arith.constant 3 : i32
          %swap3A_1175 = arith.index_cast %swap3A_1174 : i32 to index
          %swap3A_1176 = arith.index_cast %multiple_of3A_1162 : i32 to index
          %swap3A_1177 = tpu.vector_load %arg11[%swap3A_1175, %swap3A_1176] {strides = array<i32>} : memref<4x4096xf32, #tpu.memory_space<vmem>>, vector<1x16xf32>,
          %swap3A_1178 = vector.shape_cast %swap3A_1177 : vector<1x16xf32> to vector<16xf32>
          %swap3A_1179 = vector.shape_cast %min3A_1173 : vector<16xf32> to vector<1x16xf32>
          tpu.vector_store %arg11[%swap3A_1175, %swap3A_1176], %swap3A_1179 {strides = array<i32>} : memref<4x4096xf32, #tpu.memory_space<vmem>>, vector<1x16xf32>,
          %mul3A_1180 = arith.constant 128 : i32
          %mul3A_1181 = arith.muli %scan3A_1027, %mul3A_1180 : i32
          %add3A_1182 = arith.constant 112 : i32
          %add3A_1183 = arith.addi %mul3A_1181, %add3A_1182 : i32
          %multiple_of3A_1184 = tpu.assume_multiple %add3A_1183, 16 : i32
          %get3A_1185 = arith.constant 3 : i32
          %get3A_1186 = arith.index_cast %get3A_1185 : i32 to index
          %get3A_1187 = arith.index_cast %multiple_of3A_1184 : i32 to index
          %get3A_1188 = tpu.vector_load %arg10[%get3A_1186, %get3A_1187] {strides = array<i32>} : memref<4x4096xf32, #tpu.memory_space<vmem>>, vector<1x16xf32>,
          %get3A_1189 = vector.shape_cast %get3A_1188 : vector<1x16xf32> to vector<16xf32>
          %max3A_1190 = arith.constant 0.000000e+00 : f32
          %max3A_1191 = vector.broadcast %max3A_1190 : f32 to vector<16xf32>
          %max3A_1192 = arith.maximumf %get3A_1189, %max3A_1191 : vector<16xf32>
          %min3A_1193 = arith.constant 1.000000e+00 : f32
          %min3A_1194 = vector.broadcast %min3A_1193 : f32 to vector<16xf32>
          %min3A_1195 = arith.minimumf %max3A_1192, %min3A_1194 : vector<16xf32>
          %swap3A_1196 = arith.constant 3 : i32
          %swap3A_1197 = arith.index_cast %swap3A_1196 : i32 to index
          %swap3A_1198 = arith.index_cast %multiple_of3A_1184 : i32 to index
          %swap3A_1199 = tpu.vector_load %arg11[%swap3A_1197, %swap3A_1198] {strides = array<i32>} : memref<4x4096xf32, #tpu.memory_space<vmem>>, vector<1x16xf32>,
          %swap3A_1200 = vector.shape_cast %swap3A_1199 : vector<1x16xf32> to vector<16xf32>
          %swap3A_1201 = vector.shape_cast %min3A_1195 : vector<16xf32> to vector<1x16xf32>
          tpu.vector_store %arg11[%swap3A_1197, %swap3A_1198], %swap3A_1201 {strides = array<i32>} : memref<4x4096xf32, #tpu.memory_space<vmem>>, vector<1x16xf32>,
          %scan3A_1202 = arith.constant 0 : i32
          scf.yield %scan3A_1202 : i32
        }
        %scan3A_1005 = arith.constant 32 : i32
        %sub3A_1006 = arith.subi %add3A_998, %mul3A_2 : i32
        %get3A_1007 = arith.index_cast %sub3A_1006 : i32 to index
        %get3A_1008 = memref.load %arg16[%get3A_1007] : memref<128xf32, #tpu.memory_space<smem>>
        %gt3A_1009 = arith.constant 5.000000e-01 : f32
        %gt3A_1010 = arith.cmpf ogt, %get3A_1008, %gt3A_1009 : f32
        %convert_element_type3A_1011 = arith.extui %gt3A_1010 : i1 to i32
        %cond3A_1012 = arith.constant 0 : i32
        %cond3A_1013 = arith.cmpi ne, %convert_element_type3A_1011, %cond3A_1012 : i32
        scf.if %cond3A_1013 {
          %convert_element_type3A_1027 = arith.sitofp %add3A_998 : i32 to f32
          %add3A_1028 = arith.constant 1 : i32
          %add3A_1029 = arith.addi %add3A_998, %add3A_1028 : i32
          %jit3A_1030 = arith.constant 16 : i32
          %div3A = arith.divsi %add3A_1029, %jit3A_1030 : i32
          %sign3A = arith.constant 0 : i32
          %sign3A_1031 = arith.cmpi sgt, %add3A_1029, %sign3A : i32
          %sign3A_1032 = arith.extui %sign3A_1031 : i1 to i32
          %sign3A_1033 = arith.constant 0 : i32
          %sign3A_1034 = arith.cmpi slt, %add3A_1029, %sign3A_1033 : i32
          %sign3A_1035 = arith.extui %sign3A_1034 : i1 to i32
          %sign3A_1036 = arith.subi %sign3A_1032, %sign3A_1035 : i32
          %sign3A_1037 = arith.constant 0 : i32
          %sign3A_1038 = arith.cmpi sgt, %jit3A_1030, %sign3A_1037 : i32
          %sign3A_1039 = arith.extui %sign3A_1038 : i1 to i32
          %sign3A_1040 = arith.constant 0 : i32
          %sign3A_1041 = arith.cmpi slt, %jit3A_1030, %sign3A_1040 : i32
          %sign3A_1042 = arith.extui %sign3A_1041 : i1 to i32
          %sign3A_1043 = arith.subi %sign3A_1039, %sign3A_1042 : i32
          %ne3A = arith.cmpi ne, %sign3A_1036, %sign3A_1043 : i32
          %rem3A = arith.remsi %add3A_1029, %jit3A_1030 : i32
          %ne3A_1044 = arith.constant 0 : i32
          %ne3A_1045 = arith.cmpi ne, %rem3A, %ne3A_1044 : i32
          %and3A = arith.andi %ne3A, %ne3A_1045 : i1
          %sub3A_1046 = arith.constant 1 : i32
          %sub3A_1047 = arith.subi %div3A, %sub3A_1046 : i32
          %select_n3A_1048 = arith.select %and3A, %sub3A_1047, %div3A : i32
          %scan3A_1049 = arith.constant 0 : i32
          %scan3A_1050 = arith.constant 0 : i32
          %scan3A_1051 = arith.constant 9 : i32
          %scan3A_1052 = arith.addi %scan3A_1050, %scan3A_1051 : i32
          %scan3A_1053 = arith.constant 1 : i32
          %scan3A_1054 = scf.for %scan3A_1056 = %scan3A_1050 to %scan3A_1052 step %scan3A_1053 iter_args(%scan3A_1057 = %scan3A_1049) -> (i32)  : i32 {
            %add3A_1058 = arith.addi %select_n3A_1048, %scan3A_1056 : i32
            %min3A = arith.constant 255 : i32
            %min3A_1059 = arith.minsi %add3A_1058, %min3A : i32
            %mul3A_1060 = arith.constant 16 : i32
            %mul3A_1061 = arith.muli %min3A_1059, %mul3A_1060 : i32
            %multiple_of3A = tpu.assume_multiple %mul3A_1061, 16 : i32
            %convert_element_type3A_1062 = arith.sitofp %multiple_of3A : i32 to f32
            %add3A_1063 = vector.broadcast %convert_element_type3A_1062 : f32 to vector<16xf32>
            %add3A_1064 = arith.addf %convert_element_type3A, %add3A_1063 : vector<16xf32>
            %sub3A_1065 = vector.broadcast %convert_element_type3A_1027 : f32 to vector<16xf32>
            %sub3A_1066 = arith.subf %add3A_1064, %sub3A_1065 : vector<16xf32>
            %gt3A_1067 = arith.constant 5.000000e-01 : f32
            %gt3A_1068 = vector.broadcast %gt3A_1067 : f32 to vector<16xf32>
            %gt3A_1069 = arith.cmpf ogt, %sub3A_1066, %gt3A_1068 : vector<16xf32>
            %jit3A_1070 = arith.constant 1.000000e+00 : f32
            %jit3A_1071 = arith.constant 0.000000e+00 : f32
            %broadcast_in_dim3A_1072 = vector.broadcast %jit3A_1070 : f32 to vector<16xf32>
            %broadcast_in_dim3A_1073 = vector.broadcast %jit3A_1071 : f32 to vector<16xf32>
            %select_n3A_1074 = arith.select %gt3A_1069, %broadcast_in_dim3A_1072, %broadcast_in_dim3A_1073 : vector<16xi1>, vector<16xf32>
            %lt3A_1075 = arith.constant 1.285000e+02 : f32
            %lt3A_1076 = vector.broadcast %lt3A_1075 : f32 to vector<16xf32>
            %lt3A_1077 = arith.cmpf olt, %sub3A_1066, %lt3A_1076 : vector<16xf32>
            %jit3A_1078 = arith.constant 1.000000e+00 : f32
            %jit3A_1079 = arith.constant 0.000000e+00 : f32
            %broadcast_in_dim3A_1080 = vector.broadcast %jit3A_1078 : f32 to vector<16xf32>
            %broadcast_in_dim3A_1081 = vector.broadcast %jit3A_1079 : f32 to vector<16xf32>
            %select_n3A_1082 = arith.select %lt3A_1077, %broadcast_in_dim3A_1080, %broadcast_in_dim3A_1081 : vector<16xi1>, vector<16xf32>
            %mul3A_1083 = arith.mulf %sub3A_1066, %sub3A_1066 : vector<16xf32>
            %neg3A = arith.constant 0.000000e+00 : f32
            %neg3A_1084 = vector.broadcast %neg3A : f32 to vector<16xf32>
            %neg3A_1085 = arith.subf %neg3A_1084, %mul3A_1083 : vector<16xf32>
            %mul3A_1086 = arith.constant 1.250000e-03 : f32
            %mul3A_1087 = vector.broadcast %mul3A_1086 : f32 to vector<16xf32>
            %mul3A_1088 = arith.mulf %neg3A_1085, %mul3A_1087 : vector<16xf32>
            %exp3A = math.exp %mul3A_1088 : vector<16xf32>
            %mul3A_1089 = arith.constant 0.00999999977 : f32
            %mul3A_1090 = vector.broadcast %mul3A_1089 : f32 to vector<16xf32>
            %mul3A_1091 = arith.mulf %mul3A_1090, %exp3A : vector<16xf32>
            %get3A_1092 = arith.index_cast %multiple_of3A : i32 to index
            %get3A_1093 = tpu.vector_load %arg6[%get3A_1092] {strides = array<i32>} : memref<4096xf32, #tpu.memory_space<vmem>>, vector<16xf32>,
            %get3A_1094 = vector.shape_cast %get3A_1093 : vector<16xf32> to vector<16xf32>
            %ge3A_1095 = arith.constant 1.000000e+00 : f32
            %ge3A_1096 = vector.broadcast %ge3A_1095 : f32 to vector<16xf32>
            %ge3A_1097 = arith.cmpf oge, %get3A_1094, %ge3A_1096 : vector<16xf32>
            %jit3A_1098 = arith.constant 1.000000e+00 : f32
            %jit3A_1099 = arith.constant 0.000000e+00 : f32
            %broadcast_in_dim3A_1100 = vector.broadcast %jit3A_1098 : f32 to vector<16xf32>
            %broadcast_in_dim3A_1101 = vector.broadcast %jit3A_1099 : f32 to vector<16xf32>
            %select_n3A_1102 = arith.select %ge3A_1097, %broadcast_in_dim3A_1100, %broadcast_in_dim3A_1101 : vector<16xi1>, vector<16xf32>
            %mul3A_1103 = arith.mulf %select_n3A_1074, %select_n3A_1082 : vector<16xf32>
            %mul3A_1104 = arith.mulf %mul3A_1091, %mul3A_1103 : vector<16xf32>
            %mul3A_1105 = arith.mulf %mul3A_1104, %select_n3A_1102 : vector<16xf32>
            %get3A_1106 = arith.constant 3 : i32
            %get3A_1107 = arith.index_cast %get3A_1106 : i32 to index
            %get3A_1108 = arith.index_cast %multiple_of3A : i32 to index
            %get3A_1109 = tpu.vector_load %arg10[%get3A_1107, %get3A_1108] {strides = array<i32>} : memref<4x4096xf32, #tpu.memory_space<vmem>>, vector<1x16xf32>,
            %get3A_1110 = vector.shape_cast %get3A_1109 : vector<1x16xf32> to vector<16xf32>
            %add3A_1111 = arith.addf %get3A_1110, %mul3A_1105 : vector<16xf32>
            %max3A = arith.constant 0.000000e+00 : f32
            %max3A_1112 = vector.broadcast %max3A : f32 to vector<16xf32>
            %max3A_1113 = arith.maximumf %add3A_1111, %max3A_1112 : vector<16xf32>
            %min3A_1114 = arith.constant 1.000000e+00 : f32
            %min3A_1115 = vector.broadcast %min3A_1114 : f32 to vector<16xf32>
            %min3A_1116 = arith.minimumf %max3A_1113, %min3A_1115 : vector<16xf32>
            %swap3A_1117 = arith.constant 3 : i32
            %swap3A_1118 = arith.index_cast %swap3A_1117 : i32 to index
            %swap3A_1119 = arith.index_cast %multiple_of3A : i32 to index
            %swap3A_1120 = tpu.vector_load %arg11[%swap3A_1118, %swap3A_1119] {strides = array<i32>} : memref<4x4096xf32, #tpu.memory_space<vmem>>, vector<1x16xf32>,
            %swap3A_1121 = vector.shape_cast %swap3A_1120 : vector<1x16xf32> to vector<16xf32>
            %swap3A_1122 = vector.shape_cast %min3A_1116 : vector<16xf32> to vector<1x16xf32>
            tpu.vector_store %arg11[%swap3A_1118, %swap3A_1119], %swap3A_1122 {strides = array<i32>} : memref<4x4096xf32, #tpu.memory_space<vmem>>, vector<1x16xf32>,
            %scan3A_1123 = arith.constant 0 : i32
            scf.yield %scan3A_1123 : i32
          }
          %scan3A_1055 = arith.constant 9 : i32
        } else {
        }
        %add3A_1014 = arith.constant 2 : i32
        %add3A_1015 = arith.addi %add3A_919, %add3A_1014 : i32
        %dma_start3A_1016 = arith.constant 2 : i32
        %dma_start3A_1017 = arith.constant 0 : i32
        %dma_start3A_1018 = tpu.memref_slice %arg11[%dma_start3A_1016, %dma_start3A_1017] : memref<4x4096xf32, #tpu.memory_space<vmem>> -> memref<2x4096xf32, #tpu.memory_space<vmem>>
        %dma_start3A_1019 = arith.constant 0 : i32
        %dma_start3A_1020 = tpu.memref_slice %arg5[%add3A_1015, %dma_start3A_1019] : memref<4096x4096xf32, #tpu.memory_space<hbm>> -> memref<2x4096xf32, #tpu.memory_space<hbm>>
        %dma_start3A_1021 = arith.constant 0 : i32
        %dma_start3A_1022 = tpu.memref_slice %arg5[%add3A_1015, %dma_start3A_1021] : memref<4096x4096xf32, #tpu.memory_space<hbm>> -> memref<2x4096xf32, #tpu.memory_space<hbm>>
        %dma_start3A_1023 = arith.constant 2 : i32
        %dma_start3A_1024 = arith.constant 0 : i32
        %dma_start3A_1025 = tpu.memref_slice %arg11[%dma_start3A_1023, %dma_start3A_1024] : memref<4x4096xf32, #tpu.memory_space<vmem>> -> memref<2x4096xf32, #tpu.memory_space<vmem>>
        tpu.enqueue_dma source(%dma_start3A_1025 : memref<2x4096xf32, #tpu.memory_space<vmem>>) target(%dma_start3A_1022 : memref<2x4096xf32, #tpu.memory_space<hbm>>) target_semaphore(%arg15 : memref<!tpu.dma_semaphore, #tpu.memory_space<semaphore_mem>>)
        %scan3A_1026 = arith.constant 0 : i32
        scf.yield %scan3A_1026 : i32
      }
      %scan3A_760 = arith.constant 16 : i32
      %dma_wait3A = arith.constant 0 : i32
      %dma_wait3A_761 = arith.constant 0 : i32
      %dma_wait3A_762 = tpu.memref_slice %arg9[%dma_wait3A, %dma_wait3A_761] : memref<4x4096xf32, #tpu.memory_space<vmem>> -> memref<2x4096xf32, #tpu.memory_space<vmem>>
      %dma_wait3A_763 = arith.constant 0 : i32
      %dma_wait3A_764 = tpu.memref_slice %arg5[%mul3A_2, %dma_wait3A_763] : memref<4096x4096xf32, #tpu.memory_space<hbm>> -> memref<2x4096xf32, #tpu.memory_space<hbm>>
      %dma_wait3A_765 = arith.constant 0 : i32
      %dma_wait3A_766 = tpu.memref_slice %arg5[%mul3A_2, %dma_wait3A_765] : memref<4096x4096xf32, #tpu.memory_space<hbm>> -> memref<2x4096xf32, #tpu.memory_space<hbm>>
      %dma_wait3A_767 = arith.constant 0 : i32
      %dma_wait3A_768 = arith.constant 0 : i32
      %dma_wait3A_769 = tpu.memref_slice %arg9[%dma_wait3A_767, %dma_wait3A_768] : memref<4x4096xf32, #tpu.memory_space<vmem>> -> memref<2x4096xf32, #tpu.memory_space<vmem>>
      tpu.wait_dma2 semaphore(%arg13 : memref<!tpu.dma_semaphore, #tpu.memory_space<semaphore_mem>>) src(%dma_wait3A_769 : memref<2x4096xf32, #tpu.memory_space<vmem>>) dst(%dma_wait3A_766 : memref<2x4096xf32, #tpu.memory_space<hbm>>)
      %dma_wait3A_770 = arith.constant 0 : i32
      %dma_wait3A_771 = arith.constant 0 : i32
      %dma_wait3A_772 = tpu.memref_slice %arg9[%dma_wait3A_770, %dma_wait3A_771] : memref<4x4096xf32, #tpu.memory_space<vmem>> -> memref<2x4096xf32, #tpu.memory_space<vmem>>
      %dma_wait3A_773 = arith.constant 0 : i32
      %dma_wait3A_774 = tpu.memref_slice %arg5[%mul3A_2, %dma_wait3A_773] : memref<4096x4096xf32, #tpu.memory_space<hbm>> -> memref<2x4096xf32, #tpu.memory_space<hbm>>
      %dma_wait3A_775 = arith.constant 0 : i32
      %dma_wait3A_776 = tpu.memref_slice %arg5[%mul3A_2, %dma_wait3A_775] : memref<4096x4096xf32, #tpu.memory_space<hbm>> -> memref<2x4096xf32, #tpu.memory_space<hbm>>
      %dma_wait3A_777 = arith.constant 0 : i32
      %dma_wait3A_778 = arith.constant 0 : i32
      %dma_wait3A_779 = tpu.memref_slice %arg9[%dma_wait3A_777, %dma_wait3A_778] : memref<4x4096xf32, #tpu.memory_space<vmem>> -> memref<2x4096xf32, #tpu.memory_space<vmem>>
      tpu.wait_dma2 semaphore(%arg13 : memref<!tpu.dma_semaphore, #tpu.memory_space<semaphore_mem>>) src(%dma_wait3A_779 : memref<2x4096xf32, #tpu.memory_space<vmem>>) dst(%dma_wait3A_776 : memref<2x4096xf32, #tpu.memory_space<hbm>>)
      %dma_wait3A_780 = arith.constant 0 : i32
      %dma_wait3A_781 = arith.constant 0 : i32
      %dma_wait3A_782 = tpu.memref_slice %arg11[%dma_wait3A_780, %dma_wait3A_781] : memref<4x4096xf32, #tpu.memory_space<vmem>> -> memref<2x4096xf32, #tpu.memory_space<vmem>>
      %dma_wait3A_783 = arith.constant 0 : i32
      %dma_wait3A_784 = tpu.memref_slice %arg5[%mul3A_2, %dma_wait3A_783] : memref<4096x4096xf32, #tpu.memory_space<hbm>> -> memref<2x4096xf32, #tpu.memory_space<hbm>>
      %dma_wait3A_785 = arith.constant 0 : i32
      %dma_wait3A_786 = tpu.memref_slice %arg5[%mul3A_2, %dma_wait3A_785] : memref<4096x4096xf32, #tpu.memory_space<hbm>> -> memref<2x4096xf32, #tpu.memory_space<hbm>>
      %dma_wait3A_787 = arith.constant 0 : i32
      %dma_wait3A_788 = arith.constant 0 : i32
      %dma_wait3A_789 = tpu.memref_slice %arg11[%dma_wait3A_787, %dma_wait3A_788] : memref<4x4096xf32, #tpu.memory_space<vmem>> -> memref<2x4096xf32, #tpu.memory_space<vmem>>
      tpu.wait_dma2 semaphore(%arg15 : memref<!tpu.dma_semaphore, #tpu.memory_space<semaphore_mem>>) src(%dma_wait3A_789 : memref<2x4096xf32, #tpu.memory_space<vmem>>) dst(%dma_wait3A_786 : memref<2x4096xf32, #tpu.memory_space<hbm>>)
      %dma_wait3A_790 = arith.constant 0 : i32
      %dma_wait3A_791 = arith.constant 0 : i32
      %dma_wait3A_792 = tpu.memref_slice %arg11[%dma_wait3A_790, %dma_wait3A_791] : memref<4x4096xf32, #tpu.memory_space<vmem>> -> memref<2x4096xf32, #tpu.memory_space<vmem>>
      %dma_wait3A_793 = arith.constant 0 : i32
      %dma_wait3A_794 = tpu.memref_slice %arg5[%mul3A_2, %dma_wait3A_793] : memref<4096x4096xf32, #tpu.memory_space<hbm>> -> memref<2x4096xf32, #tpu.memory_space<hbm>>
      %dma_wait3A_795 = arith.constant 0 : i32
      %dma_wait3A_796 = tpu.memref_slice %arg5[%mul3A_2, %dma_wait3A_795] : memref<4096x4096xf32, #tpu.memory_space<hbm>> -> memref<2x4096xf32, #tpu.memory_space<hbm>>
      %dma_wait3A_797 = arith.constant 0 : i32
      %dma_wait3A_798 = arith.constant 0 : i32
      %dma_wait3A_799 = tpu.memref_slice %arg11[%dma_wait3A_797, %dma_wait3A_798] : memref<4x4096xf32, #tpu.memory_space<vmem>> -> memref<2x4096xf32, #tpu.memory_space<vmem>>
      tpu.wait_dma2 semaphore(%arg15 : memref<!tpu.dma_semaphore, #tpu.memory_space<semaphore_mem>>) src(%dma_wait3A_799 : memref<2x4096xf32, #tpu.memory_space<vmem>>) dst(%dma_wait3A_796 : memref<2x4096xf32, #tpu.memory_space<hbm>>)
    } else {
    }
    return
  }
}

</mosaic_0001>

<sc_bundles>
// kernel: kernel.3.cloned.1.call-start
scs
__scs_entry_jumppad:
0x0: {  	(pc) =	sbr.rel $0x88, $3  }
0x1: {  	(tag) =	ssettag $0x0;
	lr =	simm.s32 $0x1  }
0x2: {  	[smem:$0x3F9F] =	sst lr;
	_ =	strace $0xD0000000  }
0x3: {  	_ = 	snop  }
0x4: {  	_ = 	snop  }
0x5: {  	_ = 	snop  }
0x6: {  	_ = 	snop  }
0x7: {  	_ = 	snop  }
__scs_overlays_trampoline_lowered:
0x8: {  	[smem:$0x3FAE] =	sst s0  }
0x9: {  	[smem:$0x3FAF] =	sst s1  }
0xa: {  	[smem:$0x3FB0] =	sst s2  }
0xb: {  	[smem:$0x3FB1] =	sst s3  }
0xc: {  	[smem:$0x3FB2] =	sst s4  }
0xd: {  	[smem:$0x3FB3] =	sst s5  }
0xe: {  	[smem:$0x3FB4] =	sst s6  }
0xf: {  	[smem:$0x3FB5] =	sst s7  }
0x10: {  	[smem:$0x3FB6] =	sst s8  }
0x11: {  	[smem:$0x3FB7] =	sst s9;
	s0 =	simm.s32 @!p0 $0x0  }
0x12: {  	s1 =	sld [smem:$0x3F9D];
	s0 =	simm.s32 @p0 $0x1  }
0x13: {  	[smem:$0x3FB8] =	sst s0;
	s0 =	simm.s32 @!p1 $0x0  }
0x14: {  	s2 =	sld [smem:$0x3F9C];
	s0 =	simm.s32 @p1 $0x1  }
0x15: {  	[smem:$0x3FB9] =	sst s0;
	s0 =	simm.s32 @!p2 $0x0  }
0x16: {  	s3 =	sld [smem:$0x3FDB];
	s0 =	simm.s32 @p2 $0x1  }
0x17: {  	s4 =	simm.s32 $0x1BF5;
	[smem:$0x3FBB] =	sst s0  }
0x18: {  	s0 =	sld [smem:$0x3F9E];
	_ =	swait.ge [sflag:s4], $0x0  }
0x19: {  	s7 =	sld [smem:$0x3F9F]  }
0x1a: {  	s8 =	sadd.s32 $0xFFFFE003, lr  }
0x1b: {  	s9 =	sadd.s32 $0xFFFFFEF7, lr;
	s5 =	simm.s32 $0xFFFFFFFF;
	p2 =	slt.u32 s8, $0xFFFFF086  }
0x1c: {  	p1 =	slt.u32 s9, $0xF7A;
	s5 =	simm.s32 @!p2 $0x0  }
0x1d: {  	s5 =	simm.s32 @p1 $0x1;
	p0 =	seq.s32 s7, s2  }
0x1e: {  	s7 =	smul.u32 @!p0 $0xF7A, s2;
	p2 =	seq.s32 @!p0 s5, $0x0  }
0x1f: {  	s9 =	smul.u32 $0xF7A, s1;
	s8 =	simm.s32 @!p0 $0x1BF5;
	p2 =	por !p2, p0  }
0x20: {  	[sflag:s8] =	ssyncset.s32 @!p0 $0xFFFFF086;
	s6 =	sadd.s32 @!p0 s3, s7;
	s7 =	simm.s32 @!p0 $0x108  }
0x21: {  	s3 =	sadd.s32 s3, s9;
	s6 =	sadd.s32 @!p0 $0x88, s6;
	s7 =	simm.s32 @p2 $0x1082  }
0x22: {  	[simem:s7], [sflag:s8] =	dma.local @!p0 [hbm:s6], $0xF7A  }
0x23: {  	s9 =	sor.u32 $0xD0000000, s2;
	s6 =	simm.s32 $0x108;
	_ =	swait.ge @!p0 [sflag:s8], $0x0  }
0x24: {  	s3 =	sadd.s32 $0x88, s3;
	s6 =	simm.s32 @!p1 $0x1082;
	[sflag:s4] =	ssyncset.s32 $0xFFFFF086  }
0x25: {  	[simem:s6], [sflag:s4] =	dma.local [hbm:s3], $0xF7A  }
0x26: {  	[smem:$0x3F9F] =	sst s1;
	(tag) =	ssettag s2;
	_ =	strace s9  }
0x27: {  	s1 =	sld [smem:$0x3FAF]  }
0x28: {  	s2 =	sld [smem:$0x3FB0]  }
0x29: {  	s4 =	sld [smem:$0x3FB2]  }
0x2a: {  	p0 =	seq.s32 s5, $0x0;
	s5 =	sld [smem:$0x3FB3]  }
0x2b: {  	s6 =	sld [smem:$0x3FB4]  }
0x2c: {  	s7 =	sld [smem:$0x3FB5]  }
0x2d: {  	s3 =	simm.s32 $0x108;
	s8 =	sld [smem:$0x3FB6]  }
0x2e: {  	s3 =	simm.s32 @!p0 $0x1082;
	s9 =	sld [smem:$0x3FB7]  }
0x2f: {  	lr =	sadd.s32 s0, s3;
	s0 =	sld [smem:$0x3FAE]  }
0x30: {  	s3 =	sld [smem:$0x3FB1]  }
0x31: {  	[smem:$0x3FBA] =	sst s10  }
0x32: {  	s10 =	sld [smem:$0x3FB8];
	_ =	sdelay $0x3  }
0x33: {  	p0 =	seq.s32 s10, $0x1;
	s10 =	sld [smem:$0x3FBA];
	_ =	sdelay $0x3  }
0x34: {  	[smem:$0x3FBA] =	sst s10  }
0x35: {  	s10 =	sld [smem:$0x3FB9];
	_ =	sdelay $0x3  }
0x36: {  	p1 =	seq.s32 s10, $0x1;
	s10 =	sld [smem:$0x3FBA];
	_ =	sdelay $0x3  }
0x37: {  	[smem:$0x3FBA] =	sst s10  }
0x38: {  	s10 =	sld [smem:$0x3FBB]  }
0x39: {  	_ = 	snop;
	(pc) =	sbr.ind lr, $3  }
0x3a: {  	_ = 	snop  }
0x3b: {  	_ = 	snop  }
0x3c: {  	p2 =	seq.s32 s10, $0x1;
	s10 =	sld [smem:$0x3FBA]  }
0x3d: {  	_ =	shalt  }
0x3e: {  	_ =	shalt  }
0x3f: {  	_ =	shalt  }
0x40: {  	_ =	shalt  }
0x41: {  	_ =	shalt  }
0x42: {  	_ =	shalt  }
0x43: {  	_ =	shalt  }
0x44: {  	_ =	shalt  }
0x45: {  	_ =	shalt  }
0x46: {  	_ =	shalt  }
0x47: {  	_ =	shalt  }
0x48: {  	_ =	shalt  }
0x49: {  	_ =	shalt  }
0x4a: {  	_ =	shalt  }
0x4b: {  	_ =	shalt  }
0x4c: {  	_ =	shalt  }
0x4d: {  	_ =	shalt  }
0x4e: {  	_ =	shalt  }
0x4f: {  	_ =	shalt  }
0x50: {  	_ =	shalt  }
0x51: {  	_ =	shalt  }
0x52: {  	_ =	shalt  }
0x53: {  	_ =	shalt  }
0x54: {  	_ =	shalt  }
0x55: {  	_ =	shalt  }
0x56: {  	_ =	shalt  }
0x57: {  	_ =	shalt  }
0x58: {  	_ =	shalt  }
0x59: {  	_ =	shalt  }
0x5a: {  	_ =	shalt  }
0x5b: {  	_ =	shalt  }
0x5c: {  	_ =	shalt  }
0x5d: {  	_ =	shalt  }
0x5e: {  	_ =	shalt  }
0x5f: {  	_ =	shalt  }
0x60: {  	_ =	shalt  }
0x61: {  	_ =	shalt  }
0x62: {  	_ =	shalt  }
0x63: {  	_ =	shalt  }
0x64: {  	_ =	shalt  }
0x65: {  	_ =	shalt  }
0x66: {  	_ =	shalt  }
0x67: {  	_ =	shalt  }
0x68: {  	_ =	shalt  }
0x69: {  	_ =	shalt  }
0x6a: {  	_ =	shalt  }
0x6b: {  	_ =	shalt  }
0x6c: {  	_ =	shalt  }
0x6d: {  	_ =	shalt  }
0x6e: {  	_ =	shalt  }
0x6f: {  	_ =	shalt  }
0x70: {  	_ =	shalt  }
0x71: {  	_ =	shalt  }
0x72: {  	_ =	shalt  }
0x73: {  	_ =	shalt  }
0x74: {  	_ =	shalt  }
0x75: {  	_ =	shalt  }
0x76: {  	_ =	shalt  }
0x77: {  	_ =	shalt  }
0x78: {  	_ =	shalt  }
0x79: {  	_ =	shalt  }
0x7a: {  	_ =	shalt  }
0x7b: {  	_ =	shalt  }
0x7c: {  	_ =	shalt  }
0x7d: {  	_ =	shalt  }
0x7e: {  	_ =	shalt  }
0x7f: {  	_ =	shalt  }
0x80: {  	_ =	shalt  }
0x81: {  	_ =	shalt  }
0x82: {  	_ =	shalt  }
0x83: {  	_ =	shalt  }
0x84: {  	_ =	shalt  }
0x85: {  	_ =	shalt  }
0x86: {  	_ =	shalt  }
0x87: {  	_ =	shalt  }
.Lfunc_end0:
.L_simem_size_0:
called_computation_lowered:
.L_overlay_start_0:
0x88: {  	s2 =	sld [smem:$0x3FD9]  }
0x89: {  	s3 =	sld [smem:$0x3FFE];
	_ =	sdelay $0x1  }
0x8a: {  	s1 =	srdreg.scid  }
0x8b: {  	s0 =	sand.u32 $0x1, s1  }
0x8c: {  	s15 =	sshll.u32 s0, $0xA;
	s2 =	sadd.s32 s3, s2  }
0x8d: {  	s2 =	sadd.s32 s2, s15  }
0x8e: {  	[smem:$0x3FC6] =	sst s2  }
0x8f: {  	_ = 	snop  }
0x90: {  	s2 =	sld [smem:$0x3FD0];
	_ =	sdelay $0x1  }
0x91: {  	s16 =	sld [smem:$0x3FC9]  }
0x92: {  	s5 =	simm.s32 $0xA;
	s6 =	simm.s32 $0x10;
	s4 =	sld [smem:$0x3FC8]  }
0x93: {  	[smem:s6], [sflag:s5] =	dma.local [hbm:s2], $0x1  }
0x94: {  	_ =	swait.eq [sflag:s5], $0x1  }
0x95: {  	[sflag:s5] =	ssyncset.done $0x0  }
0x96: {  	s17 =	sld [smem:$0x10];
	[sflag:s5] =	ssyncadd.s32 $0xFFFFFFFF  }
0x97: {  	s18 =	sld [smem:$0x11];
	(tm) =	ssettm $0x1  }
0x98: {  	s19 =	sld [smem:$0x3FFB];
	_ =	sdelay $0x3  }
0x99: {  	_ =	strace s19  }
0x9a: {  	s6 =	sld [smem:$0x3FFC];
	_ =	sdelay $0x3  }
0x9b: {  	_ =	strace s6  }
0x9c: {  	s6 =	sld [smem:$0x3FFD];
	_ =	sdelay $0x3  }
0x9d: {  	_ =	strace s6  }
0x9e: {  	_ =	strace $0x8FFFFFFF  }
0x9f: {  	s20 =	sld [smem:$0x3FDB];
	_ =	sdelay $0x1  }
0xa0: {  	s7 =	simm.s32 $_scs_section_size  }
0xa1: {  	s8 =	simm.s32 $_size__tile_overlayer_lowered;
	s9 =	simm.s32 $_tile_overlayer_lowered  }
0xa2: {  	s23 =	simm.s32 $0x1BFF;
	s22 =	sshll.u32 s9, $0x1;
	s6 =	sadd.s32 s7, s20  }
0xa3: {  	s10 =	simm.s32 $0x0;
	s21 =	sshll.u32 s8, $0x1;
	s8 =	sadd.s32 s22, s6  }
0xa4: {  	[timem:s10], [sflag:s23] =	dma.local [hbm:s8], s21  }
0xa5: {  	_ =	swait.ge [sflag:s23], s21  }
0xa6: {  	s7 =	ssub.s32 $0x0, s21;
	[sflag:s23] =	ssyncset.done $0x0  }
0xa7: {  	[sflag:s23] =	ssyncadd.s32 s7;
	_ =	sdelay $0x1  }
0xa8: {  	s24 =	simm.s32 $0x1B8B  }
0xa9: {  	_ =	swait.ge [sflag:s24], $0x1  }
0xaa: {  	[sflag:s24] =	ssyncset.done $0x0  }
0xab: {  	s25 =	simm.s32 $0x1B8E;
	[sflag:s24] =	ssyncadd.s32 $0xFFFFFFFF  }
0xac: {  	s26 =	simm.s32 $execute0_lowered;
	[smem:$0x3FD2] =	sst s25  }
0xad: {  	s7 =	sshll.u32 s26, $0x1;
	_ =	strace $0x80000046;
	[dreg:$0x1] =	wrdreg $0xFFFFFFFF  }
0xae: {  	s28 =	simm.s32 $_size_execute0_lowered;
	s6 =	sadd.s32 s6, s7;
	[dreg:$0x0] =	wrdreg $0x0  }
0xaf: {  	s7 =	sshll.u32 s28, $0x1;
	[dreg:$0x2] =	wrdreg s6  }
0xb0: {  	[dreg:$0x3] =	wrdreg s7  }
0xb1: {  	[dreg:$0x4] =	wrdreg $0xC0  }
0xb2: {  	_ =	task [dreg:s10], $0x5FFFF  }
0xb3: {  	[dreg:$0x1] =	wrdreg $0xFFFFFFFF  }
0xb4: {  	[dreg:$0x0] =	wrdreg $0x60  }
0xb5: {  	[dreg:$0x2] =	wrdreg s16  }
0xb6: {  	[dreg:$0x3] =	wrdreg s4  }
0xb7: {  	[dreg:$0x4] =	wrdreg s17  }
0xb8: {  	[dreg:$0x5] =	wrdreg s18  }
0xb9: {  	[dreg:$0x6] =	wrdreg $0x9  }
0xba: {  	_ =	task.clear_ibuf [dreg:s10], $0x7FFFF;
	_ =	strace $0x90000046  }
0xbb: {  	s29 =	simm.s32 $0x9;
	_ =	strace $0x80000048  }
0xbc: {  	_ =	swait.ge [sflag:s29], $0x1  }
0xbd: {  	[sflag:s29] =	ssyncadd.s32 $0xFFFFFFFF  }
0xbe: {  	_ =	strace $0x90000048  }
0xbf: {  	_ =	sfence  }
0xc0: {  	s30 =	sld [smem:$0x0];
	_ =	sdelay $0x2  }
0xc1: {  	s31 =	sshll.u32 s1, $0xD;
	s1 =	sshrl.u32 s1, $0x2  }
0xc2: {  	s3 =	sand.u32 $0x4000, s31;
	s1 =	sadd.s32 s1, s30  }
0xc3: {  	s0 =	sor.u32 s3, s0;
	s1 =	sshll.u32 s1, $0x11  }
0xc4: {  	s0 =	sor.u32 s1, s0  }
0xc5: {  	s0 =	sadd.s32 $0x8F2B, s0  }
0xc6: {  	[sflag:s0] =	ssyncadd.remote.s32 $0x1  }
0xc7: {  	_ =	sfence.sel $0xFFFF  }
0xc8: {  	[dreg:$0x0] =	wrdreg $0xFFFFFFFF;
	(pc) =	sbr.abs _section_cstart, $3  }
0xc9: {  	[dreg:$0x1] =	wrdreg $0xFFFFFFFF  }
0xca: {  	_ =	task.clear_ibuf [dreg:s10], $0x2FFFF;
	_ =	strace $0x9FFFFFFF  }
0xcb: {  	(tm) =	ssettm $0x7FFFFFFF  }
tec
execute0_lowered:
.L_overlay_start_1:
0x0: {  	(tag) =	ssettag $0x1  }
0x1: {  	v0 =	vimm.s32 $0xFEDCBA98;
	v1 =	vimm.s32 $0x76543210  }
0x2: {  	v2 =	vimm.s32 $0xBA98FEDC;
	v3 =	vimm.s32 $0x32107654;
	v0 =	vunpack.c.l.s4.s8 v0  }
0x3: {  	v1 =	vunpack.c.l.s4.s8 v1;
	v2 =	vunpack.c.l.s4.s8 v2;
	v3 =	vunpack.c.l.s4.s8 v3  }
0x4: {  	s11 =	rddreg [dreg:$0x0];
	v4 =	vimm.f32 $1.500000000e+01;
	v0 =	vunpack.c.0.s8.s32 v0  }
0x5: {  	s1 =	rddreg [dreg:$0x1];
	v1 =	vunpack.c.0.s8.s32 v1;
	v2 =	vunpack.c.0.s8.s32 v2;
	v3 =	vunpack.c.0.s8.s32 v3  }
0x6: {  	vm0 =	vcmask $0x300;
	vm14 =	vcmask $0x704;
	s2 =	rddreg [dreg:$0x2];
	v0 =	vand.u32 $0xF, v0  }
0x7: {  	s3 =	rddreg [dreg:$0x3];
	s0 =	srdreg.scid;
	v0 =	vcombine.low v0, v1;
	v1 =	vcombine.low v3, v2;
	v2 =	vsel vm0, $0x0, v4  }
0x8: {  	vm15 =	vcmask $0xB08;
	vm4 =	vcmask $0xF0C;
	s4 =	stileid.u32;
	s5 =	simm.s32 $0x0;
	s18 =	simm.s32 $0x5;
	v2 =	vsel vm14, $0x3F800000, v2  }
0x9: {  	vm5 =	vcmask $0x1310;
	vm6 =	vcmask $0x1714;
	s16 =	simm.s32 $0x1000;
	s17 =	simm.f32 $5.000000000e-01;
	s21 =	simm.s32 $0x200;
	v2 =	vsel vm15, $0x40000000, v2  }
0xa: {  	vm7 =	vcmask $0x1B18;
	vm8 =	vcmask $0x1F1C;
	s22 =	simm.s32 $0x400;
	s28 =	simm.s32 $0x4;
	s19 =	simm.s32 $0x0;
	v2 =	vsel vm4, $0x40400000, v2  }
0xb: {  	v5 =	vimm.s32 $0xEFCDAB89;
	vm9 =	vcmask $0x2320;
	s0 =	sand.u32 $0x1, s0;
	s4 =	sshll.u32 s4, $0x8;
	[smem:$0x7FF] =	sst s5;
	v2 =	vsel vm5, $0x40800000, v2  }
0xc: {  	vm10 =	vcmask $0x2724;
	v6 =	vimm.s32 $0x67452301;
	s25 =	sadd.s32 $0x40, s1;
	s26 =	sadd.s32 $0x20, s3;
	s29 =	sadd.s32 $0x800, s1;
	v2 =	vsel vm6, $0x40A00000, v2  }
0xd: {  	vm11 =	vcmask $0x2B28;
	vm12 =	vcmask $0x2F2C;
	s13 =	sadd.s32 $0x40, s3;
	_ =	strace $0x80000047;
	[dreg:$0x7] =	wrdreg s25;
	v2 =	vsel vm7, $0x40C00000, v2  }
0xe: {  	vm13 =	vcmask $0x3330;
	v5 =	vunpack.c.l.s4.s8 v5;
	s14 =	sadd.s32 $0x60, s3;
	s6 =	sshll.u32 s0, $0x7;
	[dreg:$0x8] =	wrdreg s26;
	v2 =	vsel vm8, $0x40E00000, v2  }
0xf: {  	s7 =	ssub.s32 $0x2, s0;
	[dreg:$0x9] =	wrdreg s29;
	s0 =	sor.u32 s6, s4;
	v3 =	vimm.s32 $0xDCFE98BA;
	v4 =	vimm.s32 $0x54761032;
	v2 =	vsel vm9, $0x41000000, v2  }
0x10: {  	s23 =	sshrl.u32 s7, $0x1;
	s8 =	sshll.u32 s0, $0x9;
	s30 =	sor.u32 $0x4, s0;
	v3 =	vunpack.c.l.s4.s8 v3;
	v4 =	vunpack.c.l.s4.s8 v4;
	v2 =	vsel vm10, $0x41100000, v2  }
.Ltmp0:
0x11: {  	v6 =	vunpack.c.l.s4.s8 v6;
	v5 =	vunpack.c.0.s8.s32 v5;
	s31 =	sor.u32 $0x8, s0;
	[dreg:$0xb] =	wrdreg s30;
	v2 =	vsel vm11, $0x41200000, v2;
	(pc) =	sbr.rel .LBB2_1-.Ltmp0, $4  }
0x12: {  	s6 =	sshrl.u32 s0, $0x3;
	s24 =	sadd.s32 s1, s8;
	[dreg:$0xc] =	wrdreg s31;
	v3 =	vunpack.c.0.s8.s32 v3;
	v4 =	vunpack.c.0.s8.s32 v4;
	v2 =	vsel vm12, $0x41300000, v2  }
0x13: {  	v6 =	vunpack.c.0.s8.s32 v6;
	s4 =	ssub.s32 s7, s23;
	s12 =	sadd.s32 s2, s6;
	[dreg:$0x6] =	wrdreg s24;
	vm14 =	vcmask $0x3734;
	v7 =	vsel vm13, $0x41400000, v2  }
0x14: {  	s25 =	simm.s32 $0x1;
	s15 =	smax.u32 s4, $0x1;
	[dreg:$0x5] =	wrdreg s12;
	vm15 =	vcmask $0x3B38;
	v2 =	vcombine.low v4, v3;
	v7 =	vsel vm14, $0x41500000, v7  }
0x15: {  	s26 =	simm.s32 $0x3;
	s23 =	simm.s32 $0x1080;
	[dreg:$0xa] =	wrdreg s15;
	v3 =	vcombine.low v6, v5;
	v4 =	vimm.f32 $0.0e+00;
	v5 =	vsel vm15, $0x41600000, v7  }
.LBB2_70:
0x16: {  	s19 =	sadd.s32 $0x1, s19  }
0x17: {  	p0 =	sne.s32 s19, s15  }
.Ltmp1:
0x18: {  	_ = 	snop;
	(pc) =	sbr.rel @!p0 .LBB2_71-.Ltmp1, $1  }
0x19: {  	_ =	sdelay $0x3  }
.LBB2_1:
0x1a: {  	[tilespmem:s5], [sflag:$0x5] =	stream.linear.gather [hbm4b:s11+s5], $0x1000, $0x38;
	[tilespmem:$0x11080] =	vst v63  }
0x1b: {  	_ =	swait.ge [sflag:s18], $0x1000  }
0x1c: {  	[sflag:s18] =	ssyncset.done $0x0  }
0x1d: {  	s4 =	simm.s32 $0x0;
	[sflag:s18] =	ssyncadd.s32 $0xFFFFF000  }
0x1e: {  	v7 =	vld [tilespmem:s4+$0x0]  }
0x1f: {  	s2 =	simm.s32 $0x40;
	v6 =	vimm.f32 $0.0e+00  }
.LBB2_2:
0x20: {  	p0 =	sne.s32 s2, $0x3FC0  }
.Ltmp2:
0x21: {  	_ = 	snop;
	(pc) =	sbr.rel @p0 .LBB2_2-.Ltmp2, $4  }
0x22: {  	_ = 	snop  }
0x23: {  	s4 =	sshra.s32 s2, $0x2;
	s2 =	sadd.s32 $0x40, s2;
	vm0 =	vge.f32 v7, $1.000000000e+00  }
0x24: {  	v7 =	vld [tilespmem:s4+$0x0];
	v8 =	vsel vm0, $0x3F800000, v4  }
0x25: {  	v6 =	vadd.f32 v8, v6  }
0x26: {  	v8 =	vld [tilespmem:s0+$0x0];
	_ =	sdelay $0x4  }
0x27: {  	vm0 =	vge.f32 v8, $1.000000000e+00  }
0x28: {  	v8 =	vsel vm0, $0x3F800000, v4  }
0x29: {  	[tilespmem:$0x1000] =	vst v8  }
0x2a: {  	v8 =	vld [tilespmem:s0+$0x10];
	_ =	sdelay $0x4  }
0x2b: {  	vm7 =	vge.f32 v8, $1.000000000e+00  }
0x2c: {  	v8 =	vsel vm7, $0x3F800000, v4  }
0x2d: {  	[tilespmem:$0x1010] =	vst v8  }
0x2e: {  	v8 =	vld [tilespmem:s0+$0x20];
	_ =	sdelay $0x4  }
0x2f: {  	vm8 =	vge.f32 v8, $1.000000000e+00  }
0x30: {  	v8 =	vsel vm8, $0x3F800000, v4  }
0x31: {  	[tilespmem:$0x1020] =	vst v8  }
0x32: {  	v8 =	vld [tilespmem:s0+$0x30];
	_ =	sdelay $0x4  }
0x33: {  	vm9 =	vge.f32 v8, $1.000000000e+00  }
0x34: {  	v8 =	vsel vm9, $0x3F800000, v4  }
0x35: {  	[tilespmem:$0x1030] =	vst v8  }
0x36: {  	v8 =	vld [tilespmem:s0+$0x40];
	_ =	sdelay $0x4  }
0x37: {  	vm10 =	vge.f32 v8, $1.000000000e+00  }
0x38: {  	v8 =	vsel vm10, $0x3F800000, v4  }
0x39: {  	[tilespmem:$0x1040] =	vst v8  }
0x3a: {  	v8 =	vld [tilespmem:s0+$0x50];
	_ =	sdelay $0x4  }
0x3b: {  	vm11 =	vge.f32 v8, $1.000000000e+00  }
0x3c: {  	v8 =	vsel vm11, $0x3F800000, v4  }
0x3d: {  	[tilespmem:$0x1050] =	vst v8  }
0x3e: {  	v8 =	vld [tilespmem:s0+$0x60];
	_ =	sdelay $0x4  }
0x3f: {  	vm12 =	vge.f32 v8, $1.000000000e+00  }
0x40: {  	v8 =	vsel vm12, $0x3F800000, v4  }
0x41: {  	[tilespmem:$0x1060] =	vst v8  }
0x42: {  	v8 =	vld [tilespmem:s0+$0x70];
	_ =	sdelay $0x4  }
0x43: {  	vm13 =	vge.f32 v8, $1.000000000e+00  }
0x44: {  	v8 =	vsel vm13, $0x3F800000, v4  }
0x45: {  	s31 =	simm.s32 $0x0;
	[tilespmem:$0x1070] =	vst v8  }
0x46: {  	[hbm4b:s12+s31] =	stream.linear.scatter [tilespmem:s16], [sflag:$0x5], $0x80, $0x38;
	[tilespmem:$0x11080] =	vst v63  }
0x47: {  	_ =	swait.ge [sflag:s18], $0x80  }
0x48: {  	[sflag:s18] =	ssyncset.done $0x0  }
0x49: {  	[sflag:s18] =	ssyncadd.s32 $0xFFFFFF80  }
0x4a: {  	v57 =	vld [tilespmem:$0x1000];
	_ =	sdelay $0x4  }
0x4b: {  	(v2sf) =	vpush v57, $0x0  }
0x4c: {  	(v2sf) =	vpush v57, $0x1  }
0x4d: {  	(v2sf) =	vpush v57, $0x2  }
0x4e: {  	(v2sf) =	vpush v57, $0x3  }
0x4f: {  	(v2sf) =	vpush v57, $0x4  }
0x50: {  	(v2sf) =	vpush v57, $0x5  }
0x51: {  	(v2sf) =	vpush v57, $0x6  }
0x52: {  	(v2sf) =	vpush v57, $0x7  }
0x53: {  	(v2sf) =	vpush v57, $0x8  }
0x54: {  	(v2sf) =	vpush v57, $0x9  }
0x55: {  	(v2sf) =	vpush v57, $0xA  }
0x56: {  	v9 =	vld [tilespmem:$0x1010];
	(v2sf) =	vpush v57, $0xB  }
0x57: {  	(v2sf) =	vpush v57, $0xC  }
0x58: {  	(v2sf) =	vpush v57, $0xD  }
0x59: {  	(v2sf) =	vpush v57, $0xE  }
0x5a: {  	s2 =	spop (v2sf);
	(v2sf) =	vpush v57, $0xF  }
0x5b: {  	s4 =	spop (v2sf);
	(v2sf) =	vpush v9, $0x0  }
0x5c: {  	s6 =	spop (v2sf);
	(v2sf) =	vpush v9, $0x1  }
0x5d: {  	s7 =	spop (v2sf);
	(v2sf) =	vpush v9, $0x2  }
0x5e: {  	s10 =	spop (v2sf);
	(v2sf) =	vpush v9, $0x3  }
0x5f: {  	s20 =	spop (v2sf);
	(v2sf) =	vpush v9, $0x4  }
0x60: {  	[smem:$0x0] =	sst s2;
	s24 =	spop (v2sf);
	(v2sf) =	vpush v9, $0x5  }
0x61: {  	[smem:$0x1] =	sst s4;
	s29 =	spop (v2sf);
	(v2sf) =	vpush v9, $0x6  }
0x62: {  	[smem:$0x2] =	sst s6;
	s30 =	spop (v2sf);
	(v2sf) =	vpush v9, $0x7  }
0x63: {  	[smem:$0x3] =	sst s7;
	s9 =	spop (v2sf);
	(v2sf) =	vpush v9, $0x8  }
0x64: {  	[smem:$0x4] =	sst s10;
	s10 =	spop (v2sf);
	(v2sf) =	vpush v9, $0x9  }
0x65: {  	[smem:$0x5] =	sst s20;
	s20 =	spop (v2sf);
	(v2sf) =	vpush v9, $0xA  }
0x66: {  	v58 =	vld [tilespmem:$0x1020];
	[smem:$0x6] =	sst s24;
	s24 =	spop (v2sf);
	(v2sf) =	vpush v9, $0xB  }
0x67: {  	[smem:$0x7] =	sst s29;
	s29 =	spop (v2sf);
	(v2sf) =	vpush v9, $0xC  }
0x68: {  	[smem:$0x8] =	sst s30;
	s30 =	spop (v2sf);
	(v2sf) =	vpush v9, $0xD  }
0x69: {  	[smem:$0x9] =	sst s9;
	s9 =	spop (v2sf);
	(v2sf) =	vpush v9, $0xE  }
0x6a: {  	[smem:$0xA] =	sst s10;
	s10 =	spop (v2sf);
	(v2sf) =	vpush v9, $0xF  }
0x6b: {  	[smem:$0xB] =	sst s20;
	s20 =	spop (v2sf);
	(v2sf) =	vpush v58, $0x0  }
0x6c: {  	[smem:$0xC] =	sst s24;
	s24 =	spop (v2sf);
	(v2sf) =	vpush v58, $0x1  }
0x6d: {  	[smem:$0xD] =	sst s29;
	s29 =	spop (v2sf);
	(v2sf) =	vpush v58, $0x2  }
0x6e: {  	[smem:$0xE] =	sst s30;
	s30 =	spop (v2sf);
	(v2sf) =	vpush v58, $0x3  }
0x6f: {  	[smem:$0xF] =	sst s9;
	s9 =	spop (v2sf);
	(v2sf) =	vpush v58, $0x4  }
0x70: {  	[smem:$0x10] =	sst s10;
	s10 =	spop (v2sf);
	(v2sf) =	vpush v58, $0x5  }
0x71: {  	[smem:$0x11] =	sst s20;
	s20 =	spop (v2sf);
	(v2sf) =	vpush v58, $0x6  }
0x72: {  	[smem:$0x12] =	sst s24;
	s24 =	spop (v2sf);
	(v2sf) =	vpush v58, $0x7  }
0x73: {  	[smem:$0x13] =	sst s29;
	s29 =	spop (v2sf);
	(v2sf) =	vpush v58, $0x8  }
0x74: {  	[smem:$0x14] =	sst s30;
	s30 =	spop (v2sf);
	(v2sf) =	vpush v58, $0x9  }
0x75: {  	[smem:$0x15] =	sst s9;
	s9 =	spop (v2sf);
	(v2sf) =	vpush v58, $0xA  }
0x76: {  	v59 =	vld [tilespmem:$0x1030];
	[smem:$0x16] =	sst s10;
	s10 =	spop (v2sf);
	(v2sf) =	vpush v58, $0xB  }
0x77: {  	[smem:$0x17] =	sst s20;
	s20 =	spop (v2sf);
	(v2sf) =	vpush v58, $0xC  }
0x78: {  	[smem:$0x18] =	sst s24;
	s24 =	spop (v2sf);
	(v2sf) =	vpush v58, $0xD  }
0x79: {  	[smem:$0x19] =	sst s29;
	s29 =	spop (v2sf);
	(v2sf) =	vpush v58, $0xE  }
0x7a: {  	[smem:$0x1A] =	sst s30;
	s30 =	spop (v2sf);
	(v2sf) =	vpush v58, $0xF  }
0x7b: {  	[smem:$0x1B] =	sst s9;
	s9 =	spop (v2sf);
	(v2sf) =	vpush v59, $0x0  }
0x7c: {  	[smem:$0x1C] =	sst s10;
	s10 =	spop (v2sf);
	(v2sf) =	vpush v59, $0x1  }
0x7d: {  	[smem:$0x1D] =	sst s20;
	s20 =	spop (v2sf);
	(v2sf) =	vpush v59, $0x2  }
0x7e: {  	[smem:$0x1E] =	sst s24;
	s24 =	spop (v2sf);
	(v2sf) =	vpush v59, $0x3  }
0x7f: {  	[smem:$0x1F] =	sst s29;
	s29 =	spop (v2sf);
	(v2sf) =	vpush v59, $0x4  }
0x80: {  	[smem:$0x20] =	sst s30;
	s30 =	spop (v2sf);
	(v2sf) =	vpush v59, $0x5  }
0x81: {  	[smem:$0x21] =	sst s9;
	s9 =	spop (v2sf);
	(v2sf) =	vpush v59, $0x6  }
0x82: {  	[smem:$0x22] =	sst s10;
	s10 =	spop (v2sf);
	(v2sf) =	vpush v59, $0x7  }
0x83: {  	[smem:$0x23] =	sst s20;
	s20 =	spop (v2sf);
	(v2sf) =	vpush v59, $0x8  }
0x84: {  	[smem:$0x24] =	sst s24;
	s24 =	spop (v2sf);
	(v2sf) =	vpush v59, $0x9  }
0x85: {  	[smem:$0x25] =	sst s29;
	s29 =	spop (v2sf);
	(v2sf) =	vpush v59, $0xA  }
0x86: {  	v60 =	vld [tilespmem:$0x1040];
	[smem:$0x26] =	sst s30;
	s30 =	spop (v2sf);
	(v2sf) =	vpush v59, $0xB  }
0x87: {  	[smem:$0x27] =	sst s9;
	s9 =	spop (v2sf);
	(v2sf) =	vpush v59, $0xC  }
0x88: {  	[smem:$0x28] =	sst s10;
	s10 =	spop (v2sf);
	(v2sf) =	vpush v59, $0xD  }
0x89: {  	[smem:$0x29] =	sst s20;
	s20 =	spop (v2sf);
	(v2sf) =	vpush v59, $0xE  }
0x8a: {  	[smem:$0x2A] =	sst s24;
	s24 =	spop (v2sf);
	(v2sf) =	vpush v59, $0xF  }
0x8b: {  	[smem:$0x2B] =	sst s29;
	s29 =	spop (v2sf);
	(v2sf) =	vpush v60, $0x0  }
0x8c: {  	[smem:$0x2C] =	sst s30;
	s30 =	spop (v2sf);
	(v2sf) =	vpush v60, $0x1  }
0x8d: {  	[smem:$0x2D] =	sst s9;
	s9 =	spop (v2sf);
	(v2sf) =	vpush v60, $0x2  }
0x8e: {  	[smem:$0x2E] =	sst s10;
	s10 =	spop (v2sf);
	(v2sf) =	vpush v60, $0x3  }
0x8f: {  	[smem:$0x2F] =	sst s20;
	s20 =	spop (v2sf);
	(v2sf) =	vpush v60, $0x4  }
0x90: {  	[smem:$0x30] =	sst s24;
	s24 =	spop (v2sf);
	(v2sf) =	vpush v60, $0x5  }
0x91: {  	[smem:$0x31] =	sst s29;
	s29 =	spop (v2sf);
	(v2sf) =	vpush v60, $0x6  }
0x92: {  	[smem:$0x32] =	sst s30;
	s30 =	spop (v2sf);
	(v2sf) =	vpush v60, $0x7  }
0x93: {  	[smem:$0x33] =	sst s9;
	s9 =	spop (v2sf);
	(v2sf) =	vpush v60, $0x8  }
0x94: {  	[smem:$0x34] =	sst s10;
	s10 =	spop (v2sf);
	(v2sf) =	vpush v60, $0x9  }
0x95: {  	[smem:$0x35] =	sst s20;
	s20 =	spop (v2sf);
	(v2sf) =	vpush v60, $0xA  }
0x96: {  	v61 =	vld [tilespmem:$0x1050];
	[smem:$0x36] =	sst s24;
	s24 =	spop (v2sf);
	(v2sf) =	vpush v60, $0xB  }
0x97: {  	[smem:$0x37] =	sst s29;
	s29 =	spop (v2sf);
	(v2sf) =	vpush v60, $0xC  }
0x98: {  	[smem:$0x38] =	sst s30;
	s30 =	spop (v2sf);
	(v2sf) =	vpush v60, $0xD  }
0x99: {  	[smem:$0x39] =	sst s9;
	s9 =	spop (v2sf);
	(v2sf) =	vpush v60, $0xE  }
0x9a: {  	[smem:$0x3A] =	sst s10;
	s10 =	spop (v2sf);
	(v2sf) =	vpush v60, $0xF  }
0x9b: {  	[smem:$0x3B] =	sst s20;
	s20 =	spop (v2sf);
	(v2sf) =	vpush v61, $0x0  }
0x9c: {  	[smem:$0x3C] =	sst s24;
	s24 =	spop (v2sf);
	(v2sf) =	vpush v61, $0x1  }
0x9d: {  	[smem:$0x3D] =	sst s29;
	s29 =	spop (v2sf);
	(v2sf) =	vpush v61, $0x2  }
0x9e: {  	[smem:$0x3E] =	sst s30;
	s30 =	spop (v2sf);
	(v2sf) =	vpush v61, $0x3  }
0x9f: {  	[smem:$0x3F] =	sst s9;
	s9 =	spop (v2sf);
	(v2sf) =	vpush v61, $0x4  }
0xa0: {  	[smem:$0x40] =	sst s10;
	s10 =	spop (v2sf);
	(v2sf) =	vpush v61, $0x5  }
0xa1: {  	[smem:$0x41] =	sst s20;
	s20 =	spop (v2sf);
	(v2sf) =	vpush v61, $0x6  }
0xa2: {  	[smem:$0x42] =	sst s24;
	s24 =	spop (v2sf);
	(v2sf) =	vpush v61, $0x7  }
0xa3: {  	[smem:$0x43] =	sst s29;
	s29 =	spop (v2sf);
	(v2sf) =	vpush v61, $0x8  }
0xa4: {  	[smem:$0x44] =	sst s30;
	s30 =	spop (v2sf);
	(v2sf) =	vpush v61, $0x9  }
0xa5: {  	[smem:$0x45] =	sst s9;
	s9 =	spop (v2sf);
	(v2sf) =	vpush v61, $0xA  }
0xa6: {  	v62 =	vld [tilespmem:$0x1060];
	[smem:$0x46] =	sst s10;
	s10 =	spop (v2sf);
	(v2sf) =	vpush v61, $0xB  }
0xa7: {  	[smem:$0x47] =	sst s20;
	s20 =	spop (v2sf);
	(v2sf) =	vpush v61, $0xC  }
0xa8: {  	[smem:$0x48] =	sst s24;
	s24 =	spop (v2sf);
	(v2sf) =	vpush v61, $0xD  }
0xa9: {  	[smem:$0x49] =	sst s29;
	s29 =	spop (v2sf);
	(v2sf) =	vpush v61, $0xE  }
0xaa: {  	[smem:$0x4A] =	sst s30;
	s30 =	spop (v2sf);
	(v2sf) =	vpush v61, $0xF  }
0xab: {  	[smem:$0x4B] =	sst s9;
	s9 =	spop (v2sf);
	(v2sf) =	vpush v62, $0x0  }
0xac: {  	[smem:$0x4C] =	sst s10;
	s10 =	spop (v2sf);
	(v2sf) =	vpush v62, $0x1  }
0xad: {  	[smem:$0x4D] =	sst s20;
	s20 =	spop (v2sf);
	(v2sf) =	vpush v62, $0x2  }
0xae: {  	[smem:$0x4E] =	sst s24;
	s24 =	spop (v2sf);
	(v2sf) =	vpush v62, $0x3  }
0xaf: {  	[smem:$0x4F] =	sst s29;
	s29 =	spop (v2sf);
	(v2sf) =	vpush v62, $0x4  }
0xb0: {  	[smem:$0x50] =	sst s30;
	s30 =	spop (v2sf);
	(v2sf) =	vpush v62, $0x5  }
0xb1: {  	[smem:$0x51] =	sst s9;
	s9 =	spop (v2sf);
	(v2sf) =	vpush v62, $0x6  }
0xb2: {  	[smem:$0x52] =	sst s10;
	s10 =	spop (v2sf);
	(v2sf) =	vpush v62, $0x7  }
0xb3: {  	[smem:$0x53] =	sst s20;
	s20 =	spop (v2sf);
	(v2sf) =	vpush v62, $0x8  }
0xb4: {  	[smem:$0x54] =	sst s24;
	s24 =	spop (v2sf);
	(v2sf) =	vpush v62, $0x9  }
0xb5: {  	vm14 =	vge.f32 v7, $1.000000000e+00;
	[smem:$0x55] =	sst s29;
	s29 =	spop (v2sf);
	(v2sf) =	vpush v62, $0xA  }
0xb6: {  	v7 =	vsel vm14, $0x3F800000, v4;
	v63 =	vld [tilespmem:$0x1070];
	[smem:$0x56] =	sst s30;
	s30 =	spop (v2sf);
	(v2sf) =	vpush v62, $0xB  }
0xb7: {  	v6 =	vadd.f32 v7, v6;
	[smem:$0x57] =	sst s9;
	s9 =	spop (v2sf);
	(v2sf) =	vpush v62, $0xC  }
0xb8: {  	[smem:$0x58] =	sst s10;
	s10 =	spop (v2sf);
	(v2sf) =	vpush v62, $0xD  }
0xb9: {  	v7 =	vperm.xlane v6, v0;
	[smem:$0x59] =	sst s20;
	s20 =	spop (v2sf);
	(v2sf) =	vpush v62, $0xE  }
0xba: {  	[smem:$0x5A] =	sst s24;
	(v2sf) =	vpush v62, $0xF;
	s24 =	spop (v2sf)  }
0xbb: {  	v6 =	vadd.f32 v7, v6;
	[smem:$0x5B] =	sst s29;
	s29 =	spop (v2sf);
	(v2sf) =	vpush v63, $0x0  }
0xbc: {  	[smem:$0x5C] =	sst s30;
	s30 =	spop (v2sf);
	(v2sf) =	vpush v63, $0x1  }
0xbd: {  	v7 =	vperm.xlane v6, v1;
	[smem:$0x5D] =	sst s9;
	s9 =	spop (v2sf);
	(v2sf) =	vpush v63, $0x2  }
0xbe: {  	[smem:$0x5E] =	sst s10;
	s10 =	spop (v2sf);
	(v2sf) =	vpush v63, $0x3  }
0xbf: {  	v6 =	vadd.f32 v7, v6;
	[smem:$0x5F] =	sst s20;
	s20 =	spop (v2sf);
	(v2sf) =	vpush v63, $0x4  }
0xc0: {  	[smem:$0x60] =	sst s24;
	s24 =	spop (v2sf);
	(v2sf) =	vpush v63, $0x5  }
0xc1: {  	v7 =	vperm.xlane v6, v2;
	[smem:$0x61] =	sst s29;
	s29 =	spop (v2sf);
	(v2sf) =	vpush v63, $0x6  }
0xc2: {  	[smem:$0x62] =	sst s30;
	s30 =	spop (v2sf);
	(v2sf) =	vpush v63, $0x7  }
0xc3: {  	v6 =	vadd.f32 v7, v6;
	[smem:$0x63] =	sst s9;
	s9 =	spop (v2sf);
	(v2sf) =	vpush v63, $0x8  }
0xc4: {  	[smem:$0x64] =	sst s10;
	s10 =	spop (v2sf);
	(v2sf) =	vpush v63, $0x9  }
0xc5: {  	v7 =	vperm.xlane v6, v3;
	[smem:$0x65] =	sst s20;
	s20 =	spop (v2sf);
	(v2sf) =	vpush v63, $0xA  }
0xc6: {  	[smem:$0x66] =	sst s24;
	s24 =	spop (v2sf);
	(v2sf) =	vpush v63, $0xB  }
0xc7: {  	v6 =	vadd.f32 v7, v6;
	[smem:$0x67] =	sst s29;
	s29 =	spop (v2sf);
	(v2sf) =	vpush v63, $0xC  }
0xc8: {  	[smem:$0x68] =	sst s30;
	s30 =	spop (v2sf);
	(v2sf) =	vpush v63, $0xD  }
0xc9: {  	vm15 =	vgt.f32 v6, $1.000000000e+00;
	[smem:$0x69] =	sst s9;
	s9 =	spop (v2sf);
	(v2sf) =	vpush v63, $0xE  }
0xca: {  	v6 =	vsel vm15, $0x3F800000, v4;
	[smem:$0x6A] =	sst s10;
	s10 =	spop (v2sf);
	(v2sf) =	vpush v63, $0xF  }
0xcb: {  	[smem:$0x6B] =	sst s20;
	s20 =	spop (v2sf);
	(v2sf) =	vpush v6, $0x0  }
0xcc: {  	[smem:$0x6C] =	sst s24;
	s24 =	spop (v2sf)  }
0xcd: {  	[smem:$0x6D] =	sst s29;
	s29 =	spop (v2sf)  }
0xce: {  	[smem:$0x6E] =	sst s30;
	s30 =	spop (v2sf)  }
0xcf: {  	[smem:$0x6F] =	sst s9;
	s9 =	spop (v2sf)  }
0xd0: {  	[smem:$0x70] =	sst s10;
	s10 =	spop (v2sf)  }
0xd1: {  	[smem:$0x71] =	sst s20;
	s20 =	spop (v2sf)  }
0xd2: {  	[smem:$0x72] =	sst s24;
	s24 =	spop (v2sf)  }
0xd3: {  	[smem:$0x73] =	sst s29;
	s29 =	spop (v2sf)  }
0xd4: {  	[smem:$0x74] =	sst s30;
	s30 =	spop (v2sf)  }
0xd5: {  	[smem:$0x75] =	sst s9;
	s9 =	spop (v2sf)  }
0xd6: {  	[smem:$0x76] =	sst s10;
	s10 =	spop (v2sf)  }
0xd7: {  	[smem:$0x77] =	sst s20;
	s20 =	spop (v2sf)  }
0xd8: {  	[smem:$0x78] =	sst s24;
	s24 =	spop (v2sf)  }
0xd9: {  	[smem:$0x79] =	sst s29;
	s29 =	spop (v2sf)  }
0xda: {  	[smem:$0x7A] =	sst s30;
	s30 =	spop (v2sf)  }
0xdb: {  	p0 =	sle.f32 s30, s17  }
.Ltmp3:
0xdc: {  	[smem:$0x7B] =	sst s9;
	(pc) =	sbr.rel @p0 .LBB2_67-.Ltmp3, $4  }
0xdd: {  	[smem:$0x7C] =	sst s10  }
0xde: {  	[smem:$0x7D] =	sst s20  }
0xdf: {  	[smem:$0x7E] =	sst s24  }
0xe0: {  	[tilespmem:$0x1000] =	vst v6;
	[smem:$0x7F] =	sst s29  }
0xe1: {  	[dreg:$0xd] =	wrdreg s19  }
0xe2: {  	s2 =	rddreg [dreg:$0x6]  }
0xe3: {  	s17 =	rddreg [dreg:$0xc]  }
0xe4: {  	s16 =	rddreg [dreg:$0xb];
	s6 =	smov.u32 s0  }
0xe5: {  	[tilespmem:s23], [sflag:$0x1] =	stream.strided.gather [hbm4b:s2+s21], $0x4000, s22, s21, $0x38;
	[tilespmem:$0x11080] =	vst v63  }
.LBB2_5:
0xe6: {  	s9 =	sshll.u32 s31, $0x3  }
0xe7: {  	s7 =	sor.u32 s0, s9  }
0xe8: {  	s2 =	rddreg [dreg:$0x7];
	s4 =	sshll.u32 s7, $0x9  }
0xe9: {  	s10 =	simm.s32 $0x9080;
	s2 =	sadd.s32 s4, s2  }
0xea: {  	[tilespmem:s10], [sflag:$0x3] =	stream.strided.gather [hbm4b:s2+s21], $0x4000, s22, s21, $0x38;
	[tilespmem:$0x11080] =	vst v63  }
0xeb: {  	_ =	swait.ge [sflag:s25], $0x4000  }
0xec: {  	p0 =	seq.s32 s31, $0x0;
	[sflag:s25] =	ssyncset.done $0x0  }
0xed: {  	s2 =	simm.s32 @!p0 $0x2;
	[sflag:s25] =	ssyncadd.s32 $0xFFFFC000  }
0xee: {  	_ =	swait.ge @!p0 [sflag:s2], $0x2000  }
0xef: {  	[sflag:s2] =	ssyncset.done @!p0 $0x0  }
0xf0: {  	[sflag:s2] =	ssyncadd.s32 @!p0 $0xFFFFE000  }
0xf1: {  	_ =	swait.ge @!p0 [sflag:s2], $0x2000  }
0xf2: {  	[sflag:s2] =	ssyncset.done @!p0 $0x0  }
0xf3: {  	s29 =	simm.s32 $0x0;
	[sflag:s2] =	ssyncadd.s32 @!p0 $0xFFFFE000  }
0xf4: {  	v6 =	vld [tilespmem:s29+$0x10F0]  }
0xf5: {  	v9 =	vld [tilespmem:s29+$0x1080]  }
0xf6: {  	v12 =	vld [tilespmem:s29+$0x1090]  }
0xf7: {  	v10 =	vld [tilespmem:s29+$0x10A0]  }
0xf8: {  	v8 =	vld [tilespmem:s29+$0x10B0]  }
0xf9: {  	v7 =	vld [tilespmem:s29+$0x10C0];
	v11 =	vmax.f32 v6, $0.0e+00  }
0xfa: {  	s19 =	sshrl.u32 s17, $0x4;
	s20 =	sshrl.u32 s16, $0x4;
	v6 =	vld [tilespmem:s29+$0x10D0];
	v13 =	vmax.f32 v9, $0.0e+00;
	v14 =	vmin.f32 v11, $1.000000000e+00  }
0xfb: {  	s15 =	simm.s32 $0x200;
	s12 =	simm.s32 $0x1000;
	s2 =	sshrl.u32 s6, $0x4;
	v9 =	vld [tilespmem:s29+$0x10E0];
	v12 =	vmax.f32 v12, $0.0e+00;
	v11 =	vmin.f32 v13, $1.000000000e+00;
	[tilespmem:s29+$0x50F0] =	vst v14  }
.LBB2_6:
0xfc: {  	p1 =	sne.s32 s12, $0xF800;
	v13 =	vld [tilespmem:s15+$0x10F0];
	[tilespmem:s29+$0x5080] =	vst v11;
	v11 =	vmin.f32 v12, $1.000000000e+00;
	v10 =	vmax.f32 v10, $0.0e+00  }
0xfd: {  	v12 =	vld [tilespmem:s15+$0x1080];
	[tilespmem:s29+$0x5090] =	vst v11;
	v10 =	vmin.f32 v10, $1.000000000e+00;
	v8 =	vmax.f32 v8, $0.0e+00  }
0xfe: {  	v14 =	vld [tilespmem:s15+$0x1090];
	[tilespmem:s29+$0x50A0] =	vst v10;
	v8 =	vmin.f32 v8, $1.000000000e+00;
	v7 =	vmax.f32 v7, $0.0e+00  }
.Ltmp4:
0xff: {  	v10 =	vld [tilespmem:s15+$0x10A0];
	[tilespmem:s29+$0x50B0] =	vst v8;
	v7 =	vmin.f32 v7, $1.000000000e+00;
	v6 =	vmax.f32 v6, $0.0e+00;
	(pc) =	sbr.rel @p1 .LBB2_6-.Ltmp4, $4  }
0x100: {  	v8 =	vld [tilespmem:s15+$0x10B0];
	[tilespmem:s29+$0x50C0] =	vst v7;
	v6 =	vmin.f32 v6, $1.000000000e+00;
	v9 =	vmax.f32 v9, $0.0e+00  }
0x101: {  	v7 =	vld [tilespmem:s15+$0x10C0];
	v11 =	vmax.f32 v13, $0.0e+00;
	[tilespmem:s29+$0x50D0] =	vst v6;
	v9 =	vmin.f32 v9, $1.000000000e+00  }
0x102: {  	v12 =	vmax.f32 v12, $0.0e+00;
	v6 =	vld [tilespmem:s15+$0x10D0];
	v13 =	vmin.f32 v11, $1.000000000e+00;
	[tilespmem:s29+$0x50E0] =	vst v9;
	s29 =	smov.u32 s15  }
0x103: {  	s15 =	sshra.s32 s12, $0x2;
	s12 =	sadd.s32 $0x800, s12;
	v11 =	vmin.f32 v12, $1.000000000e+00;
	v12 =	vmax.f32 v14, $0.0e+00;
	v9 =	vld [tilespmem:s29+$0x10E0];
	[tilespmem:s29+$0x50F0] =	vst v13  }
0x104: {  	v13 =	vld [tilespmem:s15+$0x10F0];
	[tilespmem:s29+$0x5080] =	vst v11;
	v59 =	vmin.f32 v12, $1.000000000e+00;
	v10 =	vmax.f32 v10, $0.0e+00  }
0x105: {  	v60 =	vld [tilespmem:s15+$0x1080];
	[tilespmem:s29+$0x5090] =	vst v59;
	v10 =	vmin.f32 v10, $1.000000000e+00;
	v8 =	vmax.f32 v8, $0.0e+00  }
0x106: {  	v11 =	vld [tilespmem:s15+$0x1090];
	[tilespmem:s29+$0x50A0] =	vst v10;
	v8 =	vmin.f32 v8, $1.000000000e+00;
	v7 =	vmax.f32 v7, $0.0e+00  }
0x107: {  	v10 =	vld [tilespmem:s15+$0x10A0];
	[tilespmem:s29+$0x50B0] =	vst v8;
	v7 =	vmin.f32 v7, $1.000000000e+00;
	v6 =	vmax.f32 v6, $0.0e+00  }
0x108: {  	v8 =	vld [tilespmem:s15+$0x10B0];
	[tilespmem:s29+$0x50C0] =	vst v7;
	v6 =	vmin.f32 v6, $1.000000000e+00;
	v9 =	vmax.f32 v9, $0.0e+00  }
0x109: {  	v7 =	vld [tilespmem:s15+$0x10C0];
	[tilespmem:s29+$0x50D0] =	vst v6;
	v6 =	vmin.f32 v9, $1.000000000e+00;
	v13 =	vmax.f32 v13, $0.0e+00  }
0x10a: {  	s10 =	sld [smem:s9+$0x0];
	v61 =	vld [tilespmem:s15+$0x10D0];
	[tilespmem:s29+$0x50E0] =	vst v6;
	v6 =	vmax.f32 v60, $0.0e+00;
	v62 =	vmin.f32 v13, $1.000000000e+00  }
0x10b: {  	v63 =	vld [tilespmem:s15+$0x10E0];
	v6 =	vmin.f32 v6, $1.000000000e+00;
	v11 =	vmax.f32 v11, $0.0e+00;
	[tilespmem:s15+$0x50F0] =	vst v62  }
0x10c: {  	[tilespmem:s15+$0x5080] =	vst v6;
	v6 =	vmin.f32 v11, $1.000000000e+00;
	v10 =	vmax.f32 v10, $0.0e+00  }
0x10d: {  	p1 =	sgt.f32 s10, $5.000000000e-01;
	[tilespmem:s15+$0x5090] =	vst v6;
	v6 =	vmin.f32 v10, $1.000000000e+00;
	v8 =	vmax.f32 v8, $0.0e+00  }
.Ltmp5:
0x10e: {  	[tilespmem:s15+$0x50A0] =	vst v6;
	v6 =	vmin.f32 v8, $1.000000000e+00;
	v7 =	vmax.f32 v7, $0.0e+00;
	(pc) =	sbr.rel @!p1 .LBB2_11-.Ltmp5, $4  }
0x10f: {  	[tilespmem:s15+$0x50B0] =	vst v6;
	v6 =	vmin.f32 v7, $1.000000000e+00;
	v7 =	vmax.f32 v61, $0.0e+00  }
0x110: {  	[tilespmem:s15+$0x50C0] =	vst v6;
	v6 =	vmin.f32 v7, $1.000000000e+00;
	v7 =	vmax.f32 v63, $0.0e+00  }
0x111: {  	[tilespmem:s15+$0x50D0] =	vst v6;
	v6 =	vmin.f32 v7, $1.000000000e+00  }
0x112: {  	[tilespmem:s15+$0x50E0] =	vst v6  }
0x113: {  	s10 =	sadd.s32 $0x0, s2  }
0x114: {  	p1 =	slt.s32 s10, $0xFF  }
0x115: {  	s10 =	simm.s32 @!p1 $0xFF  }
0x116: {  	s12 =	sshll.u32 s10, $0x4  }
0x117: {  	s15 =	scvt.s32.f32 s12  }
0x118: {  	s24 =	scvt.s32.f32 s7  }
0x119: {  	v7 =	vadd.f32 s15, v5  }
0x11a: {  	v6 =	vmov s24  }
0x11b: {  	v8 =	vsub.f32 v7, v6;
	_ =	sdelay $0x1  }
0x11c: {  	v7 =	vmul.f32 v8, v8;
	_ =	sdelay $0x1  }
0x11d: {  	v7 =	vsub.f32 $0.0e+00, v7;
	_ =	sdelay $0x1  }
0x11e: {  	s15 =	sadd.s32 $0x1, s2;
	v7 =	vmul.f32 $1.249999970e-03, v7  }
0x11f: {  	p1 =	slt.s32 s15, $0xFF  }
0x120: {  	s15 =	simm.s32 @!p1 $0xFF;
	v7 =	vmul.f32 $1.442695020e+00, v7  }
0x121: {  	s29 =	sshll.u32 s15, $0x4  }
0x122: {  	s11 =	scvt.s32.f32 s29;
	(erf) = vpow2.f32 v7;
	_ =	sdelay $0x1  }
0x123: {  	v7 =	vadd.f32 s11, v5;
	_ =	sdelay $0x1  }
0x124: {  	v7 =	vsub.f32 v7, v6;
	_ =	sdelay $0x1  }
0x125: {  	v9 =	vmul.f32 v7, v7  }
0x126: {  	vm0 =	vgt.f32 v8, $5.000000000e-01;
	vm1 =	vlt.f32 v8, $1.285000000e+02;
	v8 =	vld [tilespmem:s12+$0x0]  }
0x127: {  	s10 =	sshll.u32 s10, $0x6;
	v9 =	vsub.f32 $0.0e+00, v9  }
0x128: {  	s10 =	sand.u32 $0x3E00, s10;
	s11 =	sand.u32 $0x70, s12;
	v11 =	vpop (erf)  }
0x129: {  	s30 =	sadd.s32 $0x2, s2;
	vm0 =	vmand vm0, vm1;
	s12 =	simm.s32 $0x3;
	s24 =	sor.u32 s11, s10;
	v10 =	vmul.f32 $1.249999970e-03, v9;
	v9 =	vmul.f32 $9.999999770e-03, v11  }
.LBB2_9:
0x12a: {  	p1 =	sne.s32 s12, $0x8;
	p2 =	slt.s32 s30, $0xFF;
	v11 =	vsel vm0, $0x3F800000, v4;
	v12 =	vld [tilespmem:s24+$0x1080]  }
0x12b: {  	s30 =	simm.s32 @!p2 $0xFF;
	v10 =	vmul.f32 $1.442695020e+00, v10;
	vm0 =	vge.f32 v8, $1.000000000e+00;
	v8 =	vmul.f32 v9, v11  }
0x12c: {  	s10 =	sshll.u32 s30, $0x4;
	v9 =	vsel vm0, $0x3F800000, v4  }
0x12d: {  	s11 =	scvt.s32.f32 s10;
	(erf) = vpow2.f32 v10;
	v8 =	vmul.f32 v9, v8;
	_ =	sdelay $0x1  }
0x12e: {  	v9 =	vadd.f32 s11, v5;
	v8 =	vadd.f32 v8, v12;
	_ =	sdelay $0x1  }
0x12f: {  	v9 =	vsub.f32 v9, v6;
	v8 =	vmax.f32 v8, $0.0e+00  }
0x130: {  	v8 =	vmin.f32 v8, $1.000000000e+00  }
.Ltmp6:
0x131: {  	v10 =	vmul.f32 v9, v9;
	[tilespmem:s24+$0x5080] =	vst v8;
	(pc) =	sbr.rel @p1 .LBB2_9-.Ltmp6, $4  }
0x132: {  	v8 =	vld [tilespmem:s29+$0x0]  }
0x133: {  	s11 =	sshll.u32 s15, $0x6;
	s15 =	smov.u32 s30;
	v10 =	vsub.f32 $0.0e+00, v10  }
0x134: {  	vm1 =	vlt.f32 v7, $1.285000000e+02;
	vm0 =	vgt.f32 v7, $5.000000000e-01;
	s11 =	sand.u32 $0x3E00, s11;
	s24 =	sand.u32 $0x70, s29;
	v7 =	vmov v9;
	s29 =	smov.u32 s10;
	v11 =	vpop (erf)  }
0x135: {  	vm0 =	vmand vm0, vm1;
	s30 =	sadd.s32 s12, s2;
	s12 =	sadd.s32 $0x1, s12;
	s24 =	sor.u32 s24, s11;
	v10 =	vmul.f32 $1.249999970e-03, v10;
	v9 =	vmul.f32 $9.999999770e-03, v11  }
0x136: {  	p1 =	slt.s32 s30, $0xFF;
	v11 =	vsel vm0, $0x3F800000, v4;
	v12 =	vld [tilespmem:s24+$0x1080]  }
0x137: {  	s30 =	simm.s32 @!p1 $0xFF;
	v10 =	vmul.f32 $1.442695020e+00, v10;
	vm10 =	vge.f32 v8, $1.000000000e+00;
	v57 =	vmul.f32 v9, v11  }
0x138: {  	s10 =	sshll.u32 s30, $0x4;
	v58 =	vsel vm10, $0x3F800000, v4  }
0x139: {  	s11 =	scvt.s32.f32 s10;
	(erf) = vpow2.f32 v10;
	v8 =	vmul.f32 v58, v57;
	_ =	sdelay $0x1  }
0x13a: {  	v59 =	vadd.f32 s11, v5;
	v8 =	vadd.f32 v8, v12;
	_ =	sdelay $0x1  }
0x13b: {  	v6 =	vsub.f32 v59, v6;
	v8 =	vmax.f32 v8, $0.0e+00  }
0x13c: {  	v8 =	vmin.f32 v8, $1.000000000e+00  }
0x13d: {  	v9 =	vmul.f32 v6, v6;
	[tilespmem:s24+$0x5080] =	vst v8  }
0x13e: {  	v8 =	vld [tilespmem:s29+$0x0]  }
0x13f: {  	s24 =	sshll.u32 s15, $0x6;
	v9 =	vsub.f32 $0.0e+00, v9  }
0x140: {  	vm11 =	vgt.f32 v7, $5.000000000e-01;
	vm1 =	vlt.f32 v7, $1.285000000e+02;
	s12 =	sand.u32 $0x70, s29;
	s11 =	sand.u32 $0x3E00, s24;
	v7 =	vpop (erf)  }
0x141: {  	vm0 =	vmand vm11, vm1;
	s11 =	sor.u32 s12, s11;
	v9 =	vmul.f32 $1.249999970e-03, v9;
	v7 =	vmul.f32 $9.999999770e-03, v7  }
0x142: {  	v60 =	vsel vm0, $0x3F800000, v4;
	v61 =	vld [tilespmem:s11+$0x1080]  }
0x143: {  	v9 =	vmul.f32 $1.442695020e+00, v9;
	vm12 =	vge.f32 v8, $1.000000000e+00;
	v7 =	vmul.f32 v7, v60  }
0x144: {  	v8 =	vsel vm12, $0x3F800000, v4  }
0x145: {  	(erf) = vpow2.f32 v9;
	v7 =	vmul.f32 v8, v7;
	_ =	sdelay $0x1  }
0x146: {  	v7 =	vadd.f32 v7, v61;
	_ =	sdelay $0x1  }
0x147: {  	v7 =	vmax.f32 v7, $0.0e+00  }
0x148: {  	v7 =	vmin.f32 v7, $1.000000000e+00  }
0x149: {  	[tilespmem:s11+$0x5080] =	vst v7  }
0x14a: {  	v7 =	vld [tilespmem:s10+$0x0]  }
0x14b: {  	s30 =	sshll.u32 s30, $0x6  }
0x14c: {  	vm13 =	vgt.f32 v6, $5.000000000e-01;
	vm14 =	vlt.f32 v6, $1.285000000e+02;
	s11 =	sand.u32 $0x3E00, s30;
	s10 =	sand.u32 $0x70, s10;
	v6 =	vpop (erf)  }
0x14d: {  	vm0 =	vmand vm13, vm14;
	s10 =	sor.u32 s10, s11;
	v6 =	vmul.f32 $9.999999770e-03, v6  }
0x14e: {  	v62 =	vsel vm0, $0x3F800000, v4;
	v63 =	vld [tilespmem:s10+$0x1080]  }
0x14f: {  	vm15 =	vge.f32 v7, $1.000000000e+00;
	v6 =	vmul.f32 v6, v62  }
0x150: {  	v7 =	vsel vm15, $0x3F800000, v4  }
0x151: {  	v6 =	vmul.f32 v7, v6;
	_ =	sdelay $0x1  }
0x152: {  	v6 =	vadd.f32 v6, v63;
	_ =	sdelay $0x1  }
0x153: {  	v6 =	vmax.f32 v6, $0.0e+00  }
0x154: {  	v6 =	vmin.f32 v6, $1.000000000e+00  }
0x155: {  	[tilespmem:s10+$0x5080] =	vst v6  }
.LBB2_11:
0x156: {  	s29 =	simm.s32 $0x0  }
0x157: {  	v6 =	vld [tilespmem:s29+$0x1170]  }
0x158: {  	v8 =	vld [tilespmem:s29+$0x1100]  }
0x159: {  	v12 =	vld [tilespmem:s29+$0x1110]  }
0x15a: {  	v10 =	vld [tilespmem:s29+$0x1120]  }
0x15b: {  	v9 =	vld [tilespmem:s29+$0x1130]  }
0x15c: {  	v7 =	vld [tilespmem:s29+$0x1140];
	v11 =	vmax.f32 v6, $0.0e+00  }
0x15d: {  	v6 =	vld [tilespmem:s29+$0x1150];
	v13 =	vmax.f32 v8, $0.0e+00;
	v14 =	vmin.f32 v11, $1.000000000e+00  }
0x15e: {  	s15 =	simm.s32 $0x200;
	s12 =	simm.s32 $0x1000;
	v8 =	vld [tilespmem:s29+$0x1160];
	v12 =	vmax.f32 v12, $0.0e+00;
	v11 =	vmin.f32 v13, $1.000000000e+00;
	[tilespmem:s29+$0x5170] =	vst v14  }
.LBB2_12:
0x15f: {  	p1 =	sne.s32 s12, $0xF800;
	v13 =	vld [tilespmem:s15+$0x1170];
	[tilespmem:s29+$0x5100] =	vst v11;
	v11 =	vmin.f32 v12, $1.000000000e+00;
	v10 =	vmax.f32 v10, $0.0e+00  }
0x160: {  	v12 =	vld [tilespmem:s15+$0x1100];
	[tilespmem:s29+$0x5110] =	vst v11;
	v10 =	vmin.f32 v10, $1.000000000e+00;
	v9 =	vmax.f32 v9, $0.0e+00  }
0x161: {  	v14 =	vld [tilespmem:s15+$0x1110];
	[tilespmem:s29+$0x5120] =	vst v10;
	v9 =	vmin.f32 v9, $1.000000000e+00;
	v7 =	vmax.f32 v7, $0.0e+00  }
.Ltmp7:
0x162: {  	v10 =	vld [tilespmem:s15+$0x1120];
	[tilespmem:s29+$0x5130] =	vst v9;
	v7 =	vmin.f32 v7, $1.000000000e+00;
	v6 =	vmax.f32 v6, $0.0e+00;
	(pc) =	sbr.rel @p1 .LBB2_12-.Ltmp7, $4  }
0x163: {  	v9 =	vld [tilespmem:s15+$0x1130];
	[tilespmem:s29+$0x5140] =	vst v7;
	v6 =	vmin.f32 v6, $1.000000000e+00;
	v8 =	vmax.f32 v8, $0.0e+00  }
0x164: {  	v7 =	vld [tilespmem:s15+$0x1140];
	v11 =	vmax.f32 v13, $0.0e+00;
	[tilespmem:s29+$0x5150] =	vst v6;
	v8 =	vmin.f32 v8, $1.000000000e+00  }
0x165: {  	v12 =	vmax.f32 v12, $0.0e+00;
	v6 =	vld [tilespmem:s15+$0x1150];
	v13 =	vmin.f32 v11, $1.000000000e+00;
	[tilespmem:s29+$0x5160] =	vst v8;
	s29 =	smov.u32 s15  }
0x166: {  	s15 =	sshra.s32 s12, $0x2;
	s12 =	sadd.s32 $0x800, s12;
	v11 =	vmin.f32 v12, $1.000000000e+00;
	v12 =	vmax.f32 v14, $0.0e+00;
	v8 =	vld [tilespmem:s29+$0x1160];
	[tilespmem:s29+$0x5170] =	vst v13  }
0x167: {  	v13 =	vld [tilespmem:s15+$0x1170];
	[tilespmem:s29+$0x5100] =	vst v11;
	v59 =	vmin.f32 v12, $1.000000000e+00;
	v10 =	vmax.f32 v10, $0.0e+00  }
0x168: {  	v60 =	vld [tilespmem:s15+$0x1100];
	[tilespmem:s29+$0x5110] =	vst v59;
	v10 =	vmin.f32 v10, $1.000000000e+00;
	v9 =	vmax.f32 v9, $0.0e+00  }
0x169: {  	v11 =	vld [tilespmem:s15+$0x1110];
	[tilespmem:s29+$0x5120] =	vst v10;
	v9 =	vmin.f32 v9, $1.000000000e+00;
	v7 =	vmax.f32 v7, $0.0e+00  }
0x16a: {  	v10 =	vld [tilespmem:s15+$0x1120];
	[tilespmem:s29+$0x5130] =	vst v9;
	v7 =	vmin.f32 v7, $1.000000000e+00;
	v6 =	vmax.f32 v6, $0.0e+00  }
0x16b: {  	s12 =	sor.u32 $0x1, s7;
	v9 =	vld [tilespmem:s15+$0x1130];
	[tilespmem:s29+$0x5140] =	vst v7;
	v6 =	vmin.f32 v6, $1.000000000e+00;
	v8 =	vmax.f32 v8, $0.0e+00  }
0x16c: {  	s10 =	sand.u32 $0x79, s12;
	v7 =	vld [tilespmem:s15+$0x1140];
	[tilespmem:s29+$0x5150] =	vst v6;
	v6 =	vmin.f32 v8, $1.000000000e+00;
	v13 =	vmax.f32 v13, $0.0e+00  }
0x16d: {  	s10 =	sld [smem:s10+$0x0];
	v61 =	vld [tilespmem:s15+$0x1150];
	[tilespmem:s29+$0x5160] =	vst v6;
	v6 =	vmax.f32 v60, $0.0e+00;
	v62 =	vmin.f32 v13, $1.000000000e+00  }
0x16e: {  	v63 =	vld [tilespmem:s15+$0x1160];
	v6 =	vmin.f32 v6, $1.000000000e+00;
	v11 =	vmax.f32 v11, $0.0e+00;
	[tilespmem:s15+$0x5170] =	vst v62  }
0x16f: {  	[tilespmem:s15+$0x5100] =	vst v6;
	v6 =	vmin.f32 v11, $1.000000000e+00;
	v10 =	vmax.f32 v10, $0.0e+00  }
0x170: {  	p1 =	sgt.f32 s10, $5.000000000e-01;
	[tilespmem:s15+$0x5110] =	vst v6;
	v6 =	vmin.f32 v10, $1.000000000e+00;
	v9 =	vmax.f32 v9, $0.0e+00  }
.Ltmp8:
0x171: {  	[tilespmem:s15+$0x5120] =	vst v6;
	v6 =	vmin.f32 v9, $1.000000000e+00;
	v7 =	vmax.f32 v7, $0.0e+00;
	(pc) =	sbr.rel @!p1 .LBB2_17-.Ltmp8, $4  }
0x172: {  	[tilespmem:s15+$0x5130] =	vst v6;
	v6 =	vmin.f32 v7, $1.000000000e+00;
	v7 =	vmax.f32 v61, $0.0e+00  }
0x173: {  	[tilespmem:s15+$0x5140] =	vst v6;
	v6 =	vmin.f32 v7, $1.000000000e+00;
	v7 =	vmax.f32 v63, $0.0e+00  }
0x174: {  	[tilespmem:s15+$0x5150] =	vst v6;
	v6 =	vmin.f32 v7, $1.000000000e+00  }
0x175: {  	[tilespmem:s15+$0x5160] =	vst v6  }
0x176: {  	s10 =	sadd.s32 $0x0, s2  }
0x177: {  	p1 =	slt.s32 s10, $0xFF  }
0x178: {  	s10 =	simm.s32 @!p1 $0xFF  }
0x179: {  	s11 =	sshll.u32 s10, $0x4  }
0x17a: {  	s15 =	scvt.s32.f32 s11  }
0x17b: {  	s12 =	scvt.s32.f32 s12  }
0x17c: {  	v7 =	vadd.f32 s15, v5  }
0x17d: {  	v6 =	vmov s12  }
0x17e: {  	v8 =	vsub.f32 v7, v6;
	_ =	sdelay $0x1  }
0x17f: {  	v7 =	vmul.f32 v8, v8;
	_ =	sdelay $0x1  }
0x180: {  	v7 =	vsub.f32 $0.0e+00, v7;
	_ =	sdelay $0x1  }
0x181: {  	s15 =	sadd.s32 $0x1, s2;
	v7 =	vmul.f32 $1.249999970e-03, v7  }
0x182: {  	p1 =	slt.s32 s15, $0xFF  }
0x183: {  	s15 =	simm.s32 @!p1 $0xFF;
	v7 =	vmul.f32 $1.442695020e+00, v7  }
0x184: {  	s29 =	sshll.u32 s15, $0x4  }
0x185: {  	s24 =	scvt.s32.f32 s29;
	(erf) = vpow2.f32 v7;
	_ =	sdelay $0x1  }
0x186: {  	v7 =	vadd.f32 s24, v5;
	_ =	sdelay $0x1  }
0x187: {  	v7 =	vsub.f32 v7, v6;
	_ =	sdelay $0x1  }
0x188: {  	v9 =	vmul.f32 v7, v7  }
0x189: {  	vm0 =	vgt.f32 v8, $5.000000000e-01;
	vm1 =	vlt.f32 v8, $1.285000000e+02;
	v8 =	vld [tilespmem:s11+$0x0]  }
0x18a: {  	s10 =	sshll.u32 s10, $0x6;
	v9 =	vsub.f32 $0.0e+00, v9  }
0x18b: {  	s10 =	sand.u32 $0x3E00, s10;
	s24 =	sand.u32 $0x70, s11;
	v11 =	vpop (erf)  }
0x18c: {  	s30 =	sadd.s32 $0x2, s2;
	s12 =	simm.s32 $0x3;
	vm0 =	vmand vm0, vm1;
	s24 =	sor.u32 s10, s24;
	v10 =	vmul.f32 $1.249999970e-03, v9;
	v9 =	vmul.f32 $9.999999770e-03, v11  }
.LBB2_15:
0x18d: {  	p1 =	sne.s32 s12, $0x8;
	p2 =	slt.s32 s30, $0xFF;
	v11 =	vsel vm0, $0x3F800000, v4;
	v12 =	vld [tilespmem:s24+$0x1100]  }
0x18e: {  	s30 =	simm.s32 @!p2 $0xFF;
	v10 =	vmul.f32 $1.442695020e+00, v10;
	vm0 =	vge.f32 v8, $1.000000000e+00;
	v8 =	vmul.f32 v9, v11  }
0x18f: {  	s10 =	sshll.u32 s30, $0x4;
	v9 =	vsel vm0, $0x3F800000, v4  }
0x190: {  	s11 =	scvt.s32.f32 s10;
	(erf) = vpow2.f32 v10;
	v8 =	vmul.f32 v9, v8;
	_ =	sdelay $0x1  }
0x191: {  	v9 =	vadd.f32 s11, v5;
	v8 =	vadd.f32 v8, v12;
	_ =	sdelay $0x1  }
0x192: {  	v9 =	vsub.f32 v9, v6;
	v8 =	vmax.f32 v8, $0.0e+00  }
0x193: {  	v8 =	vmin.f32 v8, $1.000000000e+00  }
.Ltmp9:
0x194: {  	v10 =	vmul.f32 v9, v9;
	[tilespmem:s24+$0x5100] =	vst v8;
	(pc) =	sbr.rel @p1 .LBB2_15-.Ltmp9, $4  }
0x195: {  	v8 =	vld [tilespmem:s29+$0x0]  }
0x196: {  	s11 =	sshll.u32 s15, $0x6;
	s15 =	smov.u32 s30;
	v10 =	vsub.f32 $0.0e+00, v10  }
0x197: {  	vm1 =	vlt.f32 v7, $1.285000000e+02;
	vm0 =	vgt.f32 v7, $5.000000000e-01;
	s11 =	sand.u32 $0x3E00, s11;
	s24 =	sand.u32 $0x70, s29;
	v7 =	vmov v9;
	s29 =	smov.u32 s10;
	v11 =	vpop (erf)  }
0x198: {  	vm0 =	vmand vm0, vm1;
	s30 =	sadd.s32 s12, s2;
	s12 =	sadd.s32 $0x1, s12;
	s24 =	sor.u32 s11, s24;
	v10 =	vmul.f32 $1.249999970e-03, v10;
	v9 =	vmul.f32 $9.999999770e-03, v11  }
0x199: {  	p1 =	slt.s32 s30, $0xFF;
	v11 =	vsel vm0, $0x3F800000, v4;
	v12 =	vld [tilespmem:s24+$0x1100]  }
0x19a: {  	s30 =	simm.s32 @!p1 $0xFF;
	v10 =	vmul.f32 $1.442695020e+00, v10;
	vm10 =	vge.f32 v8, $1.000000000e+00;
	v57 =	vmul.f32 v9, v11  }
0x19b: {  	s10 =	sshll.u32 s30, $0x4;
	v58 =	vsel vm10, $0x3F800000, v4  }
0x19c: {  	s11 =	scvt.s32.f32 s10;
	(erf) = vpow2.f32 v10;
	v8 =	vmul.f32 v58, v57;
	_ =	sdelay $0x1  }
0x19d: {  	v59 =	vadd.f32 s11, v5;
	v8 =	vadd.f32 v8, v12;
	_ =	sdelay $0x1  }
0x19e: {  	v6 =	vsub.f32 v59, v6;
	v8 =	vmax.f32 v8, $0.0e+00  }
0x19f: {  	v8 =	vmin.f32 v8, $1.000000000e+00  }
0x1a0: {  	v9 =	vmul.f32 v6, v6;
	[tilespmem:s24+$0x5100] =	vst v8  }
0x1a1: {  	v8 =	vld [tilespmem:s29+$0x0]  }
0x1a2: {  	s24 =	sshll.u32 s15, $0x6;
	v9 =	vsub.f32 $0.0e+00, v9  }
0x1a3: {  	vm11 =	vgt.f32 v7, $5.000000000e-01;
	vm1 =	vlt.f32 v7, $1.285000000e+02;
	s12 =	sand.u32 $0x70, s29;
	s11 =	sand.u32 $0x3E00, s24;
	v7 =	vpop (erf)  }
0x1a4: {  	vm0 =	vmand vm11, vm1;
	s11 =	sor.u32 s11, s12;
	v9 =	vmul.f32 $1.249999970e-03, v9;
	v7 =	vmul.f32 $9.999999770e-03, v7  }
0x1a5: {  	v60 =	vsel vm0, $0x3F800000, v4;
	v61 =	vld [tilespmem:s11+$0x1100]  }
0x1a6: {  	v9 =	vmul.f32 $1.442695020e+00, v9;
	vm12 =	vge.f32 v8, $1.000000000e+00;
	v7 =	vmul.f32 v7, v60  }
0x1a7: {  	v8 =	vsel vm12, $0x3F800000, v4  }
0x1a8: {  	(erf) = vpow2.f32 v9;
	v7 =	vmul.f32 v8, v7;
	_ =	sdelay $0x1  }
0x1a9: {  	v7 =	vadd.f32 v7, v61;
	_ =	sdelay $0x1  }
0x1aa: {  	v7 =	vmax.f32 v7, $0.0e+00  }
0x1ab: {  	v7 =	vmin.f32 v7, $1.000000000e+00  }
0x1ac: {  	[tilespmem:s11+$0x5100] =	vst v7  }
0x1ad: {  	v7 =	vld [tilespmem:s10+$0x0]  }
0x1ae: {  	s30 =	sshll.u32 s30, $0x6  }
0x1af: {  	vm13 =	vgt.f32 v6, $5.000000000e-01;
	vm14 =	vlt.f32 v6, $1.285000000e+02;
	s11 =	sand.u32 $0x3E00, s30;
	s10 =	sand.u32 $0x70, s10;
	v6 =	vpop (erf)  }
0x1b0: {  	vm0 =	vmand vm13, vm14;
	s10 =	sor.u32 s11, s10;
	v6 =	vmul.f32 $9.999999770e-03, v6  }
0x1b1: {  	v62 =	vsel vm0, $0x3F800000, v4;
	v63 =	vld [tilespmem:s10+$0x1100]  }
0x1b2: {  	vm15 =	vge.f32 v7, $1.000000000e+00;
	v6 =	vmul.f32 v6, v62  }
0x1b3: {  	v7 =	vsel vm15, $0x3F800000, v4  }
0x1b4: {  	v6 =	vmul.f32 v7, v6;
	_ =	sdelay $0x1  }
0x1b5: {  	v6 =	vadd.f32 v6, v63;
	_ =	sdelay $0x1  }
0x1b6: {  	v6 =	vmax.f32 v6, $0.0e+00  }
0x1b7: {  	v6 =	vmin.f32 v6, $1.000000000e+00  }
0x1b8: {  	[tilespmem:s10+$0x5100] =	vst v6  }
.LBB2_17:
0x1b9: {  	s15 =	sadd.s32 s3, s4;
	s12 =	simm.s32 $0x0;
	s24 =	simm.s32 $0x5080  }
0x1ba: {  	s29 =	simm.s32 $0x80;
	s30 =	simm.s32 $0x5280;
	s10 =	sadd.s32 $0x0, s15  }
.LBB2_18:
0x1bb: {  	[hbm4b:s10+s12] =	stream.linear.scatter [tilespmem:s24], [sflag:$0x2], $0x100, $0x38;
	[tilespmem:$0x11080] =	vst v63  }
0x1bc: {  	s10 =	smov.u32 s29;
	s24 =	smov.u32 s30;
	p1 =	sne.s32 s29, $0xF80  }
.Ltmp10:
0x1bd: {  	s29 =	sadd.s32 $0x80, s29;
	(pc) =	sbr.rel @p1 .LBB2_18-.Ltmp10, $2  }
0x1be: {  	_ =	sdelay $0x2  }
0x1bf: {  	s30 =	sadd.s32 $0x200, s30;
	s10 =	sadd.s32 s10, s15  }
0x1c0: {  	[hbm4b:s10+s12] =	stream.linear.scatter [tilespmem:s24], [sflag:$0x2], $0x100, $0x38;
	[tilespmem:$0x11080] =	vst v63  }
0x1c1: {  	s29 =	simm.s32 $0x0  }
0x1c2: {  	v6 =	vld [tilespmem:s29+$0x11F0]  }
0x1c3: {  	v8 =	vld [tilespmem:s29+$0x1180]  }
0x1c4: {  	v12 =	vld [tilespmem:s29+$0x1190]  }
0x1c5: {  	v10 =	vld [tilespmem:s29+$0x11A0]  }
0x1c6: {  	v9 =	vld [tilespmem:s29+$0x11B0]  }
0x1c7: {  	v7 =	vld [tilespmem:s29+$0x11C0];
	v11 =	vmax.f32 v6, $0.0e+00  }
0x1c8: {  	v6 =	vld [tilespmem:s29+$0x11D0];
	v13 =	vmax.f32 v8, $0.0e+00;
	v14 =	vmin.f32 v11, $1.000000000e+00  }
0x1c9: {  	s15 =	simm.s32 $0x200;
	s12 =	simm.s32 $0x1000;
	v8 =	vld [tilespmem:s29+$0x11E0];
	v12 =	vmax.f32 v12, $0.0e+00;
	v11 =	vmin.f32 v13, $1.000000000e+00;
	[tilespmem:s29+$0x51F0] =	vst v14  }
.LBB2_20:
0x1ca: {  	p1 =	sne.s32 s12, $0xF800;
	v13 =	vld [tilespmem:s15+$0x11F0];
	[tilespmem:s29+$0x5180] =	vst v11;
	v11 =	vmin.f32 v12, $1.000000000e+00;
	v10 =	vmax.f32 v10, $0.0e+00  }
0x1cb: {  	v12 =	vld [tilespmem:s15+$0x1180];
	[tilespmem:s29+$0x5190] =	vst v11;
	v10 =	vmin.f32 v10, $1.000000000e+00;
	v9 =	vmax.f32 v9, $0.0e+00  }
0x1cc: {  	v14 =	vld [tilespmem:s15+$0x1190];
	[tilespmem:s29+$0x51A0] =	vst v10;
	v9 =	vmin.f32 v9, $1.000000000e+00;
	v7 =	vmax.f32 v7, $0.0e+00  }
.Ltmp11:
0x1cd: {  	v10 =	vld [tilespmem:s15+$0x11A0];
	[tilespmem:s29+$0x51B0] =	vst v9;
	v7 =	vmin.f32 v7, $1.000000000e+00;
	v6 =	vmax.f32 v6, $0.0e+00;
	(pc) =	sbr.rel @p1 .LBB2_20-.Ltmp11, $4  }
0x1ce: {  	v9 =	vld [tilespmem:s15+$0x11B0];
	[tilespmem:s29+$0x51C0] =	vst v7;
	v6 =	vmin.f32 v6, $1.000000000e+00;
	v8 =	vmax.f32 v8, $0.0e+00  }
0x1cf: {  	v7 =	vld [tilespmem:s15+$0x11C0];
	v11 =	vmax.f32 v13, $0.0e+00;
	[tilespmem:s29+$0x51D0] =	vst v6;
	v8 =	vmin.f32 v8, $1.000000000e+00  }
0x1d0: {  	v12 =	vmax.f32 v12, $0.0e+00;
	v6 =	vld [tilespmem:s15+$0x11D0];
	v13 =	vmin.f32 v11, $1.000000000e+00;
	[tilespmem:s29+$0x51E0] =	vst v8;
	s29 =	smov.u32 s15  }
0x1d1: {  	s15 =	sshra.s32 s12, $0x2;
	s12 =	sadd.s32 $0x800, s12;
	v11 =	vmin.f32 v12, $1.000000000e+00;
	v12 =	vmax.f32 v14, $0.0e+00;
	v8 =	vld [tilespmem:s29+$0x11E0];
	[tilespmem:s29+$0x51F0] =	vst v13  }
0x1d2: {  	v13 =	vld [tilespmem:s15+$0x11F0];
	[tilespmem:s29+$0x5180] =	vst v11;
	v59 =	vmin.f32 v12, $1.000000000e+00;
	v10 =	vmax.f32 v10, $0.0e+00  }
0x1d3: {  	v60 =	vld [tilespmem:s15+$0x1180];
	[tilespmem:s29+$0x5190] =	vst v59;
	v10 =	vmin.f32 v10, $1.000000000e+00;
	v9 =	vmax.f32 v9, $0.0e+00  }
0x1d4: {  	v11 =	vld [tilespmem:s15+$0x1190];
	[tilespmem:s29+$0x51A0] =	vst v10;
	v9 =	vmin.f32 v9, $1.000000000e+00;
	v7 =	vmax.f32 v7, $0.0e+00  }
0x1d5: {  	v10 =	vld [tilespmem:s15+$0x11A0];
	[tilespmem:s29+$0x51B0] =	vst v9;
	v7 =	vmin.f32 v7, $1.000000000e+00;
	v6 =	vmax.f32 v6, $0.0e+00  }
0x1d6: {  	s12 =	sor.u32 $0x2, s7;
	v9 =	vld [tilespmem:s15+$0x11B0];
	[tilespmem:s29+$0x51C0] =	vst v7;
	v6 =	vmin.f32 v6, $1.000000000e+00;
	v8 =	vmax.f32 v8, $0.0e+00  }
0x1d7: {  	s10 =	sand.u32 $0x7A, s12;
	v7 =	vld [tilespmem:s15+$0x11C0];
	[tilespmem:s29+$0x51D0] =	vst v6;
	v6 =	vmin.f32 v8, $1.000000000e+00;
	v13 =	vmax.f32 v13, $0.0e+00  }
0x1d8: {  	s10 =	sld [smem:s10+$0x0];
	v61 =	vld [tilespmem:s15+$0x11D0];
	[tilespmem:s29+$0x51E0] =	vst v6;
	v6 =	vmax.f32 v60, $0.0e+00;
	v62 =	vmin.f32 v13, $1.000000000e+00  }
0x1d9: {  	v63 =	vld [tilespmem:s15+$0x11E0];
	v6 =	vmin.f32 v6, $1.000000000e+00;
	v11 =	vmax.f32 v11, $0.0e+00;
	[tilespmem:s15+$0x51F0] =	vst v62  }
0x1da: {  	[tilespmem:s15+$0x5180] =	vst v6;
	v6 =	vmin.f32 v11, $1.000000000e+00;
	v10 =	vmax.f32 v10, $0.0e+00  }
0x1db: {  	p1 =	sgt.f32 s10, $5.000000000e-01;
	[tilespmem:s15+$0x5190] =	vst v6;
	v6 =	vmin.f32 v10, $1.000000000e+00;
	v9 =	vmax.f32 v9, $0.0e+00  }
.Ltmp12:
0x1dc: {  	[tilespmem:s15+$0x51A0] =	vst v6;
	v6 =	vmin.f32 v9, $1.000000000e+00;
	v7 =	vmax.f32 v7, $0.0e+00;
	(pc) =	sbr.rel @!p1 .LBB2_25-.Ltmp12, $4  }
0x1dd: {  	[tilespmem:s15+$0x51B0] =	vst v6;
	v6 =	vmin.f32 v7, $1.000000000e+00;
	v7 =	vmax.f32 v61, $0.0e+00  }
0x1de: {  	[tilespmem:s15+$0x51C0] =	vst v6;
	v6 =	vmin.f32 v7, $1.000000000e+00;
	v7 =	vmax.f32 v63, $0.0e+00  }
0x1df: {  	[tilespmem:s15+$0x51D0] =	vst v6;
	v6 =	vmin.f32 v7, $1.000000000e+00  }
0x1e0: {  	[tilespmem:s15+$0x51E0] =	vst v6  }
0x1e1: {  	s10 =	sadd.s32 $0x0, s2  }
0x1e2: {  	p1 =	slt.s32 s10, $0xFF  }
0x1e3: {  	s10 =	simm.s32 @!p1 $0xFF  }
0x1e4: {  	s11 =	sshll.u32 s10, $0x4  }
0x1e5: {  	s15 =	scvt.s32.f32 s11  }
0x1e6: {  	s12 =	scvt.s32.f32 s12  }
0x1e7: {  	v7 =	vadd.f32 s15, v5  }
0x1e8: {  	v6 =	vmov s12  }
0x1e9: {  	v8 =	vsub.f32 v7, v6;
	_ =	sdelay $0x1  }
0x1ea: {  	v7 =	vmul.f32 v8, v8;
	_ =	sdelay $0x1  }
0x1eb: {  	v7 =	vsub.f32 $0.0e+00, v7;
	_ =	sdelay $0x1  }
0x1ec: {  	s15 =	sadd.s32 $0x1, s2;
	v7 =	vmul.f32 $1.249999970e-03, v7  }
0x1ed: {  	p1 =	slt.s32 s15, $0xFF  }
0x1ee: {  	s15 =	simm.s32 @!p1 $0xFF;
	v7 =	vmul.f32 $1.442695020e+00, v7  }
0x1ef: {  	s29 =	sshll.u32 s15, $0x4  }
0x1f0: {  	s24 =	scvt.s32.f32 s29;
	(erf) = vpow2.f32 v7;
	_ =	sdelay $0x1  }
0x1f1: {  	v7 =	vadd.f32 s24, v5;
	_ =	sdelay $0x1  }
0x1f2: {  	v7 =	vsub.f32 v7, v6;
	_ =	sdelay $0x1  }
0x1f3: {  	v9 =	vmul.f32 v7, v7  }
0x1f4: {  	vm0 =	vgt.f32 v8, $5.000000000e-01;
	vm1 =	vlt.f32 v8, $1.285000000e+02;
	v8 =	vld [tilespmem:s11+$0x0]  }
0x1f5: {  	s10 =	sshll.u32 s10, $0x6;
	v9 =	vsub.f32 $0.0e+00, v9  }
0x1f6: {  	s10 =	sand.u32 $0x3E00, s10;
	s24 =	sand.u32 $0x70, s11;
	v11 =	vpop (erf)  }
0x1f7: {  	s30 =	sadd.s32 $0x2, s2;
	s12 =	simm.s32 $0x3;
	vm0 =	vmand vm0, vm1;
	s24 =	sor.u32 s10, s24;
	v10 =	vmul.f32 $1.249999970e-03, v9;
	v9 =	vmul.f32 $9.999999770e-03, v11  }
.LBB2_23:
0x1f8: {  	p1 =	sne.s32 s12, $0x8;
	p2 =	slt.s32 s30, $0xFF;
	v11 =	vsel vm0, $0x3F800000, v4;
	v12 =	vld [tilespmem:s24+$0x1180]  }
0x1f9: {  	s30 =	simm.s32 @!p2 $0xFF;
	v10 =	vmul.f32 $1.442695020e+00, v10;
	vm0 =	vge.f32 v8, $1.000000000e+00;
	v8 =	vmul.f32 v9, v11  }
0x1fa: {  	s10 =	sshll.u32 s30, $0x4;
	v9 =	vsel vm0, $0x3F800000, v4  }
0x1fb: {  	s11 =	scvt.s32.f32 s10;
	(erf) = vpow2.f32 v10;
	v8 =	vmul.f32 v9, v8;
	_ =	sdelay $0x1  }
0x1fc: {  	v9 =	vadd.f32 s11, v5;
	v8 =	vadd.f32 v8, v12;
	_ =	sdelay $0x1  }
0x1fd: {  	v9 =	vsub.f32 v9, v6;
	v8 =	vmax.f32 v8, $0.0e+00  }
0x1fe: {  	v8 =	vmin.f32 v8, $1.000000000e+00  }
.Ltmp13:
0x1ff: {  	v10 =	vmul.f32 v9, v9;
	[tilespmem:s24+$0x5180] =	vst v8;
	(pc) =	sbr.rel @p1 .LBB2_23-.Ltmp13, $4  }
0x200: {  	v8 =	vld [tilespmem:s29+$0x0]  }
0x201: {  	s11 =	sshll.u32 s15, $0x6;
	s15 =	smov.u32 s30;
	v10 =	vsub.f32 $0.0e+00, v10  }
0x202: {  	vm1 =	vlt.f32 v7, $1.285000000e+02;
	vm0 =	vgt.f32 v7, $5.000000000e-01;
	s11 =	sand.u32 $0x3E00, s11;
	s24 =	sand.u32 $0x70, s29;
	v7 =	vmov v9;
	s29 =	smov.u32 s10;
	v11 =	vpop (erf)  }
0x203: {  	vm0 =	vmand vm0, vm1;
	s30 =	sadd.s32 s12, s2;
	s12 =	sadd.s32 $0x1, s12;
	s24 =	sor.u32 s11, s24;
	v10 =	vmul.f32 $1.249999970e-03, v10;
	v9 =	vmul.f32 $9.999999770e-03, v11  }
0x204: {  	p1 =	slt.s32 s30, $0xFF;
	v11 =	vsel vm0, $0x3F800000, v4;
	v12 =	vld [tilespmem:s24+$0x1180]  }
0x205: {  	s30 =	simm.s32 @!p1 $0xFF;
	v10 =	vmul.f32 $1.442695020e+00, v10;
	vm10 =	vge.f32 v8, $1.000000000e+00;
	v57 =	vmul.f32 v9, v11  }
0x206: {  	s10 =	sshll.u32 s30, $0x4;
	v58 =	vsel vm10, $0x3F800000, v4  }
0x207: {  	s11 =	scvt.s32.f32 s10;
	(erf) = vpow2.f32 v10;
	v8 =	vmul.f32 v58, v57;
	_ =	sdelay $0x1  }
0x208: {  	v59 =	vadd.f32 s11, v5;
	v8 =	vadd.f32 v8, v12;
	_ =	sdelay $0x1  }
0x209: {  	v6 =	vsub.f32 v59, v6;
	v8 =	vmax.f32 v8, $0.0e+00  }
0x20a: {  	v8 =	vmin.f32 v8, $1.000000000e+00  }
0x20b: {  	v9 =	vmul.f32 v6, v6;
	[tilespmem:s24+$0x5180] =	vst v8  }
0x20c: {  	v8 =	vld [tilespmem:s29+$0x0]  }
0x20d: {  	s24 =	sshll.u32 s15, $0x6;
	v9 =	vsub.f32 $0.0e+00, v9  }
0x20e: {  	vm11 =	vgt.f32 v7, $5.000000000e-01;
	vm1 =	vlt.f32 v7, $1.285000000e+02;
	s12 =	sand.u32 $0x70, s29;
	s11 =	sand.u32 $0x3E00, s24;
	v7 =	vpop (erf)  }
0x20f: {  	vm0 =	vmand vm11, vm1;
	s11 =	sor.u32 s11, s12;
	v9 =	vmul.f32 $1.249999970e-03, v9;
	v7 =	vmul.f32 $9.999999770e-03, v7  }
0x210: {  	v60 =	vsel vm0, $0x3F800000, v4;
	v61 =	vld [tilespmem:s11+$0x1180]  }
0x211: {  	v9 =	vmul.f32 $1.442695020e+00, v9;
	vm12 =	vge.f32 v8, $1.000000000e+00;
	v7 =	vmul.f32 v7, v60  }
0x212: {  	v8 =	vsel vm12, $0x3F800000, v4  }
0x213: {  	(erf) = vpow2.f32 v9;
	v7 =	vmul.f32 v8, v7;
	_ =	sdelay $0x1  }
0x214: {  	v7 =	vadd.f32 v7, v61;
	_ =	sdelay $0x1  }
0x215: {  	v7 =	vmax.f32 v7, $0.0e+00  }
0x216: {  	v7 =	vmin.f32 v7, $1.000000000e+00  }
0x217: {  	[tilespmem:s11+$0x5180] =	vst v7  }
0x218: {  	v7 =	vld [tilespmem:s10+$0x0]  }
0x219: {  	s30 =	sshll.u32 s30, $0x6  }
0x21a: {  	vm13 =	vgt.f32 v6, $5.000000000e-01;
	vm14 =	vlt.f32 v6, $1.285000000e+02;
	s11 =	sand.u32 $0x3E00, s30;
	s10 =	sand.u32 $0x70, s10;
	v6 =	vpop (erf)  }
0x21b: {  	vm0 =	vmand vm13, vm14;
	s10 =	sor.u32 s11, s10;
	v6 =	vmul.f32 $9.999999770e-03, v6  }
0x21c: {  	v62 =	vsel vm0, $0x3F800000, v4;
	v63 =	vld [tilespmem:s10+$0x1180]  }
0x21d: {  	vm15 =	vge.f32 v7, $1.000000000e+00;
	v6 =	vmul.f32 v6, v62  }
0x21e: {  	v7 =	vsel vm15, $0x3F800000, v4  }
0x21f: {  	v6 =	vmul.f32 v7, v6;
	_ =	sdelay $0x1  }
0x220: {  	v6 =	vadd.f32 v6, v63;
	_ =	sdelay $0x1  }
0x221: {  	v6 =	vmax.f32 v6, $0.0e+00  }
0x222: {  	v6 =	vmin.f32 v6, $1.000000000e+00  }
0x223: {  	[tilespmem:s10+$0x5180] =	vst v6  }
.LBB2_25:
0x224: {  	s29 =	simm.s32 $0x0  }
0x225: {  	v6 =	vld [tilespmem:s29+$0x1270]  }
0x226: {  	v8 =	vld [tilespmem:s29+$0x1200]  }
0x227: {  	v12 =	vld [tilespmem:s29+$0x1210]  }
0x228: {  	v10 =	vld [tilespmem:s29+$0x1220]  }
0x229: {  	v9 =	vld [tilespmem:s29+$0x1230]  }
0x22a: {  	v7 =	vld [tilespmem:s29+$0x1240];
	v11 =	vmax.f32 v6, $0.0e+00  }
0x22b: {  	v6 =	vld [tilespmem:s29+$0x1250];
	v13 =	vmax.f32 v8, $0.0e+00;
	v14 =	vmin.f32 v11, $1.000000000e+00  }
0x22c: {  	s15 =	simm.s32 $0x200;
	s12 =	simm.s32 $0x1000;
	v8 =	vld [tilespmem:s29+$0x1260];
	v12 =	vmax.f32 v12, $0.0e+00;
	v11 =	vmin.f32 v13, $1.000000000e+00;
	[tilespmem:s29+$0x5270] =	vst v14  }
.LBB2_26:
0x22d: {  	p1 =	sne.s32 s12, $0xF800;
	v13 =	vld [tilespmem:s15+$0x1270];
	[tilespmem:s29+$0x5200] =	vst v11;
	v11 =	vmin.f32 v12, $1.000000000e+00;
	v10 =	vmax.f32 v10, $0.0e+00  }
0x22e: {  	v12 =	vld [tilespmem:s15+$0x1200];
	[tilespmem:s29+$0x5210] =	vst v11;
	v10 =	vmin.f32 v10, $1.000000000e+00;
	v9 =	vmax.f32 v9, $0.0e+00  }
0x22f: {  	v14 =	vld [tilespmem:s15+$0x1210];
	[tilespmem:s29+$0x5220] =	vst v10;
	v9 =	vmin.f32 v9, $1.000000000e+00;
	v7 =	vmax.f32 v7, $0.0e+00  }
.Ltmp14:
0x230: {  	v10 =	vld [tilespmem:s15+$0x1220];
	[tilespmem:s29+$0x5230] =	vst v9;
	v7 =	vmin.f32 v7, $1.000000000e+00;
	v6 =	vmax.f32 v6, $0.0e+00;
	(pc) =	sbr.rel @p1 .LBB2_26-.Ltmp14, $4  }
0x231: {  	v9 =	vld [tilespmem:s15+$0x1230];
	[tilespmem:s29+$0x5240] =	vst v7;
	v6 =	vmin.f32 v6, $1.000000000e+00;
	v8 =	vmax.f32 v8, $0.0e+00  }
0x232: {  	v7 =	vld [tilespmem:s15+$0x1240];
	v11 =	vmax.f32 v13, $0.0e+00;
	[tilespmem:s29+$0x5250] =	vst v6;
	v8 =	vmin.f32 v8, $1.000000000e+00  }
0x233: {  	v12 =	vmax.f32 v12, $0.0e+00;
	v6 =	vld [tilespmem:s15+$0x1250];
	v13 =	vmin.f32 v11, $1.000000000e+00;
	[tilespmem:s29+$0x5260] =	vst v8;
	s29 =	smov.u32 s15  }
0x234: {  	s15 =	sshra.s32 s12, $0x2;
	s12 =	sadd.s32 $0x800, s12;
	v11 =	vmin.f32 v12, $1.000000000e+00;
	v12 =	vmax.f32 v14, $0.0e+00;
	v8 =	vld [tilespmem:s29+$0x1260];
	[tilespmem:s29+$0x5270] =	vst v13  }
0x235: {  	v13 =	vld [tilespmem:s15+$0x1270];
	[tilespmem:s29+$0x5200] =	vst v11;
	v59 =	vmin.f32 v12, $1.000000000e+00;
	v10 =	vmax.f32 v10, $0.0e+00  }
0x236: {  	v60 =	vld [tilespmem:s15+$0x1200];
	[tilespmem:s29+$0x5210] =	vst v59;
	v10 =	vmin.f32 v10, $1.000000000e+00;
	v9 =	vmax.f32 v9, $0.0e+00  }
0x237: {  	v11 =	vld [tilespmem:s15+$0x1210];
	[tilespmem:s29+$0x5220] =	vst v10;
	v9 =	vmin.f32 v9, $1.000000000e+00;
	v7 =	vmax.f32 v7, $0.0e+00  }
0x238: {  	v10 =	vld [tilespmem:s15+$0x1220];
	[tilespmem:s29+$0x5230] =	vst v9;
	v7 =	vmin.f32 v7, $1.000000000e+00;
	v6 =	vmax.f32 v6, $0.0e+00  }
0x239: {  	s7 =	sor.u32 $0x3, s7;
	v9 =	vld [tilespmem:s15+$0x1230];
	[tilespmem:s29+$0x5240] =	vst v7;
	v6 =	vmin.f32 v6, $1.000000000e+00;
	v8 =	vmax.f32 v8, $0.0e+00  }
0x23a: {  	s10 =	sand.u32 $0x7B, s7;
	v7 =	vld [tilespmem:s15+$0x1240];
	[tilespmem:s29+$0x5250] =	vst v6;
	v6 =	vmin.f32 v8, $1.000000000e+00;
	v13 =	vmax.f32 v13, $0.0e+00  }
0x23b: {  	s10 =	sld [smem:s10+$0x0];
	v61 =	vld [tilespmem:s15+$0x1250];
	[tilespmem:s29+$0x5260] =	vst v6;
	v6 =	vmax.f32 v60, $0.0e+00;
	v62 =	vmin.f32 v13, $1.000000000e+00  }
0x23c: {  	v63 =	vld [tilespmem:s15+$0x1260];
	v6 =	vmin.f32 v6, $1.000000000e+00;
	v11 =	vmax.f32 v11, $0.0e+00;
	[tilespmem:s15+$0x5270] =	vst v62  }
0x23d: {  	[tilespmem:s15+$0x5200] =	vst v6;
	v6 =	vmin.f32 v11, $1.000000000e+00;
	v10 =	vmax.f32 v10, $0.0e+00  }
0x23e: {  	p1 =	sgt.f32 s10, $5.000000000e-01;
	[tilespmem:s15+$0x5210] =	vst v6;
	v6 =	vmin.f32 v10, $1.000000000e+00;
	v9 =	vmax.f32 v9, $0.0e+00  }
.Ltmp15:
0x23f: {  	[tilespmem:s15+$0x5220] =	vst v6;
	v6 =	vmin.f32 v9, $1.000000000e+00;
	v7 =	vmax.f32 v7, $0.0e+00;
	(pc) =	sbr.rel @!p1 .LBB2_31-.Ltmp15, $4  }
0x240: {  	[tilespmem:s15+$0x5230] =	vst v6;
	v6 =	vmin.f32 v7, $1.000000000e+00;
	v7 =	vmax.f32 v61, $0.0e+00  }
0x241: {  	[tilespmem:s15+$0x5240] =	vst v6;
	v6 =	vmin.f32 v7, $1.000000000e+00;
	v7 =	vmax.f32 v63, $0.0e+00  }
0x242: {  	[tilespmem:s15+$0x5250] =	vst v6;
	v6 =	vmin.f32 v7, $1.000000000e+00  }
0x243: {  	[tilespmem:s15+$0x5260] =	vst v6  }
0x244: {  	s10 =	sadd.s32 $0x0, s2  }
0x245: {  	p1 =	slt.s32 s10, $0xFF  }
0x246: {  	s10 =	simm.s32 @!p1 $0xFF  }
0x247: {  	s11 =	sshll.u32 s10, $0x4  }
0x248: {  	s12 =	scvt.s32.f32 s11  }
0x249: {  	s7 =	scvt.s32.f32 s7  }
0x24a: {  	v7 =	vadd.f32 s12, v5  }
0x24b: {  	v6 =	vmov s7  }
0x24c: {  	v8 =	vsub.f32 v7, v6;
	_ =	sdelay $0x1  }
0x24d: {  	v7 =	vmul.f32 v8, v8;
	_ =	sdelay $0x1  }
0x24e: {  	v7 =	vsub.f32 $0.0e+00, v7;
	_ =	sdelay $0x1  }
0x24f: {  	s7 =	sadd.s32 $0x1, s2;
	v7 =	vmul.f32 $1.249999970e-03, v7  }
0x250: {  	p1 =	slt.s32 s7, $0xFF  }
0x251: {  	s7 =	simm.s32 @!p1 $0xFF;
	v7 =	vmul.f32 $1.442695020e+00, v7  }
0x252: {  	s15 =	sshll.u32 s7, $0x4  }
0x253: {  	s30 =	scvt.s32.f32 s15;
	(erf) = vpow2.f32 v7;
	_ =	sdelay $0x1  }
0x254: {  	v7 =	vadd.f32 s30, v5;
	_ =	sdelay $0x1  }
0x255: {  	v7 =	vsub.f32 v7, v6;
	_ =	sdelay $0x1  }
0x256: {  	v9 =	vmul.f32 v7, v7  }
0x257: {  	vm0 =	vgt.f32 v8, $5.000000000e-01;
	vm1 =	vlt.f32 v8, $1.285000000e+02;
	v8 =	vld [tilespmem:s11+$0x0]  }
0x258: {  	s10 =	sshll.u32 s10, $0x6;
	v9 =	vsub.f32 $0.0e+00, v9  }
0x259: {  	s24 =	sand.u32 $0x70, s11;
	s10 =	sand.u32 $0x3E00, s10;
	v11 =	vpop (erf)  }
0x25a: {  	s29 =	sadd.s32 $0x2, s2;
	s24 =	sor.u32 s10, s24;
	s12 =	simm.s32 $0x3;
	vm0 =	vmand vm0, vm1;
	v10 =	vmul.f32 $1.249999970e-03, v9;
	v9 =	vmul.f32 $9.999999770e-03, v11  }
.LBB2_29:
0x25b: {  	p1 =	sne.s32 s12, $0x8;
	p2 =	slt.s32 s29, $0xFF;
	v11 =	vsel vm0, $0x3F800000, v4;
	v12 =	vld [tilespmem:s24+$0x1200]  }
0x25c: {  	s29 =	simm.s32 @!p2 $0xFF;
	v10 =	vmul.f32 $1.442695020e+00, v10;
	vm0 =	vge.f32 v8, $1.000000000e+00;
	v8 =	vmul.f32 v9, v11  }
0x25d: {  	s10 =	sshll.u32 s29, $0x4;
	v9 =	vsel vm0, $0x3F800000, v4  }
0x25e: {  	s11 =	scvt.s32.f32 s10;
	(erf) = vpow2.f32 v10;
	v8 =	vmul.f32 v9, v8;
	_ =	sdelay $0x1  }
0x25f: {  	v9 =	vadd.f32 s11, v5;
	v8 =	vadd.f32 v8, v12;
	_ =	sdelay $0x1  }
0x260: {  	v9 =	vsub.f32 v9, v6;
	v8 =	vmax.f32 v8, $0.0e+00  }
0x261: {  	v8 =	vmin.f32 v8, $1.000000000e+00  }
.Ltmp16:
0x262: {  	v10 =	vmul.f32 v9, v9;
	[tilespmem:s24+$0x5200] =	vst v8;
	(pc) =	sbr.rel @p1 .LBB2_29-.Ltmp16, $4  }
0x263: {  	v8 =	vld [tilespmem:s15+$0x0]  }
0x264: {  	s11 =	sshll.u32 s7, $0x6;
	s7 =	smov.u32 s29;
	v10 =	vsub.f32 $0.0e+00, v10  }
0x265: {  	vm1 =	vlt.f32 v7, $1.285000000e+02;
	vm0 =	vgt.f32 v7, $5.000000000e-01;
	s11 =	sand.u32 $0x3E00, s11;
	s24 =	sand.u32 $0x70, s15;
	v7 =	vmov v9;
	s15 =	smov.u32 s10;
	v11 =	vpop (erf)  }
0x266: {  	vm0 =	vmand vm0, vm1;
	s29 =	sadd.s32 s12, s2;
	s12 =	sadd.s32 $0x1, s12;
	s24 =	sor.u32 s11, s24;
	v10 =	vmul.f32 $1.249999970e-03, v10;
	v9 =	vmul.f32 $9.999999770e-03, v11  }
0x267: {  	p1 =	slt.s32 s29, $0xFF;
	v11 =	vsel vm0, $0x3F800000, v4;
	v12 =	vld [tilespmem:s24+$0x1200]  }
0x268: {  	s29 =	simm.s32 @!p1 $0xFF;
	v10 =	vmul.f32 $1.442695020e+00, v10;
	vm10 =	vge.f32 v8, $1.000000000e+00;
	v57 =	vmul.f32 v9, v11  }
0x269: {  	s2 =	sshll.u32 s29, $0x4;
	v58 =	vsel vm10, $0x3F800000, v4  }
0x26a: {  	s10 =	scvt.s32.f32 s2;
	(erf) = vpow2.f32 v10;
	v8 =	vmul.f32 v58, v57;
	_ =	sdelay $0x1  }
0x26b: {  	v59 =	vadd.f32 s10, v5;
	v8 =	vadd.f32 v8, v12;
	_ =	sdelay $0x1  }
0x26c: {  	v6 =	vsub.f32 v59, v6;
	v8 =	vmax.f32 v8, $0.0e+00  }
0x26d: {  	v8 =	vmin.f32 v8, $1.000000000e+00  }
0x26e: {  	v9 =	vmul.f32 v6, v6;
	[tilespmem:s24+$0x5200] =	vst v8  }
0x26f: {  	v8 =	vld [tilespmem:s15+$0x0]  }
0x270: {  	s7 =	sshll.u32 s7, $0x6;
	v9 =	vsub.f32 $0.0e+00, v9  }
0x271: {  	vm11 =	vgt.f32 v7, $5.000000000e-01;
	vm1 =	vlt.f32 v7, $1.285000000e+02;
	s7 =	sand.u32 $0x3E00, s7;
	s24 =	sand.u32 $0x70, s15;
	v7 =	vpop (erf)  }
0x272: {  	vm0 =	vmand vm11, vm1;
	s7 =	sor.u32 s7, s24;
	v9 =	vmul.f32 $1.249999970e-03, v9;
	v7 =	vmul.f32 $9.999999770e-03, v7  }
0x273: {  	v60 =	vsel vm0, $0x3F800000, v4;
	v61 =	vld [tilespmem:s7+$0x1200]  }
0x274: {  	v9 =	vmul.f32 $1.442695020e+00, v9;
	vm12 =	vge.f32 v8, $1.000000000e+00;
	v7 =	vmul.f32 v7, v60  }
0x275: {  	v8 =	vsel vm12, $0x3F800000, v4  }
0x276: {  	(erf) = vpow2.f32 v9;
	v7 =	vmul.f32 v8, v7;
	_ =	sdelay $0x1  }
0x277: {  	v7 =	vadd.f32 v7, v61;
	_ =	sdelay $0x1  }
0x278: {  	v7 =	vmax.f32 v7, $0.0e+00  }
0x279: {  	v7 =	vmin.f32 v7, $1.000000000e+00  }
0x27a: {  	[tilespmem:s7+$0x5200] =	vst v7  }
0x27b: {  	v7 =	vld [tilespmem:s2+$0x0]  }
0x27c: {  	s30 =	sshll.u32 s29, $0x6  }
0x27d: {  	vm13 =	vgt.f32 v6, $5.000000000e-01;
	vm14 =	vlt.f32 v6, $1.285000000e+02;
	s7 =	sand.u32 $0x3E00, s30;
	s2 =	sand.u32 $0x70, s2;
	v6 =	vpop (erf)  }
0x27e: {  	vm0 =	vmand vm13, vm14;
	s2 =	sor.u32 s7, s2;
	v6 =	vmul.f32 $9.999999770e-03, v6  }
0x27f: {  	v62 =	vsel vm0, $0x3F800000, v4;
	v63 =	vld [tilespmem:s2+$0x1200]  }
0x280: {  	vm15 =	vge.f32 v7, $1.000000000e+00;
	v6 =	vmul.f32 v6, v62  }
0x281: {  	v7 =	vsel vm15, $0x3F800000, v4  }
0x282: {  	v6 =	vmul.f32 v7, v6;
	_ =	sdelay $0x1  }
0x283: {  	v6 =	vadd.f32 v6, v63;
	_ =	sdelay $0x1  }
0x284: {  	v6 =	vmax.f32 v6, $0.0e+00  }
0x285: {  	v6 =	vmin.f32 v6, $1.000000000e+00  }
0x286: {  	[tilespmem:s2+$0x5200] =	vst v6  }
.LBB2_31:
0x287: {  	s2 =	rddreg [dreg:$0x8]  }
0x288: {  	s7 =	simm.s32 $0x80;
	s2 =	sadd.s32 s4, s2  }
0x289: {  	s12 =	simm.s32 $0x5380;
	s4 =	simm.s32 $0x5180;
	s10 =	sadd.s32 $0x0, s2  }
.LBB2_32:
0x28a: {  	[hbm4b:s10+s5] =	stream.linear.scatter [tilespmem:s4], [sflag:$0x2], $0x100, $0x38;
	[tilespmem:$0x11080] =	vst v63  }
0x28b: {  	s10 =	smov.u32 s7;
	s4 =	smov.u32 s12;
	p1 =	sne.s32 s7, $0xF80  }
.Ltmp17:
0x28c: {  	s7 =	sadd.s32 $0x80, s7;
	(pc) =	sbr.rel @p1 .LBB2_32-.Ltmp17, $2  }
0x28d: {  	_ =	sdelay $0x2  }
0x28e: {  	s12 =	sadd.s32 $0x200, s12;
	s10 =	sadd.s32 s10, s2  }
0x28f: {  	p1 =	sne.s32 s31, $0xF  }
.Ltmp18:
0x290: {  	_ = 	snop;
	(pc) =	sbr.rel @p1 .LBB2_35-.Ltmp18, $4  }
0x291: {  	_ = 	snop  }
0x292: {  	[hbm4b:s10+s5] =	stream.linear.scatter [tilespmem:s4], [sflag:$0x2], $0x100, $0x38;
	[tilespmem:$0x11080] =	vst v63  }
0x293: {  	s4 =	sor.u32 $0x4, s9  }
0x294: {  	s2 =	sor.u32 s0, s4  }
.Ltmp19:
0x295: {  	(pc) =	sbr.rel .LBB2_36-.Ltmp19, $4  }
0x296: {  	_ = 	snop  }
0x297: {  	_ =	swait.ge [sflag:s26], $0x4000  }
0x298: {  	[sflag:s26] =	ssyncset.done $0x0  }
0x299: {  	[sflag:s26] =	ssyncadd.s32 $0xFFFFC000  }
.LBB2_35:
0x29a: {  	s7 =	sshll.u32 s2, $0x9;
	s9 =	rddreg [dreg:$0x9]  }
.Ltmp20:
0x29b: {  	s7 =	sadd.s32 s7, s9;
	(pc) =	sbr.rel @p0 .LBB2_37-.Ltmp20, $4  }
0x29c: {  	[tilespmem:s23], [sflag:$0x1] =	stream.strided.gather [hbm4b:s7+s21], $0x4000, s22, s21, $0x38;
	[tilespmem:$0x11080] =	vst v63  }
0x29d: {  	_ =	swait.ge [sflag:s26], $0x4000  }
0x29e: {  	[sflag:s26] =	ssyncset.done $0x0  }
0x29f: {  	[sflag:s26] =	ssyncadd.s32 $0xFFFFC000  }
.LBB2_36:
0x2a0: {  	_ =	swait.ge [sflag:s28], $0x2000  }
0x2a1: {  	[sflag:s28] =	ssyncset.done $0x0  }
0x2a2: {  	[sflag:s28] =	ssyncadd.s32 $0xFFFFE000  }
0x2a3: {  	_ =	swait.ge [sflag:s28], $0x2000  }
0x2a4: {  	[sflag:s28] =	ssyncset.done $0x0  }
0x2a5: {  	[sflag:s28] =	ssyncadd.s32 $0xFFFFE000  }
.LBB2_37:
0x2a6: {  	s9 =	simm.s32 $0x0  }
0x2a7: {  	v6 =	vld [tilespmem:s9+$0x90F0]  }
0x2a8: {  	v8 =	vld [tilespmem:s9+$0x9080]  }
0x2a9: {  	v12 =	vld [tilespmem:s9+$0x9090]  }
0x2aa: {  	v10 =	vld [tilespmem:s9+$0x90A0]  }
0x2ab: {  	v9 =	vld [tilespmem:s9+$0x90B0]  }
0x2ac: {  	v7 =	vld [tilespmem:s9+$0x90C0];
	v11 =	vmax.f32 v6, $0.0e+00  }
0x2ad: {  	v6 =	vld [tilespmem:s9+$0x90D0];
	v13 =	vmax.f32 v8, $0.0e+00;
	v14 =	vmin.f32 v11, $1.000000000e+00  }
0x2ae: {  	s7 =	simm.s32 $0x200;
	s12 =	simm.s32 $0x1000;
	v8 =	vld [tilespmem:s9+$0x90E0];
	v12 =	vmax.f32 v12, $0.0e+00;
	v11 =	vmin.f32 v13, $1.000000000e+00;
	[tilespmem:s9+$0xD0F0] =	vst v14  }
.LBB2_38:
0x2af: {  	p0 =	sne.s32 s12, $0xF800;
	v13 =	vld [tilespmem:s7+$0x90F0];
	[tilespmem:s9+$0xD080] =	vst v11;
	v11 =	vmin.f32 v12, $1.000000000e+00;
	v10 =	vmax.f32 v10, $0.0e+00  }
0x2b0: {  	v12 =	vld [tilespmem:s7+$0x9080];
	[tilespmem:s9+$0xD090] =	vst v11;
	v10 =	vmin.f32 v10, $1.000000000e+00;
	v9 =	vmax.f32 v9, $0.0e+00  }
0x2b1: {  	v14 =	vld [tilespmem:s7+$0x9090];
	[tilespmem:s9+$0xD0A0] =	vst v10;
	v9 =	vmin.f32 v9, $1.000000000e+00;
	v7 =	vmax.f32 v7, $0.0e+00  }
.Ltmp21:
0x2b2: {  	v10 =	vld [tilespmem:s7+$0x90A0];
	[tilespmem:s9+$0xD0B0] =	vst v9;
	v7 =	vmin.f32 v7, $1.000000000e+00;
	v6 =	vmax.f32 v6, $0.0e+00;
	(pc) =	sbr.rel @p0 .LBB2_38-.Ltmp21, $4  }
0x2b3: {  	v9 =	vld [tilespmem:s7+$0x90B0];
	[tilespmem:s9+$0xD0C0] =	vst v7;
	v6 =	vmin.f32 v6, $1.000000000e+00;
	v8 =	vmax.f32 v8, $0.0e+00  }
0x2b4: {  	v7 =	vld [tilespmem:s7+$0x90C0];
	v11 =	vmax.f32 v13, $0.0e+00;
	[tilespmem:s9+$0xD0D0] =	vst v6;
	v8 =	vmin.f32 v8, $1.000000000e+00  }
0x2b5: {  	v12 =	vmax.f32 v12, $0.0e+00;
	v6 =	vld [tilespmem:s7+$0x90D0];
	v13 =	vmin.f32 v11, $1.000000000e+00;
	[tilespmem:s9+$0xD0E0] =	vst v8;
	s9 =	smov.u32 s7  }
0x2b6: {  	s7 =	sshra.s32 s12, $0x2;
	s12 =	sadd.s32 $0x800, s12;
	v11 =	vmin.f32 v12, $1.000000000e+00;
	v12 =	vmax.f32 v14, $0.0e+00;
	v8 =	vld [tilespmem:s9+$0x90E0];
	[tilespmem:s9+$0xD0F0] =	vst v13  }
0x2b7: {  	v13 =	vld [tilespmem:s7+$0x90F0];
	[tilespmem:s9+$0xD080] =	vst v11;
	v59 =	vmin.f32 v12, $1.000000000e+00;
	v10 =	vmax.f32 v10, $0.0e+00  }
0x2b8: {  	v60 =	vld [tilespmem:s7+$0x9080];
	[tilespmem:s9+$0xD090] =	vst v59;
	v10 =	vmin.f32 v10, $1.000000000e+00;
	v9 =	vmax.f32 v9, $0.0e+00  }
0x2b9: {  	v11 =	vld [tilespmem:s7+$0x9090];
	[tilespmem:s9+$0xD0A0] =	vst v10;
	v9 =	vmin.f32 v9, $1.000000000e+00;
	v7 =	vmax.f32 v7, $0.0e+00  }
0x2ba: {  	v10 =	vld [tilespmem:s7+$0x90A0];
	[tilespmem:s9+$0xD0B0] =	vst v9;
	v7 =	vmin.f32 v7, $1.000000000e+00;
	v6 =	vmax.f32 v6, $0.0e+00  }
0x2bb: {  	v9 =	vld [tilespmem:s7+$0x90B0];
	[tilespmem:s9+$0xD0C0] =	vst v7;
	v6 =	vmin.f32 v6, $1.000000000e+00;
	v8 =	vmax.f32 v8, $0.0e+00  }
0x2bc: {  	v7 =	vld [tilespmem:s7+$0x90C0];
	[tilespmem:s9+$0xD0D0] =	vst v6;
	v6 =	vmin.f32 v8, $1.000000000e+00;
	v13 =	vmax.f32 v13, $0.0e+00  }
0x2bd: {  	s4 =	sld [smem:s4+$0x0];
	v61 =	vld [tilespmem:s7+$0x90D0];
	[tilespmem:s9+$0xD0E0] =	vst v6;
	v6 =	vmax.f32 v60, $0.0e+00;
	v62 =	vmin.f32 v13, $1.000000000e+00  }
0x2be: {  	v63 =	vld [tilespmem:s7+$0x90E0];
	v6 =	vmin.f32 v6, $1.000000000e+00;
	v11 =	vmax.f32 v11, $0.0e+00;
	[tilespmem:s7+$0xD0F0] =	vst v62  }
0x2bf: {  	[tilespmem:s7+$0xD080] =	vst v6;
	v6 =	vmin.f32 v11, $1.000000000e+00;
	v10 =	vmax.f32 v10, $0.0e+00  }
0x2c0: {  	p0 =	sgt.f32 s4, $5.000000000e-01;
	[tilespmem:s7+$0xD090] =	vst v6;
	v6 =	vmin.f32 v10, $1.000000000e+00;
	v9 =	vmax.f32 v9, $0.0e+00  }
.Ltmp22:
0x2c1: {  	[tilespmem:s7+$0xD0A0] =	vst v6;
	v6 =	vmin.f32 v9, $1.000000000e+00;
	v7 =	vmax.f32 v7, $0.0e+00;
	(pc) =	sbr.rel @!p0 .LBB2_43-.Ltmp22, $4  }
0x2c2: {  	[tilespmem:s7+$0xD0B0] =	vst v6;
	v6 =	vmin.f32 v7, $1.000000000e+00;
	v7 =	vmax.f32 v61, $0.0e+00  }
0x2c3: {  	[tilespmem:s7+$0xD0C0] =	vst v6;
	v6 =	vmin.f32 v7, $1.000000000e+00;
	v7 =	vmax.f32 v63, $0.0e+00  }
0x2c4: {  	[tilespmem:s7+$0xD0D0] =	vst v6;
	v6 =	vmin.f32 v7, $1.000000000e+00  }
0x2c5: {  	[tilespmem:s7+$0xD0E0] =	vst v6  }
0x2c6: {  	s9 =	sadd.s32 $0x0, s20  }
0x2c7: {  	p0 =	slt.s32 s9, $0xFF  }
0x2c8: {  	s9 =	simm.s32 @!p0 $0xFF  }
0x2c9: {  	s10 =	sshll.u32 s9, $0x4  }
0x2ca: {  	s4 =	scvt.s32.f32 s10  }
0x2cb: {  	s7 =	scvt.s32.f32 s2  }
0x2cc: {  	v7 =	vadd.f32 s4, v5  }
0x2cd: {  	v6 =	vmov s7  }
0x2ce: {  	v8 =	vsub.f32 v7, v6;
	_ =	sdelay $0x1  }
0x2cf: {  	v7 =	vmul.f32 v8, v8;
	_ =	sdelay $0x1  }
0x2d0: {  	v7 =	vsub.f32 $0.0e+00, v7;
	_ =	sdelay $0x1  }
0x2d1: {  	s4 =	sadd.s32 $0x1, s20;
	v7 =	vmul.f32 $1.249999970e-03, v7  }
0x2d2: {  	p0 =	slt.s32 s4, $0xFF  }
0x2d3: {  	s4 =	simm.s32 @!p0 $0xFF;
	v7 =	vmul.f32 $1.442695020e+00, v7  }
0x2d4: {  	s7 =	sshll.u32 s4, $0x4  }
0x2d5: {  	s11 =	scvt.s32.f32 s7;
	(erf) = vpow2.f32 v7;
	_ =	sdelay $0x1  }
0x2d6: {  	v7 =	vadd.f32 s11, v5;
	_ =	sdelay $0x1  }
0x2d7: {  	v7 =	vsub.f32 v7, v6;
	_ =	sdelay $0x1  }
0x2d8: {  	v9 =	vmul.f32 v7, v7  }
0x2d9: {  	vm0 =	vgt.f32 v8, $5.000000000e-01;
	vm1 =	vlt.f32 v8, $1.285000000e+02;
	v8 =	vld [tilespmem:s10+$0x0]  }
0x2da: {  	s9 =	sshll.u32 s9, $0x6;
	v9 =	vsub.f32 $0.0e+00, v9  }
0x2db: {  	s30 =	sand.u32 $0x70, s10;
	s15 =	sand.u32 $0x3E00, s9;
	v11 =	vpop (erf)  }
0x2dc: {  	s12 =	simm.s32 $0x3;
	s9 =	sadd.s32 $0x2, s20;
	s15 =	sor.u32 s30, s15;
	vm0 =	vmand vm0, vm1;
	v10 =	vmul.f32 $1.249999970e-03, v9;
	v9 =	vmul.f32 $9.999999770e-03, v11  }
.LBB2_41:
0x2dd: {  	p0 =	sne.s32 s12, $0x8;
	p1 =	slt.s32 s9, $0xFF;
	v11 =	vsel vm0, $0x3F800000, v4;
	v12 =	vld [tilespmem:s15+$0x9080]  }
0x2de: {  	s9 =	simm.s32 @!p1 $0xFF;
	v10 =	vmul.f32 $1.442695020e+00, v10;
	vm0 =	vge.f32 v8, $1.000000000e+00;
	v8 =	vmul.f32 v9, v11  }
0x2df: {  	s10 =	sshll.u32 s9, $0x4;
	v9 =	vsel vm0, $0x3F800000, v4  }
0x2e0: {  	s11 =	scvt.s32.f32 s10;
	(erf) = vpow2.f32 v10;
	v8 =	vmul.f32 v9, v8;
	_ =	sdelay $0x1  }
0x2e1: {  	v9 =	vadd.f32 s11, v5;
	v8 =	vadd.f32 v8, v12;
	_ =	sdelay $0x1  }
0x2e2: {  	v9 =	vsub.f32 v9, v6;
	v8 =	vmax.f32 v8, $0.0e+00  }
0x2e3: {  	v8 =	vmin.f32 v8, $1.000000000e+00  }
.Ltmp23:
0x2e4: {  	v10 =	vmul.f32 v9, v9;
	[tilespmem:s15+$0xD080] =	vst v8;
	(pc) =	sbr.rel @p0 .LBB2_41-.Ltmp23, $4  }
0x2e5: {  	v8 =	vld [tilespmem:s7+$0x0]  }
0x2e6: {  	s11 =	sshll.u32 s4, $0x6;
	s4 =	smov.u32 s9;
	v10 =	vsub.f32 $0.0e+00, v10  }
0x2e7: {  	vm1 =	vlt.f32 v7, $1.285000000e+02;
	vm0 =	vgt.f32 v7, $5.000000000e-01;
	s11 =	sand.u32 $0x3E00, s11;
	s15 =	sand.u32 $0x70, s7;
	v7 =	vmov v9;
	s7 =	smov.u32 s10;
	v11 =	vpop (erf)  }
0x2e8: {  	vm0 =	vmand vm0, vm1;
	s9 =	sadd.s32 s12, s20;
	s12 =	sadd.s32 $0x1, s12;
	s15 =	sor.u32 s15, s11;
	v10 =	vmul.f32 $1.249999970e-03, v10;
	v9 =	vmul.f32 $9.999999770e-03, v11  }
0x2e9: {  	p0 =	slt.s32 s9, $0xFF;
	v11 =	vsel vm0, $0x3F800000, v4;
	v12 =	vld [tilespmem:s15+$0x9080]  }
0x2ea: {  	s9 =	simm.s32 @!p0 $0xFF;
	v10 =	vmul.f32 $1.442695020e+00, v10;
	vm10 =	vge.f32 v8, $1.000000000e+00;
	v57 =	vmul.f32 v9, v11  }
0x2eb: {  	s10 =	sshll.u32 s9, $0x4;
	v58 =	vsel vm10, $0x3F800000, v4  }
0x2ec: {  	s11 =	scvt.s32.f32 s10;
	(erf) = vpow2.f32 v10;
	v8 =	vmul.f32 v58, v57;
	_ =	sdelay $0x1  }
0x2ed: {  	v59 =	vadd.f32 s11, v5;
	v8 =	vadd.f32 v8, v12;
	_ =	sdelay $0x1  }
0x2ee: {  	v6 =	vsub.f32 v59, v6;
	v8 =	vmax.f32 v8, $0.0e+00  }
0x2ef: {  	v8 =	vmin.f32 v8, $1.000000000e+00  }
0x2f0: {  	v9 =	vmul.f32 v6, v6;
	[tilespmem:s15+$0xD080] =	vst v8  }
0x2f1: {  	v8 =	vld [tilespmem:s7+$0x0]  }
0x2f2: {  	s4 =	sshll.u32 s4, $0x6;
	v9 =	vsub.f32 $0.0e+00, v9  }
0x2f3: {  	vm11 =	vgt.f32 v7, $5.000000000e-01;
	vm1 =	vlt.f32 v7, $1.285000000e+02;
	s24 =	sand.u32 $0x70, s7;
	s4 =	sand.u32 $0x3E00, s4;
	v7 =	vpop (erf)  }
0x2f4: {  	vm0 =	vmand vm11, vm1;
	s4 =	sor.u32 s24, s4;
	v9 =	vmul.f32 $1.249999970e-03, v9;
	v7 =	vmul.f32 $9.999999770e-03, v7  }
0x2f5: {  	v60 =	vsel vm0, $0x3F800000, v4;
	v61 =	vld [tilespmem:s4+$0x9080]  }
0x2f6: {  	v9 =	vmul.f32 $1.442695020e+00, v9;
	vm12 =	vge.f32 v8, $1.000000000e+00;
	v7 =	vmul.f32 v7, v60  }
0x2f7: {  	v8 =	vsel vm12, $0x3F800000, v4  }
0x2f8: {  	(erf) = vpow2.f32 v9;
	v7 =	vmul.f32 v8, v7;
	_ =	sdelay $0x1  }
0x2f9: {  	v7 =	vadd.f32 v7, v61;
	_ =	sdelay $0x1  }
0x2fa: {  	v7 =	vmax.f32 v7, $0.0e+00  }
0x2fb: {  	v7 =	vmin.f32 v7, $1.000000000e+00  }
0x2fc: {  	[tilespmem:s4+$0xD080] =	vst v7  }
0x2fd: {  	v7 =	vld [tilespmem:s10+$0x0]  }
0x2fe: {  	s29 =	sshll.u32 s9, $0x6  }
0x2ff: {  	s30 =	sand.u32 $0x70, s10;
	vm13 =	vgt.f32 v6, $5.000000000e-01;
	vm14 =	vlt.f32 v6, $1.285000000e+02;
	s4 =	sand.u32 $0x3E00, s29;
	v6 =	vpop (erf)  }
0x300: {  	vm0 =	vmand vm13, vm14;
	s4 =	sor.u32 s30, s4;
	v6 =	vmul.f32 $9.999999770e-03, v6  }
0x301: {  	v62 =	vsel vm0, $0x3F800000, v4;
	v63 =	vld [tilespmem:s4+$0x9080]  }
0x302: {  	vm15 =	vge.f32 v7, $1.000000000e+00;
	v6 =	vmul.f32 v6, v62  }
0x303: {  	v7 =	vsel vm15, $0x3F800000, v4  }
0x304: {  	v6 =	vmul.f32 v7, v6;
	_ =	sdelay $0x1  }
0x305: {  	v6 =	vadd.f32 v6, v63;
	_ =	sdelay $0x1  }
0x306: {  	v6 =	vmax.f32 v6, $0.0e+00  }
0x307: {  	v6 =	vmin.f32 v6, $1.000000000e+00  }
0x308: {  	[tilespmem:s4+$0xD080] =	vst v6  }
.LBB2_43:
0x309: {  	s7 =	simm.s32 $0x0  }
0x30a: {  	v6 =	vld [tilespmem:s7+$0x9170]  }
0x30b: {  	v8 =	vld [tilespmem:s7+$0x9100]  }
0x30c: {  	v12 =	vld [tilespmem:s7+$0x9110]  }
0x30d: {  	v10 =	vld [tilespmem:s7+$0x9120]  }
0x30e: {  	v9 =	vld [tilespmem:s7+$0x9130]  }
0x30f: {  	v7 =	vld [tilespmem:s7+$0x9140];
	v11 =	vmax.f32 v6, $0.0e+00  }
0x310: {  	v6 =	vld [tilespmem:s7+$0x9150];
	v13 =	vmax.f32 v8, $0.0e+00;
	v14 =	vmin.f32 v11, $1.000000000e+00  }
0x311: {  	s4 =	simm.s32 $0x200;
	s9 =	simm.s32 $0x1000;
	v8 =	vld [tilespmem:s7+$0x9160];
	v12 =	vmax.f32 v12, $0.0e+00;
	v11 =	vmin.f32 v13, $1.000000000e+00;
	[tilespmem:s7+$0xD170] =	vst v14  }
.LBB2_44:
0x312: {  	p0 =	sne.s32 s9, $0xF800;
	v13 =	vld [tilespmem:s4+$0x9170];
	[tilespmem:s7+$0xD100] =	vst v11;
	v11 =	vmin.f32 v12, $1.000000000e+00;
	v10 =	vmax.f32 v10, $0.0e+00  }
0x313: {  	v12 =	vld [tilespmem:s4+$0x9100];
	[tilespmem:s7+$0xD110] =	vst v11;
	v10 =	vmin.f32 v10, $1.000000000e+00;
	v9 =	vmax.f32 v9, $0.0e+00  }
0x314: {  	v14 =	vld [tilespmem:s4+$0x9110];
	[tilespmem:s7+$0xD120] =	vst v10;
	v9 =	vmin.f32 v9, $1.000000000e+00;
	v7 =	vmax.f32 v7, $0.0e+00  }
.Ltmp24:
0x315: {  	v10 =	vld [tilespmem:s4+$0x9120];
	[tilespmem:s7+$0xD130] =	vst v9;
	v7 =	vmin.f32 v7, $1.000000000e+00;
	v6 =	vmax.f32 v6, $0.0e+00;
	(pc) =	sbr.rel @p0 .LBB2_44-.Ltmp24, $4  }
0x316: {  	v9 =	vld [tilespmem:s4+$0x9130];
	[tilespmem:s7+$0xD140] =	vst v7;
	v6 =	vmin.f32 v6, $1.000000000e+00;
	v8 =	vmax.f32 v8, $0.0e+00  }
0x317: {  	v7 =	vld [tilespmem:s4+$0x9140];
	v11 =	vmax.f32 v13, $0.0e+00;
	[tilespmem:s7+$0xD150] =	vst v6;
	v8 =	vmin.f32 v8, $1.000000000e+00  }
0x318: {  	v12 =	vmax.f32 v12, $0.0e+00;
	v6 =	vld [tilespmem:s4+$0x9150];
	v13 =	vmin.f32 v11, $1.000000000e+00;
	[tilespmem:s7+$0xD160] =	vst v8;
	s7 =	smov.u32 s4  }
0x319: {  	s4 =	sshra.s32 s9, $0x2;
	s9 =	sadd.s32 $0x800, s9;
	v11 =	vmin.f32 v12, $1.000000000e+00;
	v12 =	vmax.f32 v14, $0.0e+00;
	v8 =	vld [tilespmem:s7+$0x9160];
	[tilespmem:s7+$0xD170] =	vst v13  }
0x31a: {  	v13 =	vld [tilespmem:s4+$0x9170];
	[tilespmem:s7+$0xD100] =	vst v11;
	v59 =	vmin.f32 v12, $1.000000000e+00;
	v10 =	vmax.f32 v10, $0.0e+00  }
0x31b: {  	v60 =	vld [tilespmem:s4+$0x9100];
	[tilespmem:s7+$0xD110] =	vst v59;
	v10 =	vmin.f32 v10, $1.000000000e+00;
	v9 =	vmax.f32 v9, $0.0e+00  }
0x31c: {  	v11 =	vld [tilespmem:s4+$0x9110];
	[tilespmem:s7+$0xD120] =	vst v10;
	v9 =	vmin.f32 v9, $1.000000000e+00;
	v7 =	vmax.f32 v7, $0.0e+00  }
0x31d: {  	v10 =	vld [tilespmem:s4+$0x9120];
	[tilespmem:s7+$0xD130] =	vst v9;
	v7 =	vmin.f32 v7, $1.000000000e+00;
	v6 =	vmax.f32 v6, $0.0e+00  }
0x31e: {  	v9 =	vld [tilespmem:s4+$0x9130];
	[tilespmem:s7+$0xD140] =	vst v7;
	v6 =	vmin.f32 v6, $1.000000000e+00;
	v8 =	vmax.f32 v8, $0.0e+00  }
0x31f: {  	v7 =	vld [tilespmem:s4+$0x9140];
	[tilespmem:s7+$0xD150] =	vst v6;
	v6 =	vmin.f32 v8, $1.000000000e+00  }
0x320: {  	v61 =	vld [tilespmem:s4+$0x9150];
	[tilespmem:s7+$0xD160] =	vst v6;
	s7 =	sor.u32 $0x1, s2  }
0x321: {  	v13 =	vmax.f32 v13, $0.0e+00;
	s9 =	sand.u32 $0x7D, s7  }
0x322: {  	v6 =	vmax.f32 v60, $0.0e+00;
	v62 =	vmin.f32 v13, $1.000000000e+00;
	s9 =	sld [smem:s9+$0x0]  }
0x323: {  	v63 =	vld [tilespmem:s4+$0x9160];
	v6 =	vmin.f32 v6, $1.000000000e+00;
	v11 =	vmax.f32 v11, $0.0e+00;
	[tilespmem:s4+$0xD170] =	vst v62  }
0x324: {  	[tilespmem:s4+$0xD100] =	vst v6;
	v6 =	vmin.f32 v11, $1.000000000e+00;
	v10 =	vmax.f32 v10, $0.0e+00  }
0x325: {  	[tilespmem:s4+$0xD110] =	vst v6;
	v6 =	vmin.f32 v10, $1.000000000e+00;
	v9 =	vmax.f32 v9, $0.0e+00;
	p0 =	sgt.f32 s9, $5.000000000e-01  }
.Ltmp25:
0x326: {  	[tilespmem:s4+$0xD120] =	vst v6;
	v6 =	vmin.f32 v9, $1.000000000e+00;
	v7 =	vmax.f32 v7, $0.0e+00;
	(pc) =	sbr.rel @!p0 .LBB2_49-.Ltmp25, $4  }
0x327: {  	[tilespmem:s4+$0xD130] =	vst v6;
	v6 =	vmin.f32 v7, $1.000000000e+00;
	v7 =	vmax.f32 v61, $0.0e+00  }
0x328: {  	[tilespmem:s4+$0xD140] =	vst v6;
	v6 =	vmin.f32 v7, $1.000000000e+00;
	v7 =	vmax.f32 v63, $0.0e+00  }
0x329: {  	[tilespmem:s4+$0xD150] =	vst v6;
	v6 =	vmin.f32 v7, $1.000000000e+00  }
0x32a: {  	[tilespmem:s4+$0xD160] =	vst v6  }
0x32b: {  	s9 =	sadd.s32 $0x0, s20  }
0x32c: {  	p0 =	slt.s32 s9, $0xFF  }
0x32d: {  	s9 =	simm.s32 @!p0 $0xFF  }
0x32e: {  	s10 =	sshll.u32 s9, $0x4  }
0x32f: {  	s4 =	scvt.s32.f32 s10  }
0x330: {  	s7 =	scvt.s32.f32 s7  }
0x331: {  	v7 =	vadd.f32 s4, v5  }
0x332: {  	v6 =	vmov s7  }
0x333: {  	v8 =	vsub.f32 v7, v6;
	_ =	sdelay $0x1  }
0x334: {  	v7 =	vmul.f32 v8, v8;
	_ =	sdelay $0x1  }
0x335: {  	v7 =	vsub.f32 $0.0e+00, v7;
	_ =	sdelay $0x1  }
0x336: {  	s4 =	sadd.s32 $0x1, s20;
	v7 =	vmul.f32 $1.249999970e-03, v7  }
0x337: {  	p0 =	slt.s32 s4, $0xFF  }
0x338: {  	s4 =	simm.s32 @!p0 $0xFF;
	v7 =	vmul.f32 $1.442695020e+00, v7  }
0x339: {  	s7 =	sshll.u32 s4, $0x4  }
0x33a: {  	s11 =	scvt.s32.f32 s7;
	(erf) = vpow2.f32 v7;
	_ =	sdelay $0x1  }
0x33b: {  	v7 =	vadd.f32 s11, v5;
	_ =	sdelay $0x1  }
0x33c: {  	v7 =	vsub.f32 v7, v6;
	_ =	sdelay $0x1  }
0x33d: {  	v9 =	vmul.f32 v7, v7  }
0x33e: {  	vm0 =	vgt.f32 v8, $5.000000000e-01;
	vm1 =	vlt.f32 v8, $1.285000000e+02;
	v8 =	vld [tilespmem:s10+$0x0]  }
0x33f: {  	s9 =	sshll.u32 s9, $0x6;
	v9 =	vsub.f32 $0.0e+00, v9  }
0x340: {  	s30 =	sand.u32 $0x70, s10;
	s15 =	sand.u32 $0x3E00, s9;
	v11 =	vpop (erf)  }
0x341: {  	s12 =	simm.s32 $0x3;
	s9 =	sadd.s32 $0x2, s20;
	s15 =	sor.u32 s15, s30;
	vm0 =	vmand vm0, vm1;
	v10 =	vmul.f32 $1.249999970e-03, v9;
	v9 =	vmul.f32 $9.999999770e-03, v11  }
.LBB2_47:
0x342: {  	p0 =	sne.s32 s12, $0x8;
	p1 =	slt.s32 s9, $0xFF;
	v11 =	vsel vm0, $0x3F800000, v4;
	v12 =	vld [tilespmem:s15+$0x9100]  }
0x343: {  	s9 =	simm.s32 @!p1 $0xFF;
	v10 =	vmul.f32 $1.442695020e+00, v10;
	vm0 =	vge.f32 v8, $1.000000000e+00;
	v8 =	vmul.f32 v9, v11  }
0x344: {  	s10 =	sshll.u32 s9, $0x4;
	v9 =	vsel vm0, $0x3F800000, v4  }
0x345: {  	s11 =	scvt.s32.f32 s10;
	(erf) = vpow2.f32 v10;
	v8 =	vmul.f32 v9, v8;
	_ =	sdelay $0x1  }
0x346: {  	v9 =	vadd.f32 s11, v5;
	v8 =	vadd.f32 v8, v12;
	_ =	sdelay $0x1  }
0x347: {  	v9 =	vsub.f32 v9, v6;
	v8 =	vmax.f32 v8, $0.0e+00  }
0x348: {  	v8 =	vmin.f32 v8, $1.000000000e+00  }
.Ltmp26:
0x349: {  	v10 =	vmul.f32 v9, v9;
	[tilespmem:s15+$0xD100] =	vst v8;
	(pc) =	sbr.rel @p0 .LBB2_47-.Ltmp26, $4  }
0x34a: {  	v8 =	vld [tilespmem:s7+$0x0]  }
0x34b: {  	s11 =	sshll.u32 s4, $0x6;
	s4 =	smov.u32 s9;
	v10 =	vsub.f32 $0.0e+00, v10  }
0x34c: {  	vm1 =	vlt.f32 v7, $1.285000000e+02;
	vm0 =	vgt.f32 v7, $5.000000000e-01;
	s11 =	sand.u32 $0x3E00, s11;
	s15 =	sand.u32 $0x70, s7;
	v7 =	vmov v9;
	s7 =	smov.u32 s10;
	v11 =	vpop (erf)  }
0x34d: {  	vm0 =	vmand vm0, vm1;
	s9 =	sadd.s32 s12, s20;
	s12 =	sadd.s32 $0x1, s12;
	s15 =	sor.u32 s11, s15;
	v10 =	vmul.f32 $1.249999970e-03, v10;
	v9 =	vmul.f32 $9.999999770e-03, v11  }
0x34e: {  	p0 =	slt.s32 s9, $0xFF;
	v11 =	vsel vm0, $0x3F800000, v4;
	v12 =	vld [tilespmem:s15+$0x9100]  }
0x34f: {  	s9 =	simm.s32 @!p0 $0xFF;
	v10 =	vmul.f32 $1.442695020e+00, v10;
	vm10 =	vge.f32 v8, $1.000000000e+00;
	v57 =	vmul.f32 v9, v11  }
0x350: {  	s10 =	sshll.u32 s9, $0x4;
	v58 =	vsel vm10, $0x3F800000, v4  }
0x351: {  	s11 =	scvt.s32.f32 s10;
	(erf) = vpow2.f32 v10;
	v8 =	vmul.f32 v58, v57;
	_ =	sdelay $0x1  }
0x352: {  	v59 =	vadd.f32 s11, v5;
	v8 =	vadd.f32 v8, v12;
	_ =	sdelay $0x1  }
0x353: {  	v6 =	vsub.f32 v59, v6;
	v8 =	vmax.f32 v8, $0.0e+00  }
0x354: {  	v8 =	vmin.f32 v8, $1.000000000e+00  }
0x355: {  	v9 =	vmul.f32 v6, v6;
	[tilespmem:s15+$0xD100] =	vst v8  }
0x356: {  	v8 =	vld [tilespmem:s7+$0x0]  }
0x357: {  	s4 =	sshll.u32 s4, $0x6;
	v9 =	vsub.f32 $0.0e+00, v9  }
0x358: {  	vm11 =	vgt.f32 v7, $5.000000000e-01;
	vm1 =	vlt.f32 v7, $1.285000000e+02;
	s24 =	sand.u32 $0x70, s7;
	s4 =	sand.u32 $0x3E00, s4;
	v7 =	vpop (erf)  }
0x359: {  	vm0 =	vmand vm11, vm1;
	s4 =	sor.u32 s4, s24;
	v9 =	vmul.f32 $1.249999970e-03, v9;
	v7 =	vmul.f32 $9.999999770e-03, v7  }
0x35a: {  	v60 =	vsel vm0, $0x3F800000, v4;
	v61 =	vld [tilespmem:s4+$0x9100]  }
0x35b: {  	v9 =	vmul.f32 $1.442695020e+00, v9;
	vm12 =	vge.f32 v8, $1.000000000e+00;
	v7 =	vmul.f32 v7, v60  }
0x35c: {  	v8 =	vsel vm12, $0x3F800000, v4  }
0x35d: {  	(erf) = vpow2.f32 v9;
	v7 =	vmul.f32 v8, v7;
	_ =	sdelay $0x1  }
0x35e: {  	v7 =	vadd.f32 v7, v61;
	_ =	sdelay $0x1  }
0x35f: {  	v7 =	vmax.f32 v7, $0.0e+00  }
0x360: {  	v7 =	vmin.f32 v7, $1.000000000e+00  }
0x361: {  	[tilespmem:s4+$0xD100] =	vst v7  }
0x362: {  	v7 =	vld [tilespmem:s10+$0x0]  }
0x363: {  	s29 =	sshll.u32 s9, $0x6  }
0x364: {  	s30 =	sand.u32 $0x70, s10;
	vm13 =	vgt.f32 v6, $5.000000000e-01;
	vm14 =	vlt.f32 v6, $1.285000000e+02;
	s4 =	sand.u32 $0x3E00, s29;
	v6 =	vpop (erf)  }
0x365: {  	vm0 =	vmand vm13, vm14;
	s4 =	sor.u32 s4, s30;
	v6 =	vmul.f32 $9.999999770e-03, v6  }
0x366: {  	v62 =	vsel vm0, $0x3F800000, v4;
	v63 =	vld [tilespmem:s4+$0x9100]  }
0x367: {  	vm15 =	vge.f32 v7, $1.000000000e+00;
	v6 =	vmul.f32 v6, v62  }
0x368: {  	v7 =	vsel vm15, $0x3F800000, v4  }
0x369: {  	v6 =	vmul.f32 v7, v6;
	_ =	sdelay $0x1  }
0x36a: {  	v6 =	vadd.f32 v6, v63;
	_ =	sdelay $0x1  }
0x36b: {  	v6 =	vmax.f32 v6, $0.0e+00  }
0x36c: {  	v6 =	vmin.f32 v6, $1.000000000e+00  }
0x36d: {  	[tilespmem:s4+$0xD100] =	vst v6  }
.LBB2_49:
0x36e: {  	s4 =	sshll.u32 s2, $0x9  }
0x36f: {  	s4 =	sand.u32 $0x1FF000, s4  }
0x370: {  	s7 =	simm.s32 $0x0;
	s12 =	simm.s32 $0xD080;
	s9 =	sadd.s32 s4, s13  }
0x371: {  	s15 =	simm.s32 $0x80;
	s24 =	simm.s32 $0xD280;
	s10 =	sadd.s32 $0x0, s9  }
.LBB2_50:
0x372: {  	[hbm4b:s10+s7] =	stream.linear.scatter [tilespmem:s12], [sflag:$0x4], $0x100, $0x38;
	[tilespmem:$0x11080] =	vst v63  }
0x373: {  	s10 =	smov.u32 s15;
	s12 =	smov.u32 s24;
	p0 =	sne.s32 s15, $0xF80  }
.Ltmp27:
0x374: {  	s15 =	sadd.s32 $0x80, s15;
	(pc) =	sbr.rel @p0 .LBB2_50-.Ltmp27, $2  }
0x375: {  	_ =	sdelay $0x2  }
0x376: {  	s24 =	sadd.s32 $0x200, s24;
	s10 =	sadd.s32 s10, s9  }
0x377: {  	[hbm4b:s10+s7] =	stream.linear.scatter [tilespmem:s12], [sflag:$0x4], $0x100, $0x38;
	[tilespmem:$0x11080] =	vst v63  }
0x378: {  	s9 =	simm.s32 $0x0  }
0x379: {  	v6 =	vld [tilespmem:s9+$0x91F0]  }
0x37a: {  	v8 =	vld [tilespmem:s9+$0x9180]  }
0x37b: {  	v12 =	vld [tilespmem:s9+$0x9190]  }
0x37c: {  	v10 =	vld [tilespmem:s9+$0x91A0]  }
0x37d: {  	v9 =	vld [tilespmem:s9+$0x91B0]  }
0x37e: {  	v7 =	vld [tilespmem:s9+$0x91C0];
	v11 =	vmax.f32 v6, $0.0e+00  }
0x37f: {  	v6 =	vld [tilespmem:s9+$0x91D0];
	v13 =	vmax.f32 v8, $0.0e+00;
	v14 =	vmin.f32 v11, $1.000000000e+00  }
0x380: {  	s7 =	simm.s32 $0x200;
	s12 =	simm.s32 $0x1000;
	v8 =	vld [tilespmem:s9+$0x91E0];
	v12 =	vmax.f32 v12, $0.0e+00;
	v11 =	vmin.f32 v13, $1.000000000e+00;
	[tilespmem:s9+$0xD1F0] =	vst v14  }
.LBB2_52:
0x381: {  	p0 =	sne.s32 s12, $0xF800;
	v13 =	vld [tilespmem:s7+$0x91F0];
	[tilespmem:s9+$0xD180] =	vst v11;
	v11 =	vmin.f32 v12, $1.000000000e+00;
	v10 =	vmax.f32 v10, $0.0e+00  }
0x382: {  	v12 =	vld [tilespmem:s7+$0x9180];
	[tilespmem:s9+$0xD190] =	vst v11;
	v10 =	vmin.f32 v10, $1.000000000e+00;
	v9 =	vmax.f32 v9, $0.0e+00  }
0x383: {  	v14 =	vld [tilespmem:s7+$0x9190];
	[tilespmem:s9+$0xD1A0] =	vst v10;
	v9 =	vmin.f32 v9, $1.000000000e+00;
	v7 =	vmax.f32 v7, $0.0e+00  }
.Ltmp28:
0x384: {  	v10 =	vld [tilespmem:s7+$0x91A0];
	[tilespmem:s9+$0xD1B0] =	vst v9;
	v7 =	vmin.f32 v7, $1.000000000e+00;
	v6 =	vmax.f32 v6, $0.0e+00;
	(pc) =	sbr.rel @p0 .LBB2_52-.Ltmp28, $4  }
0x385: {  	v9 =	vld [tilespmem:s7+$0x91B0];
	[tilespmem:s9+$0xD1C0] =	vst v7;
	v6 =	vmin.f32 v6, $1.000000000e+00;
	v8 =	vmax.f32 v8, $0.0e+00  }
0x386: {  	v7 =	vld [tilespmem:s7+$0x91C0];
	v11 =	vmax.f32 v13, $0.0e+00;
	[tilespmem:s9+$0xD1D0] =	vst v6;
	v8 =	vmin.f32 v8, $1.000000000e+00  }
0x387: {  	v12 =	vmax.f32 v12, $0.0e+00;
	v6 =	vld [tilespmem:s7+$0x91D0];
	v13 =	vmin.f32 v11, $1.000000000e+00;
	[tilespmem:s9+$0xD1E0] =	vst v8;
	s9 =	smov.u32 s7  }
0x388: {  	s7 =	sshra.s32 s12, $0x2;
	s12 =	sadd.s32 $0x800, s12;
	v11 =	vmin.f32 v12, $1.000000000e+00;
	v12 =	vmax.f32 v14, $0.0e+00;
	v8 =	vld [tilespmem:s9+$0x91E0];
	[tilespmem:s9+$0xD1F0] =	vst v13  }
0x389: {  	v13 =	vld [tilespmem:s7+$0x91F0];
	[tilespmem:s9+$0xD180] =	vst v11;
	v59 =	vmin.f32 v12, $1.000000000e+00;
	v10 =	vmax.f32 v10, $0.0e+00  }
0x38a: {  	v60 =	vld [tilespmem:s7+$0x9180];
	[tilespmem:s9+$0xD190] =	vst v59;
	v10 =	vmin.f32 v10, $1.000000000e+00;
	v9 =	vmax.f32 v9, $0.0e+00  }
0x38b: {  	v11 =	vld [tilespmem:s7+$0x9190];
	[tilespmem:s9+$0xD1A0] =	vst v10;
	v9 =	vmin.f32 v9, $1.000000000e+00;
	v7 =	vmax.f32 v7, $0.0e+00  }
0x38c: {  	v10 =	vld [tilespmem:s7+$0x91A0];
	[tilespmem:s9+$0xD1B0] =	vst v9;
	v7 =	vmin.f32 v7, $1.000000000e+00;
	v6 =	vmax.f32 v6, $0.0e+00  }
0x38d: {  	v9 =	vld [tilespmem:s7+$0x91B0];
	[tilespmem:s9+$0xD1C0] =	vst v7;
	v6 =	vmin.f32 v6, $1.000000000e+00;
	v8 =	vmax.f32 v8, $0.0e+00  }
0x38e: {  	v7 =	vld [tilespmem:s7+$0x91C0];
	[tilespmem:s9+$0xD1D0] =	vst v6;
	v6 =	vmin.f32 v8, $1.000000000e+00  }
0x38f: {  	v61 =	vld [tilespmem:s7+$0x91D0];
	[tilespmem:s9+$0xD1E0] =	vst v6;
	s9 =	sor.u32 $0x2, s2  }
0x390: {  	v13 =	vmax.f32 v13, $0.0e+00;
	s10 =	sand.u32 $0x7E, s9  }
0x391: {  	v6 =	vmax.f32 v60, $0.0e+00;
	v62 =	vmin.f32 v13, $1.000000000e+00;
	s10 =	sld [smem:s10+$0x0]  }
0x392: {  	v63 =	vld [tilespmem:s7+$0x91E0];
	v6 =	vmin.f32 v6, $1.000000000e+00;
	v11 =	vmax.f32 v11, $0.0e+00;
	[tilespmem:s7+$0xD1F0] =	vst v62  }
0x393: {  	[tilespmem:s7+$0xD180] =	vst v6;
	v6 =	vmin.f32 v11, $1.000000000e+00;
	v10 =	vmax.f32 v10, $0.0e+00  }
0x394: {  	[tilespmem:s7+$0xD190] =	vst v6;
	v6 =	vmin.f32 v10, $1.000000000e+00;
	v9 =	vmax.f32 v9, $0.0e+00;
	p0 =	sgt.f32 s10, $5.000000000e-01  }
.Ltmp29:
0x395: {  	[tilespmem:s7+$0xD1A0] =	vst v6;
	v6 =	vmin.f32 v9, $1.000000000e+00;
	v7 =	vmax.f32 v7, $0.0e+00;
	(pc) =	sbr.rel @!p0 .LBB2_57-.Ltmp29, $4  }
0x396: {  	[tilespmem:s7+$0xD1B0] =	vst v6;
	v6 =	vmin.f32 v7, $1.000000000e+00;
	v7 =	vmax.f32 v61, $0.0e+00  }
0x397: {  	[tilespmem:s7+$0xD1C0] =	vst v6;
	v6 =	vmin.f32 v7, $1.000000000e+00;
	v7 =	vmax.f32 v63, $0.0e+00  }
0x398: {  	[tilespmem:s7+$0xD1D0] =	vst v6;
	v6 =	vmin.f32 v7, $1.000000000e+00  }
0x399: {  	[tilespmem:s7+$0xD1E0] =	vst v6  }
0x39a: {  	s10 =	sadd.s32 $0x0, s20  }
0x39b: {  	p0 =	slt.s32 s10, $0xFF  }
0x39c: {  	s10 =	simm.s32 @!p0 $0xFF  }
0x39d: {  	s11 =	sshll.u32 s10, $0x4  }
0x39e: {  	s7 =	scvt.s32.f32 s11  }
0x39f: {  	s9 =	scvt.s32.f32 s9  }
0x3a0: {  	v7 =	vadd.f32 s7, v5  }
0x3a1: {  	v6 =	vmov s9  }
0x3a2: {  	v8 =	vsub.f32 v7, v6;
	_ =	sdelay $0x1  }
0x3a3: {  	v7 =	vmul.f32 v8, v8;
	_ =	sdelay $0x1  }
0x3a4: {  	v7 =	vsub.f32 $0.0e+00, v7;
	_ =	sdelay $0x1  }
0x3a5: {  	s7 =	sadd.s32 $0x1, s20;
	v7 =	vmul.f32 $1.249999970e-03, v7  }
0x3a6: {  	p0 =	slt.s32 s7, $0xFF  }
0x3a7: {  	s7 =	simm.s32 @!p0 $0xFF;
	v7 =	vmul.f32 $1.442695020e+00, v7  }
0x3a8: {  	s9 =	sshll.u32 s7, $0x4  }
0x3a9: {  	s12 =	scvt.s32.f32 s9;
	(erf) = vpow2.f32 v7;
	_ =	sdelay $0x1  }
0x3aa: {  	v7 =	vadd.f32 s12, v5;
	_ =	sdelay $0x1  }
0x3ab: {  	v7 =	vsub.f32 v7, v6;
	_ =	sdelay $0x1  }
0x3ac: {  	v9 =	vmul.f32 v7, v7  }
0x3ad: {  	vm0 =	vgt.f32 v8, $5.000000000e-01;
	vm1 =	vlt.f32 v8, $1.285000000e+02;
	v8 =	vld [tilespmem:s11+$0x0]  }
0x3ae: {  	s10 =	sshll.u32 s10, $0x6;
	v9 =	vsub.f32 $0.0e+00, v9  }
0x3af: {  	s24 =	sand.u32 $0x70, s11;
	s10 =	sand.u32 $0x3E00, s10;
	v11 =	vpop (erf)  }
0x3b0: {  	s15 =	sadd.s32 $0x2, s20;
	s24 =	sor.u32 s10, s24;
	vm0 =	vmand vm0, vm1;
	s12 =	simm.s32 $0x3;
	v10 =	vmul.f32 $1.249999970e-03, v9;
	v9 =	vmul.f32 $9.999999770e-03, v11  }
.LBB2_55:
0x3b1: {  	p0 =	sne.s32 s12, $0x8;
	p1 =	slt.s32 s15, $0xFF;
	v11 =	vsel vm0, $0x3F800000, v4;
	v12 =	vld [tilespmem:s24+$0x9180]  }
0x3b2: {  	s15 =	simm.s32 @!p1 $0xFF;
	v10 =	vmul.f32 $1.442695020e+00, v10;
	vm0 =	vge.f32 v8, $1.000000000e+00;
	v8 =	vmul.f32 v9, v11  }
0x3b3: {  	s10 =	sshll.u32 s15, $0x4;
	v9 =	vsel vm0, $0x3F800000, v4  }
0x3b4: {  	s11 =	scvt.s32.f32 s10;
	(erf) = vpow2.f32 v10;
	v8 =	vmul.f32 v9, v8;
	_ =	sdelay $0x1  }
0x3b5: {  	v9 =	vadd.f32 s11, v5;
	v8 =	vadd.f32 v8, v12;
	_ =	sdelay $0x1  }
0x3b6: {  	v9 =	vsub.f32 v9, v6;
	v8 =	vmax.f32 v8, $0.0e+00  }
0x3b7: {  	v8 =	vmin.f32 v8, $1.000000000e+00  }
.Ltmp30:
0x3b8: {  	v10 =	vmul.f32 v9, v9;
	[tilespmem:s24+$0xD180] =	vst v8;
	(pc) =	sbr.rel @p0 .LBB2_55-.Ltmp30, $4  }
0x3b9: {  	v8 =	vld [tilespmem:s9+$0x0]  }
0x3ba: {  	s11 =	sshll.u32 s7, $0x6;
	s7 =	smov.u32 s15;
	v10 =	vsub.f32 $0.0e+00, v10  }
0x3bb: {  	vm1 =	vlt.f32 v7, $1.285000000e+02;
	vm0 =	vgt.f32 v7, $5.000000000e-01;
	s11 =	sand.u32 $0x3E00, s11;
	s24 =	sand.u32 $0x70, s9;
	v7 =	vmov v9;
	s9 =	smov.u32 s10;
	v11 =	vpop (erf)  }
0x3bc: {  	vm0 =	vmand vm0, vm1;
	s15 =	sadd.s32 s12, s20;
	s12 =	sadd.s32 $0x1, s12;
	s24 =	sor.u32 s11, s24;
	v10 =	vmul.f32 $1.249999970e-03, v10;
	v9 =	vmul.f32 $9.999999770e-03, v11  }
0x3bd: {  	p0 =	slt.s32 s15, $0xFF;
	v11 =	vsel vm0, $0x3F800000, v4;
	v12 =	vld [tilespmem:s24+$0x9180]  }
0x3be: {  	s15 =	simm.s32 @!p0 $0xFF;
	v10 =	vmul.f32 $1.442695020e+00, v10;
	vm10 =	vge.f32 v8, $1.000000000e+00;
	v57 =	vmul.f32 v9, v11  }
0x3bf: {  	s10 =	sshll.u32 s15, $0x4;
	v58 =	vsel vm10, $0x3F800000, v4  }
0x3c0: {  	s11 =	scvt.s32.f32 s10;
	(erf) = vpow2.f32 v10;
	v8 =	vmul.f32 v58, v57;
	_ =	sdelay $0x1  }
0x3c1: {  	v59 =	vadd.f32 s11, v5;
	v8 =	vadd.f32 v8, v12;
	_ =	sdelay $0x1  }
0x3c2: {  	v6 =	vsub.f32 v59, v6;
	v8 =	vmax.f32 v8, $0.0e+00  }
0x3c3: {  	v8 =	vmin.f32 v8, $1.000000000e+00  }
0x3c4: {  	v9 =	vmul.f32 v6, v6;
	[tilespmem:s24+$0xD180] =	vst v8  }
0x3c5: {  	v8 =	vld [tilespmem:s9+$0x0]  }
0x3c6: {  	s7 =	sshll.u32 s7, $0x6;
	v9 =	vsub.f32 $0.0e+00, v9  }
0x3c7: {  	vm11 =	vgt.f32 v7, $5.000000000e-01;
	vm1 =	vlt.f32 v7, $1.285000000e+02;
	s7 =	sand.u32 $0x3E00, s7;
	s24 =	sand.u32 $0x70, s9;
	v7 =	vpop (erf)  }
0x3c8: {  	vm0 =	vmand vm11, vm1;
	s7 =	sor.u32 s7, s24;
	v9 =	vmul.f32 $1.249999970e-03, v9;
	v7 =	vmul.f32 $9.999999770e-03, v7  }
0x3c9: {  	v60 =	vsel vm0, $0x3F800000, v4;
	v61 =	vld [tilespmem:s7+$0x9180]  }
0x3ca: {  	v9 =	vmul.f32 $1.442695020e+00, v9;
	vm12 =	vge.f32 v8, $1.000000000e+00;
	v7 =	vmul.f32 v7, v60  }
0x3cb: {  	v8 =	vsel vm12, $0x3F800000, v4  }
0x3cc: {  	(erf) = vpow2.f32 v9;
	v7 =	vmul.f32 v8, v7;
	_ =	sdelay $0x1  }
0x3cd: {  	v7 =	vadd.f32 v7, v61;
	_ =	sdelay $0x1  }
0x3ce: {  	v7 =	vmax.f32 v7, $0.0e+00  }
0x3cf: {  	v7 =	vmin.f32 v7, $1.000000000e+00  }
0x3d0: {  	[tilespmem:s7+$0xD180] =	vst v7  }
0x3d1: {  	v7 =	vld [tilespmem:s10+$0x0]  }
0x3d2: {  	s29 =	sshll.u32 s15, $0x6  }
0x3d3: {  	s30 =	sand.u32 $0x70, s10;
	vm13 =	vgt.f32 v6, $5.000000000e-01;
	vm14 =	vlt.f32 v6, $1.285000000e+02;
	s7 =	sand.u32 $0x3E00, s29;
	v6 =	vpop (erf)  }
0x3d4: {  	vm0 =	vmand vm13, vm14;
	s7 =	sor.u32 s7, s30;
	v6 =	vmul.f32 $9.999999770e-03, v6  }
0x3d5: {  	v62 =	vsel vm0, $0x3F800000, v4;
	v63 =	vld [tilespmem:s7+$0x9180]  }
0x3d6: {  	vm15 =	vge.f32 v7, $1.000000000e+00;
	v6 =	vmul.f32 v6, v62  }
0x3d7: {  	v7 =	vsel vm15, $0x3F800000, v4  }
0x3d8: {  	v6 =	vmul.f32 v7, v6;
	_ =	sdelay $0x1  }
0x3d9: {  	v6 =	vadd.f32 v6, v63;
	_ =	sdelay $0x1  }
0x3da: {  	v6 =	vmax.f32 v6, $0.0e+00  }
0x3db: {  	v6 =	vmin.f32 v6, $1.000000000e+00  }
0x3dc: {  	[tilespmem:s7+$0xD180] =	vst v6  }
.LBB2_57:
0x3dd: {  	s9 =	simm.s32 $0x0  }
0x3de: {  	v6 =	vld [tilespmem:s9+$0x9270]  }
0x3df: {  	v8 =	vld [tilespmem:s9+$0x9200]  }
0x3e0: {  	v12 =	vld [tilespmem:s9+$0x9210]  }
0x3e1: {  	v10 =	vld [tilespmem:s9+$0x9220]  }
0x3e2: {  	v9 =	vld [tilespmem:s9+$0x9230]  }
0x3e3: {  	v7 =	vld [tilespmem:s9+$0x9240];
	v11 =	vmax.f32 v6, $0.0e+00  }
0x3e4: {  	v6 =	vld [tilespmem:s9+$0x9250];
	v13 =	vmax.f32 v8, $0.0e+00;
	v14 =	vmin.f32 v11, $1.000000000e+00  }
0x3e5: {  	s7 =	simm.s32 $0x200;
	s12 =	simm.s32 $0x1000;
	v8 =	vld [tilespmem:s9+$0x9260];
	v12 =	vmax.f32 v12, $0.0e+00;
	v11 =	vmin.f32 v13, $1.000000000e+00;
	[tilespmem:s9+$0xD270] =	vst v14  }
.LBB2_58:
0x3e6: {  	p0 =	sne.s32 s12, $0xF800;
	v13 =	vld [tilespmem:s7+$0x9270];
	[tilespmem:s9+$0xD200] =	vst v11;
	v11 =	vmin.f32 v12, $1.000000000e+00;
	v10 =	vmax.f32 v10, $0.0e+00  }
0x3e7: {  	v12 =	vld [tilespmem:s7+$0x9200];
	[tilespmem:s9+$0xD210] =	vst v11;
	v10 =	vmin.f32 v10, $1.000000000e+00;
	v9 =	vmax.f32 v9, $0.0e+00  }
0x3e8: {  	v14 =	vld [tilespmem:s7+$0x9210];
	[tilespmem:s9+$0xD220] =	vst v10;
	v9 =	vmin.f32 v9, $1.000000000e+00;
	v7 =	vmax.f32 v7, $0.0e+00  }
.Ltmp31:
0x3e9: {  	v10 =	vld [tilespmem:s7+$0x9220];
	[tilespmem:s9+$0xD230] =	vst v9;
	v7 =	vmin.f32 v7, $1.000000000e+00;
	v6 =	vmax.f32 v6, $0.0e+00;
	(pc) =	sbr.rel @p0 .LBB2_58-.Ltmp31, $4  }
0x3ea: {  	v9 =	vld [tilespmem:s7+$0x9230];
	[tilespmem:s9+$0xD240] =	vst v7;
	v6 =	vmin.f32 v6, $1.000000000e+00;
	v8 =	vmax.f32 v8, $0.0e+00  }
0x3eb: {  	v7 =	vld [tilespmem:s7+$0x9240];
	v11 =	vmax.f32 v13, $0.0e+00;
	[tilespmem:s9+$0xD250] =	vst v6;
	v8 =	vmin.f32 v8, $1.000000000e+00  }
0x3ec: {  	v12 =	vmax.f32 v12, $0.0e+00;
	v6 =	vld [tilespmem:s7+$0x9250];
	v13 =	vmin.f32 v11, $1.000000000e+00;
	[tilespmem:s9+$0xD260] =	vst v8;
	s9 =	smov.u32 s7  }
0x3ed: {  	s7 =	sshra.s32 s12, $0x2;
	s12 =	sadd.s32 $0x800, s12;
	v11 =	vmin.f32 v12, $1.000000000e+00;
	v12 =	vmax.f32 v14, $0.0e+00;
	v8 =	vld [tilespmem:s9+$0x9260];
	[tilespmem:s9+$0xD270] =	vst v13  }
0x3ee: {  	v13 =	vld [tilespmem:s7+$0x9270];
	[tilespmem:s9+$0xD200] =	vst v11;
	v59 =	vmin.f32 v12, $1.000000000e+00;
	v10 =	vmax.f32 v10, $0.0e+00  }
0x3ef: {  	v60 =	vld [tilespmem:s7+$0x9200];
	[tilespmem:s9+$0xD210] =	vst v59;
	v10 =	vmin.f32 v10, $1.000000000e+00;
	v9 =	vmax.f32 v9, $0.0e+00  }
0x3f0: {  	v11 =	vld [tilespmem:s7+$0x9210];
	[tilespmem:s9+$0xD220] =	vst v10;
	v9 =	vmin.f32 v9, $1.000000000e+00;
	v7 =	vmax.f32 v7, $0.0e+00  }
0x3f1: {  	v10 =	vld [tilespmem:s7+$0x9220];
	[tilespmem:s9+$0xD230] =	vst v9;
	v7 =	vmin.f32 v7, $1.000000000e+00;
	v6 =	vmax.f32 v6, $0.0e+00  }
0x3f2: {  	s2 =	sor.u32 $0x3, s2;
	v9 =	vld [tilespmem:s7+$0x9230];
	[tilespmem:s9+$0xD240] =	vst v7;
	v6 =	vmin.f32 v6, $1.000000000e+00;
	v8 =	vmax.f32 v8, $0.0e+00  }
0x3f3: {  	s30 =	sand.u32 $0x7F, s2;
	v7 =	vld [tilespmem:s7+$0x9240];
	[tilespmem:s9+$0xD250] =	vst v6;
	v6 =	vmin.f32 v8, $1.000000000e+00;
	v13 =	vmax.f32 v13, $0.0e+00  }
0x3f4: {  	v61 =	vld [tilespmem:s7+$0x9250];
	[tilespmem:s9+$0xD260] =	vst v6;
	v6 =	vmax.f32 v60, $0.0e+00;
	v62 =	vmin.f32 v13, $1.000000000e+00;
	s9 =	sld [smem:s30+$0x0]  }
0x3f5: {  	v63 =	vld [tilespmem:s7+$0x9260];
	v6 =	vmin.f32 v6, $1.000000000e+00;
	v11 =	vmax.f32 v11, $0.0e+00;
	[tilespmem:s7+$0xD270] =	vst v62  }
0x3f6: {  	[tilespmem:s7+$0xD200] =	vst v6;
	v6 =	vmin.f32 v11, $1.000000000e+00;
	v10 =	vmax.f32 v10, $0.0e+00  }
0x3f7: {  	[tilespmem:s7+$0xD210] =	vst v6;
	v6 =	vmin.f32 v10, $1.000000000e+00;
	v9 =	vmax.f32 v9, $0.0e+00;
	p0 =	sgt.f32 s9, $5.000000000e-01  }
.Ltmp32:
0x3f8: {  	[tilespmem:s7+$0xD220] =	vst v6;
	v6 =	vmin.f32 v9, $1.000000000e+00;
	v7 =	vmax.f32 v7, $0.0e+00;
	(pc) =	sbr.rel @!p0 .LBB2_63-.Ltmp32, $4  }
0x3f9: {  	[tilespmem:s7+$0xD230] =	vst v6;
	v6 =	vmin.f32 v7, $1.000000000e+00;
	v7 =	vmax.f32 v61, $0.0e+00  }
0x3fa: {  	[tilespmem:s7+$0xD240] =	vst v6;
	v6 =	vmin.f32 v7, $1.000000000e+00;
	v7 =	vmax.f32 v63, $0.0e+00  }
0x3fb: {  	[tilespmem:s7+$0xD250] =	vst v6;
	v6 =	vmin.f32 v7, $1.000000000e+00  }
0x3fc: {  	[tilespmem:s7+$0xD260] =	vst v6  }
0x3fd: {  	s9 =	sadd.s32 $0x0, s19  }
0x3fe: {  	p0 =	slt.s32 s9, $0xFF  }
0x3ff: {  	s9 =	simm.s32 @!p0 $0xFF  }
0x400: {  	s10 =	sshll.u32 s9, $0x4  }
0x401: {  	s7 =	scvt.s32.f32 s10  }
0x402: {  	s2 =	scvt.s32.f32 s2  }
0x403: {  	v7 =	vadd.f32 s7, v5  }
0x404: {  	v6 =	vmov s2  }
0x405: {  	v8 =	vsub.f32 v7, v6;
	_ =	sdelay $0x1  }
0x406: {  	v7 =	vmul.f32 v8, v8;
	_ =	sdelay $0x1  }
0x407: {  	v7 =	vsub.f32 $0.0e+00, v7;
	_ =	sdelay $0x1  }
0x408: {  	s2 =	sadd.s32 $0x1, s19;
	v7 =	vmul.f32 $1.249999970e-03, v7  }
0x409: {  	p0 =	slt.s32 s2, $0xFF  }
0x40a: {  	s2 =	simm.s32 @!p0 $0xFF;
	v7 =	vmul.f32 $1.442695020e+00, v7  }
0x40b: {  	s7 =	sshll.u32 s2, $0x4  }
0x40c: {  	s11 =	scvt.s32.f32 s7;
	(erf) = vpow2.f32 v7;
	_ =	sdelay $0x1  }
0x40d: {  	v7 =	vadd.f32 s11, v5;
	_ =	sdelay $0x1  }
0x40e: {  	v7 =	vsub.f32 v7, v6;
	_ =	sdelay $0x1  }
0x40f: {  	v9 =	vmul.f32 v7, v7  }
0x410: {  	vm0 =	vgt.f32 v8, $5.000000000e-01;
	vm1 =	vlt.f32 v8, $1.285000000e+02;
	v8 =	vld [tilespmem:s10+$0x0]  }
0x411: {  	s9 =	sshll.u32 s9, $0x6;
	v9 =	vsub.f32 $0.0e+00, v9  }
0x412: {  	s30 =	sand.u32 $0x70, s10;
	s15 =	sand.u32 $0x3E00, s9;
	v11 =	vpop (erf)  }
0x413: {  	s12 =	simm.s32 $0x3;
	s9 =	sadd.s32 $0x2, s19;
	s15 =	sor.u32 s15, s30;
	vm0 =	vmand vm0, vm1;
	v10 =	vmul.f32 $1.249999970e-03, v9;
	v9 =	vmul.f32 $9.999999770e-03, v11  }
.LBB2_61:
0x414: {  	p0 =	sne.s32 s12, $0x8;
	p1 =	slt.s32 s9, $0xFF;
	v11 =	vsel vm0, $0x3F800000, v4;
	v12 =	vld [tilespmem:s15+$0x9200]  }
0x415: {  	s9 =	simm.s32 @!p1 $0xFF;
	v10 =	vmul.f32 $1.442695020e+00, v10;
	vm0 =	vge.f32 v8, $1.000000000e+00;
	v8 =	vmul.f32 v9, v11  }
0x416: {  	s10 =	sshll.u32 s9, $0x4;
	v9 =	vsel vm0, $0x3F800000, v4  }
0x417: {  	s11 =	scvt.s32.f32 s10;
	(erf) = vpow2.f32 v10;
	v8 =	vmul.f32 v9, v8;
	_ =	sdelay $0x1  }
0x418: {  	v9 =	vadd.f32 s11, v5;
	v8 =	vadd.f32 v8, v12;
	_ =	sdelay $0x1  }
0x419: {  	v9 =	vsub.f32 v9, v6;
	v8 =	vmax.f32 v8, $0.0e+00  }
0x41a: {  	v8 =	vmin.f32 v8, $1.000000000e+00  }
.Ltmp33:
0x41b: {  	v10 =	vmul.f32 v9, v9;
	[tilespmem:s15+$0xD200] =	vst v8;
	(pc) =	sbr.rel @p0 .LBB2_61-.Ltmp33, $4  }
0x41c: {  	v8 =	vld [tilespmem:s7+$0x0]  }
0x41d: {  	s11 =	sshll.u32 s2, $0x6;
	s2 =	smov.u32 s9;
	v10 =	vsub.f32 $0.0e+00, v10  }
0x41e: {  	vm1 =	vlt.f32 v7, $1.285000000e+02;
	vm0 =	vgt.f32 v7, $5.000000000e-01;
	s11 =	sand.u32 $0x3E00, s11;
	s15 =	sand.u32 $0x70, s7;
	v7 =	vmov v9;
	s7 =	smov.u32 s10;
	v11 =	vpop (erf)  }
0x41f: {  	vm0 =	vmand vm0, vm1;
	s9 =	sadd.s32 s12, s19;
	s12 =	sadd.s32 $0x1, s12;
	s15 =	sor.u32 s11, s15;
	v10 =	vmul.f32 $1.249999970e-03, v10;
	v9 =	vmul.f32 $9.999999770e-03, v11  }
0x420: {  	p0 =	slt.s32 s9, $0xFF;
	v11 =	vsel vm0, $0x3F800000, v4;
	v12 =	vld [tilespmem:s15+$0x9200]  }
0x421: {  	s9 =	simm.s32 @!p0 $0xFF;
	v10 =	vmul.f32 $1.442695020e+00, v10;
	vm10 =	vge.f32 v8, $1.000000000e+00;
	v57 =	vmul.f32 v9, v11  }
0x422: {  	s10 =	sshll.u32 s9, $0x4;
	v58 =	vsel vm10, $0x3F800000, v4  }
0x423: {  	s11 =	scvt.s32.f32 s10;
	(erf) = vpow2.f32 v10;
	v8 =	vmul.f32 v58, v57;
	_ =	sdelay $0x1  }
0x424: {  	v59 =	vadd.f32 s11, v5;
	v8 =	vadd.f32 v8, v12;
	_ =	sdelay $0x1  }
0x425: {  	v6 =	vsub.f32 v59, v6;
	v8 =	vmax.f32 v8, $0.0e+00  }
0x426: {  	v8 =	vmin.f32 v8, $1.000000000e+00  }
0x427: {  	v9 =	vmul.f32 v6, v6;
	[tilespmem:s15+$0xD200] =	vst v8  }
0x428: {  	v8 =	vld [tilespmem:s7+$0x0]  }
0x429: {  	s2 =	sshll.u32 s2, $0x6;
	v9 =	vsub.f32 $0.0e+00, v9  }
0x42a: {  	vm11 =	vgt.f32 v7, $5.000000000e-01;
	vm1 =	vlt.f32 v7, $1.285000000e+02;
	s24 =	sand.u32 $0x70, s7;
	s2 =	sand.u32 $0x3E00, s2;
	v7 =	vpop (erf)  }
0x42b: {  	vm0 =	vmand vm11, vm1;
	s2 =	sor.u32 s2, s24;
	v9 =	vmul.f32 $1.249999970e-03, v9;
	v7 =	vmul.f32 $9.999999770e-03, v7  }
0x42c: {  	v60 =	vsel vm0, $0x3F800000, v4;
	v61 =	vld [tilespmem:s2+$0x9200]  }
0x42d: {  	v9 =	vmul.f32 $1.442695020e+00, v9;
	vm12 =	vge.f32 v8, $1.000000000e+00;
	v7 =	vmul.f32 v7, v60  }
0x42e: {  	v8 =	vsel vm12, $0x3F800000, v4  }
0x42f: {  	(erf) = vpow2.f32 v9;
	v7 =	vmul.f32 v8, v7;
	_ =	sdelay $0x1  }
0x430: {  	v7 =	vadd.f32 v7, v61;
	_ =	sdelay $0x1  }
0x431: {  	v7 =	vmax.f32 v7, $0.0e+00  }
0x432: {  	v7 =	vmin.f32 v7, $1.000000000e+00  }
0x433: {  	[tilespmem:s2+$0xD200] =	vst v7  }
0x434: {  	v7 =	vld [tilespmem:s10+$0x0]  }
0x435: {  	s29 =	sshll.u32 s9, $0x6  }
0x436: {  	s30 =	sand.u32 $0x70, s10;
	vm13 =	vgt.f32 v6, $5.000000000e-01;
	vm14 =	vlt.f32 v6, $1.285000000e+02;
	s2 =	sand.u32 $0x3E00, s29;
	v6 =	vpop (erf)  }
0x437: {  	vm0 =	vmand vm13, vm14;
	s2 =	sor.u32 s2, s30;
	v6 =	vmul.f32 $9.999999770e-03, v6  }
0x438: {  	v62 =	vsel vm0, $0x3F800000, v4;
	v63 =	vld [tilespmem:s2+$0x9200]  }
0x439: {  	vm15 =	vge.f32 v7, $1.000000000e+00;
	v6 =	vmul.f32 v6, v62  }
0x43a: {  	v7 =	vsel vm15, $0x3F800000, v4  }
0x43b: {  	v6 =	vmul.f32 v7, v6;
	_ =	sdelay $0x1  }
0x43c: {  	v6 =	vadd.f32 v6, v63;
	_ =	sdelay $0x1  }
0x43d: {  	v6 =	vmax.f32 v6, $0.0e+00  }
0x43e: {  	v6 =	vmin.f32 v6, $1.000000000e+00  }
0x43f: {  	[tilespmem:s2+$0xD200] =	vst v6  }
.LBB2_63:
0x440: {  	s2 =	sadd.s32 s4, s14;
	s4 =	simm.s32 $0xD180  }
0x441: {  	s7 =	simm.s32 $0x80;
	s9 =	simm.s32 $0xD380;
	s10 =	sadd.s32 $0x0, s2  }
.LBB2_64:
0x442: {  	[hbm4b:s10+s5] =	stream.linear.scatter [tilespmem:s4], [sflag:$0x4], $0x100, $0x38;
	[tilespmem:$0x11080] =	vst v63  }
0x443: {  	s10 =	smov.u32 s7;
	s4 =	smov.u32 s9;
	p0 =	sne.s32 s7, $0xF80  }
.Ltmp34:
0x444: {  	s7 =	sadd.s32 $0x80, s7;
	(pc) =	sbr.rel @p0 .LBB2_64-.Ltmp34, $2  }
0x445: {  	_ =	sdelay $0x2  }
0x446: {  	s9 =	sadd.s32 $0x200, s9;
	s10 =	sadd.s32 s10, s2  }
0x447: {  	s31 =	sadd.s32 $0x1, s31  }
0x448: {  	p0 =	sne.s32 s31, $0x10  }
.Ltmp35:
0x449: {  	_ = 	snop;
	(pc) =	sbr.rel @p0 .LBB2_5-.Ltmp35, $3  }
0x44a: {  	_ =	sdelay $0x1  }
0x44b: {  	[hbm4b:s10+s5] =	stream.linear.scatter [tilespmem:s4], [sflag:$0x4], $0x100, $0x38;
	[tilespmem:$0x11080] =	vst v63  }
0x44c: {  	s6 =	sadd.s32 $0x8, s6;
	s16 =	sadd.s32 $0x8, s16;
	s17 =	sadd.s32 $0x8, s17  }
0x44d: {  	s2 =	simm.s32 $0x2  }
0x44e: {  	_ =	swait.ge [sflag:s2], $0x2000  }
0x44f: {  	[sflag:s2] =	ssyncset.done $0x0  }
0x450: {  	[sflag:s2] =	ssyncadd.s32 $0xFFFFE000  }
0x451: {  	_ =	swait.ge [sflag:s2], $0x2000  }
0x452: {  	[sflag:s2] =	ssyncset.done $0x0  }
0x453: {  	[sflag:s2] =	ssyncadd.s32 $0xFFFFE000  }
0x454: {  	_ =	swait.ge [sflag:s28], $0x2000  }
0x455: {  	[sflag:s28] =	ssyncset.done $0x0  }
0x456: {  	[sflag:s28] =	ssyncadd.s32 $0xFFFFE000  }
.Ltmp36:
0x457: {  	_ =	swait.ge [sflag:s28], $0x2000;
	(pc) =	sbr.rel .LBB2_70-.Ltmp36, $4  }
0x458: {  	s12 =	rddreg [dreg:$0x5]  }
0x459: {  	[sflag:s28] =	ssyncset.done $0x0;
	s15 =	rddreg [dreg:$0xa]  }
0x45a: {  	s19 =	rddreg [dreg:$0xd];
	[sflag:s28] =	ssyncadd.s32 $0xFFFFE000  }
0x45b: {  	s16 =	simm.s32 $0x1000;
	s17 =	simm.f32 $5.000000000e-01;
	s11 =	rddreg [dreg:$0x0]  }
.LBB2_67:
0x45c: {  	s2 =	sand.u32 $0xF000, s31;
	s4 =	sand.u32 $0x40, s31  }
0x45d: {  	s2 =	sor.u32 s4, s2  }
0x45e: {  	s4 =	sor.u32 s8, s2  }
0x45f: {  	s2 =	sadd.s32 s1, s4  }
0x460: {  	[tilespmem:s23], [sflag:$0x5] =	stream.strided.gather [hbm4b:s2+s21], $0x4000, s22, s21, $0x38;
	[tilespmem:$0x11080] =	vst v63  }
0x461: {  	s6 =	simm.s32 $0x800;
	_ =	swait.ge [sflag:s18], $0x4000  }
0x462: {  	s6 =	sand.u32 $0xF000, s6;
	s2 =	simm.s32 $0x40;
	[sflag:s18] =	ssyncset.done $0x0  }
0x463: {  	s4 =	sadd.s32 s3, s4;
	s7 =	sand.u32 $0x40, s2;
	[sflag:s18] =	ssyncadd.s32 $0xFFFFC000  }
0x464: {  	[hbm4b:s4+s21] =	stream.strided.scatter [tilespmem:s23], [sflag:$0x5], $0x4000, s22, s21, $0x38;
	[tilespmem:$0x11080] =	vst v63  }
0x465: {  	s31 =	sor.u32 s7, s6;
	_ =	swait.ge [sflag:s18], $0x4000  }
0x466: {  	s6 =	simm.s32 $0x1000;
	s4 =	sor.u32 s8, s31;
	[sflag:s18] =	ssyncset.done $0x0  }
.LBB2_68:
0x467: {  	s7 =	sadd.s32 s1, s4  }
0x468: {  	[sflag:s18] =	ssyncadd.s32 $0xFFFFC000;
	s9 =	smov.u32 s6;
	s10 =	sadd.s32 $0x800, s6  }
0x469: {  	[tilespmem:s23], [sflag:$0x5] =	stream.strided.gather [hbm4b:s7+s21], $0x4000, s22, s21, $0x38;
	[tilespmem:$0x11080] =	vst v63  }
0x46a: {  	p0 =	sne.s32 s6, $0xF800;
	s2 =	sadd.s32 $0x40, s2;
	_ =	swait.ge [sflag:s18], $0x4000  }
.Ltmp37:
0x46b: {  	s4 =	sadd.s32 s3, s4;
	[sflag:s18] =	ssyncset.done $0x0;
	(pc) =	sbr.rel @p0 .LBB2_68-.Ltmp37, $4  }
0x46c: {  	s6 =	sand.u32 $0xF000, s9;
	s7 =	sand.u32 $0x40, s2;
	[sflag:s18] =	ssyncadd.s32 $0xFFFFC000  }
0x46d: {  	[hbm4b:s4+s21] =	stream.strided.scatter [tilespmem:s23], [sflag:$0x5], $0x4000, s22, s21, $0x38;
	[tilespmem:$0x11080] =	vst v63  }
0x46e: {  	s4 =	sor.u32 s7, s6;
	_ =	swait.ge [sflag:s18], $0x4000  }
0x46f: {  	s6 =	smov.u32 s10;
	s4 =	sor.u32 s8, s4;
	[sflag:s18] =	ssyncset.done $0x0  }
0x470: {  	s2 =	sadd.s32 s1, s4;
	[sflag:s18] =	ssyncadd.s32 $0xFFFFC000  }
0x471: {  	[tilespmem:s23], [sflag:$0x5] =	stream.strided.gather [hbm4b:s2+s21], $0x4000, s22, s21, $0x38;
	[tilespmem:$0x11080] =	vst v63  }
0x472: {  	_ =	swait.ge [sflag:s18], $0x4000  }
0x473: {  	[sflag:s18] =	ssyncset.done $0x0  }
.Ltmp38:
0x474: {  	s31 =	sadd.s32 s3, s4;
	[sflag:s18] =	ssyncadd.s32 $0xFFFFC000;
	(pc) =	sbr.rel .LBB2_70-.Ltmp38, $4  }
0x475: {  	[hbm4b:s31+s21] =	stream.strided.scatter [tilespmem:s23], [sflag:$0x5], $0x4000, s22, s21, $0x38;
	[tilespmem:$0x11080] =	vst v63  }
0x476: {  	_ =	swait.ge [sflag:s18], $0x4000  }
0x477: {  	[sflag:s18] =	ssyncset.done $0x0  }
0x478: {  	[sflag:s18] =	ssyncadd.s32 $0xFFFFC000  }
.LBB2_71:
0x479: {  	_ =	sfence.sel $0x180000  }
0x47a: {  	[bflag:$0x0] =	sbarrier.arrive $0xFFFF  }
0x47b: {  	_ =	strace $0x90000047  }
0x47c: {  	s0 =	stileid.u32;
	[bflag:$0x2] =	sbarrier.arrive $0xFFFF  }
0x47d: {  	p0 =	sne.s32 s0, $0x0;
	s0 =	rddreg [dreg:$0x4]  }
0x47e: {  	s0 =	sadd.s32 @!p0 $0x100000, s0  }
0x47f: {  	[sflag:s0] =	ssyncadd.tile.s32 @!p0 $0x1;
	_ =	shalt  }
.Lfunc_end2:
_tile_overlayer_lowered:
.L_overlay_start_2:
0x480: {  	(tag) =	ssettag $0x2  }
0x481: {  	s0 =	rddreg [dreg:$0x0];
	s2 =	stileid.u32  }
0x482: {  	s1 =	rddreg [dreg:$0x1];
	p0 =	sne.s32 s2, $0x0  }
0x483: {  	s3 =	rddreg [dreg:$0x2];
	[bflag:$0x3] =	sbarrier.arrive $0xFFFF;
	s2 =	simm.s32 @!p0 $0x1C05  }
0x484: {  	[timem:s3], [sflag:s2] =	dma.local @!p0 [hbm:s0], s1  }
0x485: {  	s0 =	simm.s32 @!p0 $0x5  }
0x486: {  	_ =	swait.ge @!p0 [sflag:s0], s1  }
0x487: {  	s1 =	ssub.s32 @!p0 $0x0, s1;
	[sflag:s0] =	ssyncset.done @!p0 $0x0  }
0x488: {  	[sflag:s0] =	ssyncadd.s32 @!p0 s1  }
0x489: {  	[bflag:$0x3] =	sbarrier.arrive $0xFFFF  }
0x48a: {  	_ =	shalt  }

</sc_bundles>
